<compile_context>
chip_gen: v7x
topology: tpu7x:2x2x1
jax: 0.10.2.dev20260603
libtpu: 0.0.44.dev20260713+nightly
codegen_flags: <defaults>
</compile_context>

<pallas_src>
import functools

import jax
import jax.numpy as jnp
from jax import lax
from jax.experimental import pallas as pl
from jax.experimental.pallas import tpu as pltpu
from jax.experimental.pallas import tpu_sc as plsc

BB = 32
NPTS = 1024
KNN = 16
NCLS = 40

_NEG = -3.0e38
_INF = 3.0e38

NTOT = BB * NPTS
NW = 32
PW = NTOT // NW
SCP = 32
NSC = PW // SCP



def _knn_body(x0_ref, wa0_r, wb0_r, b0_r, idx_ref, a0_ref, c0p_ref):
    x0 = x0_ref[0]
    a0_ref[0] = jnp.dot(x0, wa0_r[...], preferred_element_type=jnp.float32) + b0_r[...]
    c0 = jnp.dot(x0, wb0_r[...], preferred_element_type=jnp.float32)
    c0p_ref[0] = jnp.concatenate([c0, jnp.zeros((NPTS, 64), jnp.float32)], axis=1)
    g = jax.lax.dot_general(x0, x0, (((1,), (1,)), ((), ())),
                            preferred_element_type=jnp.float32)
    r = jax.lax.broadcasted_iota(jnp.int32, (NPTS, NPTS), 0)
    c = jax.lax.broadcasted_iota(jnp.int32, (NPTS, NPTS), 1)
    eye = r == c
    diag = jnp.where(eye, g, 0.0)
    sq_r = jnp.sum(diag, axis=1, keepdims=True)
    sq_c = jnp.sum(diag, axis=0, keepdims=True)
    d2 = sq_r + sq_c - 2.0 * g
    d2m = jnp.where(eye, _INF, d2)
    off = pl.program_id(0) * NPTS
    for k in range(KNN):
        m = jnp.min(d2m, axis=1, keepdims=True)
        eq = d2m == m
        am = jnp.min(jnp.where(eq, c, 1 << 30), axis=1, keepdims=True)
        idx_ref[0, :, k:k + 1] = am + off
        if k + 1 < KNN:
            d2m = jnp.where(eq, _INF, d2m)



def _conv1_body(g0_ref, a0_ref, w1_r, b1_r, w2_r, b2_r,
                wa2_r, wb2_r, bb2_r, x1_ref, a2_ref, c2p_ref):
    relu = jax.nn.relu
    g = g0_ref[0][:, :64]
    a0 = a0_ref[0]
    a0t = jnp.broadcast_to(a0[:, None, :], (NPTS, KNN, 64)).reshape(KNN * NPTS, 64)
    h = relu(a0t + g)
    h = relu(jnp.dot(h, w1_r[...], preferred_element_type=jnp.float32) + b1_r[...])
    h = relu(jnp.dot(h, w2_r[...], preferred_element_type=jnp.float32) + b2_r[...])
    x1 = jnp.max(h.reshape(NPTS, KNN, 64), axis=1)

    x1_ref[0] = x1
    a2_ref[0] = jnp.dot(x1, wa2_r[...], preferred_element_type=jnp.float32) + bb2_r[...]
    c2 = jnp.dot(x1, wb2_r[...], preferred_element_type=jnp.float32)
    c2p_ref[0] = jnp.concatenate([c2, jnp.zeros((NPTS, 64), jnp.float32)], axis=1)



def _sc_gather_max(table, idx1d):
    mesh = plsc.VectorSubcoreMesh(core_axis_name="c", subcore_axis_name="s")

    @functools.partial(
        pl.kernel, mesh=mesh,
        out_type=jax.ShapeDtypeStruct((NTOT, 128), jnp.float32),
        scratch_types=[
            pltpu.VMEM((SCP * KNN,), jnp.int32),
            pltpu.VMEM((SCP * KNN, 128), jnp.float32),
            pltpu.VMEM((SCP, 128), jnp.float32),
            pltpu.SemaphoreType.DMA,
        ],
    )
    def k(tab_hbm, idx_hbm, out_hbm, idx_v, rows_v, out_v, sem):
        wid = lax.axis_index("s") * 2 + lax.axis_index("c")
        base_pt = wid * PW

        def body(i, _):
            pt0 = pl.multiple_of(base_pt + i * SCP, SCP)
            e0 = pl.multiple_of(pt0 * KNN, SCP * KNN)
            pltpu.sync_copy(idx_hbm.at[pl.ds(e0, SCP * KNN)], idx_v)
            cps = [
                pltpu.async_copy(
                    tab_hbm.at[idx_v.at[pl.ds(j * 128, 128)]],
                    rows_v.at[pl.ds(j * 128, 128)],
                    sem,
                )
                for j in range(SCP * KNN // 128)
            ]
            for cp in cps:
                cp.wait()

            def pbody(p, _):
                for ch in range(8):
                    acc = rows_v[p * KNN, pl.ds(ch * 16, 16)]
                    for kk in range(1, KNN):
                        acc = jnp.maximum(acc, rows_v[p * KNN + kk, pl.ds(ch * 16, 16)])
                    out_v[p, pl.ds(ch * 16, 16)] = acc
                return 0

            lax.fori_loop(0, SCP, pbody, 0)
            pltpu.sync_copy(out_v, out_hbm.at[pl.ds(pt0, SCP)])
            return 0

        lax.fori_loop(0, NSC, body, 0)

    return k(table, idx1d)


def _sc_gather_rows(table, idx1d):
    mesh = plsc.VectorSubcoreMesh(core_axis_name="c", subcore_axis_name="s")

    @functools.partial(
        pl.kernel, mesh=mesh,
        out_type=jax.ShapeDtypeStruct((NTOT * KNN, 128), jnp.float32),
        scratch_types=[
            pltpu.VMEM((SCP * KNN,), jnp.int32),
            pltpu.VMEM((SCP * KNN, 128), jnp.float32),
            pltpu.SemaphoreType.DMA,
        ],
    )
    def k(tab_hbm, idx_hbm, out_hbm, idx_v, rows_v, sem):
        wid = lax.axis_index("s") * 2 + lax.axis_index("c")
        base_pt = wid * PW

        def body(i, _):
            pt0 = pl.multiple_of(base_pt + i * SCP, SCP)
            e0 = pl.multiple_of(pt0 * KNN, SCP * KNN)
            pltpu.sync_copy(idx_hbm.at[pl.ds(e0, SCP * KNN)], idx_v)
            cps = [
                pltpu.async_copy(
                    tab_hbm.at[idx_v.at[pl.ds(j * 128, 128)]],
                    rows_v.at[pl.ds(j * 128, 128)],
                    sem,
                )
                for j in range(SCP * KNN // 128)
            ]
            for cp in cps:
                cp.wait()
            pltpu.sync_copy(rows_v, out_hbm.at[pl.ds(e0, SCP * KNN)])
            return 0

        lax.fori_loop(0, NSC, body, 0)

    return k(table, idx1d)



def _conv2_body(a2_ref, m2_ref, wa3_r, wb3_r, bb3_r, x2_ref, a3_ref, c3_ref):
    relu = jax.nn.relu
    x2 = relu(a2_ref[0] + m2_ref[0, :, :64])
    x2_ref[0] = x2
    a3_ref[0] = jnp.dot(x2, wa3_r[...], preferred_element_type=jnp.float32) + bb3_r[...]
    c3_ref[0] = jnp.dot(x2, wb3_r[...], preferred_element_type=jnp.float32)



def _lin1_body(x1_ref, x2_ref, a3_ref, m3_ref, l1w_r, l1b_r, out_ref):
    x3 = jax.nn.relu(a3_ref[0] + m3_ref[0])
    l1w = l1w_r[...]
    out1 = (jnp.dot(x1_ref[0], l1w[:64], preferred_element_type=jnp.float32)
            + jnp.dot(x2_ref[0], l1w[64:128], preferred_element_type=jnp.float32)
            + jnp.dot(x3, l1w[128:], preferred_element_type=jnp.float32)
            + l1b_r[...])
    out_ref[0] = jnp.max(out1, axis=0, keepdims=True)



def _cls_body(p_ref, w0_r, b0_r, w1_r, b1_r, w2_r, b2_r, out_ref):
    h = jax.nn.relu(jnp.dot(p_ref[...], w0_r[...],
                            preferred_element_type=jnp.float32) + b0_r[...])
    h = jax.nn.relu(jnp.dot(h, w1_r[...],
                            preferred_element_type=jnp.float32) + b1_r[...])
    logits = jnp.dot(h, w2_r[...], preferred_element_type=jnp.float32) + b2_r[...]
    mx = jnp.max(logits, axis=1, keepdims=True)
    s = logits - mx
    lse = jnp.log(jnp.sum(jnp.exp(s), axis=1, keepdims=True))
    out_ref[...] = s - lse


def _full(shape):
    return pl.BlockSpec(shape, lambda *_: (0,) * len(shape))


def _grid_spec(shape):
    return pl.BlockSpec((1,) + shape, lambda b: (b,) + (0,) * len(shape))


def kernel(pos, x, batch, c1_w0, c1_b0, c1_w1, c1_b1, c1_w2, c1_b2, c2_w0, c2_b0,
           c3_w0, c3_b0, lin1_w, lin1_b, m_w0, m_b0, m_w1, m_b1, m_w2, m_b2):
    x0 = jnp.concatenate([pos, x], axis=1).reshape(BB, NPTS, 4)

    wa0, wb0 = c1_w0[:4] - c1_w0[4:], c1_w0[4:]
    wa2, wb2 = c2_w0[:64] - c2_w0[64:], c2_w0[64:]
    wa3, wb3 = c3_w0[:64] - c3_w0[64:], c3_w0[64:]
    r2 = lambda v: v.reshape(1, -1)

    idx, a0, c0p = pl.pallas_call(
        _knn_body,
        grid=(BB,),
        in_specs=[_grid_spec((NPTS, 4)), _full(wa0.shape), _full(wb0.shape),
                  _full((1, 64))],
        out_specs=[_grid_spec((NPTS, KNN)), _grid_spec((NPTS, 64)),
                   _grid_spec((NPTS, 128))],
        out_shape=[jax.ShapeDtypeStruct((BB, NPTS, KNN), jnp.int32),
                   jax.ShapeDtypeStruct((BB, NPTS, 64), jnp.float32),
                   jax.ShapeDtypeStruct((BB, NPTS, 128), jnp.float32)],
    )(x0, wa0, wb0, r2(c1_b0))
    idx_flat = idx.reshape(NTOT * KNN)

    g0 = _sc_gather_rows(c0p.reshape(NTOT, 128), idx_flat)
    g0 = g0.reshape(BB, KNN * NPTS, 128)

    ws1 = [c1_w1, r2(c1_b1), c1_w2, r2(c1_b2), wa2, wb2, r2(c2_b0)]
    x1, a2, c2p = pl.pallas_call(
        _conv1_body,
        grid=(BB,),
        in_specs=[_grid_spec((KNN * NPTS, 128)), _grid_spec((NPTS, 64))]
                 + [_full(w.shape) for w in ws1],
        out_specs=[_grid_spec((NPTS, 64)), _grid_spec((NPTS, 64)),
                   _grid_spec((NPTS, 128))],
        out_shape=[jax.ShapeDtypeStruct((BB, NPTS, 64), jnp.float32),
                   jax.ShapeDtypeStruct((BB, NPTS, 64), jnp.float32),
                   jax.ShapeDtypeStruct((BB, NPTS, 128), jnp.float32)],
    )(g0, a0, *ws1)

    m2 = _sc_gather_max(c2p.reshape(NTOT, 128), idx_flat).reshape(BB, NPTS, 128)

    ws2 = [wa3, wb3, r2(c3_b0)]
    x2, a3, c3 = pl.pallas_call(
        _conv2_body,
        grid=(BB,),
        in_specs=[_grid_spec((NPTS, 64)), _grid_spec((NPTS, 128))]
                 + [_full(w.shape) for w in ws2],
        out_specs=[_grid_spec((NPTS, 64)), _grid_spec((NPTS, 128)),
                   _grid_spec((NPTS, 128))],
        out_shape=[jax.ShapeDtypeStruct((BB, NPTS, 64), jnp.float32),
                   jax.ShapeDtypeStruct((BB, NPTS, 128), jnp.float32),
                   jax.ShapeDtypeStruct((BB, NPTS, 128), jnp.float32)],
    )(a2, m2, *ws2)

    m3 = _sc_gather_max(c3.reshape(NTOT, 128), idx_flat).reshape(BB, NPTS, 128)

    pooled = pl.pallas_call(
        _lin1_body,
        grid=(BB,),
        in_specs=[_grid_spec((NPTS, 64)), _grid_spec((NPTS, 64)),
                  _grid_spec((NPTS, 128)), _grid_spec((NPTS, 128)),
                  _full(lin1_w.shape), _full((1, NPTS))],
        out_specs=pl.BlockSpec((1, 1, NPTS), lambda b: (b, 0, 0)),
        out_shape=jax.ShapeDtypeStruct((BB, 1, NPTS), jnp.float32),
    )(x1, x2, a3, m3, lin1_w, r2(lin1_b))
    pooled = pooled.reshape(BB, NPTS)

    cws = [m_w0, r2(m_b0), m_w1, r2(m_b1), m_w2, r2(m_b2)]
    return pl.pallas_call(
        _cls_body,
        in_specs=[_full((BB, NPTS))] + [_full(w.shape) for w in cws],
        out_specs=_full((BB, NCLS)),
        out_shape=jax.ShapeDtypeStruct((BB, NCLS), jnp.float32),
    )(pooled, *cws)

# --- scband reference (transcript-rebuilt; emitter-appended) ---
"""Pipeline reference for scband-net-39453569581387 (READ-ONLY COPY).

The authoritative reference and input builder live on the scoring server;
editing this copy changes nothing except your own understanding.
"""

import jax, jax.numpy as jnp
import numpy as np

B = 32
NP = 1024
K = 16
NUM_CLASSES = 40

def _lin_init(key, i, o):
    w = jax.random.normal(key, (i, o), jnp.float32) / np.sqrt(i)
    b = jnp.zeros((o,), jnp.float32)
    return w, b

def setup_inputs(seed: int = 0):
    key = jax.random.key(seed)
    ks = jax.random.split(key, 12)
    inp = {}
    inp['pos'] = jax.random.normal(ks[0], (B * NP, 3), jnp.float32)
    inp['x'] = jax.random.normal(ks[1], (B * NP, 1), jnp.float32)
    inp['batch'] = jnp.repeat(jnp.arange(B, dtype=jnp.int32), NP)
    inp['c1_w0'], inp['c1_b0'] = _lin_init(ks[2], 8, 64)
    inp['c1_w1'], inp['c1_b1'] = _lin_init(ks[3], 64, 64)
    inp['c1_w2'], inp['c1_b2'] = _lin_init(ks[4], 64, 64)
    inp['c2_w0'], inp['c2_b0'] = _lin_init(ks[5], 128, 64)
    inp['c3_w0'], inp['c3_b0'] = _lin_init(ks[6], 128, 128)
    inp['lin1_w'], inp['lin1_b'] = _lin_init(ks[7], 256, 1024)
    inp['m_w0'], inp['m_b0'] = _lin_init(ks[8], 1024, 512)
    inp['m_w1'], inp['m_b1'] = _lin_init(ks[9], 512, 256)
    inp['m_w2'], inp['m_b2'] = _lin_init(ks[10], 256, NUM_CLASSES)
    return inp

def _knn_idx(feat):
    # feat [B, NP, d] -> [B, NP, K] nearest-neighbor indices (self excluded)
    sq = jnp.sum(feat * feat, axis=-1)
    d2 = sq[:, :, None] + sq[:, None, :] - 2.0 * jnp.einsum('bnd,bmd->bnm', feat, feat)
    d2 = d2 + jnp.eye(NP, dtype=feat.dtype)[None] * 1e10
    _, idx = jax.lax.top_k(-d2, K)
    return idx

def _edge_conv(feat, idx, mlp_fn):
    # feat [B, NP, d], idx [B, NP, K]; message mlp(cat[x_i, x_j - x_i]), max aggr
    xj = jax.vmap(lambda f, ix: f[ix])(feat, idx)
    xi = jnp.broadcast_to(feat[:, :, None, :], xj.shape)
    msg = mlp_fn(jnp.concatenate([xi, xj - xi], axis=-1))
    return jnp.max(msg, axis=2)

def reference(pos, x, batch, c1_w0, c1_b0, c1_w1, c1_b1, c1_w2, c1_b2, c2_w0, c2_b0, c3_w0, c3_b0, lin1_w, lin1_b, m_w0, m_b0, m_w1, m_b1, m_w2, m_b2):
    x0 = jnp.concatenate([pos, x], axis=1).reshape(B, NP, 4)
    idx = _knn_idx(x0)  # conv1.edge_index, reused by conv2/conv3
    mlp1 = lambda h: jax.nn.relu(jax.nn.relu(jax.nn.relu(h @ c1_w0 + c1_b0) @ c1_w1 + c1_b1) @ c1_w2 + c1_b2)
    mlp2 = lambda h: jax.nn.relu(h @ c2_w0 + c2_b0)
    mlp3 = lambda h: jax.nn.relu(h @ c3_w0 + c3_b0)
    x1 = _edge_conv(x0, idx, mlp1)
    x2 = _edge_conv(x1, idx, mlp2)
    x3 = _edge_conv(x2, idx, mlp3)
    out1 = jnp.concatenate([x1, x2, x3], axis=-1) @ lin1_w + lin1_b
    pooled = jax.ops.segment_max(out1.reshape(B * NP, -1), batch, num_segments=B)
    h = jax.nn.relu(pooled @ m_w0 + m_b0)
    h = jax.nn.relu(h @ m_w1 + m_b1)
    logits = h @ m_w2 + m_b2
    return jax.nn.log_softmax(logits, axis=1)

if __name__ == "__main__":
    import jax
    _d = setup_inputs()
    print(jax.jit(kernel)(*tuple(_d.values())))

</pallas_src>

<mosaic_0001>
#map = affine_map<(d0, d1) -> (0, 0)>
#map1 = affine_map<(d0, d1) -> (0)>
module attributes {stable_mosaic.version = 14 : i64} {
  func.func @k(%arg0: i32, %arg1: i32, %arg2: memref<32768x128xf32, #tpu.memory_space<hbm>>, %arg3: memref<524288xi32, #tpu.memory_space<hbm>>, %arg4: memref<524288x128xf32, #tpu.memory_space<hbm>>, %arg5: memref<512xi32, #tpu.memory_space<vmem>>, %arg6: memref<512x128xf32, #tpu.memory_space<vmem>>, %arg7: memref<!tpu.dma_semaphore, #tpu.memory_space<semaphore_mem>>) attributes {dimension_semantics = [#tpu.dimension_semantics<core_parallel>, #tpu.dimension_semantics<subcore_parallel>], iteration_bounds = array<i64: 2, 16>, scalar_prefetch = 0 : i64, scratch_operands = 3 : i64, tpu.core_type = #tpu.core_type<sc_vector_subcore>, window_params = [{transform_indices = #map}, {transform_indices = #map1}, {transform_indices = #map}]} {
    %mul3A = arith.constant 2 : i32
    %mul3A_0 = arith.muli %arg1, %mul3A : i32
    %add3A = arith.addi %mul3A_0, %arg0 : i32
    %mul3A_1 = arith.constant 1024 : i32
    %mul3A_2 = arith.muli %add3A, %mul3A_1 : i32
    %scan3A = arith.constant 0 : i32
    %scan3A_3 = arith.constant 0 : i32
    %scan3A_4 = arith.constant 32 : i32
    %scan3A_5 = arith.addi %scan3A_3, %scan3A_4 : i32
    %scan3A_6 = arith.constant 1 : i32
    %scan3A_7 = scf.for %scan3A_9 = %scan3A_3 to %scan3A_5 step %scan3A_6 iter_args(%scan3A_10 = %scan3A) -> (i32)  : i32 {
      %mul3A_11 = arith.constant 32 : i32
      %mul3A_12 = arith.muli %scan3A_9, %mul3A_11 : i32
      %add3A_13 = arith.addi %mul3A_2, %mul3A_12 : i32
      %multiple_of3A = tpu.assume_multiple %add3A_13, 32 : i32
      %mul3A_14 = arith.constant 16 : i32
      %mul3A_15 = arith.muli %multiple_of3A, %mul3A_14 : i32
      %multiple_of3A_16 = tpu.assume_multiple %mul3A_15, 512 : i32
      "tpu.region"() ({
        %run_scoped3A = tpu.sem_alloc : memref<!tpu.dma_semaphore, #tpu.memory_space<semaphore_mem>>
        %dma_start3A_80 = tpu.memref_slice %arg3[%multiple_of3A_16] : memref<524288xi32, #tpu.memory_space<hbm>> -> memref<512xi32, #tpu.memory_space<hbm>>
        %dma_start3A_81 = tpu.memref_slice %arg3[%multiple_of3A_16] : memref<524288xi32, #tpu.memory_space<hbm>> -> memref<512xi32, #tpu.memory_space<hbm>>
        tpu.enqueue_dma source(%dma_start3A_81 : memref<512xi32, #tpu.memory_space<hbm>>) target(%arg5 : memref<512xi32, #tpu.memory_space<vmem>>) target_semaphore(%run_scoped3A : memref<!tpu.dma_semaphore, #tpu.memory_space<semaphore_mem>>)
        %dma_wait3A_82 = tpu.memref_slice %arg3[%multiple_of3A_16] : memref<524288xi32, #tpu.memory_space<hbm>> -> memref<512xi32, #tpu.memory_space<hbm>>
        %dma_wait3A_83 = tpu.memref_slice %arg3[%multiple_of3A_16] : memref<524288xi32, #tpu.memory_space<hbm>> -> memref<512xi32, #tpu.memory_space<hbm>>
        tpu.wait_dma2 semaphore(%run_scoped3A : memref<!tpu.dma_semaphore, #tpu.memory_space<semaphore_mem>>) src(%dma_wait3A_83 : memref<512xi32, #tpu.memory_space<hbm>>) dst(%arg5 : memref<512xi32, #tpu.memory_space<vmem>>)
        tpu.yield
      }) : () -> ()
      %dma_start3A = arith.constant 0 : i32
      %dma_start3A_17 = arith.constant 0 : i32
      %dma_start3A_18 = tpu.memref_slice %arg6[%dma_start3A, %dma_start3A_17] : memref<512x128xf32, #tpu.memory_space<vmem>> -> memref<128x128xf32, #tpu.memory_space<vmem>>
      %dma_start3A_19 = arith.constant 0 : i32
      %dma_start3A_20 = tpu.memref_slice %arg5[%dma_start3A_19] : memref<512xi32, #tpu.memory_space<vmem>> -> memref<128xi32, #tpu.memory_space<vmem>>
      %dma_start3A_21 = arith.constant 0 : i32
      %dma_start3A_22 = arith.constant 0 : i32
      %dma_start3A_23 = tpu.memref_slice %arg2[%dma_start3A_21, %dma_start3A_22] : memref<32768x128xf32, #tpu.memory_space<hbm>> -> memref<32768x128xf32, #tpu.memory_space<hbm>>
      tpu.enqueue_indirect_dma source(%dma_start3A_23 : memref<32768x128xf32, #tpu.memory_space<hbm>>) target(%dma_start3A_18 : memref<128x128xf32, #tpu.memory_space<vmem>>) offsets(%dma_start3A_20 : memref<128xi32, #tpu.memory_space<vmem>>) semaphore(%arg7 : memref<!tpu.dma_semaphore, #tpu.memory_space<semaphore_mem>>)
      %dma_start3A_24 = arith.constant 128 : i32
      %dma_start3A_25 = arith.constant 0 : i32
      %dma_start3A_26 = tpu.memref_slice %arg6[%dma_start3A_24, %dma_start3A_25] : memref<512x128xf32, #tpu.memory_space<vmem>> -> memref<128x128xf32, #tpu.memory_space<vmem>>
      %dma_start3A_27 = arith.constant 128 : i32
      %dma_start3A_28 = tpu.memref_slice %arg5[%dma_start3A_27] : memref<512xi32, #tpu.memory_space<vmem>> -> memref<128xi32, #tpu.memory_space<vmem>>
      %dma_start3A_29 = arith.constant 0 : i32
      %dma_start3A_30 = arith.constant 0 : i32
      %dma_start3A_31 = tpu.memref_slice %arg2[%dma_start3A_29, %dma_start3A_30] : memref<32768x128xf32, #tpu.memory_space<hbm>> -> memref<32768x128xf32, #tpu.memory_space<hbm>>
      tpu.enqueue_indirect_dma source(%dma_start3A_31 : memref<32768x128xf32, #tpu.memory_space<hbm>>) target(%dma_start3A_26 : memref<128x128xf32, #tpu.memory_space<vmem>>) offsets(%dma_start3A_28 : memref<128xi32, #tpu.memory_space<vmem>>) semaphore(%arg7 : memref<!tpu.dma_semaphore, #tpu.memory_space<semaphore_mem>>)
      %dma_start3A_32 = arith.constant 256 : i32
      %dma_start3A_33 = arith.constant 0 : i32
      %dma_start3A_34 = tpu.memref_slice %arg6[%dma_start3A_32, %dma_start3A_33] : memref<512x128xf32, #tpu.memory_space<vmem>> -> memref<128x128xf32, #tpu.memory_space<vmem>>
      %dma_start3A_35 = arith.constant 256 : i32
      %dma_start3A_36 = tpu.memref_slice %arg5[%dma_start3A_35] : memref<512xi32, #tpu.memory_space<vmem>> -> memref<128xi32, #tpu.memory_space<vmem>>
      %dma_start3A_37 = arith.constant 0 : i32
      %dma_start3A_38 = arith.constant 0 : i32
      %dma_start3A_39 = tpu.memref_slice %arg2[%dma_start3A_37, %dma_start3A_38] : memref<32768x128xf32, #tpu.memory_space<hbm>> -> memref<32768x128xf32, #tpu.memory_space<hbm>>
      tpu.enqueue_indirect_dma source(%dma_start3A_39 : memref<32768x128xf32, #tpu.memory_space<hbm>>) target(%dma_start3A_34 : memref<128x128xf32, #tpu.memory_space<vmem>>) offsets(%dma_start3A_36 : memref<128xi32, #tpu.memory_space<vmem>>) semaphore(%arg7 : memref<!tpu.dma_semaphore, #tpu.memory_space<semaphore_mem>>)
      %dma_start3A_40 = arith.constant 384 : i32
      %dma_start3A_41 = arith.constant 0 : i32
      %dma_start3A_42 = tpu.memref_slice %arg6[%dma_start3A_40, %dma_start3A_41] : memref<512x128xf32, #tpu.memory_space<vmem>> -> memref<128x128xf32, #tpu.memory_space<vmem>>
      %dma_start3A_43 = arith.constant 384 : i32
      %dma_start3A_44 = tpu.memref_slice %arg5[%dma_start3A_43] : memref<512xi32, #tpu.memory_space<vmem>> -> memref<128xi32, #tpu.memory_space<vmem>>
      %dma_start3A_45 = arith.constant 0 : i32
      %dma_start3A_46 = arith.constant 0 : i32
      %dma_start3A_47 = tpu.memref_slice %arg2[%dma_start3A_45, %dma_start3A_46] : memref<32768x128xf32, #tpu.memory_space<hbm>> -> memref<32768x128xf32, #tpu.memory_space<hbm>>
      tpu.enqueue_indirect_dma source(%dma_start3A_47 : memref<32768x128xf32, #tpu.memory_space<hbm>>) target(%dma_start3A_42 : memref<128x128xf32, #tpu.memory_space<vmem>>) offsets(%dma_start3A_44 : memref<128xi32, #tpu.memory_space<vmem>>) semaphore(%arg7 : memref<!tpu.dma_semaphore, #tpu.memory_space<semaphore_mem>>)
      %dma_wait3A = arith.constant 0 : i32
      %dma_wait3A_48 = arith.constant 0 : i32
      %dma_wait3A_49 = tpu.memref_slice %arg6[%dma_wait3A, %dma_wait3A_48] : memref<512x128xf32, #tpu.memory_space<vmem>> -> memref<128x128xf32, #tpu.memory_space<vmem>>
      %dma_wait3A_50 = arith.constant 0 : i32
      %dma_wait3A_51 = tpu.memref_slice %arg5[%dma_wait3A_50] : memref<512xi32, #tpu.memory_space<vmem>> -> memref<128xi32, #tpu.memory_space<vmem>>
      %dma_wait3A_52 = arith.constant 0 : i32
      %dma_wait3A_53 = arith.constant 0 : i32
      %dma_wait3A_54 = tpu.memref_slice %arg2[%dma_wait3A_52, %dma_wait3A_53] : memref<32768x128xf32, #tpu.memory_space<hbm>> -> memref<32768x128xf32, #tpu.memory_space<hbm>>
      tpu.wait_indirect_dma semaphore(%arg7 : memref<!tpu.dma_semaphore, #tpu.memory_space<semaphore_mem>>) src(%dma_wait3A_54 : memref<32768x128xf32, #tpu.memory_space<hbm>>) dst(%dma_wait3A_49 : memref<128x128xf32, #tpu.memory_space<vmem>>)
      %dma_wait3A_55 = arith.constant 128 : i32
      %dma_wait3A_56 = arith.constant 0 : i32
      %dma_wait3A_57 = tpu.memref_slice %arg6[%dma_wait3A_55, %dma_wait3A_56] : memref<512x128xf32, #tpu.memory_space<vmem>> -> memref<128x128xf32, #tpu.memory_space<vmem>>
      %dma_wait3A_58 = arith.constant 128 : i32
      %dma_wait3A_59 = tpu.memref_slice %arg5[%dma_wait3A_58] : memref<512xi32, #tpu.memory_space<vmem>> -> memref<128xi32, #tpu.memory_space<vmem>>
      %dma_wait3A_60 = arith.constant 0 : i32
      %dma_wait3A_61 = arith.constant 0 : i32
      %dma_wait3A_62 = tpu.memref_slice %arg2[%dma_wait3A_60, %dma_wait3A_61] : memref<32768x128xf32, #tpu.memory_space<hbm>> -> memref<32768x128xf32, #tpu.memory_space<hbm>>
      tpu.wait_indirect_dma semaphore(%arg7 : memref<!tpu.dma_semaphore, #tpu.memory_space<semaphore_mem>>) src(%dma_wait3A_62 : memref<32768x128xf32, #tpu.memory_space<hbm>>) dst(%dma_wait3A_57 : memref<128x128xf32, #tpu.memory_space<vmem>>)
      %dma_wait3A_63 = arith.constant 256 : i32
      %dma_wait3A_64 = arith.constant 0 : i32
      %dma_wait3A_65 = tpu.memref_slice %arg6[%dma_wait3A_63, %dma_wait3A_64] : memref<512x128xf32, #tpu.memory_space<vmem>> -> memref<128x128xf32, #tpu.memory_space<vmem>>
      %dma_wait3A_66 = arith.constant 256 : i32
      %dma_wait3A_67 = tpu.memref_slice %arg5[%dma_wait3A_66] : memref<512xi32, #tpu.memory_space<vmem>> -> memref<128xi32, #tpu.memory_space<vmem>>
      %dma_wait3A_68 = arith.constant 0 : i32
      %dma_wait3A_69 = arith.constant 0 : i32
      %dma_wait3A_70 = tpu.memref_slice %arg2[%dma_wait3A_68, %dma_wait3A_69] : memref<32768x128xf32, #tpu.memory_space<hbm>> -> memref<32768x128xf32, #tpu.memory_space<hbm>>
      tpu.wait_indirect_dma semaphore(%arg7 : memref<!tpu.dma_semaphore, #tpu.memory_space<semaphore_mem>>) src(%dma_wait3A_70 : memref<32768x128xf32, #tpu.memory_space<hbm>>) dst(%dma_wait3A_65 : memref<128x128xf32, #tpu.memory_space<vmem>>)
      %dma_wait3A_71 = arith.constant 384 : i32
      %dma_wait3A_72 = arith.constant 0 : i32
      %dma_wait3A_73 = tpu.memref_slice %arg6[%dma_wait3A_71, %dma_wait3A_72] : memref<512x128xf32, #tpu.memory_space<vmem>> -> memref<128x128xf32, #tpu.memory_space<vmem>>
      %dma_wait3A_74 = arith.constant 384 : i32
      %dma_wait3A_75 = tpu.memref_slice %arg5[%dma_wait3A_74] : memref<512xi32, #tpu.memory_space<vmem>> -> memref<128xi32, #tpu.memory_space<vmem>>
      %dma_wait3A_76 = arith.constant 0 : i32
      %dma_wait3A_77 = arith.constant 0 : i32
      %dma_wait3A_78 = tpu.memref_slice %arg2[%dma_wait3A_76, %dma_wait3A_77] : memref<32768x128xf32, #tpu.memory_space<hbm>> -> memref<32768x128xf32, #tpu.memory_space<hbm>>
      tpu.wait_indirect_dma semaphore(%arg7 : memref<!tpu.dma_semaphore, #tpu.memory_space<semaphore_mem>>) src(%dma_wait3A_78 : memref<32768x128xf32, #tpu.memory_space<hbm>>) dst(%dma_wait3A_73 : memref<128x128xf32, #tpu.memory_space<vmem>>)
      "tpu.region"() ({
        %run_scoped3A = tpu.sem_alloc : memref<!tpu.dma_semaphore, #tpu.memory_space<semaphore_mem>>
        %dma_start3A_80 = arith.constant 0 : i32
        %dma_start3A_81 = tpu.memref_slice %arg4[%multiple_of3A_16, %dma_start3A_80] : memref<524288x128xf32, #tpu.memory_space<hbm>> -> memref<512x128xf32, #tpu.memory_space<hbm>>
        %dma_start3A_82 = arith.constant 0 : i32
        %dma_start3A_83 = tpu.memref_slice %arg4[%multiple_of3A_16, %dma_start3A_82] : memref<524288x128xf32, #tpu.memory_space<hbm>> -> memref<512x128xf32, #tpu.memory_space<hbm>>
        tpu.enqueue_dma source(%arg6 : memref<512x128xf32, #tpu.memory_space<vmem>>) target(%dma_start3A_83 : memref<512x128xf32, #tpu.memory_space<hbm>>) target_semaphore(%run_scoped3A : memref<!tpu.dma_semaphore, #tpu.memory_space<semaphore_mem>>)
        %dma_wait3A_84 = arith.constant 0 : i32
        %dma_wait3A_85 = tpu.memref_slice %arg4[%multiple_of3A_16, %dma_wait3A_84] : memref<524288x128xf32, #tpu.memory_space<hbm>> -> memref<512x128xf32, #tpu.memory_space<hbm>>
        %dma_wait3A_86 = arith.constant 0 : i32
        %dma_wait3A_87 = tpu.memref_slice %arg4[%multiple_of3A_16, %dma_wait3A_86] : memref<524288x128xf32, #tpu.memory_space<hbm>> -> memref<512x128xf32, #tpu.memory_space<hbm>>
        tpu.wait_dma2 semaphore(%run_scoped3A : memref<!tpu.dma_semaphore, #tpu.memory_space<semaphore_mem>>) src(%arg6 : memref<512x128xf32, #tpu.memory_space<vmem>>) dst(%dma_wait3A_87 : memref<512x128xf32, #tpu.memory_space<hbm>>)
        tpu.yield
      }) : () -> ()
      %scan3A_79 = arith.constant 0 : i32
      scf.yield %scan3A_79 : i32
    }
    %scan3A_8 = arith.constant 32 : i32
    return
  }
}

#map = affine_map<(d0, d1) -> (0, 0)>
#map1 = affine_map<(d0, d1) -> (0)>
module attributes {stable_mosaic.version = 14 : i64} {
  func.func @k(%arg0: i32, %arg1: i32, %arg2: memref<32768x128xf32, #tpu.memory_space<hbm>>, %arg3: memref<524288xi32, #tpu.memory_space<hbm>>, %arg4: memref<32768x128xf32, #tpu.memory_space<hbm>>, %arg5: memref<512xi32, #tpu.memory_space<vmem>>, %arg6: memref<512x128xf32, #tpu.memory_space<vmem>>, %arg7: memref<32x128xf32, #tpu.memory_space<vmem>>, %arg8: memref<!tpu.dma_semaphore, #tpu.memory_space<semaphore_mem>>) attributes {dimension_semantics = [#tpu.dimension_semantics<core_parallel>, #tpu.dimension_semantics<subcore_parallel>], iteration_bounds = array<i64: 2, 16>, scalar_prefetch = 0 : i64, scratch_operands = 4 : i64, tpu.core_type = #tpu.core_type<sc_vector_subcore>, window_params = [{transform_indices = #map}, {transform_indices = #map1}, {transform_indices = #map}]} {
    %mul3A = arith.constant 2 : i32
    %mul3A_0 = arith.muli %arg1, %mul3A : i32
    %add3A = arith.addi %mul3A_0, %arg0 : i32
    %mul3A_1 = arith.constant 1024 : i32
    %mul3A_2 = arith.muli %add3A, %mul3A_1 : i32
    %scan3A = arith.constant 0 : i32
    %scan3A_3 = arith.constant 0 : i32
    %scan3A_4 = arith.constant 32 : i32
    %scan3A_5 = arith.addi %scan3A_3, %scan3A_4 : i32
    %scan3A_6 = arith.constant 1 : i32
    %scan3A_7 = scf.for %scan3A_9 = %scan3A_3 to %scan3A_5 step %scan3A_6 iter_args(%scan3A_10 = %scan3A) -> (i32)  : i32 {
      %mul3A_11 = arith.constant 32 : i32
      %mul3A_12 = arith.muli %scan3A_9, %mul3A_11 : i32
      %add3A_13 = arith.addi %mul3A_2, %mul3A_12 : i32
      %multiple_of3A = tpu.assume_multiple %add3A_13, 32 : i32
      %mul3A_14 = arith.constant 16 : i32
      %mul3A_15 = arith.muli %multiple_of3A, %mul3A_14 : i32
      %multiple_of3A_16 = tpu.assume_multiple %mul3A_15, 512 : i32
      "tpu.region"() ({
        %run_scoped3A = tpu.sem_alloc : memref<!tpu.dma_semaphore, #tpu.memory_space<semaphore_mem>>
        %dma_start3A_87 = tpu.memref_slice %arg3[%multiple_of3A_16] : memref<524288xi32, #tpu.memory_space<hbm>> -> memref<512xi32, #tpu.memory_space<hbm>>
        %dma_start3A_88 = tpu.memref_slice %arg3[%multiple_of3A_16] : memref<524288xi32, #tpu.memory_space<hbm>> -> memref<512xi32, #tpu.memory_space<hbm>>
        tpu.enqueue_dma source(%dma_start3A_88 : memref<512xi32, #tpu.memory_space<hbm>>) target(%arg5 : memref<512xi32, #tpu.memory_space<vmem>>) target_semaphore(%run_scoped3A : memref<!tpu.dma_semaphore, #tpu.memory_space<semaphore_mem>>)
        %dma_wait3A_89 = tpu.memref_slice %arg3[%multiple_of3A_16] : memref<524288xi32, #tpu.memory_space<hbm>> -> memref<512xi32, #tpu.memory_space<hbm>>
        %dma_wait3A_90 = tpu.memref_slice %arg3[%multiple_of3A_16] : memref<524288xi32, #tpu.memory_space<hbm>> -> memref<512xi32, #tpu.memory_space<hbm>>
        tpu.wait_dma2 semaphore(%run_scoped3A : memref<!tpu.dma_semaphore, #tpu.memory_space<semaphore_mem>>) src(%dma_wait3A_90 : memref<512xi32, #tpu.memory_space<hbm>>) dst(%arg5 : memref<512xi32, #tpu.memory_space<vmem>>)
        tpu.yield
      }) : () -> ()
      %dma_start3A = arith.constant 0 : i32
      %dma_start3A_17 = arith.constant 0 : i32
      %dma_start3A_18 = tpu.memref_slice %arg6[%dma_start3A, %dma_start3A_17] : memref<512x128xf32, #tpu.memory_space<vmem>> -> memref<128x128xf32, #tpu.memory_space<vmem>>
      %dma_start3A_19 = arith.constant 0 : i32
      %dma_start3A_20 = tpu.memref_slice %arg5[%dma_start3A_19] : memref<512xi32, #tpu.memory_space<vmem>> -> memref<128xi32, #tpu.memory_space<vmem>>
      %dma_start3A_21 = arith.constant 0 : i32
      %dma_start3A_22 = arith.constant 0 : i32
      %dma_start3A_23 = tpu.memref_slice %arg2[%dma_start3A_21, %dma_start3A_22] : memref<32768x128xf32, #tpu.memory_space<hbm>> -> memref<32768x128xf32, #tpu.memory_space<hbm>>
      tpu.enqueue_indirect_dma source(%dma_start3A_23 : memref<32768x128xf32, #tpu.memory_space<hbm>>) target(%dma_start3A_18 : memref<128x128xf32, #tpu.memory_space<vmem>>) offsets(%dma_start3A_20 : memref<128xi32, #tpu.memory_space<vmem>>) semaphore(%arg8 : memref<!tpu.dma_semaphore, #tpu.memory_space<semaphore_mem>>)
      %dma_start3A_24 = arith.constant 128 : i32
      %dma_start3A_25 = arith.constant 0 : i32
      %dma_start3A_26 = tpu.memref_slice %arg6[%dma_start3A_24, %dma_start3A_25] : memref<512x128xf32, #tpu.memory_space<vmem>> -> memref<128x128xf32, #tpu.memory_space<vmem>>
      %dma_start3A_27 = arith.constant 128 : i32
      %dma_start3A_28 = tpu.memref_slice %arg5[%dma_start3A_27] : memref<512xi32, #tpu.memory_space<vmem>> -> memref<128xi32, #tpu.memory_space<vmem>>
      %dma_start3A_29 = arith.constant 0 : i32
      %dma_start3A_30 = arith.constant 0 : i32
      %dma_start3A_31 = tpu.memref_slice %arg2[%dma_start3A_29, %dma_start3A_30] : memref<32768x128xf32, #tpu.memory_space<hbm>> -> memref<32768x128xf32, #tpu.memory_space<hbm>>
      tpu.enqueue_indirect_dma source(%dma_start3A_31 : memref<32768x128xf32, #tpu.memory_space<hbm>>) target(%dma_start3A_26 : memref<128x128xf32, #tpu.memory_space<vmem>>) offsets(%dma_start3A_28 : memref<128xi32, #tpu.memory_space<vmem>>) semaphore(%arg8 : memref<!tpu.dma_semaphore, #tpu.memory_space<semaphore_mem>>)
      %dma_start3A_32 = arith.constant 256 : i32
      %dma_start3A_33 = arith.constant 0 : i32
      %dma_start3A_34 = tpu.memref_slice %arg6[%dma_start3A_32, %dma_start3A_33] : memref<512x128xf32, #tpu.memory_space<vmem>> -> memref<128x128xf32, #tpu.memory_space<vmem>>
      %dma_start3A_35 = arith.constant 256 : i32
      %dma_start3A_36 = tpu.memref_slice %arg5[%dma_start3A_35] : memref<512xi32, #tpu.memory_space<vmem>> -> memref<128xi32, #tpu.memory_space<vmem>>
      %dma_start3A_37 = arith.constant 0 : i32
      %dma_start3A_38 = arith.constant 0 : i32
      %dma_start3A_39 = tpu.memref_slice %arg2[%dma_start3A_37, %dma_start3A_38] : memref<32768x128xf32, #tpu.memory_space<hbm>> -> memref<32768x128xf32, #tpu.memory_space<hbm>>
      tpu.enqueue_indirect_dma source(%dma_start3A_39 : memref<32768x128xf32, #tpu.memory_space<hbm>>) target(%dma_start3A_34 : memref<128x128xf32, #tpu.memory_space<vmem>>) offsets(%dma_start3A_36 : memref<128xi32, #tpu.memory_space<vmem>>) semaphore(%arg8 : memref<!tpu.dma_semaphore, #tpu.memory_space<semaphore_mem>>)
      %dma_start3A_40 = arith.constant 384 : i32
      %dma_start3A_41 = arith.constant 0 : i32
      %dma_start3A_42 = tpu.memref_slice %arg6[%dma_start3A_40, %dma_start3A_41] : memref<512x128xf32, #tpu.memory_space<vmem>> -> memref<128x128xf32, #tpu.memory_space<vmem>>
      %dma_start3A_43 = arith.constant 384 : i32
      %dma_start3A_44 = tpu.memref_slice %arg5[%dma_start3A_43] : memref<512xi32, #tpu.memory_space<vmem>> -> memref<128xi32, #tpu.memory_space<vmem>>
      %dma_start3A_45 = arith.constant 0 : i32
      %dma_start3A_46 = arith.constant 0 : i32
      %dma_start3A_47 = tpu.memref_slice %arg2[%dma_start3A_45, %dma_start3A_46] : memref<32768x128xf32, #tpu.memory_space<hbm>> -> memref<32768x128xf32, #tpu.memory_space<hbm>>
      tpu.enqueue_indirect_dma source(%dma_start3A_47 : memref<32768x128xf32, #tpu.memory_space<hbm>>) target(%dma_start3A_42 : memref<128x128xf32, #tpu.memory_space<vmem>>) offsets(%dma_start3A_44 : memref<128xi32, #tpu.memory_space<vmem>>) semaphore(%arg8 : memref<!tpu.dma_semaphore, #tpu.memory_space<semaphore_mem>>)
      %dma_wait3A = arith.constant 0 : i32
      %dma_wait3A_48 = arith.constant 0 : i32
      %dma_wait3A_49 = tpu.memref_slice %arg6[%dma_wait3A, %dma_wait3A_48] : memref<512x128xf32, #tpu.memory_space<vmem>> -> memref<128x128xf32, #tpu.memory_space<vmem>>
      %dma_wait3A_50 = arith.constant 0 : i32
      %dma_wait3A_51 = tpu.memref_slice %arg5[%dma_wait3A_50] : memref<512xi32, #tpu.memory_space<vmem>> -> memref<128xi32, #tpu.memory_space<vmem>>
      %dma_wait3A_52 = arith.constant 0 : i32
      %dma_wait3A_53 = arith.constant 0 : i32
      %dma_wait3A_54 = tpu.memref_slice %arg2[%dma_wait3A_52, %dma_wait3A_53] : memref<32768x128xf32, #tpu.memory_space<hbm>> -> memref<32768x128xf32, #tpu.memory_space<hbm>>
      tpu.wait_indirect_dma semaphore(%arg8 : memref<!tpu.dma_semaphore, #tpu.memory_space<semaphore_mem>>) src(%dma_wait3A_54 : memref<32768x128xf32, #tpu.memory_space<hbm>>) dst(%dma_wait3A_49 : memref<128x128xf32, #tpu.memory_space<vmem>>)
      %dma_wait3A_55 = arith.constant 128 : i32
      %dma_wait3A_56 = arith.constant 0 : i32
      %dma_wait3A_57 = tpu.memref_slice %arg6[%dma_wait3A_55, %dma_wait3A_56] : memref<512x128xf32, #tpu.memory_space<vmem>> -> memref<128x128xf32, #tpu.memory_space<vmem>>
      %dma_wait3A_58 = arith.constant 128 : i32
      %dma_wait3A_59 = tpu.memref_slice %arg5[%dma_wait3A_58] : memref<512xi32, #tpu.memory_space<vmem>> -> memref<128xi32, #tpu.memory_space<vmem>>
      %dma_wait3A_60 = arith.constant 0 : i32
      %dma_wait3A_61 = arith.constant 0 : i32
      %dma_wait3A_62 = tpu.memref_slice %arg2[%dma_wait3A_60, %dma_wait3A_61] : memref<32768x128xf32, #tpu.memory_space<hbm>> -> memref<32768x128xf32, #tpu.memory_space<hbm>>
      tpu.wait_indirect_dma semaphore(%arg8 : memref<!tpu.dma_semaphore, #tpu.memory_space<semaphore_mem>>) src(%dma_wait3A_62 : memref<32768x128xf32, #tpu.memory_space<hbm>>) dst(%dma_wait3A_57 : memref<128x128xf32, #tpu.memory_space<vmem>>)
      %dma_wait3A_63 = arith.constant 256 : i32
      %dma_wait3A_64 = arith.constant 0 : i32
      %dma_wait3A_65 = tpu.memref_slice %arg6[%dma_wait3A_63, %dma_wait3A_64] : memref<512x128xf32, #tpu.memory_space<vmem>> -> memref<128x128xf32, #tpu.memory_space<vmem>>
      %dma_wait3A_66 = arith.constant 256 : i32
      %dma_wait3A_67 = tpu.memref_slice %arg5[%dma_wait3A_66] : memref<512xi32, #tpu.memory_space<vmem>> -> memref<128xi32, #tpu.memory_space<vmem>>
      %dma_wait3A_68 = arith.constant 0 : i32
      %dma_wait3A_69 = arith.constant 0 : i32
      %dma_wait3A_70 = tpu.memref_slice %arg2[%dma_wait3A_68, %dma_wait3A_69] : memref<32768x128xf32, #tpu.memory_space<hbm>> -> memref<32768x128xf32, #tpu.memory_space<hbm>>
      tpu.wait_indirect_dma semaphore(%arg8 : memref<!tpu.dma_semaphore, #tpu.memory_space<semaphore_mem>>) src(%dma_wait3A_70 : memref<32768x128xf32, #tpu.memory_space<hbm>>) dst(%dma_wait3A_65 : memref<128x128xf32, #tpu.memory_space<vmem>>)
      %dma_wait3A_71 = arith.constant 384 : i32
      %dma_wait3A_72 = arith.constant 0 : i32
      %dma_wait3A_73 = tpu.memref_slice %arg6[%dma_wait3A_71, %dma_wait3A_72] : memref<512x128xf32, #tpu.memory_space<vmem>> -> memref<128x128xf32, #tpu.memory_space<vmem>>
      %dma_wait3A_74 = arith.constant 384 : i32
      %dma_wait3A_75 = tpu.memref_slice %arg5[%dma_wait3A_74] : memref<512xi32, #tpu.memory_space<vmem>> -> memref<128xi32, #tpu.memory_space<vmem>>
      %dma_wait3A_76 = arith.constant 0 : i32
      %dma_wait3A_77 = arith.constant 0 : i32
      %dma_wait3A_78 = tpu.memref_slice %arg2[%dma_wait3A_76, %dma_wait3A_77] : memref<32768x128xf32, #tpu.memory_space<hbm>> -> memref<32768x128xf32, #tpu.memory_space<hbm>>
      tpu.wait_indirect_dma semaphore(%arg8 : memref<!tpu.dma_semaphore, #tpu.memory_space<semaphore_mem>>) src(%dma_wait3A_78 : memref<32768x128xf32, #tpu.memory_space<hbm>>) dst(%dma_wait3A_73 : memref<128x128xf32, #tpu.memory_space<vmem>>)
      %scan3A_79 = arith.constant 0 : i32
      %scan3A_80 = arith.constant 0 : i32
      %scan3A_81 = arith.constant 32 : i32
      %scan3A_82 = arith.addi %scan3A_80, %scan3A_81 : i32
      %scan3A_83 = arith.constant 1 : i32
      %scan3A_84 = scf.for %scan3A_87 = %scan3A_80 to %scan3A_82 step %scan3A_83 iter_args(%scan3A_88 = %scan3A_79) -> (i32)  : i32 {
        %mul3A_89 = arith.constant 16 : i32
        %mul3A_90 = arith.muli %scan3A_87, %mul3A_89 : i32
        %get3A = arith.index_cast %mul3A_90 : i32 to index
        %get3A_91 = arith.constant 0 : index
        %get3A_92 = tpu.vector_load %arg6[%get3A, %get3A_91] {strides = array<i32>} : memref<512x128xf32, #tpu.memory_space<vmem>>, vector<1x16xf32>,
        %get3A_93 = vector.shape_cast %get3A_92 : vector<1x16xf32> to vector<16xf32>
        %mul3A_94 = arith.constant 16 : i32
        %mul3A_95 = arith.muli %scan3A_87, %mul3A_94 : i32
        %add3A_96 = arith.constant 1 : i32
        %add3A_97 = arith.addi %mul3A_95, %add3A_96 : i32
        %get3A_98 = arith.index_cast %add3A_97 : i32 to index
        %get3A_99 = arith.constant 0 : index
        %get3A_100 = tpu.vector_load %arg6[%get3A_98, %get3A_99] {strides = array<i32>} : memref<512x128xf32, #tpu.memory_space<vmem>>, vector<1x16xf32>,
        %get3A_101 = vector.shape_cast %get3A_100 : vector<1x16xf32> to vector<16xf32>
        %max3A = arith.maximumf %get3A_93, %get3A_101 : vector<16xf32>
        %mul3A_102 = arith.constant 16 : i32
        %mul3A_103 = arith.muli %scan3A_87, %mul3A_102 : i32
        %add3A_104 = arith.constant 2 : i32
        %add3A_105 = arith.addi %mul3A_103, %add3A_104 : i32
        %get3A_106 = arith.index_cast %add3A_105 : i32 to index
        %get3A_107 = arith.constant 0 : index
        %get3A_108 = tpu.vector_load %arg6[%get3A_106, %get3A_107] {strides = array<i32>} : memref<512x128xf32, #tpu.memory_space<vmem>>, vector<1x16xf32>,
        %get3A_109 = vector.shape_cast %get3A_108 : vector<1x16xf32> to vector<16xf32>
        %max3A_110 = arith.maximumf %max3A, %get3A_109 : vector<16xf32>
        %mul3A_111 = arith.constant 16 : i32
        %mul3A_112 = arith.muli %scan3A_87, %mul3A_111 : i32
        %add3A_113 = arith.constant 3 : i32
        %add3A_114 = arith.addi %mul3A_112, %add3A_113 : i32
        %get3A_115 = arith.index_cast %add3A_114 : i32 to index
        %get3A_116 = arith.constant 0 : index
        %get3A_117 = tpu.vector_load %arg6[%get3A_115, %get3A_116] {strides = array<i32>} : memref<512x128xf32, #tpu.memory_space<vmem>>, vector<1x16xf32>,
        %get3A_118 = vector.shape_cast %get3A_117 : vector<1x16xf32> to vector<16xf32>
        %max3A_119 = arith.maximumf %max3A_110, %get3A_118 : vector<16xf32>
        %mul3A_120 = arith.constant 16 : i32
        %mul3A_121 = arith.muli %scan3A_87, %mul3A_120 : i32
        %add3A_122 = arith.constant 4 : i32
        %add3A_123 = arith.addi %mul3A_121, %add3A_122 : i32
        %get3A_124 = arith.index_cast %add3A_123 : i32 to index
        %get3A_125 = arith.constant 0 : index
        %get3A_126 = tpu.vector_load %arg6[%get3A_124, %get3A_125] {strides = array<i32>} : memref<512x128xf32, #tpu.memory_space<vmem>>, vector<1x16xf32>,
        %get3A_127 = vector.shape_cast %get3A_126 : vector<1x16xf32> to vector<16xf32>
        %max3A_128 = arith.maximumf %max3A_119, %get3A_127 : vector<16xf32>
        %mul3A_129 = arith.constant 16 : i32
        %mul3A_130 = arith.muli %scan3A_87, %mul3A_129 : i32
        %add3A_131 = arith.constant 5 : i32
        %add3A_132 = arith.addi %mul3A_130, %add3A_131 : i32
        %get3A_133 = arith.index_cast %add3A_132 : i32 to index
        %get3A_134 = arith.constant 0 : index
        %get3A_135 = tpu.vector_load %arg6[%get3A_133, %get3A_134] {strides = array<i32>} : memref<512x128xf32, #tpu.memory_space<vmem>>, vector<1x16xf32>,
        %get3A_136 = vector.shape_cast %get3A_135 : vector<1x16xf32> to vector<16xf32>
        %max3A_137 = arith.maximumf %max3A_128, %get3A_136 : vector<16xf32>
        %mul3A_138 = arith.constant 16 : i32
        %mul3A_139 = arith.muli %scan3A_87, %mul3A_138 : i32
        %add3A_140 = arith.constant 6 : i32
        %add3A_141 = arith.addi %mul3A_139, %add3A_140 : i32
        %get3A_142 = arith.index_cast %add3A_141 : i32 to index
        %get3A_143 = arith.constant 0 : index
        %get3A_144 = tpu.vector_load %arg6[%get3A_142, %get3A_143] {strides = array<i32>} : memref<512x128xf32, #tpu.memory_space<vmem>>, vector<1x16xf32>,
        %get3A_145 = vector.shape_cast %get3A_144 : vector<1x16xf32> to vector<16xf32>
        %max3A_146 = arith.maximumf %max3A_137, %get3A_145 : vector<16xf32>
        %mul3A_147 = arith.constant 16 : i32
        %mul3A_148 = arith.muli %scan3A_87, %mul3A_147 : i32
        %add3A_149 = arith.constant 7 : i32
        %add3A_150 = arith.addi %mul3A_148, %add3A_149 : i32
        %get3A_151 = arith.index_cast %add3A_150 : i32 to index
        %get3A_152 = arith.constant 0 : index
        %get3A_153 = tpu.vector_load %arg6[%get3A_151, %get3A_152] {strides = array<i32>} : memref<512x128xf32, #tpu.memory_space<vmem>>, vector<1x16xf32>,
        %get3A_154 = vector.shape_cast %get3A_153 : vector<1x16xf32> to vector<16xf32>
        %max3A_155 = arith.maximumf %max3A_146, %get3A_154 : vector<16xf32>
        %mul3A_156 = arith.constant 16 : i32
        %mul3A_157 = arith.muli %scan3A_87, %mul3A_156 : i32
        %add3A_158 = arith.constant 8 : i32
        %add3A_159 = arith.addi %mul3A_157, %add3A_158 : i32
        %get3A_160 = arith.index_cast %add3A_159 : i32 to index
        %get3A_161 = arith.constant 0 : index
        %get3A_162 = tpu.vector_load %arg6[%get3A_160, %get3A_161] {strides = array<i32>} : memref<512x128xf32, #tpu.memory_space<vmem>>, vector<1x16xf32>,
        %get3A_163 = vector.shape_cast %get3A_162 : vector<1x16xf32> to vector<16xf32>
        %max3A_164 = arith.maximumf %max3A_155, %get3A_163 : vector<16xf32>
        %mul3A_165 = arith.constant 16 : i32
        %mul3A_166 = arith.muli %scan3A_87, %mul3A_165 : i32
        %add3A_167 = arith.constant 9 : i32
        %add3A_168 = arith.addi %mul3A_166, %add3A_167 : i32
        %get3A_169 = arith.index_cast %add3A_168 : i32 to index
        %get3A_170 = arith.constant 0 : index
        %get3A_171 = tpu.vector_load %arg6[%get3A_169, %get3A_170] {strides = array<i32>} : memref<512x128xf32, #tpu.memory_space<vmem>>, vector<1x16xf32>,
        %get3A_172 = vector.shape_cast %get3A_171 : vector<1x16xf32> to vector<16xf32>
        %max3A_173 = arith.maximumf %max3A_164, %get3A_172 : vector<16xf32>
        %mul3A_174 = arith.constant 16 : i32
        %mul3A_175 = arith.muli %scan3A_87, %mul3A_174 : i32
        %add3A_176 = arith.constant 10 : i32
        %add3A_177 = arith.addi %mul3A_175, %add3A_176 : i32
        %get3A_178 = arith.index_cast %add3A_177 : i32 to index
        %get3A_179 = arith.constant 0 : index
        %get3A_180 = tpu.vector_load %arg6[%get3A_178, %get3A_179] {strides = array<i32>} : memref<512x128xf32, #tpu.memory_space<vmem>>, vector<1x16xf32>,
        %get3A_181 = vector.shape_cast %get3A_180 : vector<1x16xf32> to vector<16xf32>
        %max3A_182 = arith.maximumf %max3A_173, %get3A_181 : vector<16xf32>
        %mul3A_183 = arith.constant 16 : i32
        %mul3A_184 = arith.muli %scan3A_87, %mul3A_183 : i32
        %add3A_185 = arith.constant 11 : i32
        %add3A_186 = arith.addi %mul3A_184, %add3A_185 : i32
        %get3A_187 = arith.index_cast %add3A_186 : i32 to index
        %get3A_188 = arith.constant 0 : index
        %get3A_189 = tpu.vector_load %arg6[%get3A_187, %get3A_188] {strides = array<i32>} : memref<512x128xf32, #tpu.memory_space<vmem>>, vector<1x16xf32>,
        %get3A_190 = vector.shape_cast %get3A_189 : vector<1x16xf32> to vector<16xf32>
        %max3A_191 = arith.maximumf %max3A_182, %get3A_190 : vector<16xf32>
        %mul3A_192 = arith.constant 16 : i32
        %mul3A_193 = arith.muli %scan3A_87, %mul3A_192 : i32
        %add3A_194 = arith.constant 12 : i32
        %add3A_195 = arith.addi %mul3A_193, %add3A_194 : i32
        %get3A_196 = arith.index_cast %add3A_195 : i32 to index
        %get3A_197 = arith.constant 0 : index
        %get3A_198 = tpu.vector_load %arg6[%get3A_196, %get3A_197] {strides = array<i32>} : memref<512x128xf32, #tpu.memory_space<vmem>>, vector<1x16xf32>,
        %get3A_199 = vector.shape_cast %get3A_198 : vector<1x16xf32> to vector<16xf32>
        %max3A_200 = arith.maximumf %max3A_191, %get3A_199 : vector<16xf32>
        %mul3A_201 = arith.constant 16 : i32
        %mul3A_202 = arith.muli %scan3A_87, %mul3A_201 : i32
        %add3A_203 = arith.constant 13 : i32
        %add3A_204 = arith.addi %mul3A_202, %add3A_203 : i32
        %get3A_205 = arith.index_cast %add3A_204 : i32 to index
        %get3A_206 = arith.constant 0 : index
        %get3A_207 = tpu.vector_load %arg6[%get3A_205, %get3A_206] {strides = array<i32>} : memref<512x128xf32, #tpu.memory_space<vmem>>, vector<1x16xf32>,
        %get3A_208 = vector.shape_cast %get3A_207 : vector<1x16xf32> to vector<16xf32>
        %max3A_209 = arith.maximumf %max3A_200, %get3A_208 : vector<16xf32>
        %mul3A_210 = arith.constant 16 : i32
        %mul3A_211 = arith.muli %scan3A_87, %mul3A_210 : i32
        %add3A_212 = arith.constant 14 : i32
        %add3A_213 = arith.addi %mul3A_211, %add3A_212 : i32
        %get3A_214 = arith.index_cast %add3A_213 : i32 to index
        %get3A_215 = arith.constant 0 : index
        %get3A_216 = tpu.vector_load %arg6[%get3A_214, %get3A_215] {strides = array<i32>} : memref<512x128xf32, #tpu.memory_space<vmem>>, vector<1x16xf32>,
        %get3A_217 = vector.shape_cast %get3A_216 : vector<1x16xf32> to vector<16xf32>
        %max3A_218 = arith.maximumf %max3A_209, %get3A_217 : vector<16xf32>
        %mul3A_219 = arith.constant 16 : i32
        %mul3A_220 = arith.muli %scan3A_87, %mul3A_219 : i32
        %add3A_221 = arith.constant 15 : i32
        %add3A_222 = arith.addi %mul3A_220, %add3A_221 : i32
        %get3A_223 = arith.index_cast %add3A_222 : i32 to index
        %get3A_224 = arith.constant 0 : index
        %get3A_225 = tpu.vector_load %arg6[%get3A_223, %get3A_224] {strides = array<i32>} : memref<512x128xf32, #tpu.memory_space<vmem>>, vector<1x16xf32>,
        %get3A_226 = vector.shape_cast %get3A_225 : vector<1x16xf32> to vector<16xf32>
        %max3A_227 = arith.maximumf %max3A_218, %get3A_226 : vector<16xf32>
        %swap3A = arith.index_cast %scan3A_87 : i32 to index
        %swap3A_228 = arith.constant 0 : index
        %swap3A_229 = tpu.vector_load %arg7[%swap3A, %swap3A_228] {strides = array<i32>} : memref<32x128xf32, #tpu.memory_space<vmem>>, vector<1x16xf32>,
        %swap3A_230 = vector.shape_cast %swap3A_229 : vector<1x16xf32> to vector<16xf32>
        %swap3A_231 = vector.shape_cast %max3A_227 : vector<16xf32> to vector<1x16xf32>
        tpu.vector_store %arg7[%swap3A, %swap3A_228], %swap3A_231 {strides = array<i32>} : memref<32x128xf32, #tpu.memory_space<vmem>>, vector<1x16xf32>,
        %mul3A_232 = arith.constant 16 : i32
        %mul3A_233 = arith.muli %scan3A_87, %mul3A_232 : i32
        %get3A_234 = arith.index_cast %mul3A_233 : i32 to index
        %get3A_235 = arith.constant 16 : index
        %get3A_236 = tpu.vector_load %arg6[%get3A_234, %get3A_235] {strides = array<i32>} : memref<512x128xf32, #tpu.memory_space<vmem>>, vector<1x16xf32>,
        %get3A_237 = vector.shape_cast %get3A_236 : vector<1x16xf32> to vector<16xf32>
        %mul3A_238 = arith.constant 16 : i32
        %mul3A_239 = arith.muli %scan3A_87, %mul3A_238 : i32
        %add3A_240 = arith.constant 1 : i32
        %add3A_241 = arith.addi %mul3A_239, %add3A_240 : i32
        %get3A_242 = arith.index_cast %add3A_241 : i32 to index
        %get3A_243 = arith.constant 16 : index
        %get3A_244 = tpu.vector_load %arg6[%get3A_242, %get3A_243] {strides = array<i32>} : memref<512x128xf32, #tpu.memory_space<vmem>>, vector<1x16xf32>,
        %get3A_245 = vector.shape_cast %get3A_244 : vector<1x16xf32> to vector<16xf32>
        %max3A_246 = arith.maximumf %get3A_237, %get3A_245 : vector<16xf32>
        %mul3A_247 = arith.constant 16 : i32
        %mul3A_248 = arith.muli %scan3A_87, %mul3A_247 : i32
        %add3A_249 = arith.constant 2 : i32
        %add3A_250 = arith.addi %mul3A_248, %add3A_249 : i32
        %get3A_251 = arith.index_cast %add3A_250 : i32 to index
        %get3A_252 = arith.constant 16 : index
        %get3A_253 = tpu.vector_load %arg6[%get3A_251, %get3A_252] {strides = array<i32>} : memref<512x128xf32, #tpu.memory_space<vmem>>, vector<1x16xf32>,
        %get3A_254 = vector.shape_cast %get3A_253 : vector<1x16xf32> to vector<16xf32>
        %max3A_255 = arith.maximumf %max3A_246, %get3A_254 : vector<16xf32>
        %mul3A_256 = arith.constant 16 : i32
        %mul3A_257 = arith.muli %scan3A_87, %mul3A_256 : i32
        %add3A_258 = arith.constant 3 : i32
        %add3A_259 = arith.addi %mul3A_257, %add3A_258 : i32
        %get3A_260 = arith.index_cast %add3A_259 : i32 to index
        %get3A_261 = arith.constant 16 : index
        %get3A_262 = tpu.vector_load %arg6[%get3A_260, %get3A_261] {strides = array<i32>} : memref<512x128xf32, #tpu.memory_space<vmem>>, vector<1x16xf32>,
        %get3A_263 = vector.shape_cast %get3A_262 : vector<1x16xf32> to vector<16xf32>
        %max3A_264 = arith.maximumf %max3A_255, %get3A_263 : vector<16xf32>
        %mul3A_265 = arith.constant 16 : i32
        %mul3A_266 = arith.muli %scan3A_87, %mul3A_265 : i32
        %add3A_267 = arith.constant 4 : i32
        %add3A_268 = arith.addi %mul3A_266, %add3A_267 : i32
        %get3A_269 = arith.index_cast %add3A_268 : i32 to index
        %get3A_270 = arith.constant 16 : index
        %get3A_271 = tpu.vector_load %arg6[%get3A_269, %get3A_270] {strides = array<i32>} : memref<512x128xf32, #tpu.memory_space<vmem>>, vector<1x16xf32>,
        %get3A_272 = vector.shape_cast %get3A_271 : vector<1x16xf32> to vector<16xf32>
        %max3A_273 = arith.maximumf %max3A_264, %get3A_272 : vector<16xf32>
        %mul3A_274 = arith.constant 16 : i32
        %mul3A_275 = arith.muli %scan3A_87, %mul3A_274 : i32
        %add3A_276 = arith.constant 5 : i32
        %add3A_277 = arith.addi %mul3A_275, %add3A_276 : i32
        %get3A_278 = arith.index_cast %add3A_277 : i32 to index
        %get3A_279 = arith.constant 16 : index
        %get3A_280 = tpu.vector_load %arg6[%get3A_278, %get3A_279] {strides = array<i32>} : memref<512x128xf32, #tpu.memory_space<vmem>>, vector<1x16xf32>,
        %get3A_281 = vector.shape_cast %get3A_280 : vector<1x16xf32> to vector<16xf32>
        %max3A_282 = arith.maximumf %max3A_273, %get3A_281 : vector<16xf32>
        %mul3A_283 = arith.constant 16 : i32
        %mul3A_284 = arith.muli %scan3A_87, %mul3A_283 : i32
        %add3A_285 = arith.constant 6 : i32
        %add3A_286 = arith.addi %mul3A_284, %add3A_285 : i32
        %get3A_287 = arith.index_cast %add3A_286 : i32 to index
        %get3A_288 = arith.constant 16 : index
        %get3A_289 = tpu.vector_load %arg6[%get3A_287, %get3A_288] {strides = array<i32>} : memref<512x128xf32, #tpu.memory_space<vmem>>, vector<1x16xf32>,
        %get3A_290 = vector.shape_cast %get3A_289 : vector<1x16xf32> to vector<16xf32>
        %max3A_291 = arith.maximumf %max3A_282, %get3A_290 : vector<16xf32>
        %mul3A_292 = arith.constant 16 : i32
        %mul3A_293 = arith.muli %scan3A_87, %mul3A_292 : i32
        %add3A_294 = arith.constant 7 : i32
        %add3A_295 = arith.addi %mul3A_293, %add3A_294 : i32
        %get3A_296 = arith.index_cast %add3A_295 : i32 to index
        %get3A_297 = arith.constant 16 : index
        %get3A_298 = tpu.vector_load %arg6[%get3A_296, %get3A_297] {strides = array<i32>} : memref<512x128xf32, #tpu.memory_space<vmem>>, vector<1x16xf32>,
        %get3A_299 = vector.shape_cast %get3A_298 : vector<1x16xf32> to vector<16xf32>
        %max3A_300 = arith.maximumf %max3A_291, %get3A_299 : vector<16xf32>
        %mul3A_301 = arith.constant 16 : i32
        %mul3A_302 = arith.muli %scan3A_87, %mul3A_301 : i32
        %add3A_303 = arith.constant 8 : i32
        %add3A_304 = arith.addi %mul3A_302, %add3A_303 : i32
        %get3A_305 = arith.index_cast %add3A_304 : i32 to index
        %get3A_306 = arith.constant 16 : index
        %get3A_307 = tpu.vector_load %arg6[%get3A_305, %get3A_306] {strides = array<i32>} : memref<512x128xf32, #tpu.memory_space<vmem>>, vector<1x16xf32>,
        %get3A_308 = vector.shape_cast %get3A_307 : vector<1x16xf32> to vector<16xf32>
        %max3A_309 = arith.maximumf %max3A_300, %get3A_308 : vector<16xf32>
        %mul3A_310 = arith.constant 16 : i32
        %mul3A_311 = arith.muli %scan3A_87, %mul3A_310 : i32
        %add3A_312 = arith.constant 9 : i32
        %add3A_313 = arith.addi %mul3A_311, %add3A_312 : i32
        %get3A_314 = arith.index_cast %add3A_313 : i32 to index
        %get3A_315 = arith.constant 16 : index
        %get3A_316 = tpu.vector_load %arg6[%get3A_314, %get3A_315] {strides = array<i32>} : memref<512x128xf32, #tpu.memory_space<vmem>>, vector<1x16xf32>,
        %get3A_317 = vector.shape_cast %get3A_316 : vector<1x16xf32> to vector<16xf32>
        %max3A_318 = arith.maximumf %max3A_309, %get3A_317 : vector<16xf32>
        %mul3A_319 = arith.constant 16 : i32
        %mul3A_320 = arith.muli %scan3A_87, %mul3A_319 : i32
        %add3A_321 = arith.constant 10 : i32
        %add3A_322 = arith.addi %mul3A_320, %add3A_321 : i32
        %get3A_323 = arith.index_cast %add3A_322 : i32 to index
        %get3A_324 = arith.constant 16 : index
        %get3A_325 = tpu.vector_load %arg6[%get3A_323, %get3A_324] {strides = array<i32>} : memref<512x128xf32, #tpu.memory_space<vmem>>, vector<1x16xf32>,
        %get3A_326 = vector.shape_cast %get3A_325 : vector<1x16xf32> to vector<16xf32>
        %max3A_327 = arith.maximumf %max3A_318, %get3A_326 : vector<16xf32>
        %mul3A_328 = arith.constant 16 : i32
        %mul3A_329 = arith.muli %scan3A_87, %mul3A_328 : i32
        %add3A_330 = arith.constant 11 : i32
        %add3A_331 = arith.addi %mul3A_329, %add3A_330 : i32
        %get3A_332 = arith.index_cast %add3A_331 : i32 to index
        %get3A_333 = arith.constant 16 : index
        %get3A_334 = tpu.vector_load %arg6[%get3A_332, %get3A_333] {strides = array<i32>} : memref<512x128xf32, #tpu.memory_space<vmem>>, vector<1x16xf32>,
        %get3A_335 = vector.shape_cast %get3A_334 : vector<1x16xf32> to vector<16xf32>
        %max3A_336 = arith.maximumf %max3A_327, %get3A_335 : vector<16xf32>
        %mul3A_337 = arith.constant 16 : i32
        %mul3A_338 = arith.muli %scan3A_87, %mul3A_337 : i32
        %add3A_339 = arith.constant 12 : i32
        %add3A_340 = arith.addi %mul3A_338, %add3A_339 : i32
        %get3A_341 = arith.index_cast %add3A_340 : i32 to index
        %get3A_342 = arith.constant 16 : index
        %get3A_343 = tpu.vector_load %arg6[%get3A_341, %get3A_342] {strides = array<i32>} : memref<512x128xf32, #tpu.memory_space<vmem>>, vector<1x16xf32>,
        %get3A_344 = vector.shape_cast %get3A_343 : vector<1x16xf32> to vector<16xf32>
        %max3A_345 = arith.maximumf %max3A_336, %get3A_344 : vector<16xf32>
        %mul3A_346 = arith.constant 16 : i32
        %mul3A_347 = arith.muli %scan3A_87, %mul3A_346 : i32
        %add3A_348 = arith.constant 13 : i32
        %add3A_349 = arith.addi %mul3A_347, %add3A_348 : i32
        %get3A_350 = arith.index_cast %add3A_349 : i32 to index
        %get3A_351 = arith.constant 16 : index
        %get3A_352 = tpu.vector_load %arg6[%get3A_350, %get3A_351] {strides = array<i32>} : memref<512x128xf32, #tpu.memory_space<vmem>>, vector<1x16xf32>,
        %get3A_353 = vector.shape_cast %get3A_352 : vector<1x16xf32> to vector<16xf32>
        %max3A_354 = arith.maximumf %max3A_345, %get3A_353 : vector<16xf32>
        %mul3A_355 = arith.constant 16 : i32
        %mul3A_356 = arith.muli %scan3A_87, %mul3A_355 : i32
        %add3A_357 = arith.constant 14 : i32
        %add3A_358 = arith.addi %mul3A_356, %add3A_357 : i32
        %get3A_359 = arith.index_cast %add3A_358 : i32 to index
        %get3A_360 = arith.constant 16 : index
        %get3A_361 = tpu.vector_load %arg6[%get3A_359, %get3A_360] {strides = array<i32>} : memref<512x128xf32, #tpu.memory_space<vmem>>, vector<1x16xf32>,
        %get3A_362 = vector.shape_cast %get3A_361 : vector<1x16xf32> to vector<16xf32>
        %max3A_363 = arith.maximumf %max3A_354, %get3A_362 : vector<16xf32>
        %mul3A_364 = arith.constant 16 : i32
        %mul3A_365 = arith.muli %scan3A_87, %mul3A_364 : i32
        %add3A_366 = arith.constant 15 : i32
        %add3A_367 = arith.addi %mul3A_365, %add3A_366 : i32
        %get3A_368 = arith.index_cast %add3A_367 : i32 to index
        %get3A_369 = arith.constant 16 : index
        %get3A_370 = tpu.vector_load %arg6[%get3A_368, %get3A_369] {strides = array<i32>} : memref<512x128xf32, #tpu.memory_space<vmem>>, vector<1x16xf32>,
        %get3A_371 = vector.shape_cast %get3A_370 : vector<1x16xf32> to vector<16xf32>
        %max3A_372 = arith.maximumf %max3A_363, %get3A_371 : vector<16xf32>
        %swap3A_373 = arith.index_cast %scan3A_87 : i32 to index
        %swap3A_374 = arith.constant 16 : index
        %swap3A_375 = tpu.vector_load %arg7[%swap3A_373, %swap3A_374] {strides = array<i32>} : memref<32x128xf32, #tpu.memory_space<vmem>>, vector<1x16xf32>,
        %swap3A_376 = vector.shape_cast %swap3A_375 : vector<1x16xf32> to vector<16xf32>
        %swap3A_377 = vector.shape_cast %max3A_372 : vector<16xf32> to vector<1x16xf32>
        tpu.vector_store %arg7[%swap3A_373, %swap3A_374], %swap3A_377 {strides = array<i32>} : memref<32x128xf32, #tpu.memory_space<vmem>>, vector<1x16xf32>,
        %mul3A_378 = arith.constant 16 : i32
        %mul3A_379 = arith.muli %scan3A_87, %mul3A_378 : i32
        %get3A_380 = arith.index_cast %mul3A_379 : i32 to index
        %get3A_381 = arith.constant 32 : index
        %get3A_382 = tpu.vector_load %arg6[%get3A_380, %get3A_381] {strides = array<i32>} : memref<512x128xf32, #tpu.memory_space<vmem>>, vector<1x16xf32>,
        %get3A_383 = vector.shape_cast %get3A_382 : vector<1x16xf32> to vector<16xf32>
        %mul3A_384 = arith.constant 16 : i32
        %mul3A_385 = arith.muli %scan3A_87, %mul3A_384 : i32
        %add3A_386 = arith.constant 1 : i32
        %add3A_387 = arith.addi %mul3A_385, %add3A_386 : i32
        %get3A_388 = arith.index_cast %add3A_387 : i32 to index
        %get3A_389 = arith.constant 32 : index
        %get3A_390 = tpu.vector_load %arg6[%get3A_388, %get3A_389] {strides = array<i32>} : memref<512x128xf32, #tpu.memory_space<vmem>>, vector<1x16xf32>,
        %get3A_391 = vector.shape_cast %get3A_390 : vector<1x16xf32> to vector<16xf32>
        %max3A_392 = arith.maximumf %get3A_383, %get3A_391 : vector<16xf32>
        %mul3A_393 = arith.constant 16 : i32
        %mul3A_394 = arith.muli %scan3A_87, %mul3A_393 : i32
        %add3A_395 = arith.constant 2 : i32
        %add3A_396 = arith.addi %mul3A_394, %add3A_395 : i32
        %get3A_397 = arith.index_cast %add3A_396 : i32 to index
        %get3A_398 = arith.constant 32 : index
        %get3A_399 = tpu.vector_load %arg6[%get3A_397, %get3A_398] {strides = array<i32>} : memref<512x128xf32, #tpu.memory_space<vmem>>, vector<1x16xf32>,
        %get3A_400 = vector.shape_cast %get3A_399 : vector<1x16xf32> to vector<16xf32>
        %max3A_401 = arith.maximumf %max3A_392, %get3A_400 : vector<16xf32>
        %mul3A_402 = arith.constant 16 : i32
        %mul3A_403 = arith.muli %scan3A_87, %mul3A_402 : i32
        %add3A_404 = arith.constant 3 : i32
        %add3A_405 = arith.addi %mul3A_403, %add3A_404 : i32
        %get3A_406 = arith.index_cast %add3A_405 : i32 to index
        %get3A_407 = arith.constant 32 : index
        %get3A_408 = tpu.vector_load %arg6[%get3A_406, %get3A_407] {strides = array<i32>} : memref<512x128xf32, #tpu.memory_space<vmem>>, vector<1x16xf32>,
        %get3A_409 = vector.shape_cast %get3A_408 : vector<1x16xf32> to vector<16xf32>
        %max3A_410 = arith.maximumf %max3A_401, %get3A_409 : vector<16xf32>
        %mul3A_411 = arith.constant 16 : i32
        %mul3A_412 = arith.muli %scan3A_87, %mul3A_411 : i32
        %add3A_413 = arith.constant 4 : i32
        %add3A_414 = arith.addi %mul3A_412, %add3A_413 : i32
        %get3A_415 = arith.index_cast %add3A_414 : i32 to index
        %get3A_416 = arith.constant 32 : index
        %get3A_417 = tpu.vector_load %arg6[%get3A_415, %get3A_416] {strides = array<i32>} : memref<512x128xf32, #tpu.memory_space<vmem>>, vector<1x16xf32>,
        %get3A_418 = vector.shape_cast %get3A_417 : vector<1x16xf32> to vector<16xf32>
        %max3A_419 = arith.maximumf %max3A_410, %get3A_418 : vector<16xf32>
        %mul3A_420 = arith.constant 16 : i32
        %mul3A_421 = arith.muli %scan3A_87, %mul3A_420 : i32
        %add3A_422 = arith.constant 5 : i32
        %add3A_423 = arith.addi %mul3A_421, %add3A_422 : i32
        %get3A_424 = arith.index_cast %add3A_423 : i32 to index
        %get3A_425 = arith.constant 32 : index
        %get3A_426 = tpu.vector_load %arg6[%get3A_424, %get3A_425] {strides = array<i32>} : memref<512x128xf32, #tpu.memory_space<vmem>>, vector<1x16xf32>,
        %get3A_427 = vector.shape_cast %get3A_426 : vector<1x16xf32> to vector<16xf32>
        %max3A_428 = arith.maximumf %max3A_419, %get3A_427 : vector<16xf32>
        %mul3A_429 = arith.constant 16 : i32
        %mul3A_430 = arith.muli %scan3A_87, %mul3A_429 : i32
        %add3A_431 = arith.constant 6 : i32
        %add3A_432 = arith.addi %mul3A_430, %add3A_431 : i32
        %get3A_433 = arith.index_cast %add3A_432 : i32 to index
        %get3A_434 = arith.constant 32 : index
        %get3A_435 = tpu.vector_load %arg6[%get3A_433, %get3A_434] {strides = array<i32>} : memref<512x128xf32, #tpu.memory_space<vmem>>, vector<1x16xf32>,
        %get3A_436 = vector.shape_cast %get3A_435 : vector<1x16xf32> to vector<16xf32>
        %max3A_437 = arith.maximumf %max3A_428, %get3A_436 : vector<16xf32>
        %mul3A_438 = arith.constant 16 : i32
        %mul3A_439 = arith.muli %scan3A_87, %mul3A_438 : i32
        %add3A_440 = arith.constant 7 : i32
        %add3A_441 = arith.addi %mul3A_439, %add3A_440 : i32
        %get3A_442 = arith.index_cast %add3A_441 : i32 to index
        %get3A_443 = arith.constant 32 : index
        %get3A_444 = tpu.vector_load %arg6[%get3A_442, %get3A_443] {strides = array<i32>} : memref<512x128xf32, #tpu.memory_space<vmem>>, vector<1x16xf32>,
        %get3A_445 = vector.shape_cast %get3A_444 : vector<1x16xf32> to vector<16xf32>
        %max3A_446 = arith.maximumf %max3A_437, %get3A_445 : vector<16xf32>
        %mul3A_447 = arith.constant 16 : i32
        %mul3A_448 = arith.muli %scan3A_87, %mul3A_447 : i32
        %add3A_449 = arith.constant 8 : i32
        %add3A_450 = arith.addi %mul3A_448, %add3A_449 : i32
        %get3A_451 = arith.index_cast %add3A_450 : i32 to index
        %get3A_452 = arith.constant 32 : index
        %get3A_453 = tpu.vector_load %arg6[%get3A_451, %get3A_452] {strides = array<i32>} : memref<512x128xf32, #tpu.memory_space<vmem>>, vector<1x16xf32>,
        %get3A_454 = vector.shape_cast %get3A_453 : vector<1x16xf32> to vector<16xf32>
        %max3A_455 = arith.maximumf %max3A_446, %get3A_454 : vector<16xf32>
        %mul3A_456 = arith.constant 16 : i32
        %mul3A_457 = arith.muli %scan3A_87, %mul3A_456 : i32
        %add3A_458 = arith.constant 9 : i32
        %add3A_459 = arith.addi %mul3A_457, %add3A_458 : i32
        %get3A_460 = arith.index_cast %add3A_459 : i32 to index
        %get3A_461 = arith.constant 32 : index
        %get3A_462 = tpu.vector_load %arg6[%get3A_460, %get3A_461] {strides = array<i32>} : memref<512x128xf32, #tpu.memory_space<vmem>>, vector<1x16xf32>,
        %get3A_463 = vector.shape_cast %get3A_462 : vector<1x16xf32> to vector<16xf32>
        %max3A_464 = arith.maximumf %max3A_455, %get3A_463 : vector<16xf32>
        %mul3A_465 = arith.constant 16 : i32
        %mul3A_466 = arith.muli %scan3A_87, %mul3A_465 : i32
        %add3A_467 = arith.constant 10 : i32
        %add3A_468 = arith.addi %mul3A_466, %add3A_467 : i32
        %get3A_469 = arith.index_cast %add3A_468 : i32 to index
        %get3A_470 = arith.constant 32 : index
        %get3A_471 = tpu.vector_load %arg6[%get3A_469, %get3A_470] {strides = array<i32>} : memref<512x128xf32, #tpu.memory_space<vmem>>, vector<1x16xf32>,
        %get3A_472 = vector.shape_cast %get3A_471 : vector<1x16xf32> to vector<16xf32>
        %max3A_473 = arith.maximumf %max3A_464, %get3A_472 : vector<16xf32>
        %mul3A_474 = arith.constant 16 : i32
        %mul3A_475 = arith.muli %scan3A_87, %mul3A_474 : i32
        %add3A_476 = arith.constant 11 : i32
        %add3A_477 = arith.addi %mul3A_475, %add3A_476 : i32
        %get3A_478 = arith.index_cast %add3A_477 : i32 to index
        %get3A_479 = arith.constant 32 : index
        %get3A_480 = tpu.vector_load %arg6[%get3A_478, %get3A_479] {strides = array<i32>} : memref<512x128xf32, #tpu.memory_space<vmem>>, vector<1x16xf32>,
        %get3A_481 = vector.shape_cast %get3A_480 : vector<1x16xf32> to vector<16xf32>
        %max3A_482 = arith.maximumf %max3A_473, %get3A_481 : vector<16xf32>
        %mul3A_483 = arith.constant 16 : i32
        %mul3A_484 = arith.muli %scan3A_87, %mul3A_483 : i32
        %add3A_485 = arith.constant 12 : i32
        %add3A_486 = arith.addi %mul3A_484, %add3A_485 : i32
        %get3A_487 = arith.index_cast %add3A_486 : i32 to index
        %get3A_488 = arith.constant 32 : index
        %get3A_489 = tpu.vector_load %arg6[%get3A_487, %get3A_488] {strides = array<i32>} : memref<512x128xf32, #tpu.memory_space<vmem>>, vector<1x16xf32>,
        %get3A_490 = vector.shape_cast %get3A_489 : vector<1x16xf32> to vector<16xf32>
        %max3A_491 = arith.maximumf %max3A_482, %get3A_490 : vector<16xf32>
        %mul3A_492 = arith.constant 16 : i32
        %mul3A_493 = arith.muli %scan3A_87, %mul3A_492 : i32
        %add3A_494 = arith.constant 13 : i32
        %add3A_495 = arith.addi %mul3A_493, %add3A_494 : i32
        %get3A_496 = arith.index_cast %add3A_495 : i32 to index
        %get3A_497 = arith.constant 32 : index
        %get3A_498 = tpu.vector_load %arg6[%get3A_496, %get3A_497] {strides = array<i32>} : memref<512x128xf32, #tpu.memory_space<vmem>>, vector<1x16xf32>,
        %get3A_499 = vector.shape_cast %get3A_498 : vector<1x16xf32> to vector<16xf32>
        %max3A_500 = arith.maximumf %max3A_491, %get3A_499 : vector<16xf32>
        %mul3A_501 = arith.constant 16 : i32
        %mul3A_502 = arith.muli %scan3A_87, %mul3A_501 : i32
        %add3A_503 = arith.constant 14 : i32
        %add3A_504 = arith.addi %mul3A_502, %add3A_503 : i32
        %get3A_505 = arith.index_cast %add3A_504 : i32 to index
        %get3A_506 = arith.constant 32 : index
        %get3A_507 = tpu.vector_load %arg6[%get3A_505, %get3A_506] {strides = array<i32>} : memref<512x128xf32, #tpu.memory_space<vmem>>, vector<1x16xf32>,
        %get3A_508 = vector.shape_cast %get3A_507 : vector<1x16xf32> to vector<16xf32>
        %max3A_509 = arith.maximumf %max3A_500, %get3A_508 : vector<16xf32>
        %mul3A_510 = arith.constant 16 : i32
        %mul3A_511 = arith.muli %scan3A_87, %mul3A_510 : i32
        %add3A_512 = arith.constant 15 : i32
        %add3A_513 = arith.addi %mul3A_511, %add3A_512 : i32
        %get3A_514 = arith.index_cast %add3A_513 : i32 to index
        %get3A_515 = arith.constant 32 : index
        %get3A_516 = tpu.vector_load %arg6[%get3A_514, %get3A_515] {strides = array<i32>} : memref<512x128xf32, #tpu.memory_space<vmem>>, vector<1x16xf32>,
        %get3A_517 = vector.shape_cast %get3A_516 : vector<1x16xf32> to vector<16xf32>
        %max3A_518 = arith.maximumf %max3A_509, %get3A_517 : vector<16xf32>
        %swap3A_519 = arith.index_cast %scan3A_87 : i32 to index
        %swap3A_520 = arith.constant 32 : index
        %swap3A_521 = tpu.vector_load %arg7[%swap3A_519, %swap3A_520] {strides = array<i32>} : memref<32x128xf32, #tpu.memory_space<vmem>>, vector<1x16xf32>,
        %swap3A_522 = vector.shape_cast %swap3A_521 : vector<1x16xf32> to vector<16xf32>
        %swap3A_523 = vector.shape_cast %max3A_518 : vector<16xf32> to vector<1x16xf32>
        tpu.vector_store %arg7[%swap3A_519, %swap3A_520], %swap3A_523 {strides = array<i32>} : memref<32x128xf32, #tpu.memory_space<vmem>>, vector<1x16xf32>,
        %mul3A_524 = arith.constant 16 : i32
        %mul3A_525 = arith.muli %scan3A_87, %mul3A_524 : i32
        %get3A_526 = arith.index_cast %mul3A_525 : i32 to index
        %get3A_527 = arith.constant 48 : index
        %get3A_528 = tpu.vector_load %arg6[%get3A_526, %get3A_527] {strides = array<i32>} : memref<512x128xf32, #tpu.memory_space<vmem>>, vector<1x16xf32>,
        %get3A_529 = vector.shape_cast %get3A_528 : vector<1x16xf32> to vector<16xf32>
        %mul3A_530 = arith.constant 16 : i32
        %mul3A_531 = arith.muli %scan3A_87, %mul3A_530 : i32
        %add3A_532 = arith.constant 1 : i32
        %add3A_533 = arith.addi %mul3A_531, %add3A_532 : i32
        %get3A_534 = arith.index_cast %add3A_533 : i32 to index
        %get3A_535 = arith.constant 48 : index
        %get3A_536 = tpu.vector_load %arg6[%get3A_534, %get3A_535] {strides = array<i32>} : memref<512x128xf32, #tpu.memory_space<vmem>>, vector<1x16xf32>,
        %get3A_537 = vector.shape_cast %get3A_536 : vector<1x16xf32> to vector<16xf32>
        %max3A_538 = arith.maximumf %get3A_529, %get3A_537 : vector<16xf32>
        %mul3A_539 = arith.constant 16 : i32
        %mul3A_540 = arith.muli %scan3A_87, %mul3A_539 : i32
        %add3A_541 = arith.constant 2 : i32
        %add3A_542 = arith.addi %mul3A_540, %add3A_541 : i32
        %get3A_543 = arith.index_cast %add3A_542 : i32 to index
        %get3A_544 = arith.constant 48 : index
        %get3A_545 = tpu.vector_load %arg6[%get3A_543, %get3A_544] {strides = array<i32>} : memref<512x128xf32, #tpu.memory_space<vmem>>, vector<1x16xf32>,
        %get3A_546 = vector.shape_cast %get3A_545 : vector<1x16xf32> to vector<16xf32>
        %max3A_547 = arith.maximumf %max3A_538, %get3A_546 : vector<16xf32>
        %mul3A_548 = arith.constant 16 : i32
        %mul3A_549 = arith.muli %scan3A_87, %mul3A_548 : i32
        %add3A_550 = arith.constant 3 : i32
        %add3A_551 = arith.addi %mul3A_549, %add3A_550 : i32
        %get3A_552 = arith.index_cast %add3A_551 : i32 to index
        %get3A_553 = arith.constant 48 : index
        %get3A_554 = tpu.vector_load %arg6[%get3A_552, %get3A_553] {strides = array<i32>} : memref<512x128xf32, #tpu.memory_space<vmem>>, vector<1x16xf32>,
        %get3A_555 = vector.shape_cast %get3A_554 : vector<1x16xf32> to vector<16xf32>
        %max3A_556 = arith.maximumf %max3A_547, %get3A_555 : vector<16xf32>
        %mul3A_557 = arith.constant 16 : i32
        %mul3A_558 = arith.muli %scan3A_87, %mul3A_557 : i32
        %add3A_559 = arith.constant 4 : i32
        %add3A_560 = arith.addi %mul3A_558, %add3A_559 : i32
        %get3A_561 = arith.index_cast %add3A_560 : i32 to index
        %get3A_562 = arith.constant 48 : index
        %get3A_563 = tpu.vector_load %arg6[%get3A_561, %get3A_562] {strides = array<i32>} : memref<512x128xf32, #tpu.memory_space<vmem>>, vector<1x16xf32>,
        %get3A_564 = vector.shape_cast %get3A_563 : vector<1x16xf32> to vector<16xf32>
        %max3A_565 = arith.maximumf %max3A_556, %get3A_564 : vector<16xf32>
        %mul3A_566 = arith.constant 16 : i32
        %mul3A_567 = arith.muli %scan3A_87, %mul3A_566 : i32
        %add3A_568 = arith.constant 5 : i32
        %add3A_569 = arith.addi %mul3A_567, %add3A_568 : i32
        %get3A_570 = arith.index_cast %add3A_569 : i32 to index
        %get3A_571 = arith.constant 48 : index
        %get3A_572 = tpu.vector_load %arg6[%get3A_570, %get3A_571] {strides = array<i32>} : memref<512x128xf32, #tpu.memory_space<vmem>>, vector<1x16xf32>,
        %get3A_573 = vector.shape_cast %get3A_572 : vector<1x16xf32> to vector<16xf32>
        %max3A_574 = arith.maximumf %max3A_565, %get3A_573 : vector<16xf32>
        %mul3A_575 = arith.constant 16 : i32
        %mul3A_576 = arith.muli %scan3A_87, %mul3A_575 : i32
        %add3A_577 = arith.constant 6 : i32
        %add3A_578 = arith.addi %mul3A_576, %add3A_577 : i32
        %get3A_579 = arith.index_cast %add3A_578 : i32 to index
        %get3A_580 = arith.constant 48 : index
        %get3A_581 = tpu.vector_load %arg6[%get3A_579, %get3A_580] {strides = array<i32>} : memref<512x128xf32, #tpu.memory_space<vmem>>, vector<1x16xf32>,
        %get3A_582 = vector.shape_cast %get3A_581 : vector<1x16xf32> to vector<16xf32>
        %max3A_583 = arith.maximumf %max3A_574, %get3A_582 : vector<16xf32>
        %mul3A_584 = arith.constant 16 : i32
        %mul3A_585 = arith.muli %scan3A_87, %mul3A_584 : i32
        %add3A_586 = arith.constant 7 : i32
        %add3A_587 = arith.addi %mul3A_585, %add3A_586 : i32
        %get3A_588 = arith.index_cast %add3A_587 : i32 to index
        %get3A_589 = arith.constant 48 : index
        %get3A_590 = tpu.vector_load %arg6[%get3A_588, %get3A_589] {strides = array<i32>} : memref<512x128xf32, #tpu.memory_space<vmem>>, vector<1x16xf32>,
        %get3A_591 = vector.shape_cast %get3A_590 : vector<1x16xf32> to vector<16xf32>
        %max3A_592 = arith.maximumf %max3A_583, %get3A_591 : vector<16xf32>
        %mul3A_593 = arith.constant 16 : i32
        %mul3A_594 = arith.muli %scan3A_87, %mul3A_593 : i32
        %add3A_595 = arith.constant 8 : i32
        %add3A_596 = arith.addi %mul3A_594, %add3A_595 : i32
        %get3A_597 = arith.index_cast %add3A_596 : i32 to index
        %get3A_598 = arith.constant 48 : index
        %get3A_599 = tpu.vector_load %arg6[%get3A_597, %get3A_598] {strides = array<i32>} : memref<512x128xf32, #tpu.memory_space<vmem>>, vector<1x16xf32>,
        %get3A_600 = vector.shape_cast %get3A_599 : vector<1x16xf32> to vector<16xf32>
        %max3A_601 = arith.maximumf %max3A_592, %get3A_600 : vector<16xf32>
        %mul3A_602 = arith.constant 16 : i32
        %mul3A_603 = arith.muli %scan3A_87, %mul3A_602 : i32
        %add3A_604 = arith.constant 9 : i32
        %add3A_605 = arith.addi %mul3A_603, %add3A_604 : i32
        %get3A_606 = arith.index_cast %add3A_605 : i32 to index
        %get3A_607 = arith.constant 48 : index
        %get3A_608 = tpu.vector_load %arg6[%get3A_606, %get3A_607] {strides = array<i32>} : memref<512x128xf32, #tpu.memory_space<vmem>>, vector<1x16xf32>,
        %get3A_609 = vector.shape_cast %get3A_608 : vector<1x16xf32> to vector<16xf32>
        %max3A_610 = arith.maximumf %max3A_601, %get3A_609 : vector<16xf32>
        %mul3A_611 = arith.constant 16 : i32
        %mul3A_612 = arith.muli %scan3A_87, %mul3A_611 : i32
        %add3A_613 = arith.constant 10 : i32
        %add3A_614 = arith.addi %mul3A_612, %add3A_613 : i32
        %get3A_615 = arith.index_cast %add3A_614 : i32 to index
        %get3A_616 = arith.constant 48 : index
        %get3A_617 = tpu.vector_load %arg6[%get3A_615, %get3A_616] {strides = array<i32>} : memref<512x128xf32, #tpu.memory_space<vmem>>, vector<1x16xf32>,
        %get3A_618 = vector.shape_cast %get3A_617 : vector<1x16xf32> to vector<16xf32>
        %max3A_619 = arith.maximumf %max3A_610, %get3A_618 : vector<16xf32>
        %mul3A_620 = arith.constant 16 : i32
        %mul3A_621 = arith.muli %scan3A_87, %mul3A_620 : i32
        %add3A_622 = arith.constant 11 : i32
        %add3A_623 = arith.addi %mul3A_621, %add3A_622 : i32
        %get3A_624 = arith.index_cast %add3A_623 : i32 to index
        %get3A_625 = arith.constant 48 : index
        %get3A_626 = tpu.vector_load %arg6[%get3A_624, %get3A_625] {strides = array<i32>} : memref<512x128xf32, #tpu.memory_space<vmem>>, vector<1x16xf32>,
        %get3A_627 = vector.shape_cast %get3A_626 : vector<1x16xf32> to vector<16xf32>
        %max3A_628 = arith.maximumf %max3A_619, %get3A_627 : vector<16xf32>
        %mul3A_629 = arith.constant 16 : i32
        %mul3A_630 = arith.muli %scan3A_87, %mul3A_629 : i32
        %add3A_631 = arith.constant 12 : i32
        %add3A_632 = arith.addi %mul3A_630, %add3A_631 : i32
        %get3A_633 = arith.index_cast %add3A_632 : i32 to index
        %get3A_634 = arith.constant 48 : index
        %get3A_635 = tpu.vector_load %arg6[%get3A_633, %get3A_634] {strides = array<i32>} : memref<512x128xf32, #tpu.memory_space<vmem>>, vector<1x16xf32>,
        %get3A_636 = vector.shape_cast %get3A_635 : vector<1x16xf32> to vector<16xf32>
        %max3A_637 = arith.maximumf %max3A_628, %get3A_636 : vector<16xf32>
        %mul3A_638 = arith.constant 16 : i32
        %mul3A_639 = arith.muli %scan3A_87, %mul3A_638 : i32
        %add3A_640 = arith.constant 13 : i32
        %add3A_641 = arith.addi %mul3A_639, %add3A_640 : i32
        %get3A_642 = arith.index_cast %add3A_641 : i32 to index
        %get3A_643 = arith.constant 48 : index
        %get3A_644 = tpu.vector_load %arg6[%get3A_642, %get3A_643] {strides = array<i32>} : memref<512x128xf32, #tpu.memory_space<vmem>>, vector<1x16xf32>,
        %get3A_645 = vector.shape_cast %get3A_644 : vector<1x16xf32> to vector<16xf32>
        %max3A_646 = arith.maximumf %max3A_637, %get3A_645 : vector<16xf32>
        %mul3A_647 = arith.constant 16 : i32
        %mul3A_648 = arith.muli %scan3A_87, %mul3A_647 : i32
        %add3A_649 = arith.constant 14 : i32
        %add3A_650 = arith.addi %mul3A_648, %add3A_649 : i32
        %get3A_651 = arith.index_cast %add3A_650 : i32 to index
        %get3A_652 = arith.constant 48 : index
        %get3A_653 = tpu.vector_load %arg6[%get3A_651, %get3A_652] {strides = array<i32>} : memref<512x128xf32, #tpu.memory_space<vmem>>, vector<1x16xf32>,
        %get3A_654 = vector.shape_cast %get3A_653 : vector<1x16xf32> to vector<16xf32>
        %max3A_655 = arith.maximumf %max3A_646, %get3A_654 : vector<16xf32>
        %mul3A_656 = arith.constant 16 : i32
        %mul3A_657 = arith.muli %scan3A_87, %mul3A_656 : i32
        %add3A_658 = arith.constant 15 : i32
        %add3A_659 = arith.addi %mul3A_657, %add3A_658 : i32
        %get3A_660 = arith.index_cast %add3A_659 : i32 to index
        %get3A_661 = arith.constant 48 : index
        %get3A_662 = tpu.vector_load %arg6[%get3A_660, %get3A_661] {strides = array<i32>} : memref<512x128xf32, #tpu.memory_space<vmem>>, vector<1x16xf32>,
        %get3A_663 = vector.shape_cast %get3A_662 : vector<1x16xf32> to vector<16xf32>
        %max3A_664 = arith.maximumf %max3A_655, %get3A_663 : vector<16xf32>
        %swap3A_665 = arith.index_cast %scan3A_87 : i32 to index
        %swap3A_666 = arith.constant 48 : index
        %swap3A_667 = tpu.vector_load %arg7[%swap3A_665, %swap3A_666] {strides = array<i32>} : memref<32x128xf32, #tpu.memory_space<vmem>>, vector<1x16xf32>,
        %swap3A_668 = vector.shape_cast %swap3A_667 : vector<1x16xf32> to vector<16xf32>
        %swap3A_669 = vector.shape_cast %max3A_664 : vector<16xf32> to vector<1x16xf32>
        tpu.vector_store %arg7[%swap3A_665, %swap3A_666], %swap3A_669 {strides = array<i32>} : memref<32x128xf32, #tpu.memory_space<vmem>>, vector<1x16xf32>,
        %mul3A_670 = arith.constant 16 : i32
        %mul3A_671 = arith.muli %scan3A_87, %mul3A_670 : i32
        %get3A_672 = arith.index_cast %mul3A_671 : i32 to index
        %get3A_673 = arith.constant 64 : index
        %get3A_674 = tpu.vector_load %arg6[%get3A_672, %get3A_673] {strides = array<i32>} : memref<512x128xf32, #tpu.memory_space<vmem>>, vector<1x16xf32>,
        %get3A_675 = vector.shape_cast %get3A_674 : vector<1x16xf32> to vector<16xf32>
        %mul3A_676 = arith.constant 16 : i32
        %mul3A_677 = arith.muli %scan3A_87, %mul3A_676 : i32
        %add3A_678 = arith.constant 1 : i32
        %add3A_679 = arith.addi %mul3A_677, %add3A_678 : i32
        %get3A_680 = arith.index_cast %add3A_679 : i32 to index
        %get3A_681 = arith.constant 64 : index
        %get3A_682 = tpu.vector_load %arg6[%get3A_680, %get3A_681] {strides = array<i32>} : memref<512x128xf32, #tpu.memory_space<vmem>>, vector<1x16xf32>,
        %get3A_683 = vector.shape_cast %get3A_682 : vector<1x16xf32> to vector<16xf32>
        %max3A_684 = arith.maximumf %get3A_675, %get3A_683 : vector<16xf32>
        %mul3A_685 = arith.constant 16 : i32
        %mul3A_686 = arith.muli %scan3A_87, %mul3A_685 : i32
        %add3A_687 = arith.constant 2 : i32
        %add3A_688 = arith.addi %mul3A_686, %add3A_687 : i32
        %get3A_689 = arith.index_cast %add3A_688 : i32 to index
        %get3A_690 = arith.constant 64 : index
        %get3A_691 = tpu.vector_load %arg6[%get3A_689, %get3A_690] {strides = array<i32>} : memref<512x128xf32, #tpu.memory_space<vmem>>, vector<1x16xf32>,
        %get3A_692 = vector.shape_cast %get3A_691 : vector<1x16xf32> to vector<16xf32>
        %max3A_693 = arith.maximumf %max3A_684, %get3A_692 : vector<16xf32>
        %mul3A_694 = arith.constant 16 : i32
        %mul3A_695 = arith.muli %scan3A_87, %mul3A_694 : i32
        %add3A_696 = arith.constant 3 : i32
        %add3A_697 = arith.addi %mul3A_695, %add3A_696 : i32
        %get3A_698 = arith.index_cast %add3A_697 : i32 to index
        %get3A_699 = arith.constant 64 : index
        %get3A_700 = tpu.vector_load %arg6[%get3A_698, %get3A_699] {strides = array<i32>} : memref<512x128xf32, #tpu.memory_space<vmem>>, vector<1x16xf32>,
        %get3A_701 = vector.shape_cast %get3A_700 : vector<1x16xf32> to vector<16xf32>
        %max3A_702 = arith.maximumf %max3A_693, %get3A_701 : vector<16xf32>
        %mul3A_703 = arith.constant 16 : i32
        %mul3A_704 = arith.muli %scan3A_87, %mul3A_703 : i32
        %add3A_705 = arith.constant 4 : i32
        %add3A_706 = arith.addi %mul3A_704, %add3A_705 : i32
        %get3A_707 = arith.index_cast %add3A_706 : i32 to index
        %get3A_708 = arith.constant 64 : index
        %get3A_709 = tpu.vector_load %arg6[%get3A_707, %get3A_708] {strides = array<i32>} : memref<512x128xf32, #tpu.memory_space<vmem>>, vector<1x16xf32>,
        %get3A_710 = vector.shape_cast %get3A_709 : vector<1x16xf32> to vector<16xf32>
        %max3A_711 = arith.maximumf %max3A_702, %get3A_710 : vector<16xf32>
        %mul3A_712 = arith.constant 16 : i32
        %mul3A_713 = arith.muli %scan3A_87, %mul3A_712 : i32
        %add3A_714 = arith.constant 5 : i32
        %add3A_715 = arith.addi %mul3A_713, %add3A_714 : i32
        %get3A_716 = arith.index_cast %add3A_715 : i32 to index
        %get3A_717 = arith.constant 64 : index
        %get3A_718 = tpu.vector_load %arg6[%get3A_716, %get3A_717] {strides = array<i32>} : memref<512x128xf32, #tpu.memory_space<vmem>>, vector<1x16xf32>,
        %get3A_719 = vector.shape_cast %get3A_718 : vector<1x16xf32> to vector<16xf32>
        %max3A_720 = arith.maximumf %max3A_711, %get3A_719 : vector<16xf32>
        %mul3A_721 = arith.constant 16 : i32
        %mul3A_722 = arith.muli %scan3A_87, %mul3A_721 : i32
        %add3A_723 = arith.constant 6 : i32
        %add3A_724 = arith.addi %mul3A_722, %add3A_723 : i32
        %get3A_725 = arith.index_cast %add3A_724 : i32 to index
        %get3A_726 = arith.constant 64 : index
        %get3A_727 = tpu.vector_load %arg6[%get3A_725, %get3A_726] {strides = array<i32>} : memref<512x128xf32, #tpu.memory_space<vmem>>, vector<1x16xf32>,
        %get3A_728 = vector.shape_cast %get3A_727 : vector<1x16xf32> to vector<16xf32>
        %max3A_729 = arith.maximumf %max3A_720, %get3A_728 : vector<16xf32>
        %mul3A_730 = arith.constant 16 : i32
        %mul3A_731 = arith.muli %scan3A_87, %mul3A_730 : i32
        %add3A_732 = arith.constant 7 : i32
        %add3A_733 = arith.addi %mul3A_731, %add3A_732 : i32
        %get3A_734 = arith.index_cast %add3A_733 : i32 to index
        %get3A_735 = arith.constant 64 : index
        %get3A_736 = tpu.vector_load %arg6[%get3A_734, %get3A_735] {strides = array<i32>} : memref<512x128xf32, #tpu.memory_space<vmem>>, vector<1x16xf32>,
        %get3A_737 = vector.shape_cast %get3A_736 : vector<1x16xf32> to vector<16xf32>
        %max3A_738 = arith.maximumf %max3A_729, %get3A_737 : vector<16xf32>
        %mul3A_739 = arith.constant 16 : i32
        %mul3A_740 = arith.muli %scan3A_87, %mul3A_739 : i32
        %add3A_741 = arith.constant 8 : i32
        %add3A_742 = arith.addi %mul3A_740, %add3A_741 : i32
        %get3A_743 = arith.index_cast %add3A_742 : i32 to index
        %get3A_744 = arith.constant 64 : index
        %get3A_745 = tpu.vector_load %arg6[%get3A_743, %get3A_744] {strides = array<i32>} : memref<512x128xf32, #tpu.memory_space<vmem>>, vector<1x16xf32>,
        %get3A_746 = vector.shape_cast %get3A_745 : vector<1x16xf32> to vector<16xf32>
        %max3A_747 = arith.maximumf %max3A_738, %get3A_746 : vector<16xf32>
        %mul3A_748 = arith.constant 16 : i32
        %mul3A_749 = arith.muli %scan3A_87, %mul3A_748 : i32
        %add3A_750 = arith.constant 9 : i32
        %add3A_751 = arith.addi %mul3A_749, %add3A_750 : i32
        %get3A_752 = arith.index_cast %add3A_751 : i32 to index
        %get3A_753 = arith.constant 64 : index
        %get3A_754 = tpu.vector_load %arg6[%get3A_752, %get3A_753] {strides = array<i32>} : memref<512x128xf32, #tpu.memory_space<vmem>>, vector<1x16xf32>,
        %get3A_755 = vector.shape_cast %get3A_754 : vector<1x16xf32> to vector<16xf32>
        %max3A_756 = arith.maximumf %max3A_747, %get3A_755 : vector<16xf32>
        %mul3A_757 = arith.constant 16 : i32
        %mul3A_758 = arith.muli %scan3A_87, %mul3A_757 : i32
        %add3A_759 = arith.constant 10 : i32
        %add3A_760 = arith.addi %mul3A_758, %add3A_759 : i32
        %get3A_761 = arith.index_cast %add3A_760 : i32 to index
        %get3A_762 = arith.constant 64 : index
        %get3A_763 = tpu.vector_load %arg6[%get3A_761, %get3A_762] {strides = array<i32>} : memref<512x128xf32, #tpu.memory_space<vmem>>, vector<1x16xf32>,
        %get3A_764 = vector.shape_cast %get3A_763 : vector<1x16xf32> to vector<16xf32>
        %max3A_765 = arith.maximumf %max3A_756, %get3A_764 : vector<16xf32>
        %mul3A_766 = arith.constant 16 : i32
        %mul3A_767 = arith.muli %scan3A_87, %mul3A_766 : i32
        %add3A_768 = arith.constant 11 : i32
        %add3A_769 = arith.addi %mul3A_767, %add3A_768 : i32
        %get3A_770 = arith.index_cast %add3A_769 : i32 to index
        %get3A_771 = arith.constant 64 : index
        %get3A_772 = tpu.vector_load %arg6[%get3A_770, %get3A_771] {strides = array<i32>} : memref<512x128xf32, #tpu.memory_space<vmem>>, vector<1x16xf32>,
        %get3A_773 = vector.shape_cast %get3A_772 : vector<1x16xf32> to vector<16xf32>
        %max3A_774 = arith.maximumf %max3A_765, %get3A_773 : vector<16xf32>
        %mul3A_775 = arith.constant 16 : i32
        %mul3A_776 = arith.muli %scan3A_87, %mul3A_775 : i32
        %add3A_777 = arith.constant 12 : i32
        %add3A_778 = arith.addi %mul3A_776, %add3A_777 : i32
        %get3A_779 = arith.index_cast %add3A_778 : i32 to index
        %get3A_780 = arith.constant 64 : index
        %get3A_781 = tpu.vector_load %arg6[%get3A_779, %get3A_780] {strides = array<i32>} : memref<512x128xf32, #tpu.memory_space<vmem>>, vector<1x16xf32>,
        %get3A_782 = vector.shape_cast %get3A_781 : vector<1x16xf32> to vector<16xf32>
        %max3A_783 = arith.maximumf %max3A_774, %get3A_782 : vector<16xf32>
        %mul3A_784 = arith.constant 16 : i32
        %mul3A_785 = arith.muli %scan3A_87, %mul3A_784 : i32
        %add3A_786 = arith.constant 13 : i32
        %add3A_787 = arith.addi %mul3A_785, %add3A_786 : i32
        %get3A_788 = arith.index_cast %add3A_787 : i32 to index
        %get3A_789 = arith.constant 64 : index
        %get3A_790 = tpu.vector_load %arg6[%get3A_788, %get3A_789] {strides = array<i32>} : memref<512x128xf32, #tpu.memory_space<vmem>>, vector<1x16xf32>,
        %get3A_791 = vector.shape_cast %get3A_790 : vector<1x16xf32> to vector<16xf32>
        %max3A_792 = arith.maximumf %max3A_783, %get3A_791 : vector<16xf32>
        %mul3A_793 = arith.constant 16 : i32
        %mul3A_794 = arith.muli %scan3A_87, %mul3A_793 : i32
        %add3A_795 = arith.constant 14 : i32
        %add3A_796 = arith.addi %mul3A_794, %add3A_795 : i32
        %get3A_797 = arith.index_cast %add3A_796 : i32 to index
        %get3A_798 = arith.constant 64 : index
        %get3A_799 = tpu.vector_load %arg6[%get3A_797, %get3A_798] {strides = array<i32>} : memref<512x128xf32, #tpu.memory_space<vmem>>, vector<1x16xf32>,
        %get3A_800 = vector.shape_cast %get3A_799 : vector<1x16xf32> to vector<16xf32>
        %max3A_801 = arith.maximumf %max3A_792, %get3A_800 : vector<16xf32>
        %mul3A_802 = arith.constant 16 : i32
        %mul3A_803 = arith.muli %scan3A_87, %mul3A_802 : i32
        %add3A_804 = arith.constant 15 : i32
        %add3A_805 = arith.addi %mul3A_803, %add3A_804 : i32
        %get3A_806 = arith.index_cast %add3A_805 : i32 to index
        %get3A_807 = arith.constant 64 : index
        %get3A_808 = tpu.vector_load %arg6[%get3A_806, %get3A_807] {strides = array<i32>} : memref<512x128xf32, #tpu.memory_space<vmem>>, vector<1x16xf32>,
        %get3A_809 = vector.shape_cast %get3A_808 : vector<1x16xf32> to vector<16xf32>
        %max3A_810 = arith.maximumf %max3A_801, %get3A_809 : vector<16xf32>
        %swap3A_811 = arith.index_cast %scan3A_87 : i32 to index
        %swap3A_812 = arith.constant 64 : index
        %swap3A_813 = tpu.vector_load %arg7[%swap3A_811, %swap3A_812] {strides = array<i32>} : memref<32x128xf32, #tpu.memory_space<vmem>>, vector<1x16xf32>,
        %swap3A_814 = vector.shape_cast %swap3A_813 : vector<1x16xf32> to vector<16xf32>
        %swap3A_815 = vector.shape_cast %max3A_810 : vector<16xf32> to vector<1x16xf32>
        tpu.vector_store %arg7[%swap3A_811, %swap3A_812], %swap3A_815 {strides = array<i32>} : memref<32x128xf32, #tpu.memory_space<vmem>>, vector<1x16xf32>,
        %mul3A_816 = arith.constant 16 : i32
        %mul3A_817 = arith.muli %scan3A_87, %mul3A_816 : i32
        %get3A_818 = arith.index_cast %mul3A_817 : i32 to index
        %get3A_819 = arith.constant 80 : index
        %get3A_820 = tpu.vector_load %arg6[%get3A_818, %get3A_819] {strides = array<i32>} : memref<512x128xf32, #tpu.memory_space<vmem>>, vector<1x16xf32>,
        %get3A_821 = vector.shape_cast %get3A_820 : vector<1x16xf32> to vector<16xf32>
        %mul3A_822 = arith.constant 16 : i32
        %mul3A_823 = arith.muli %scan3A_87, %mul3A_822 : i32
        %add3A_824 = arith.constant 1 : i32
        %add3A_825 = arith.addi %mul3A_823, %add3A_824 : i32
        %get3A_826 = arith.index_cast %add3A_825 : i32 to index
        %get3A_827 = arith.constant 80 : index
        %get3A_828 = tpu.vector_load %arg6[%get3A_826, %get3A_827] {strides = array<i32>} : memref<512x128xf32, #tpu.memory_space<vmem>>, vector<1x16xf32>,
        %get3A_829 = vector.shape_cast %get3A_828 : vector<1x16xf32> to vector<16xf32>
        %max3A_830 = arith.maximumf %get3A_821, %get3A_829 : vector<16xf32>
        %mul3A_831 = arith.constant 16 : i32
        %mul3A_832 = arith.muli %scan3A_87, %mul3A_831 : i32
        %add3A_833 = arith.constant 2 : i32
        %add3A_834 = arith.addi %mul3A_832, %add3A_833 : i32
        %get3A_835 = arith.index_cast %add3A_834 : i32 to index
        %get3A_836 = arith.constant 80 : index
        %get3A_837 = tpu.vector_load %arg6[%get3A_835, %get3A_836] {strides = array<i32>} : memref<512x128xf32, #tpu.memory_space<vmem>>, vector<1x16xf32>,
        %get3A_838 = vector.shape_cast %get3A_837 : vector<1x16xf32> to vector<16xf32>
        %max3A_839 = arith.maximumf %max3A_830, %get3A_838 : vector<16xf32>
        %mul3A_840 = arith.constant 16 : i32
        %mul3A_841 = arith.muli %scan3A_87, %mul3A_840 : i32
        %add3A_842 = arith.constant 3 : i32
        %add3A_843 = arith.addi %mul3A_841, %add3A_842 : i32
        %get3A_844 = arith.index_cast %add3A_843 : i32 to index
        %get3A_845 = arith.constant 80 : index
        %get3A_846 = tpu.vector_load %arg6[%get3A_844, %get3A_845] {strides = array<i32>} : memref<512x128xf32, #tpu.memory_space<vmem>>, vector<1x16xf32>,
        %get3A_847 = vector.shape_cast %get3A_846 : vector<1x16xf32> to vector<16xf32>
        %max3A_848 = arith.maximumf %max3A_839, %get3A_847 : vector<16xf32>
        %mul3A_849 = arith.constant 16 : i32
        %mul3A_850 = arith.muli %scan3A_87, %mul3A_849 : i32
        %add3A_851 = arith.constant 4 : i32
        %add3A_852 = arith.addi %mul3A_850, %add3A_851 : i32
        %get3A_853 = arith.index_cast %add3A_852 : i32 to index
        %get3A_854 = arith.constant 80 : index
        %get3A_855 = tpu.vector_load %arg6[%get3A_853, %get3A_854] {strides = array<i32>} : memref<512x128xf32, #tpu.memory_space<vmem>>, vector<1x16xf32>,
        %get3A_856 = vector.shape_cast %get3A_855 : vector<1x16xf32> to vector<16xf32>
        %max3A_857 = arith.maximumf %max3A_848, %get3A_856 : vector<16xf32>
        %mul3A_858 = arith.constant 16 : i32
        %mul3A_859 = arith.muli %scan3A_87, %mul3A_858 : i32
        %add3A_860 = arith.constant 5 : i32
        %add3A_861 = arith.addi %mul3A_859, %add3A_860 : i32
        %get3A_862 = arith.index_cast %add3A_861 : i32 to index
        %get3A_863 = arith.constant 80 : index
        %get3A_864 = tpu.vector_load %arg6[%get3A_862, %get3A_863] {strides = array<i32>} : memref<512x128xf32, #tpu.memory_space<vmem>>, vector<1x16xf32>,
        %get3A_865 = vector.shape_cast %get3A_864 : vector<1x16xf32> to vector<16xf32>
        %max3A_866 = arith.maximumf %max3A_857, %get3A_865 : vector<16xf32>
        %mul3A_867 = arith.constant 16 : i32
        %mul3A_868 = arith.muli %scan3A_87, %mul3A_867 : i32
        %add3A_869 = arith.constant 6 : i32
        %add3A_870 = arith.addi %mul3A_868, %add3A_869 : i32
        %get3A_871 = arith.index_cast %add3A_870 : i32 to index
        %get3A_872 = arith.constant 80 : index
        %get3A_873 = tpu.vector_load %arg6[%get3A_871, %get3A_872] {strides = array<i32>} : memref<512x128xf32, #tpu.memory_space<vmem>>, vector<1x16xf32>,
        %get3A_874 = vector.shape_cast %get3A_873 : vector<1x16xf32> to vector<16xf32>
        %max3A_875 = arith.maximumf %max3A_866, %get3A_874 : vector<16xf32>
        %mul3A_876 = arith.constant 16 : i32
        %mul3A_877 = arith.muli %scan3A_87, %mul3A_876 : i32
        %add3A_878 = arith.constant 7 : i32
        %add3A_879 = arith.addi %mul3A_877, %add3A_878 : i32
        %get3A_880 = arith.index_cast %add3A_879 : i32 to index
        %get3A_881 = arith.constant 80 : index
        %get3A_882 = tpu.vector_load %arg6[%get3A_880, %get3A_881] {strides = array<i32>} : memref<512x128xf32, #tpu.memory_space<vmem>>, vector<1x16xf32>,
        %get3A_883 = vector.shape_cast %get3A_882 : vector<1x16xf32> to vector<16xf32>
        %max3A_884 = arith.maximumf %max3A_875, %get3A_883 : vector<16xf32>
        %mul3A_885 = arith.constant 16 : i32
        %mul3A_886 = arith.muli %scan3A_87, %mul3A_885 : i32
        %add3A_887 = arith.constant 8 : i32
        %add3A_888 = arith.addi %mul3A_886, %add3A_887 : i32
        %get3A_889 = arith.index_cast %add3A_888 : i32 to index
        %get3A_890 = arith.constant 80 : index
        %get3A_891 = tpu.vector_load %arg6[%get3A_889, %get3A_890] {strides = array<i32>} : memref<512x128xf32, #tpu.memory_space<vmem>>, vector<1x16xf32>,
        %get3A_892 = vector.shape_cast %get3A_891 : vector<1x16xf32> to vector<16xf32>
        %max3A_893 = arith.maximumf %max3A_884, %get3A_892 : vector<16xf32>
        %mul3A_894 = arith.constant 16 : i32
        %mul3A_895 = arith.muli %scan3A_87, %mul3A_894 : i32
        %add3A_896 = arith.constant 9 : i32
        %add3A_897 = arith.addi %mul3A_895, %add3A_896 : i32
        %get3A_898 = arith.index_cast %add3A_897 : i32 to index
        %get3A_899 = arith.constant 80 : index
        %get3A_900 = tpu.vector_load %arg6[%get3A_898, %get3A_899] {strides = array<i32>} : memref<512x128xf32, #tpu.memory_space<vmem>>, vector<1x16xf32>,
        %get3A_901 = vector.shape_cast %get3A_900 : vector<1x16xf32> to vector<16xf32>
        %max3A_902 = arith.maximumf %max3A_893, %get3A_901 : vector<16xf32>
        %mul3A_903 = arith.constant 16 : i32
        %mul3A_904 = arith.muli %scan3A_87, %mul3A_903 : i32
        %add3A_905 = arith.constant 10 : i32
        %add3A_906 = arith.addi %mul3A_904, %add3A_905 : i32
        %get3A_907 = arith.index_cast %add3A_906 : i32 to index
        %get3A_908 = arith.constant 80 : index
        %get3A_909 = tpu.vector_load %arg6[%get3A_907, %get3A_908] {strides = array<i32>} : memref<512x128xf32, #tpu.memory_space<vmem>>, vector<1x16xf32>,
        %get3A_910 = vector.shape_cast %get3A_909 : vector<1x16xf32> to vector<16xf32>
        %max3A_911 = arith.maximumf %max3A_902, %get3A_910 : vector<16xf32>
        %mul3A_912 = arith.constant 16 : i32
        %mul3A_913 = arith.muli %scan3A_87, %mul3A_912 : i32
        %add3A_914 = arith.constant 11 : i32
        %add3A_915 = arith.addi %mul3A_913, %add3A_914 : i32
        %get3A_916 = arith.index_cast %add3A_915 : i32 to index
        %get3A_917 = arith.constant 80 : index
        %get3A_918 = tpu.vector_load %arg6[%get3A_916, %get3A_917] {strides = array<i32>} : memref<512x128xf32, #tpu.memory_space<vmem>>, vector<1x16xf32>,
        %get3A_919 = vector.shape_cast %get3A_918 : vector<1x16xf32> to vector<16xf32>
        %max3A_920 = arith.maximumf %max3A_911, %get3A_919 : vector<16xf32>
        %mul3A_921 = arith.constant 16 : i32
        %mul3A_922 = arith.muli %scan3A_87, %mul3A_921 : i32
        %add3A_923 = arith.constant 12 : i32
        %add3A_924 = arith.addi %mul3A_922, %add3A_923 : i32
        %get3A_925 = arith.index_cast %add3A_924 : i32 to index
        %get3A_926 = arith.constant 80 : index
        %get3A_927 = tpu.vector_load %arg6[%get3A_925, %get3A_926] {strides = array<i32>} : memref<512x128xf32, #tpu.memory_space<vmem>>, vector<1x16xf32>,
        %get3A_928 = vector.shape_cast %get3A_927 : vector<1x16xf32> to vector<16xf32>
        %max3A_929 = arith.maximumf %max3A_920, %get3A_928 : vector<16xf32>
        %mul3A_930 = arith.constant 16 : i32
        %mul3A_931 = arith.muli %scan3A_87, %mul3A_930 : i32
        %add3A_932 = arith.constant 13 : i32
        %add3A_933 = arith.addi %mul3A_931, %add3A_932 : i32
        %get3A_934 = arith.index_cast %add3A_933 : i32 to index
        %get3A_935 = arith.constant 80 : index
        %get3A_936 = tpu.vector_load %arg6[%get3A_934, %get3A_935] {strides = array<i32>} : memref<512x128xf32, #tpu.memory_space<vmem>>, vector<1x16xf32>,
        %get3A_937 = vector.shape_cast %get3A_936 : vector<1x16xf32> to vector<16xf32>
        %max3A_938 = arith.maximumf %max3A_929, %get3A_937 : vector<16xf32>
        %mul3A_939 = arith.constant 16 : i32
        %mul3A_940 = arith.muli %scan3A_87, %mul3A_939 : i32
        %add3A_941 = arith.constant 14 : i32
        %add3A_942 = arith.addi %mul3A_940, %add3A_941 : i32
        %get3A_943 = arith.index_cast %add3A_942 : i32 to index
        %get3A_944 = arith.constant 80 : index
        %get3A_945 = tpu.vector_load %arg6[%get3A_943, %get3A_944] {strides = array<i32>} : memref<512x128xf32, #tpu.memory_space<vmem>>, vector<1x16xf32>,
        %get3A_946 = vector.shape_cast %get3A_945 : vector<1x16xf32> to vector<16xf32>
        %max3A_947 = arith.maximumf %max3A_938, %get3A_946 : vector<16xf32>
        %mul3A_948 = arith.constant 16 : i32
        %mul3A_949 = arith.muli %scan3A_87, %mul3A_948 : i32
        %add3A_950 = arith.constant 15 : i32
        %add3A_951 = arith.addi %mul3A_949, %add3A_950 : i32
        %get3A_952 = arith.index_cast %add3A_951 : i32 to index
        %get3A_953 = arith.constant 80 : index
        %get3A_954 = tpu.vector_load %arg6[%get3A_952, %get3A_953] {strides = array<i32>} : memref<512x128xf32, #tpu.memory_space<vmem>>, vector<1x16xf32>,
        %get3A_955 = vector.shape_cast %get3A_954 : vector<1x16xf32> to vector<16xf32>
        %max3A_956 = arith.maximumf %max3A_947, %get3A_955 : vector<16xf32>
        %swap3A_957 = arith.index_cast %scan3A_87 : i32 to index
        %swap3A_958 = arith.constant 80 : index
        %swap3A_959 = tpu.vector_load %arg7[%swap3A_957, %swap3A_958] {strides = array<i32>} : memref<32x128xf32, #tpu.memory_space<vmem>>, vector<1x16xf32>,
        %swap3A_960 = vector.shape_cast %swap3A_959 : vector<1x16xf32> to vector<16xf32>
        %swap3A_961 = vector.shape_cast %max3A_956 : vector<16xf32> to vector<1x16xf32>
        tpu.vector_store %arg7[%swap3A_957, %swap3A_958], %swap3A_961 {strides = array<i32>} : memref<32x128xf32, #tpu.memory_space<vmem>>, vector<1x16xf32>,
        %mul3A_962 = arith.constant 16 : i32
        %mul3A_963 = arith.muli %scan3A_87, %mul3A_962 : i32
        %get3A_964 = arith.index_cast %mul3A_963 : i32 to index
        %get3A_965 = arith.constant 96 : index
        %get3A_966 = tpu.vector_load %arg6[%get3A_964, %get3A_965] {strides = array<i32>} : memref<512x128xf32, #tpu.memory_space<vmem>>, vector<1x16xf32>,
        %get3A_967 = vector.shape_cast %get3A_966 : vector<1x16xf32> to vector<16xf32>
        %mul3A_968 = arith.constant 16 : i32
        %mul3A_969 = arith.muli %scan3A_87, %mul3A_968 : i32
        %add3A_970 = arith.constant 1 : i32
        %add3A_971 = arith.addi %mul3A_969, %add3A_970 : i32
        %get3A_972 = arith.index_cast %add3A_971 : i32 to index
        %get3A_973 = arith.constant 96 : index
        %get3A_974 = tpu.vector_load %arg6[%get3A_972, %get3A_973] {strides = array<i32>} : memref<512x128xf32, #tpu.memory_space<vmem>>, vector<1x16xf32>,
        %get3A_975 = vector.shape_cast %get3A_974 : vector<1x16xf32> to vector<16xf32>
        %max3A_976 = arith.maximumf %get3A_967, %get3A_975 : vector<16xf32>
        %mul3A_977 = arith.constant 16 : i32
        %mul3A_978 = arith.muli %scan3A_87, %mul3A_977 : i32
        %add3A_979 = arith.constant 2 : i32
        %add3A_980 = arith.addi %mul3A_978, %add3A_979 : i32
        %get3A_981 = arith.index_cast %add3A_980 : i32 to index
        %get3A_982 = arith.constant 96 : index
        %get3A_983 = tpu.vector_load %arg6[%get3A_981, %get3A_982] {strides = array<i32>} : memref<512x128xf32, #tpu.memory_space<vmem>>, vector<1x16xf32>,
        %get3A_984 = vector.shape_cast %get3A_983 : vector<1x16xf32> to vector<16xf32>
        %max3A_985 = arith.maximumf %max3A_976, %get3A_984 : vector<16xf32>
        %mul3A_986 = arith.constant 16 : i32
        %mul3A_987 = arith.muli %scan3A_87, %mul3A_986 : i32
        %add3A_988 = arith.constant 3 : i32
        %add3A_989 = arith.addi %mul3A_987, %add3A_988 : i32
        %get3A_990 = arith.index_cast %add3A_989 : i32 to index
        %get3A_991 = arith.constant 96 : index
        %get3A_992 = tpu.vector_load %arg6[%get3A_990, %get3A_991] {strides = array<i32>} : memref<512x128xf32, #tpu.memory_space<vmem>>, vector<1x16xf32>,
        %get3A_993 = vector.shape_cast %get3A_992 : vector<1x16xf32> to vector<16xf32>
        %max3A_994 = arith.maximumf %max3A_985, %get3A_993 : vector<16xf32>
        %mul3A_995 = arith.constant 16 : i32
        %mul3A_996 = arith.muli %scan3A_87, %mul3A_995 : i32
        %add3A_997 = arith.constant 4 : i32
        %add3A_998 = arith.addi %mul3A_996, %add3A_997 : i32
        %get3A_999 = arith.index_cast %add3A_998 : i32 to index
        %get3A_1000 = arith.constant 96 : index
        %get3A_1001 = tpu.vector_load %arg6[%get3A_999, %get3A_1000] {strides = array<i32>} : memref<512x128xf32, #tpu.memory_space<vmem>>, vector<1x16xf32>,
        %get3A_1002 = vector.shape_cast %get3A_1001 : vector<1x16xf32> to vector<16xf32>
        %max3A_1003 = arith.maximumf %max3A_994, %get3A_1002 : vector<16xf32>
        %mul3A_1004 = arith.constant 16 : i32
        %mul3A_1005 = arith.muli %scan3A_87, %mul3A_1004 : i32
        %add3A_1006 = arith.constant 5 : i32
        %add3A_1007 = arith.addi %mul3A_1005, %add3A_1006 : i32
        %get3A_1008 = arith.index_cast %add3A_1007 : i32 to index
        %get3A_1009 = arith.constant 96 : index
        %get3A_1010 = tpu.vector_load %arg6[%get3A_1008, %get3A_1009] {strides = array<i32>} : memref<512x128xf32, #tpu.memory_space<vmem>>, vector<1x16xf32>,
        %get3A_1011 = vector.shape_cast %get3A_1010 : vector<1x16xf32> to vector<16xf32>
        %max3A_1012 = arith.maximumf %max3A_1003, %get3A_1011 : vector<16xf32>
        %mul3A_1013 = arith.constant 16 : i32
        %mul3A_1014 = arith.muli %scan3A_87, %mul3A_1013 : i32
        %add3A_1015 = arith.constant 6 : i32
        %add3A_1016 = arith.addi %mul3A_1014, %add3A_1015 : i32
        %get3A_1017 = arith.index_cast %add3A_1016 : i32 to index
        %get3A_1018 = arith.constant 96 : index
        %get3A_1019 = tpu.vector_load %arg6[%get3A_1017, %get3A_1018] {strides = array<i32>} : memref<512x128xf32, #tpu.memory_space<vmem>>, vector<1x16xf32>,
        %get3A_1020 = vector.shape_cast %get3A_1019 : vector<1x16xf32> to vector<16xf32>
        %max3A_1021 = arith.maximumf %max3A_1012, %get3A_1020 : vector<16xf32>
        %mul3A_1022 = arith.constant 16 : i32
        %mul3A_1023 = arith.muli %scan3A_87, %mul3A_1022 : i32
        %add3A_1024 = arith.constant 7 : i32
        %add3A_1025 = arith.addi %mul3A_1023, %add3A_1024 : i32
        %get3A_1026 = arith.index_cast %add3A_1025 : i32 to index
        %get3A_1027 = arith.constant 96 : index
        %get3A_1028 = tpu.vector_load %arg6[%get3A_1026, %get3A_1027] {strides = array<i32>} : memref<512x128xf32, #tpu.memory_space<vmem>>, vector<1x16xf32>,
        %get3A_1029 = vector.shape_cast %get3A_1028 : vector<1x16xf32> to vector<16xf32>
        %max3A_1030 = arith.maximumf %max3A_1021, %get3A_1029 : vector<16xf32>
        %mul3A_1031 = arith.constant 16 : i32
        %mul3A_1032 = arith.muli %scan3A_87, %mul3A_1031 : i32
        %add3A_1033 = arith.constant 8 : i32
        %add3A_1034 = arith.addi %mul3A_1032, %add3A_1033 : i32
        %get3A_1035 = arith.index_cast %add3A_1034 : i32 to index
        %get3A_1036 = arith.constant 96 : index
        %get3A_1037 = tpu.vector_load %arg6[%get3A_1035, %get3A_1036] {strides = array<i32>} : memref<512x128xf32, #tpu.memory_space<vmem>>, vector<1x16xf32>,
        %get3A_1038 = vector.shape_cast %get3A_1037 : vector<1x16xf32> to vector<16xf32>
        %max3A_1039 = arith.maximumf %max3A_1030, %get3A_1038 : vector<16xf32>
        %mul3A_1040 = arith.constant 16 : i32
        %mul3A_1041 = arith.muli %scan3A_87, %mul3A_1040 : i32
        %add3A_1042 = arith.constant 9 : i32
        %add3A_1043 = arith.addi %mul3A_1041, %add3A_1042 : i32
        %get3A_1044 = arith.index_cast %add3A_1043 : i32 to index
        %get3A_1045 = arith.constant 96 : index
        %get3A_1046 = tpu.vector_load %arg6[%get3A_1044, %get3A_1045] {strides = array<i32>} : memref<512x128xf32, #tpu.memory_space<vmem>>, vector<1x16xf32>,
        %get3A_1047 = vector.shape_cast %get3A_1046 : vector<1x16xf32> to vector<16xf32>
        %max3A_1048 = arith.maximumf %max3A_1039, %get3A_1047 : vector<16xf32>
        %mul3A_1049 = arith.constant 16 : i32
        %mul3A_1050 = arith.muli %scan3A_87, %mul3A_1049 : i32
        %add3A_1051 = arith.constant 10 : i32
        %add3A_1052 = arith.addi %mul3A_1050, %add3A_1051 : i32
        %get3A_1053 = arith.index_cast %add3A_1052 : i32 to index
        %get3A_1054 = arith.constant 96 : index
        %get3A_1055 = tpu.vector_load %arg6[%get3A_1053, %get3A_1054] {strides = array<i32>} : memref<512x128xf32, #tpu.memory_space<vmem>>, vector<1x16xf32>,
        %get3A_1056 = vector.shape_cast %get3A_1055 : vector<1x16xf32> to vector<16xf32>
        %max3A_1057 = arith.maximumf %max3A_1048, %get3A_1056 : vector<16xf32>
        %mul3A_1058 = arith.constant 16 : i32
        %mul3A_1059 = arith.muli %scan3A_87, %mul3A_1058 : i32
        %add3A_1060 = arith.constant 11 : i32
        %add3A_1061 = arith.addi %mul3A_1059, %add3A_1060 : i32
        %get3A_1062 = arith.index_cast %add3A_1061 : i32 to index
        %get3A_1063 = arith.constant 96 : index
        %get3A_1064 = tpu.vector_load %arg6[%get3A_1062, %get3A_1063] {strides = array<i32>} : memref<512x128xf32, #tpu.memory_space<vmem>>, vector<1x16xf32>,
        %get3A_1065 = vector.shape_cast %get3A_1064 : vector<1x16xf32> to vector<16xf32>
        %max3A_1066 = arith.maximumf %max3A_1057, %get3A_1065 : vector<16xf32>
        %mul3A_1067 = arith.constant 16 : i32
        %mul3A_1068 = arith.muli %scan3A_87, %mul3A_1067 : i32
        %add3A_1069 = arith.constant 12 : i32
        %add3A_1070 = arith.addi %mul3A_1068, %add3A_1069 : i32
        %get3A_1071 = arith.index_cast %add3A_1070 : i32 to index
        %get3A_1072 = arith.constant 96 : index
        %get3A_1073 = tpu.vector_load %arg6[%get3A_1071, %get3A_1072] {strides = array<i32>} : memref<512x128xf32, #tpu.memory_space<vmem>>, vector<1x16xf32>,
        %get3A_1074 = vector.shape_cast %get3A_1073 : vector<1x16xf32> to vector<16xf32>
        %max3A_1075 = arith.maximumf %max3A_1066, %get3A_1074 : vector<16xf32>
        %mul3A_1076 = arith.constant 16 : i32
        %mul3A_1077 = arith.muli %scan3A_87, %mul3A_1076 : i32
        %add3A_1078 = arith.constant 13 : i32
        %add3A_1079 = arith.addi %mul3A_1077, %add3A_1078 : i32
        %get3A_1080 = arith.index_cast %add3A_1079 : i32 to index
        %get3A_1081 = arith.constant 96 : index
        %get3A_1082 = tpu.vector_load %arg6[%get3A_1080, %get3A_1081] {strides = array<i32>} : memref<512x128xf32, #tpu.memory_space<vmem>>, vector<1x16xf32>,
        %get3A_1083 = vector.shape_cast %get3A_1082 : vector<1x16xf32> to vector<16xf32>
        %max3A_1084 = arith.maximumf %max3A_1075, %get3A_1083 : vector<16xf32>
        %mul3A_1085 = arith.constant 16 : i32
        %mul3A_1086 = arith.muli %scan3A_87, %mul3A_1085 : i32
        %add3A_1087 = arith.constant 14 : i32
        %add3A_1088 = arith.addi %mul3A_1086, %add3A_1087 : i32
        %get3A_1089 = arith.index_cast %add3A_1088 : i32 to index
        %get3A_1090 = arith.constant 96 : index
        %get3A_1091 = tpu.vector_load %arg6[%get3A_1089, %get3A_1090] {strides = array<i32>} : memref<512x128xf32, #tpu.memory_space<vmem>>, vector<1x16xf32>,
        %get3A_1092 = vector.shape_cast %get3A_1091 : vector<1x16xf32> to vector<16xf32>
        %max3A_1093 = arith.maximumf %max3A_1084, %get3A_1092 : vector<16xf32>
        %mul3A_1094 = arith.constant 16 : i32
        %mul3A_1095 = arith.muli %scan3A_87, %mul3A_1094 : i32
        %add3A_1096 = arith.constant 15 : i32
        %add3A_1097 = arith.addi %mul3A_1095, %add3A_1096 : i32
        %get3A_1098 = arith.index_cast %add3A_1097 : i32 to index
        %get3A_1099 = arith.constant 96 : index
        %get3A_1100 = tpu.vector_load %arg6[%get3A_1098, %get3A_1099] {strides = array<i32>} : memref<512x128xf32, #tpu.memory_space<vmem>>, vector<1x16xf32>,
        %get3A_1101 = vector.shape_cast %get3A_1100 : vector<1x16xf32> to vector<16xf32>
        %max3A_1102 = arith.maximumf %max3A_1093, %get3A_1101 : vector<16xf32>
        %swap3A_1103 = arith.index_cast %scan3A_87 : i32 to index
        %swap3A_1104 = arith.constant 96 : index
        %swap3A_1105 = tpu.vector_load %arg7[%swap3A_1103, %swap3A_1104] {strides = array<i32>} : memref<32x128xf32, #tpu.memory_space<vmem>>, vector<1x16xf32>,
        %swap3A_1106 = vector.shape_cast %swap3A_1105 : vector<1x16xf32> to vector<16xf32>
        %swap3A_1107 = vector.shape_cast %max3A_1102 : vector<16xf32> to vector<1x16xf32>
        tpu.vector_store %arg7[%swap3A_1103, %swap3A_1104], %swap3A_1107 {strides = array<i32>} : memref<32x128xf32, #tpu.memory_space<vmem>>, vector<1x16xf32>,
        %mul3A_1108 = arith.constant 16 : i32
        %mul3A_1109 = arith.muli %scan3A_87, %mul3A_1108 : i32
        %get3A_1110 = arith.index_cast %mul3A_1109 : i32 to index
        %get3A_1111 = arith.constant 112 : index
        %get3A_1112 = tpu.vector_load %arg6[%get3A_1110, %get3A_1111] {strides = array<i32>} : memref<512x128xf32, #tpu.memory_space<vmem>>, vector<1x16xf32>,
        %get3A_1113 = vector.shape_cast %get3A_1112 : vector<1x16xf32> to vector<16xf32>
        %mul3A_1114 = arith.constant 16 : i32
        %mul3A_1115 = arith.muli %scan3A_87, %mul3A_1114 : i32
        %add3A_1116 = arith.constant 1 : i32
        %add3A_1117 = arith.addi %mul3A_1115, %add3A_1116 : i32
        %get3A_1118 = arith.index_cast %add3A_1117 : i32 to index
        %get3A_1119 = arith.constant 112 : index
        %get3A_1120 = tpu.vector_load %arg6[%get3A_1118, %get3A_1119] {strides = array<i32>} : memref<512x128xf32, #tpu.memory_space<vmem>>, vector<1x16xf32>,
        %get3A_1121 = vector.shape_cast %get3A_1120 : vector<1x16xf32> to vector<16xf32>
        %max3A_1122 = arith.maximumf %get3A_1113, %get3A_1121 : vector<16xf32>
        %mul3A_1123 = arith.constant 16 : i32
        %mul3A_1124 = arith.muli %scan3A_87, %mul3A_1123 : i32
        %add3A_1125 = arith.constant 2 : i32
        %add3A_1126 = arith.addi %mul3A_1124, %add3A_1125 : i32
        %get3A_1127 = arith.index_cast %add3A_1126 : i32 to index
        %get3A_1128 = arith.constant 112 : index
        %get3A_1129 = tpu.vector_load %arg6[%get3A_1127, %get3A_1128] {strides = array<i32>} : memref<512x128xf32, #tpu.memory_space<vmem>>, vector<1x16xf32>,
        %get3A_1130 = vector.shape_cast %get3A_1129 : vector<1x16xf32> to vector<16xf32>
        %max3A_1131 = arith.maximumf %max3A_1122, %get3A_1130 : vector<16xf32>
        %mul3A_1132 = arith.constant 16 : i32
        %mul3A_1133 = arith.muli %scan3A_87, %mul3A_1132 : i32
        %add3A_1134 = arith.constant 3 : i32
        %add3A_1135 = arith.addi %mul3A_1133, %add3A_1134 : i32
        %get3A_1136 = arith.index_cast %add3A_1135 : i32 to index
        %get3A_1137 = arith.constant 112 : index
        %get3A_1138 = tpu.vector_load %arg6[%get3A_1136, %get3A_1137] {strides = array<i32>} : memref<512x128xf32, #tpu.memory_space<vmem>>, vector<1x16xf32>,
        %get3A_1139 = vector.shape_cast %get3A_1138 : vector<1x16xf32> to vector<16xf32>
        %max3A_1140 = arith.maximumf %max3A_1131, %get3A_1139 : vector<16xf32>
        %mul3A_1141 = arith.constant 16 : i32
        %mul3A_1142 = arith.muli %scan3A_87, %mul3A_1141 : i32
        %add3A_1143 = arith.constant 4 : i32
        %add3A_1144 = arith.addi %mul3A_1142, %add3A_1143 : i32
        %get3A_1145 = arith.index_cast %add3A_1144 : i32 to index
        %get3A_1146 = arith.constant 112 : index
        %get3A_1147 = tpu.vector_load %arg6[%get3A_1145, %get3A_1146] {strides = array<i32>} : memref<512x128xf32, #tpu.memory_space<vmem>>, vector<1x16xf32>,
        %get3A_1148 = vector.shape_cast %get3A_1147 : vector<1x16xf32> to vector<16xf32>
        %max3A_1149 = arith.maximumf %max3A_1140, %get3A_1148 : vector<16xf32>
        %mul3A_1150 = arith.constant 16 : i32
        %mul3A_1151 = arith.muli %scan3A_87, %mul3A_1150 : i32
        %add3A_1152 = arith.constant 5 : i32
        %add3A_1153 = arith.addi %mul3A_1151, %add3A_1152 : i32
        %get3A_1154 = arith.index_cast %add3A_1153 : i32 to index
        %get3A_1155 = arith.constant 112 : index
        %get3A_1156 = tpu.vector_load %arg6[%get3A_1154, %get3A_1155] {strides = array<i32>} : memref<512x128xf32, #tpu.memory_space<vmem>>, vector<1x16xf32>,
        %get3A_1157 = vector.shape_cast %get3A_1156 : vector<1x16xf32> to vector<16xf32>
        %max3A_1158 = arith.maximumf %max3A_1149, %get3A_1157 : vector<16xf32>
        %mul3A_1159 = arith.constant 16 : i32
        %mul3A_1160 = arith.muli %scan3A_87, %mul3A_1159 : i32
        %add3A_1161 = arith.constant 6 : i32
        %add3A_1162 = arith.addi %mul3A_1160, %add3A_1161 : i32
        %get3A_1163 = arith.index_cast %add3A_1162 : i32 to index
        %get3A_1164 = arith.constant 112 : index
        %get3A_1165 = tpu.vector_load %arg6[%get3A_1163, %get3A_1164] {strides = array<i32>} : memref<512x128xf32, #tpu.memory_space<vmem>>, vector<1x16xf32>,
        %get3A_1166 = vector.shape_cast %get3A_1165 : vector<1x16xf32> to vector<16xf32>
        %max3A_1167 = arith.maximumf %max3A_1158, %get3A_1166 : vector<16xf32>
        %mul3A_1168 = arith.constant 16 : i32
        %mul3A_1169 = arith.muli %scan3A_87, %mul3A_1168 : i32
        %add3A_1170 = arith.constant 7 : i32
        %add3A_1171 = arith.addi %mul3A_1169, %add3A_1170 : i32
        %get3A_1172 = arith.index_cast %add3A_1171 : i32 to index
        %get3A_1173 = arith.constant 112 : index
        %get3A_1174 = tpu.vector_load %arg6[%get3A_1172, %get3A_1173] {strides = array<i32>} : memref<512x128xf32, #tpu.memory_space<vmem>>, vector<1x16xf32>,
        %get3A_1175 = vector.shape_cast %get3A_1174 : vector<1x16xf32> to vector<16xf32>
        %max3A_1176 = arith.maximumf %max3A_1167, %get3A_1175 : vector<16xf32>
        %mul3A_1177 = arith.constant 16 : i32
        %mul3A_1178 = arith.muli %scan3A_87, %mul3A_1177 : i32
        %add3A_1179 = arith.constant 8 : i32
        %add3A_1180 = arith.addi %mul3A_1178, %add3A_1179 : i32
        %get3A_1181 = arith.index_cast %add3A_1180 : i32 to index
        %get3A_1182 = arith.constant 112 : index
        %get3A_1183 = tpu.vector_load %arg6[%get3A_1181, %get3A_1182] {strides = array<i32>} : memref<512x128xf32, #tpu.memory_space<vmem>>, vector<1x16xf32>,
        %get3A_1184 = vector.shape_cast %get3A_1183 : vector<1x16xf32> to vector<16xf32>
        %max3A_1185 = arith.maximumf %max3A_1176, %get3A_1184 : vector<16xf32>
        %mul3A_1186 = arith.constant 16 : i32
        %mul3A_1187 = arith.muli %scan3A_87, %mul3A_1186 : i32
        %add3A_1188 = arith.constant 9 : i32
        %add3A_1189 = arith.addi %mul3A_1187, %add3A_1188 : i32
        %get3A_1190 = arith.index_cast %add3A_1189 : i32 to index
        %get3A_1191 = arith.constant 112 : index
        %get3A_1192 = tpu.vector_load %arg6[%get3A_1190, %get3A_1191] {strides = array<i32>} : memref<512x128xf32, #tpu.memory_space<vmem>>, vector<1x16xf32>,
        %get3A_1193 = vector.shape_cast %get3A_1192 : vector<1x16xf32> to vector<16xf32>
        %max3A_1194 = arith.maximumf %max3A_1185, %get3A_1193 : vector<16xf32>
        %mul3A_1195 = arith.constant 16 : i32
        %mul3A_1196 = arith.muli %scan3A_87, %mul3A_1195 : i32
        %add3A_1197 = arith.constant 10 : i32
        %add3A_1198 = arith.addi %mul3A_1196, %add3A_1197 : i32
        %get3A_1199 = arith.index_cast %add3A_1198 : i32 to index
        %get3A_1200 = arith.constant 112 : index
        %get3A_1201 = tpu.vector_load %arg6[%get3A_1199, %get3A_1200] {strides = array<i32>} : memref<512x128xf32, #tpu.memory_space<vmem>>, vector<1x16xf32>,
        %get3A_1202 = vector.shape_cast %get3A_1201 : vector<1x16xf32> to vector<16xf32>
        %max3A_1203 = arith.maximumf %max3A_1194, %get3A_1202 : vector<16xf32>
        %mul3A_1204 = arith.constant 16 : i32
        %mul3A_1205 = arith.muli %scan3A_87, %mul3A_1204 : i32
        %add3A_1206 = arith.constant 11 : i32
        %add3A_1207 = arith.addi %mul3A_1205, %add3A_1206 : i32
        %get3A_1208 = arith.index_cast %add3A_1207 : i32 to index
        %get3A_1209 = arith.constant 112 : index
        %get3A_1210 = tpu.vector_load %arg6[%get3A_1208, %get3A_1209] {strides = array<i32>} : memref<512x128xf32, #tpu.memory_space<vmem>>, vector<1x16xf32>,
        %get3A_1211 = vector.shape_cast %get3A_1210 : vector<1x16xf32> to vector<16xf32>
        %max3A_1212 = arith.maximumf %max3A_1203, %get3A_1211 : vector<16xf32>
        %mul3A_1213 = arith.constant 16 : i32
        %mul3A_1214 = arith.muli %scan3A_87, %mul3A_1213 : i32
        %add3A_1215 = arith.constant 12 : i32
        %add3A_1216 = arith.addi %mul3A_1214, %add3A_1215 : i32
        %get3A_1217 = arith.index_cast %add3A_1216 : i32 to index
        %get3A_1218 = arith.constant 112 : index
        %get3A_1219 = tpu.vector_load %arg6[%get3A_1217, %get3A_1218] {strides = array<i32>} : memref<512x128xf32, #tpu.memory_space<vmem>>, vector<1x16xf32>,
        %get3A_1220 = vector.shape_cast %get3A_1219 : vector<1x16xf32> to vector<16xf32>
        %max3A_1221 = arith.maximumf %max3A_1212, %get3A_1220 : vector<16xf32>
        %mul3A_1222 = arith.constant 16 : i32
        %mul3A_1223 = arith.muli %scan3A_87, %mul3A_1222 : i32
        %add3A_1224 = arith.constant 13 : i32
        %add3A_1225 = arith.addi %mul3A_1223, %add3A_1224 : i32
        %get3A_1226 = arith.index_cast %add3A_1225 : i32 to index
        %get3A_1227 = arith.constant 112 : index
        %get3A_1228 = tpu.vector_load %arg6[%get3A_1226, %get3A_1227] {strides = array<i32>} : memref<512x128xf32, #tpu.memory_space<vmem>>, vector<1x16xf32>,
        %get3A_1229 = vector.shape_cast %get3A_1228 : vector<1x16xf32> to vector<16xf32>
        %max3A_1230 = arith.maximumf %max3A_1221, %get3A_1229 : vector<16xf32>
        %mul3A_1231 = arith.constant 16 : i32
        %mul3A_1232 = arith.muli %scan3A_87, %mul3A_1231 : i32
        %add3A_1233 = arith.constant 14 : i32
        %add3A_1234 = arith.addi %mul3A_1232, %add3A_1233 : i32
        %get3A_1235 = arith.index_cast %add3A_1234 : i32 to index
        %get3A_1236 = arith.constant 112 : index
        %get3A_1237 = tpu.vector_load %arg6[%get3A_1235, %get3A_1236] {strides = array<i32>} : memref<512x128xf32, #tpu.memory_space<vmem>>, vector<1x16xf32>,
        %get3A_1238 = vector.shape_cast %get3A_1237 : vector<1x16xf32> to vector<16xf32>
        %max3A_1239 = arith.maximumf %max3A_1230, %get3A_1238 : vector<16xf32>
        %mul3A_1240 = arith.constant 16 : i32
        %mul3A_1241 = arith.muli %scan3A_87, %mul3A_1240 : i32
        %add3A_1242 = arith.constant 15 : i32
        %add3A_1243 = arith.addi %mul3A_1241, %add3A_1242 : i32
        %get3A_1244 = arith.index_cast %add3A_1243 : i32 to index
        %get3A_1245 = arith.constant 112 : index
        %get3A_1246 = tpu.vector_load %arg6[%get3A_1244, %get3A_1245] {strides = array<i32>} : memref<512x128xf32, #tpu.memory_space<vmem>>, vector<1x16xf32>,
        %get3A_1247 = vector.shape_cast %get3A_1246 : vector<1x16xf32> to vector<16xf32>
        %max3A_1248 = arith.maximumf %max3A_1239, %get3A_1247 : vector<16xf32>
        %swap3A_1249 = arith.index_cast %scan3A_87 : i32 to index
        %swap3A_1250 = arith.constant 112 : index
        %swap3A_1251 = tpu.vector_load %arg7[%swap3A_1249, %swap3A_1250] {strides = array<i32>} : memref<32x128xf32, #tpu.memory_space<vmem>>, vector<1x16xf32>,
        %swap3A_1252 = vector.shape_cast %swap3A_1251 : vector<1x16xf32> to vector<16xf32>
        %swap3A_1253 = vector.shape_cast %max3A_1248 : vector<16xf32> to vector<1x16xf32>
        tpu.vector_store %arg7[%swap3A_1249, %swap3A_1250], %swap3A_1253 {strides = array<i32>} : memref<32x128xf32, #tpu.memory_space<vmem>>, vector<1x16xf32>,
        %scan3A_1254 = arith.constant 0 : i32
        scf.yield %scan3A_1254 : i32
      }
      %scan3A_85 = arith.constant 32 : i32
      "tpu.region"() ({
        %run_scoped3A = tpu.sem_alloc : memref<!tpu.dma_semaphore, #tpu.memory_space<semaphore_mem>>
        %dma_start3A_87 = arith.constant 0 : i32
        %dma_start3A_88 = tpu.memref_slice %arg4[%multiple_of3A, %dma_start3A_87] : memref<32768x128xf32, #tpu.memory_space<hbm>> -> memref<32x128xf32, #tpu.memory_space<hbm>>
        %dma_start3A_89 = arith.constant 0 : i32
        %dma_start3A_90 = tpu.memref_slice %arg4[%multiple_of3A, %dma_start3A_89] : memref<32768x128xf32, #tpu.memory_space<hbm>> -> memref<32x128xf32, #tpu.memory_space<hbm>>
        tpu.enqueue_dma source(%arg7 : memref<32x128xf32, #tpu.memory_space<vmem>>) target(%dma_start3A_90 : memref<32x128xf32, #tpu.memory_space<hbm>>) target_semaphore(%run_scoped3A : memref<!tpu.dma_semaphore, #tpu.memory_space<semaphore_mem>>)
        %dma_wait3A_91 = arith.constant 0 : i32
        %dma_wait3A_92 = tpu.memref_slice %arg4[%multiple_of3A, %dma_wait3A_91] : memref<32768x128xf32, #tpu.memory_space<hbm>> -> memref<32x128xf32, #tpu.memory_space<hbm>>
        %dma_wait3A_93 = arith.constant 0 : i32
        %dma_wait3A_94 = tpu.memref_slice %arg4[%multiple_of3A, %dma_wait3A_93] : memref<32768x128xf32, #tpu.memory_space<hbm>> -> memref<32x128xf32, #tpu.memory_space<hbm>>
        tpu.wait_dma2 semaphore(%run_scoped3A : memref<!tpu.dma_semaphore, #tpu.memory_space<semaphore_mem>>) src(%arg7 : memref<32x128xf32, #tpu.memory_space<vmem>>) dst(%dma_wait3A_94 : memref<32x128xf32, #tpu.memory_space<hbm>>)
        tpu.yield
      }) : () -> ()
      %scan3A_86 = arith.constant 0 : i32
      scf.yield %scan3A_86 : i32
    }
    %scan3A_8 = arith.constant 32 : i32
    return
  }
}

#map = affine_map<(d0, d1) -> (0, 0)>
#map1 = affine_map<(d0, d1) -> (0)>
module attributes {stable_mosaic.version = 14 : i64} {
  func.func @k(%arg0: i32, %arg1: i32, %arg2: memref<32768x128xf32, #tpu.memory_space<hbm>>, %arg3: memref<524288xi32, #tpu.memory_space<hbm>>, %arg4: memref<32768x128xf32, #tpu.memory_space<hbm>>, %arg5: memref<512xi32, #tpu.memory_space<vmem>>, %arg6: memref<512x128xf32, #tpu.memory_space<vmem>>, %arg7: memref<32x128xf32, #tpu.memory_space<vmem>>, %arg8: memref<!tpu.dma_semaphore, #tpu.memory_space<semaphore_mem>>) attributes {dimension_semantics = [#tpu.dimension_semantics<core_parallel>, #tpu.dimension_semantics<subcore_parallel>], iteration_bounds = array<i64: 2, 16>, scalar_prefetch = 0 : i64, scratch_operands = 4 : i64, tpu.core_type = #tpu.core_type<sc_vector_subcore>, window_params = [{transform_indices = #map}, {transform_indices = #map1}, {transform_indices = #map}]} {
    %mul3A = arith.constant 2 : i32
    %mul3A_0 = arith.muli %arg1, %mul3A : i32
    %add3A = arith.addi %mul3A_0, %arg0 : i32
    %mul3A_1 = arith.constant 1024 : i32
    %mul3A_2 = arith.muli %add3A, %mul3A_1 : i32
    %scan3A = arith.constant 0 : i32
    %scan3A_3 = arith.constant 0 : i32
    %scan3A_4 = arith.constant 32 : i32
    %scan3A_5 = arith.addi %scan3A_3, %scan3A_4 : i32
    %scan3A_6 = arith.constant 1 : i32
    %scan3A_7 = scf.for %scan3A_9 = %scan3A_3 to %scan3A_5 step %scan3A_6 iter_args(%scan3A_10 = %scan3A) -> (i32)  : i32 {
      %mul3A_11 = arith.constant 32 : i32
      %mul3A_12 = arith.muli %scan3A_9, %mul3A_11 : i32
      %add3A_13 = arith.addi %mul3A_2, %mul3A_12 : i32
      %multiple_of3A = tpu.assume_multiple %add3A_13, 32 : i32
      %mul3A_14 = arith.constant 16 : i32
      %mul3A_15 = arith.muli %multiple_of3A, %mul3A_14 : i32
      %multiple_of3A_16 = tpu.assume_multiple %mul3A_15, 512 : i32
      "tpu.region"() ({
        %run_scoped3A = tpu.sem_alloc : memref<!tpu.dma_semaphore, #tpu.memory_space<semaphore_mem>>
        %dma_start3A_87 = tpu.memref_slice %arg3[%multiple_of3A_16] : memref<524288xi32, #tpu.memory_space<hbm>> -> memref<512xi32, #tpu.memory_space<hbm>>
        %dma_start3A_88 = tpu.memref_slice %arg3[%multiple_of3A_16] : memref<524288xi32, #tpu.memory_space<hbm>> -> memref<512xi32, #tpu.memory_space<hbm>>
        tpu.enqueue_dma source(%dma_start3A_88 : memref<512xi32, #tpu.memory_space<hbm>>) target(%arg5 : memref<512xi32, #tpu.memory_space<vmem>>) target_semaphore(%run_scoped3A : memref<!tpu.dma_semaphore, #tpu.memory_space<semaphore_mem>>)
        %dma_wait3A_89 = tpu.memref_slice %arg3[%multiple_of3A_16] : memref<524288xi32, #tpu.memory_space<hbm>> -> memref<512xi32, #tpu.memory_space<hbm>>
        %dma_wait3A_90 = tpu.memref_slice %arg3[%multiple_of3A_16] : memref<524288xi32, #tpu.memory_space<hbm>> -> memref<512xi32, #tpu.memory_space<hbm>>
        tpu.wait_dma2 semaphore(%run_scoped3A : memref<!tpu.dma_semaphore, #tpu.memory_space<semaphore_mem>>) src(%dma_wait3A_90 : memref<512xi32, #tpu.memory_space<hbm>>) dst(%arg5 : memref<512xi32, #tpu.memory_space<vmem>>)
        tpu.yield
      }) : () -> ()
      %dma_start3A = arith.constant 0 : i32
      %dma_start3A_17 = arith.constant 0 : i32
      %dma_start3A_18 = tpu.memref_slice %arg6[%dma_start3A, %dma_start3A_17] : memref<512x128xf32, #tpu.memory_space<vmem>> -> memref<128x128xf32, #tpu.memory_space<vmem>>
      %dma_start3A_19 = arith.constant 0 : i32
      %dma_start3A_20 = tpu.memref_slice %arg5[%dma_start3A_19] : memref<512xi32, #tpu.memory_space<vmem>> -> memref<128xi32, #tpu.memory_space<vmem>>
      %dma_start3A_21 = arith.constant 0 : i32
      %dma_start3A_22 = arith.constant 0 : i32
      %dma_start3A_23 = tpu.memref_slice %arg2[%dma_start3A_21, %dma_start3A_22] : memref<32768x128xf32, #tpu.memory_space<hbm>> -> memref<32768x128xf32, #tpu.memory_space<hbm>>
      tpu.enqueue_indirect_dma source(%dma_start3A_23 : memref<32768x128xf32, #tpu.memory_space<hbm>>) target(%dma_start3A_18 : memref<128x128xf32, #tpu.memory_space<vmem>>) offsets(%dma_start3A_20 : memref<128xi32, #tpu.memory_space<vmem>>) semaphore(%arg8 : memref<!tpu.dma_semaphore, #tpu.memory_space<semaphore_mem>>)
      %dma_start3A_24 = arith.constant 128 : i32
      %dma_start3A_25 = arith.constant 0 : i32
      %dma_start3A_26 = tpu.memref_slice %arg6[%dma_start3A_24, %dma_start3A_25] : memref<512x128xf32, #tpu.memory_space<vmem>> -> memref<128x128xf32, #tpu.memory_space<vmem>>
      %dma_start3A_27 = arith.constant 128 : i32
      %dma_start3A_28 = tpu.memref_slice %arg5[%dma_start3A_27] : memref<512xi32, #tpu.memory_space<vmem>> -> memref<128xi32, #tpu.memory_space<vmem>>
      %dma_start3A_29 = arith.constant 0 : i32
      %dma_start3A_30 = arith.constant 0 : i32
      %dma_start3A_31 = tpu.memref_slice %arg2[%dma_start3A_29, %dma_start3A_30] : memref<32768x128xf32, #tpu.memory_space<hbm>> -> memref<32768x128xf32, #tpu.memory_space<hbm>>
      tpu.enqueue_indirect_dma source(%dma_start3A_31 : memref<32768x128xf32, #tpu.memory_space<hbm>>) target(%dma_start3A_26 : memref<128x128xf32, #tpu.memory_space<vmem>>) offsets(%dma_start3A_28 : memref<128xi32, #tpu.memory_space<vmem>>) semaphore(%arg8 : memref<!tpu.dma_semaphore, #tpu.memory_space<semaphore_mem>>)
      %dma_start3A_32 = arith.constant 256 : i32
      %dma_start3A_33 = arith.constant 0 : i32
      %dma_start3A_34 = tpu.memref_slice %arg6[%dma_start3A_32, %dma_start3A_33] : memref<512x128xf32, #tpu.memory_space<vmem>> -> memref<128x128xf32, #tpu.memory_space<vmem>>
      %dma_start3A_35 = arith.constant 256 : i32
      %dma_start3A_36 = tpu.memref_slice %arg5[%dma_start3A_35] : memref<512xi32, #tpu.memory_space<vmem>> -> memref<128xi32, #tpu.memory_space<vmem>>
      %dma_start3A_37 = arith.constant 0 : i32
      %dma_start3A_38 = arith.constant 0 : i32
      %dma_start3A_39 = tpu.memref_slice %arg2[%dma_start3A_37, %dma_start3A_38] : memref<32768x128xf32, #tpu.memory_space<hbm>> -> memref<32768x128xf32, #tpu.memory_space<hbm>>
      tpu.enqueue_indirect_dma source(%dma_start3A_39 : memref<32768x128xf32, #tpu.memory_space<hbm>>) target(%dma_start3A_34 : memref<128x128xf32, #tpu.memory_space<vmem>>) offsets(%dma_start3A_36 : memref<128xi32, #tpu.memory_space<vmem>>) semaphore(%arg8 : memref<!tpu.dma_semaphore, #tpu.memory_space<semaphore_mem>>)
      %dma_start3A_40 = arith.constant 384 : i32
      %dma_start3A_41 = arith.constant 0 : i32
      %dma_start3A_42 = tpu.memref_slice %arg6[%dma_start3A_40, %dma_start3A_41] : memref<512x128xf32, #tpu.memory_space<vmem>> -> memref<128x128xf32, #tpu.memory_space<vmem>>
      %dma_start3A_43 = arith.constant 384 : i32
      %dma_start3A_44 = tpu.memref_slice %arg5[%dma_start3A_43] : memref<512xi32, #tpu.memory_space<vmem>> -> memref<128xi32, #tpu.memory_space<vmem>>
      %dma_start3A_45 = arith.constant 0 : i32
      %dma_start3A_46 = arith.constant 0 : i32
      %dma_start3A_47 = tpu.memref_slice %arg2[%dma_start3A_45, %dma_start3A_46] : memref<32768x128xf32, #tpu.memory_space<hbm>> -> memref<32768x128xf32, #tpu.memory_space<hbm>>
      tpu.enqueue_indirect_dma source(%dma_start3A_47 : memref<32768x128xf32, #tpu.memory_space<hbm>>) target(%dma_start3A_42 : memref<128x128xf32, #tpu.memory_space<vmem>>) offsets(%dma_start3A_44 : memref<128xi32, #tpu.memory_space<vmem>>) semaphore(%arg8 : memref<!tpu.dma_semaphore, #tpu.memory_space<semaphore_mem>>)
      %dma_wait3A = arith.constant 0 : i32
      %dma_wait3A_48 = arith.constant 0 : i32
      %dma_wait3A_49 = tpu.memref_slice %arg6[%dma_wait3A, %dma_wait3A_48] : memref<512x128xf32, #tpu.memory_space<vmem>> -> memref<128x128xf32, #tpu.memory_space<vmem>>
      %dma_wait3A_50 = arith.constant 0 : i32
      %dma_wait3A_51 = tpu.memref_slice %arg5[%dma_wait3A_50] : memref<512xi32, #tpu.memory_space<vmem>> -> memref<128xi32, #tpu.memory_space<vmem>>
      %dma_wait3A_52 = arith.constant 0 : i32
      %dma_wait3A_53 = arith.constant 0 : i32
      %dma_wait3A_54 = tpu.memref_slice %arg2[%dma_wait3A_52, %dma_wait3A_53] : memref<32768x128xf32, #tpu.memory_space<hbm>> -> memref<32768x128xf32, #tpu.memory_space<hbm>>
      tpu.wait_indirect_dma semaphore(%arg8 : memref<!tpu.dma_semaphore, #tpu.memory_space<semaphore_mem>>) src(%dma_wait3A_54 : memref<32768x128xf32, #tpu.memory_space<hbm>>) dst(%dma_wait3A_49 : memref<128x128xf32, #tpu.memory_space<vmem>>)
      %dma_wait3A_55 = arith.constant 128 : i32
      %dma_wait3A_56 = arith.constant 0 : i32
      %dma_wait3A_57 = tpu.memref_slice %arg6[%dma_wait3A_55, %dma_wait3A_56] : memref<512x128xf32, #tpu.memory_space<vmem>> -> memref<128x128xf32, #tpu.memory_space<vmem>>
      %dma_wait3A_58 = arith.constant 128 : i32
      %dma_wait3A_59 = tpu.memref_slice %arg5[%dma_wait3A_58] : memref<512xi32, #tpu.memory_space<vmem>> -> memref<128xi32, #tpu.memory_space<vmem>>
      %dma_wait3A_60 = arith.constant 0 : i32
      %dma_wait3A_61 = arith.constant 0 : i32
      %dma_wait3A_62 = tpu.memref_slice %arg2[%dma_wait3A_60, %dma_wait3A_61] : memref<32768x128xf32, #tpu.memory_space<hbm>> -> memref<32768x128xf32, #tpu.memory_space<hbm>>
      tpu.wait_indirect_dma semaphore(%arg8 : memref<!tpu.dma_semaphore, #tpu.memory_space<semaphore_mem>>) src(%dma_wait3A_62 : memref<32768x128xf32, #tpu.memory_space<hbm>>) dst(%dma_wait3A_57 : memref<128x128xf32, #tpu.memory_space<vmem>>)
      %dma_wait3A_63 = arith.constant 256 : i32
      %dma_wait3A_64 = arith.constant 0 : i32
      %dma_wait3A_65 = tpu.memref_slice %arg6[%dma_wait3A_63, %dma_wait3A_64] : memref<512x128xf32, #tpu.memory_space<vmem>> -> memref<128x128xf32, #tpu.memory_space<vmem>>
      %dma_wait3A_66 = arith.constant 256 : i32
      %dma_wait3A_67 = tpu.memref_slice %arg5[%dma_wait3A_66] : memref<512xi32, #tpu.memory_space<vmem>> -> memref<128xi32, #tpu.memory_space<vmem>>
      %dma_wait3A_68 = arith.constant 0 : i32
      %dma_wait3A_69 = arith.constant 0 : i32
      %dma_wait3A_70 = tpu.memref_slice %arg2[%dma_wait3A_68, %dma_wait3A_69] : memref<32768x128xf32, #tpu.memory_space<hbm>> -> memref<32768x128xf32, #tpu.memory_space<hbm>>
      tpu.wait_indirect_dma semaphore(%arg8 : memref<!tpu.dma_semaphore, #tpu.memory_space<semaphore_mem>>) src(%dma_wait3A_70 : memref<32768x128xf32, #tpu.memory_space<hbm>>) dst(%dma_wait3A_65 : memref<128x128xf32, #tpu.memory_space<vmem>>)
      %dma_wait3A_71 = arith.constant 384 : i32
      %dma_wait3A_72 = arith.constant 0 : i32
      %dma_wait3A_73 = tpu.memref_slice %arg6[%dma_wait3A_71, %dma_wait3A_72] : memref<512x128xf32, #tpu.memory_space<vmem>> -> memref<128x128xf32, #tpu.memory_space<vmem>>
      %dma_wait3A_74 = arith.constant 384 : i32
      %dma_wait3A_75 = tpu.memref_slice %arg5[%dma_wait3A_74] : memref<512xi32, #tpu.memory_space<vmem>> -> memref<128xi32, #tpu.memory_space<vmem>>
      %dma_wait3A_76 = arith.constant 0 : i32
      %dma_wait3A_77 = arith.constant 0 : i32
      %dma_wait3A_78 = tpu.memref_slice %arg2[%dma_wait3A_76, %dma_wait3A_77] : memref<32768x128xf32, #tpu.memory_space<hbm>> -> memref<32768x128xf32, #tpu.memory_space<hbm>>
      tpu.wait_indirect_dma semaphore(%arg8 : memref<!tpu.dma_semaphore, #tpu.memory_space<semaphore_mem>>) src(%dma_wait3A_78 : memref<32768x128xf32, #tpu.memory_space<hbm>>) dst(%dma_wait3A_73 : memref<128x128xf32, #tpu.memory_space<vmem>>)
      %scan3A_79 = arith.constant 0 : i32
      %scan3A_80 = arith.constant 0 : i32
      %scan3A_81 = arith.constant 32 : i32
      %scan3A_82 = arith.addi %scan3A_80, %scan3A_81 : i32
      %scan3A_83 = arith.constant 1 : i32
      %scan3A_84 = scf.for %scan3A_87 = %scan3A_80 to %scan3A_82 step %scan3A_83 iter_args(%scan3A_88 = %scan3A_79) -> (i32)  : i32 {
        %mul3A_89 = arith.constant 16 : i32
        %mul3A_90 = arith.muli %scan3A_87, %mul3A_89 : i32
        %get3A = arith.index_cast %mul3A_90 : i32 to index
        %get3A_91 = arith.constant 0 : index
        %get3A_92 = tpu.vector_load %arg6[%get3A, %get3A_91] {strides = array<i32>} : memref<512x128xf32, #tpu.memory_space<vmem>>, vector<1x16xf32>,
        %get3A_93 = vector.shape_cast %get3A_92 : vector<1x16xf32> to vector<16xf32>
        %mul3A_94 = arith.constant 16 : i32
        %mul3A_95 = arith.muli %scan3A_87, %mul3A_94 : i32
        %add3A_96 = arith.constant 1 : i32
        %add3A_97 = arith.addi %mul3A_95, %add3A_96 : i32
        %get3A_98 = arith.index_cast %add3A_97 : i32 to index
        %get3A_99 = arith.constant 0 : index
        %get3A_100 = tpu.vector_load %arg6[%get3A_98, %get3A_99] {strides = array<i32>} : memref<512x128xf32, #tpu.memory_space<vmem>>, vector<1x16xf32>,
        %get3A_101 = vector.shape_cast %get3A_100 : vector<1x16xf32> to vector<16xf32>
        %max3A = arith.maximumf %get3A_93, %get3A_101 : vector<16xf32>
        %mul3A_102 = arith.constant 16 : i32
        %mul3A_103 = arith.muli %scan3A_87, %mul3A_102 : i32
        %add3A_104 = arith.constant 2 : i32
        %add3A_105 = arith.addi %mul3A_103, %add3A_104 : i32
        %get3A_106 = arith.index_cast %add3A_105 : i32 to index
        %get3A_107 = arith.constant 0 : index
        %get3A_108 = tpu.vector_load %arg6[%get3A_106, %get3A_107] {strides = array<i32>} : memref<512x128xf32, #tpu.memory_space<vmem>>, vector<1x16xf32>,
        %get3A_109 = vector.shape_cast %get3A_108 : vector<1x16xf32> to vector<16xf32>
        %max3A_110 = arith.maximumf %max3A, %get3A_109 : vector<16xf32>
        %mul3A_111 = arith.constant 16 : i32
        %mul3A_112 = arith.muli %scan3A_87, %mul3A_111 : i32
        %add3A_113 = arith.constant 3 : i32
        %add3A_114 = arith.addi %mul3A_112, %add3A_113 : i32
        %get3A_115 = arith.index_cast %add3A_114 : i32 to index
        %get3A_116 = arith.constant 0 : index
        %get3A_117 = tpu.vector_load %arg6[%get3A_115, %get3A_116] {strides = array<i32>} : memref<512x128xf32, #tpu.memory_space<vmem>>, vector<1x16xf32>,
        %get3A_118 = vector.shape_cast %get3A_117 : vector<1x16xf32> to vector<16xf32>
        %max3A_119 = arith.maximumf %max3A_110, %get3A_118 : vector<16xf32>
        %mul3A_120 = arith.constant 16 : i32
        %mul3A_121 = arith.muli %scan3A_87, %mul3A_120 : i32
        %add3A_122 = arith.constant 4 : i32
        %add3A_123 = arith.addi %mul3A_121, %add3A_122 : i32
        %get3A_124 = arith.index_cast %add3A_123 : i32 to index
        %get3A_125 = arith.constant 0 : index
        %get3A_126 = tpu.vector_load %arg6[%get3A_124, %get3A_125] {strides = array<i32>} : memref<512x128xf32, #tpu.memory_space<vmem>>, vector<1x16xf32>,
        %get3A_127 = vector.shape_cast %get3A_126 : vector<1x16xf32> to vector<16xf32>
        %max3A_128 = arith.maximumf %max3A_119, %get3A_127 : vector<16xf32>
        %mul3A_129 = arith.constant 16 : i32
        %mul3A_130 = arith.muli %scan3A_87, %mul3A_129 : i32
        %add3A_131 = arith.constant 5 : i32
        %add3A_132 = arith.addi %mul3A_130, %add3A_131 : i32
        %get3A_133 = arith.index_cast %add3A_132 : i32 to index
        %get3A_134 = arith.constant 0 : index
        %get3A_135 = tpu.vector_load %arg6[%get3A_133, %get3A_134] {strides = array<i32>} : memref<512x128xf32, #tpu.memory_space<vmem>>, vector<1x16xf32>,
        %get3A_136 = vector.shape_cast %get3A_135 : vector<1x16xf32> to vector<16xf32>
        %max3A_137 = arith.maximumf %max3A_128, %get3A_136 : vector<16xf32>
        %mul3A_138 = arith.constant 16 : i32
        %mul3A_139 = arith.muli %scan3A_87, %mul3A_138 : i32
        %add3A_140 = arith.constant 6 : i32
        %add3A_141 = arith.addi %mul3A_139, %add3A_140 : i32
        %get3A_142 = arith.index_cast %add3A_141 : i32 to index
        %get3A_143 = arith.constant 0 : index
        %get3A_144 = tpu.vector_load %arg6[%get3A_142, %get3A_143] {strides = array<i32>} : memref<512x128xf32, #tpu.memory_space<vmem>>, vector<1x16xf32>,
        %get3A_145 = vector.shape_cast %get3A_144 : vector<1x16xf32> to vector<16xf32>
        %max3A_146 = arith.maximumf %max3A_137, %get3A_145 : vector<16xf32>
        %mul3A_147 = arith.constant 16 : i32
        %mul3A_148 = arith.muli %scan3A_87, %mul3A_147 : i32
        %add3A_149 = arith.constant 7 : i32
        %add3A_150 = arith.addi %mul3A_148, %add3A_149 : i32
        %get3A_151 = arith.index_cast %add3A_150 : i32 to index
        %get3A_152 = arith.constant 0 : index
        %get3A_153 = tpu.vector_load %arg6[%get3A_151, %get3A_152] {strides = array<i32>} : memref<512x128xf32, #tpu.memory_space<vmem>>, vector<1x16xf32>,
        %get3A_154 = vector.shape_cast %get3A_153 : vector<1x16xf32> to vector<16xf32>
        %max3A_155 = arith.maximumf %max3A_146, %get3A_154 : vector<16xf32>
        %mul3A_156 = arith.constant 16 : i32
        %mul3A_157 = arith.muli %scan3A_87, %mul3A_156 : i32
        %add3A_158 = arith.constant 8 : i32
        %add3A_159 = arith.addi %mul3A_157, %add3A_158 : i32
        %get3A_160 = arith.index_cast %add3A_159 : i32 to index
        %get3A_161 = arith.constant 0 : index
        %get3A_162 = tpu.vector_load %arg6[%get3A_160, %get3A_161] {strides = array<i32>} : memref<512x128xf32, #tpu.memory_space<vmem>>, vector<1x16xf32>,
        %get3A_163 = vector.shape_cast %get3A_162 : vector<1x16xf32> to vector<16xf32>
        %max3A_164 = arith.maximumf %max3A_155, %get3A_163 : vector<16xf32>
        %mul3A_165 = arith.constant 16 : i32
        %mul3A_166 = arith.muli %scan3A_87, %mul3A_165 : i32
        %add3A_167 = arith.constant 9 : i32
        %add3A_168 = arith.addi %mul3A_166, %add3A_167 : i32
        %get3A_169 = arith.index_cast %add3A_168 : i32 to index
        %get3A_170 = arith.constant 0 : index
        %get3A_171 = tpu.vector_load %arg6[%get3A_169, %get3A_170] {strides = array<i32>} : memref<512x128xf32, #tpu.memory_space<vmem>>, vector<1x16xf32>,
        %get3A_172 = vector.shape_cast %get3A_171 : vector<1x16xf32> to vector<16xf32>
        %max3A_173 = arith.maximumf %max3A_164, %get3A_172 : vector<16xf32>
        %mul3A_174 = arith.constant 16 : i32
        %mul3A_175 = arith.muli %scan3A_87, %mul3A_174 : i32
        %add3A_176 = arith.constant 10 : i32
        %add3A_177 = arith.addi %mul3A_175, %add3A_176 : i32
        %get3A_178 = arith.index_cast %add3A_177 : i32 to index
        %get3A_179 = arith.constant 0 : index
        %get3A_180 = tpu.vector_load %arg6[%get3A_178, %get3A_179] {strides = array<i32>} : memref<512x128xf32, #tpu.memory_space<vmem>>, vector<1x16xf32>,
        %get3A_181 = vector.shape_cast %get3A_180 : vector<1x16xf32> to vector<16xf32>
        %max3A_182 = arith.maximumf %max3A_173, %get3A_181 : vector<16xf32>
        %mul3A_183 = arith.constant 16 : i32
        %mul3A_184 = arith.muli %scan3A_87, %mul3A_183 : i32
        %add3A_185 = arith.constant 11 : i32
        %add3A_186 = arith.addi %mul3A_184, %add3A_185 : i32
        %get3A_187 = arith.index_cast %add3A_186 : i32 to index
        %get3A_188 = arith.constant 0 : index
        %get3A_189 = tpu.vector_load %arg6[%get3A_187, %get3A_188] {strides = array<i32>} : memref<512x128xf32, #tpu.memory_space<vmem>>, vector<1x16xf32>,
        %get3A_190 = vector.shape_cast %get3A_189 : vector<1x16xf32> to vector<16xf32>
        %max3A_191 = arith.maximumf %max3A_182, %get3A_190 : vector<16xf32>
        %mul3A_192 = arith.constant 16 : i32
        %mul3A_193 = arith.muli %scan3A_87, %mul3A_192 : i32
        %add3A_194 = arith.constant 12 : i32
        %add3A_195 = arith.addi %mul3A_193, %add3A_194 : i32
        %get3A_196 = arith.index_cast %add3A_195 : i32 to index
        %get3A_197 = arith.constant 0 : index
        %get3A_198 = tpu.vector_load %arg6[%get3A_196, %get3A_197] {strides = array<i32>} : memref<512x128xf32, #tpu.memory_space<vmem>>, vector<1x16xf32>,
        %get3A_199 = vector.shape_cast %get3A_198 : vector<1x16xf32> to vector<16xf32>
        %max3A_200 = arith.maximumf %max3A_191, %get3A_199 : vector<16xf32>
        %mul3A_201 = arith.constant 16 : i32
        %mul3A_202 = arith.muli %scan3A_87, %mul3A_201 : i32
        %add3A_203 = arith.constant 13 : i32
        %add3A_204 = arith.addi %mul3A_202, %add3A_203 : i32
        %get3A_205 = arith.index_cast %add3A_204 : i32 to index
        %get3A_206 = arith.constant 0 : index
        %get3A_207 = tpu.vector_load %arg6[%get3A_205, %get3A_206] {strides = array<i32>} : memref<512x128xf32, #tpu.memory_space<vmem>>, vector<1x16xf32>,
        %get3A_208 = vector.shape_cast %get3A_207 : vector<1x16xf32> to vector<16xf32>
        %max3A_209 = arith.maximumf %max3A_200, %get3A_208 : vector<16xf32>
        %mul3A_210 = arith.constant 16 : i32
        %mul3A_211 = arith.muli %scan3A_87, %mul3A_210 : i32
        %add3A_212 = arith.constant 14 : i32
        %add3A_213 = arith.addi %mul3A_211, %add3A_212 : i32
        %get3A_214 = arith.index_cast %add3A_213 : i32 to index
        %get3A_215 = arith.constant 0 : index
        %get3A_216 = tpu.vector_load %arg6[%get3A_214, %get3A_215] {strides = array<i32>} : memref<512x128xf32, #tpu.memory_space<vmem>>, vector<1x16xf32>,
        %get3A_217 = vector.shape_cast %get3A_216 : vector<1x16xf32> to vector<16xf32>
        %max3A_218 = arith.maximumf %max3A_209, %get3A_217 : vector<16xf32>
        %mul3A_219 = arith.constant 16 : i32
        %mul3A_220 = arith.muli %scan3A_87, %mul3A_219 : i32
        %add3A_221 = arith.constant 15 : i32
        %add3A_222 = arith.addi %mul3A_220, %add3A_221 : i32
        %get3A_223 = arith.index_cast %add3A_222 : i32 to index
        %get3A_224 = arith.constant 0 : index
        %get3A_225 = tpu.vector_load %arg6[%get3A_223, %get3A_224] {strides = array<i32>} : memref<512x128xf32, #tpu.memory_space<vmem>>, vector<1x16xf32>,
        %get3A_226 = vector.shape_cast %get3A_225 : vector<1x16xf32> to vector<16xf32>
        %max3A_227 = arith.maximumf %max3A_218, %get3A_226 : vector<16xf32>
        %swap3A = arith.index_cast %scan3A_87 : i32 to index
        %swap3A_228 = arith.constant 0 : index
        %swap3A_229 = tpu.vector_load %arg7[%swap3A, %swap3A_228] {strides = array<i32>} : memref<32x128xf32, #tpu.memory_space<vmem>>, vector<1x16xf32>,
        %swap3A_230 = vector.shape_cast %swap3A_229 : vector<1x16xf32> to vector<16xf32>
        %swap3A_231 = vector.shape_cast %max3A_227 : vector<16xf32> to vector<1x16xf32>
        tpu.vector_store %arg7[%swap3A, %swap3A_228], %swap3A_231 {strides = array<i32>} : memref<32x128xf32, #tpu.memory_space<vmem>>, vector<1x16xf32>,
        %mul3A_232 = arith.constant 16 : i32
        %mul3A_233 = arith.muli %scan3A_87, %mul3A_232 : i32
        %get3A_234 = arith.index_cast %mul3A_233 : i32 to index
        %get3A_235 = arith.constant 16 : index
        %get3A_236 = tpu.vector_load %arg6[%get3A_234, %get3A_235] {strides = array<i32>} : memref<512x128xf32, #tpu.memory_space<vmem>>, vector<1x16xf32>,
        %get3A_237 = vector.shape_cast %get3A_236 : vector<1x16xf32> to vector<16xf32>
        %mul3A_238 = arith.constant 16 : i32
        %mul3A_239 = arith.muli %scan3A_87, %mul3A_238 : i32
        %add3A_240 = arith.constant 1 : i32
        %add3A_241 = arith.addi %mul3A_239, %add3A_240 : i32
        %get3A_242 = arith.index_cast %add3A_241 : i32 to index
        %get3A_243 = arith.constant 16 : index
        %get3A_244 = tpu.vector_load %arg6[%get3A_242, %get3A_243] {strides = array<i32>} : memref<512x128xf32, #tpu.memory_space<vmem>>, vector<1x16xf32>,
        %get3A_245 = vector.shape_cast %get3A_244 : vector<1x16xf32> to vector<16xf32>
        %max3A_246 = arith.maximumf %get3A_237, %get3A_245 : vector<16xf32>
        %mul3A_247 = arith.constant 16 : i32
        %mul3A_248 = arith.muli %scan3A_87, %mul3A_247 : i32
        %add3A_249 = arith.constant 2 : i32
        %add3A_250 = arith.addi %mul3A_248, %add3A_249 : i32
        %get3A_251 = arith.index_cast %add3A_250 : i32 to index
        %get3A_252 = arith.constant 16 : index
        %get3A_253 = tpu.vector_load %arg6[%get3A_251, %get3A_252] {strides = array<i32>} : memref<512x128xf32, #tpu.memory_space<vmem>>, vector<1x16xf32>,
        %get3A_254 = vector.shape_cast %get3A_253 : vector<1x16xf32> to vector<16xf32>
        %max3A_255 = arith.maximumf %max3A_246, %get3A_254 : vector<16xf32>
        %mul3A_256 = arith.constant 16 : i32
        %mul3A_257 = arith.muli %scan3A_87, %mul3A_256 : i32
        %add3A_258 = arith.constant 3 : i32
        %add3A_259 = arith.addi %mul3A_257, %add3A_258 : i32
        %get3A_260 = arith.index_cast %add3A_259 : i32 to index
        %get3A_261 = arith.constant 16 : index
        %get3A_262 = tpu.vector_load %arg6[%get3A_260, %get3A_261] {strides = array<i32>} : memref<512x128xf32, #tpu.memory_space<vmem>>, vector<1x16xf32>,
        %get3A_263 = vector.shape_cast %get3A_262 : vector<1x16xf32> to vector<16xf32>
        %max3A_264 = arith.maximumf %max3A_255, %get3A_263 : vector<16xf32>
        %mul3A_265 = arith.constant 16 : i32
        %mul3A_266 = arith.muli %scan3A_87, %mul3A_265 : i32
        %add3A_267 = arith.constant 4 : i32
        %add3A_268 = arith.addi %mul3A_266, %add3A_267 : i32
        %get3A_269 = arith.index_cast %add3A_268 : i32 to index
        %get3A_270 = arith.constant 16 : index
        %get3A_271 = tpu.vector_load %arg6[%get3A_269, %get3A_270] {strides = array<i32>} : memref<512x128xf32, #tpu.memory_space<vmem>>, vector<1x16xf32>,
        %get3A_272 = vector.shape_cast %get3A_271 : vector<1x16xf32> to vector<16xf32>
        %max3A_273 = arith.maximumf %max3A_264, %get3A_272 : vector<16xf32>
        %mul3A_274 = arith.constant 16 : i32
        %mul3A_275 = arith.muli %scan3A_87, %mul3A_274 : i32
        %add3A_276 = arith.constant 5 : i32
        %add3A_277 = arith.addi %mul3A_275, %add3A_276 : i32
        %get3A_278 = arith.index_cast %add3A_277 : i32 to index
        %get3A_279 = arith.constant 16 : index
        %get3A_280 = tpu.vector_load %arg6[%get3A_278, %get3A_279] {strides = array<i32>} : memref<512x128xf32, #tpu.memory_space<vmem>>, vector<1x16xf32>,
        %get3A_281 = vector.shape_cast %get3A_280 : vector<1x16xf32> to vector<16xf32>
        %max3A_282 = arith.maximumf %max3A_273, %get3A_281 : vector<16xf32>
        %mul3A_283 = arith.constant 16 : i32
        %mul3A_284 = arith.muli %scan3A_87, %mul3A_283 : i32
        %add3A_285 = arith.constant 6 : i32
        %add3A_286 = arith.addi %mul3A_284, %add3A_285 : i32
        %get3A_287 = arith.index_cast %add3A_286 : i32 to index
        %get3A_288 = arith.constant 16 : index
        %get3A_289 = tpu.vector_load %arg6[%get3A_287, %get3A_288] {strides = array<i32>} : memref<512x128xf32, #tpu.memory_space<vmem>>, vector<1x16xf32>,
        %get3A_290 = vector.shape_cast %get3A_289 : vector<1x16xf32> to vector<16xf32>
        %max3A_291 = arith.maximumf %max3A_282, %get3A_290 : vector<16xf32>
        %mul3A_292 = arith.constant 16 : i32
        %mul3A_293 = arith.muli %scan3A_87, %mul3A_292 : i32
        %add3A_294 = arith.constant 7 : i32
        %add3A_295 = arith.addi %mul3A_293, %add3A_294 : i32
        %get3A_296 = arith.index_cast %add3A_295 : i32 to index
        %get3A_297 = arith.constant 16 : index
        %get3A_298 = tpu.vector_load %arg6[%get3A_296, %get3A_297] {strides = array<i32>} : memref<512x128xf32, #tpu.memory_space<vmem>>, vector<1x16xf32>,
        %get3A_299 = vector.shape_cast %get3A_298 : vector<1x16xf32> to vector<16xf32>
        %max3A_300 = arith.maximumf %max3A_291, %get3A_299 : vector<16xf32>
        %mul3A_301 = arith.constant 16 : i32
        %mul3A_302 = arith.muli %scan3A_87, %mul3A_301 : i32
        %add3A_303 = arith.constant 8 : i32
        %add3A_304 = arith.addi %mul3A_302, %add3A_303 : i32
        %get3A_305 = arith.index_cast %add3A_304 : i32 to index
        %get3A_306 = arith.constant 16 : index
        %get3A_307 = tpu.vector_load %arg6[%get3A_305, %get3A_306] {strides = array<i32>} : memref<512x128xf32, #tpu.memory_space<vmem>>, vector<1x16xf32>,
        %get3A_308 = vector.shape_cast %get3A_307 : vector<1x16xf32> to vector<16xf32>
        %max3A_309 = arith.maximumf %max3A_300, %get3A_308 : vector<16xf32>
        %mul3A_310 = arith.constant 16 : i32
        %mul3A_311 = arith.muli %scan3A_87, %mul3A_310 : i32
        %add3A_312 = arith.constant 9 : i32
        %add3A_313 = arith.addi %mul3A_311, %add3A_312 : i32
        %get3A_314 = arith.index_cast %add3A_313 : i32 to index
        %get3A_315 = arith.constant 16 : index
        %get3A_316 = tpu.vector_load %arg6[%get3A_314, %get3A_315] {strides = array<i32>} : memref<512x128xf32, #tpu.memory_space<vmem>>, vector<1x16xf32>,
        %get3A_317 = vector.shape_cast %get3A_316 : vector<1x16xf32> to vector<16xf32>
        %max3A_318 = arith.maximumf %max3A_309, %get3A_317 : vector<16xf32>
        %mul3A_319 = arith.constant 16 : i32
        %mul3A_320 = arith.muli %scan3A_87, %mul3A_319 : i32
        %add3A_321 = arith.constant 10 : i32
        %add3A_322 = arith.addi %mul3A_320, %add3A_321 : i32
        %get3A_323 = arith.index_cast %add3A_322 : i32 to index
        %get3A_324 = arith.constant 16 : index
        %get3A_325 = tpu.vector_load %arg6[%get3A_323, %get3A_324] {strides = array<i32>} : memref<512x128xf32, #tpu.memory_space<vmem>>, vector<1x16xf32>,
        %get3A_326 = vector.shape_cast %get3A_325 : vector<1x16xf32> to vector<16xf32>
        %max3A_327 = arith.maximumf %max3A_318, %get3A_326 : vector<16xf32>
        %mul3A_328 = arith.constant 16 : i32
        %mul3A_329 = arith.muli %scan3A_87, %mul3A_328 : i32
        %add3A_330 = arith.constant 11 : i32
        %add3A_331 = arith.addi %mul3A_329, %add3A_330 : i32
        %get3A_332 = arith.index_cast %add3A_331 : i32 to index
        %get3A_333 = arith.constant 16 : index
        %get3A_334 = tpu.vector_load %arg6[%get3A_332, %get3A_333] {strides = array<i32>} : memref<512x128xf32, #tpu.memory_space<vmem>>, vector<1x16xf32>,
        %get3A_335 = vector.shape_cast %get3A_334 : vector<1x16xf32> to vector<16xf32>
        %max3A_336 = arith.maximumf %max3A_327, %get3A_335 : vector<16xf32>
        %mul3A_337 = arith.constant 16 : i32
        %mul3A_338 = arith.muli %scan3A_87, %mul3A_337 : i32
        %add3A_339 = arith.constant 12 : i32
        %add3A_340 = arith.addi %mul3A_338, %add3A_339 : i32
        %get3A_341 = arith.index_cast %add3A_340 : i32 to index
        %get3A_342 = arith.constant 16 : index
        %get3A_343 = tpu.vector_load %arg6[%get3A_341, %get3A_342] {strides = array<i32>} : memref<512x128xf32, #tpu.memory_space<vmem>>, vector<1x16xf32>,
        %get3A_344 = vector.shape_cast %get3A_343 : vector<1x16xf32> to vector<16xf32>
        %max3A_345 = arith.maximumf %max3A_336, %get3A_344 : vector<16xf32>
        %mul3A_346 = arith.constant 16 : i32
        %mul3A_347 = arith.muli %scan3A_87, %mul3A_346 : i32
        %add3A_348 = arith.constant 13 : i32
        %add3A_349 = arith.addi %mul3A_347, %add3A_348 : i32
        %get3A_350 = arith.index_cast %add3A_349 : i32 to index
        %get3A_351 = arith.constant 16 : index
        %get3A_352 = tpu.vector_load %arg6[%get3A_350, %get3A_351] {strides = array<i32>} : memref<512x128xf32, #tpu.memory_space<vmem>>, vector<1x16xf32>,
        %get3A_353 = vector.shape_cast %get3A_352 : vector<1x16xf32> to vector<16xf32>
        %max3A_354 = arith.maximumf %max3A_345, %get3A_353 : vector<16xf32>
        %mul3A_355 = arith.constant 16 : i32
        %mul3A_356 = arith.muli %scan3A_87, %mul3A_355 : i32
        %add3A_357 = arith.constant 14 : i32
        %add3A_358 = arith.addi %mul3A_356, %add3A_357 : i32
        %get3A_359 = arith.index_cast %add3A_358 : i32 to index
        %get3A_360 = arith.constant 16 : index
        %get3A_361 = tpu.vector_load %arg6[%get3A_359, %get3A_360] {strides = array<i32>} : memref<512x128xf32, #tpu.memory_space<vmem>>, vector<1x16xf32>,
        %get3A_362 = vector.shape_cast %get3A_361 : vector<1x16xf32> to vector<16xf32>
        %max3A_363 = arith.maximumf %max3A_354, %get3A_362 : vector<16xf32>
        %mul3A_364 = arith.constant 16 : i32
        %mul3A_365 = arith.muli %scan3A_87, %mul3A_364 : i32
        %add3A_366 = arith.constant 15 : i32
        %add3A_367 = arith.addi %mul3A_365, %add3A_366 : i32
        %get3A_368 = arith.index_cast %add3A_367 : i32 to index
        %get3A_369 = arith.constant 16 : index
        %get3A_370 = tpu.vector_load %arg6[%get3A_368, %get3A_369] {strides = array<i32>} : memref<512x128xf32, #tpu.memory_space<vmem>>, vector<1x16xf32>,
        %get3A_371 = vector.shape_cast %get3A_370 : vector<1x16xf32> to vector<16xf32>
        %max3A_372 = arith.maximumf %max3A_363, %get3A_371 : vector<16xf32>
        %swap3A_373 = arith.index_cast %scan3A_87 : i32 to index
        %swap3A_374 = arith.constant 16 : index
        %swap3A_375 = tpu.vector_load %arg7[%swap3A_373, %swap3A_374] {strides = array<i32>} : memref<32x128xf32, #tpu.memory_space<vmem>>, vector<1x16xf32>,
        %swap3A_376 = vector.shape_cast %swap3A_375 : vector<1x16xf32> to vector<16xf32>
        %swap3A_377 = vector.shape_cast %max3A_372 : vector<16xf32> to vector<1x16xf32>
        tpu.vector_store %arg7[%swap3A_373, %swap3A_374], %swap3A_377 {strides = array<i32>} : memref<32x128xf32, #tpu.memory_space<vmem>>, vector<1x16xf32>,
        %mul3A_378 = arith.constant 16 : i32
        %mul3A_379 = arith.muli %scan3A_87, %mul3A_378 : i32
        %get3A_380 = arith.index_cast %mul3A_379 : i32 to index
        %get3A_381 = arith.constant 32 : index
        %get3A_382 = tpu.vector_load %arg6[%get3A_380, %get3A_381] {strides = array<i32>} : memref<512x128xf32, #tpu.memory_space<vmem>>, vector<1x16xf32>,
        %get3A_383 = vector.shape_cast %get3A_382 : vector<1x16xf32> to vector<16xf32>
        %mul3A_384 = arith.constant 16 : i32
        %mul3A_385 = arith.muli %scan3A_87, %mul3A_384 : i32
        %add3A_386 = arith.constant 1 : i32
        %add3A_387 = arith.addi %mul3A_385, %add3A_386 : i32
        %get3A_388 = arith.index_cast %add3A_387 : i32 to index
        %get3A_389 = arith.constant 32 : index
        %get3A_390 = tpu.vector_load %arg6[%get3A_388, %get3A_389] {strides = array<i32>} : memref<512x128xf32, #tpu.memory_space<vmem>>, vector<1x16xf32>,
        %get3A_391 = vector.shape_cast %get3A_390 : vector<1x16xf32> to vector<16xf32>
        %max3A_392 = arith.maximumf %get3A_383, %get3A_391 : vector<16xf32>
        %mul3A_393 = arith.constant 16 : i32
        %mul3A_394 = arith.muli %scan3A_87, %mul3A_393 : i32
        %add3A_395 = arith.constant 2 : i32
        %add3A_396 = arith.addi %mul3A_394, %add3A_395 : i32
        %get3A_397 = arith.index_cast %add3A_396 : i32 to index
        %get3A_398 = arith.constant 32 : index
        %get3A_399 = tpu.vector_load %arg6[%get3A_397, %get3A_398] {strides = array<i32>} : memref<512x128xf32, #tpu.memory_space<vmem>>, vector<1x16xf32>,
        %get3A_400 = vector.shape_cast %get3A_399 : vector<1x16xf32> to vector<16xf32>
        %max3A_401 = arith.maximumf %max3A_392, %get3A_400 : vector<16xf32>
        %mul3A_402 = arith.constant 16 : i32
        %mul3A_403 = arith.muli %scan3A_87, %mul3A_402 : i32
        %add3A_404 = arith.constant 3 : i32
        %add3A_405 = arith.addi %mul3A_403, %add3A_404 : i32
        %get3A_406 = arith.index_cast %add3A_405 : i32 to index
        %get3A_407 = arith.constant 32 : index
        %get3A_408 = tpu.vector_load %arg6[%get3A_406, %get3A_407] {strides = array<i32>} : memref<512x128xf32, #tpu.memory_space<vmem>>, vector<1x16xf32>,
        %get3A_409 = vector.shape_cast %get3A_408 : vector<1x16xf32> to vector<16xf32>
        %max3A_410 = arith.maximumf %max3A_401, %get3A_409 : vector<16xf32>
        %mul3A_411 = arith.constant 16 : i32
        %mul3A_412 = arith.muli %scan3A_87, %mul3A_411 : i32
        %add3A_413 = arith.constant 4 : i32
        %add3A_414 = arith.addi %mul3A_412, %add3A_413 : i32
        %get3A_415 = arith.index_cast %add3A_414 : i32 to index
        %get3A_416 = arith.constant 32 : index
        %get3A_417 = tpu.vector_load %arg6[%get3A_415, %get3A_416] {strides = array<i32>} : memref<512x128xf32, #tpu.memory_space<vmem>>, vector<1x16xf32>,
        %get3A_418 = vector.shape_cast %get3A_417 : vector<1x16xf32> to vector<16xf32>
        %max3A_419 = arith.maximumf %max3A_410, %get3A_418 : vector<16xf32>
        %mul3A_420 = arith.constant 16 : i32
        %mul3A_421 = arith.muli %scan3A_87, %mul3A_420 : i32
        %add3A_422 = arith.constant 5 : i32
        %add3A_423 = arith.addi %mul3A_421, %add3A_422 : i32
        %get3A_424 = arith.index_cast %add3A_423 : i32 to index
        %get3A_425 = arith.constant 32 : index
        %get3A_426 = tpu.vector_load %arg6[%get3A_424, %get3A_425] {strides = array<i32>} : memref<512x128xf32, #tpu.memory_space<vmem>>, vector<1x16xf32>,
        %get3A_427 = vector.shape_cast %get3A_426 : vector<1x16xf32> to vector<16xf32>
        %max3A_428 = arith.maximumf %max3A_419, %get3A_427 : vector<16xf32>
        %mul3A_429 = arith.constant 16 : i32
        %mul3A_430 = arith.muli %scan3A_87, %mul3A_429 : i32
        %add3A_431 = arith.constant 6 : i32
        %add3A_432 = arith.addi %mul3A_430, %add3A_431 : i32
        %get3A_433 = arith.index_cast %add3A_432 : i32 to index
        %get3A_434 = arith.constant 32 : index
        %get3A_435 = tpu.vector_load %arg6[%get3A_433, %get3A_434] {strides = array<i32>} : memref<512x128xf32, #tpu.memory_space<vmem>>, vector<1x16xf32>,
        %get3A_436 = vector.shape_cast %get3A_435 : vector<1x16xf32> to vector<16xf32>
        %max3A_437 = arith.maximumf %max3A_428, %get3A_436 : vector<16xf32>
        %mul3A_438 = arith.constant 16 : i32
        %mul3A_439 = arith.muli %scan3A_87, %mul3A_438 : i32
        %add3A_440 = arith.constant 7 : i32
        %add3A_441 = arith.addi %mul3A_439, %add3A_440 : i32
        %get3A_442 = arith.index_cast %add3A_441 : i32 to index
        %get3A_443 = arith.constant 32 : index
        %get3A_444 = tpu.vector_load %arg6[%get3A_442, %get3A_443] {strides = array<i32>} : memref<512x128xf32, #tpu.memory_space<vmem>>, vector<1x16xf32>,
        %get3A_445 = vector.shape_cast %get3A_444 : vector<1x16xf32> to vector<16xf32>
        %max3A_446 = arith.maximumf %max3A_437, %get3A_445 : vector<16xf32>
        %mul3A_447 = arith.constant 16 : i32
        %mul3A_448 = arith.muli %scan3A_87, %mul3A_447 : i32
        %add3A_449 = arith.constant 8 : i32
        %add3A_450 = arith.addi %mul3A_448, %add3A_449 : i32
        %get3A_451 = arith.index_cast %add3A_450 : i32 to index
        %get3A_452 = arith.constant 32 : index
        %get3A_453 = tpu.vector_load %arg6[%get3A_451, %get3A_452] {strides = array<i32>} : memref<512x128xf32, #tpu.memory_space<vmem>>, vector<1x16xf32>,
        %get3A_454 = vector.shape_cast %get3A_453 : vector<1x16xf32> to vector<16xf32>
        %max3A_455 = arith.maximumf %max3A_446, %get3A_454 : vector<16xf32>
        %mul3A_456 = arith.constant 16 : i32
        %mul3A_457 = arith.muli %scan3A_87, %mul3A_456 : i32
        %add3A_458 = arith.constant 9 : i32
        %add3A_459 = arith.addi %mul3A_457, %add3A_458 : i32
        %get3A_460 = arith.index_cast %add3A_459 : i32 to index
        %get3A_461 = arith.constant 32 : index
        %get3A_462 = tpu.vector_load %arg6[%get3A_460, %get3A_461] {strides = array<i32>} : memref<512x128xf32, #tpu.memory_space<vmem>>, vector<1x16xf32>,
        %get3A_463 = vector.shape_cast %get3A_462 : vector<1x16xf32> to vector<16xf32>
        %max3A_464 = arith.maximumf %max3A_455, %get3A_463 : vector<16xf32>
        %mul3A_465 = arith.constant 16 : i32
        %mul3A_466 = arith.muli %scan3A_87, %mul3A_465 : i32
        %add3A_467 = arith.constant 10 : i32
        %add3A_468 = arith.addi %mul3A_466, %add3A_467 : i32
        %get3A_469 = arith.index_cast %add3A_468 : i32 to index
        %get3A_470 = arith.constant 32 : index
        %get3A_471 = tpu.vector_load %arg6[%get3A_469, %get3A_470] {strides = array<i32>} : memref<512x128xf32, #tpu.memory_space<vmem>>, vector<1x16xf32>,
        %get3A_472 = vector.shape_cast %get3A_471 : vector<1x16xf32> to vector<16xf32>
        %max3A_473 = arith.maximumf %max3A_464, %get3A_472 : vector<16xf32>
        %mul3A_474 = arith.constant 16 : i32
        %mul3A_475 = arith.muli %scan3A_87, %mul3A_474 : i32
        %add3A_476 = arith.constant 11 : i32
        %add3A_477 = arith.addi %mul3A_475, %add3A_476 : i32
        %get3A_478 = arith.index_cast %add3A_477 : i32 to index
        %get3A_479 = arith.constant 32 : index
        %get3A_480 = tpu.vector_load %arg6[%get3A_478, %get3A_479] {strides = array<i32>} : memref<512x128xf32, #tpu.memory_space<vmem>>, vector<1x16xf32>,
        %get3A_481 = vector.shape_cast %get3A_480 : vector<1x16xf32> to vector<16xf32>
        %max3A_482 = arith.maximumf %max3A_473, %get3A_481 : vector<16xf32>
        %mul3A_483 = arith.constant 16 : i32
        %mul3A_484 = arith.muli %scan3A_87, %mul3A_483 : i32
        %add3A_485 = arith.constant 12 : i32
        %add3A_486 = arith.addi %mul3A_484, %add3A_485 : i32
        %get3A_487 = arith.index_cast %add3A_486 : i32 to index
        %get3A_488 = arith.constant 32 : index
        %get3A_489 = tpu.vector_load %arg6[%get3A_487, %get3A_488] {strides = array<i32>} : memref<512x128xf32, #tpu.memory_space<vmem>>, vector<1x16xf32>,
        %get3A_490 = vector.shape_cast %get3A_489 : vector<1x16xf32> to vector<16xf32>
        %max3A_491 = arith.maximumf %max3A_482, %get3A_490 : vector<16xf32>
        %mul3A_492 = arith.constant 16 : i32
        %mul3A_493 = arith.muli %scan3A_87, %mul3A_492 : i32
        %add3A_494 = arith.constant 13 : i32
        %add3A_495 = arith.addi %mul3A_493, %add3A_494 : i32
        %get3A_496 = arith.index_cast %add3A_495 : i32 to index
        %get3A_497 = arith.constant 32 : index
        %get3A_498 = tpu.vector_load %arg6[%get3A_496, %get3A_497] {strides = array<i32>} : memref<512x128xf32, #tpu.memory_space<vmem>>, vector<1x16xf32>,
        %get3A_499 = vector.shape_cast %get3A_498 : vector<1x16xf32> to vector<16xf32>
        %max3A_500 = arith.maximumf %max3A_491, %get3A_499 : vector<16xf32>
        %mul3A_501 = arith.constant 16 : i32
        %mul3A_502 = arith.muli %scan3A_87, %mul3A_501 : i32
        %add3A_503 = arith.constant 14 : i32
        %add3A_504 = arith.addi %mul3A_502, %add3A_503 : i32
        %get3A_505 = arith.index_cast %add3A_504 : i32 to index
        %get3A_506 = arith.constant 32 : index
        %get3A_507 = tpu.vector_load %arg6[%get3A_505, %get3A_506] {strides = array<i32>} : memref<512x128xf32, #tpu.memory_space<vmem>>, vector<1x16xf32>,
        %get3A_508 = vector.shape_cast %get3A_507 : vector<1x16xf32> to vector<16xf32>
        %max3A_509 = arith.maximumf %max3A_500, %get3A_508 : vector<16xf32>
        %mul3A_510 = arith.constant 16 : i32
        %mul3A_511 = arith.muli %scan3A_87, %mul3A_510 : i32
        %add3A_512 = arith.constant 15 : i32
        %add3A_513 = arith.addi %mul3A_511, %add3A_512 : i32
        %get3A_514 = arith.index_cast %add3A_513 : i32 to index
        %get3A_515 = arith.constant 32 : index
        %get3A_516 = tpu.vector_load %arg6[%get3A_514, %get3A_515] {strides = array<i32>} : memref<512x128xf32, #tpu.memory_space<vmem>>, vector<1x16xf32>,
        %get3A_517 = vector.shape_cast %get3A_516 : vector<1x16xf32> to vector<16xf32>
        %max3A_518 = arith.maximumf %max3A_509, %get3A_517 : vector<16xf32>
        %swap3A_519 = arith.index_cast %scan3A_87 : i32 to index
        %swap3A_520 = arith.constant 32 : index
        %swap3A_521 = tpu.vector_load %arg7[%swap3A_519, %swap3A_520] {strides = array<i32>} : memref<32x128xf32, #tpu.memory_space<vmem>>, vector<1x16xf32>,
        %swap3A_522 = vector.shape_cast %swap3A_521 : vector<1x16xf32> to vector<16xf32>
        %swap3A_523 = vector.shape_cast %max3A_518 : vector<16xf32> to vector<1x16xf32>
        tpu.vector_store %arg7[%swap3A_519, %swap3A_520], %swap3A_523 {strides = array<i32>} : memref<32x128xf32, #tpu.memory_space<vmem>>, vector<1x16xf32>,
        %mul3A_524 = arith.constant 16 : i32
        %mul3A_525 = arith.muli %scan3A_87, %mul3A_524 : i32
        %get3A_526 = arith.index_cast %mul3A_525 : i32 to index
        %get3A_527 = arith.constant 48 : index
        %get3A_528 = tpu.vector_load %arg6[%get3A_526, %get3A_527] {strides = array<i32>} : memref<512x128xf32, #tpu.memory_space<vmem>>, vector<1x16xf32>,
        %get3A_529 = vector.shape_cast %get3A_528 : vector<1x16xf32> to vector<16xf32>
        %mul3A_530 = arith.constant 16 : i32
        %mul3A_531 = arith.muli %scan3A_87, %mul3A_530 : i32
        %add3A_532 = arith.constant 1 : i32
        %add3A_533 = arith.addi %mul3A_531, %add3A_532 : i32
        %get3A_534 = arith.index_cast %add3A_533 : i32 to index
        %get3A_535 = arith.constant 48 : index
        %get3A_536 = tpu.vector_load %arg6[%get3A_534, %get3A_535] {strides = array<i32>} : memref<512x128xf32, #tpu.memory_space<vmem>>, vector<1x16xf32>,
        %get3A_537 = vector.shape_cast %get3A_536 : vector<1x16xf32> to vector<16xf32>
        %max3A_538 = arith.maximumf %get3A_529, %get3A_537 : vector<16xf32>
        %mul3A_539 = arith.constant 16 : i32
        %mul3A_540 = arith.muli %scan3A_87, %mul3A_539 : i32
        %add3A_541 = arith.constant 2 : i32
        %add3A_542 = arith.addi %mul3A_540, %add3A_541 : i32
        %get3A_543 = arith.index_cast %add3A_542 : i32 to index
        %get3A_544 = arith.constant 48 : index
        %get3A_545 = tpu.vector_load %arg6[%get3A_543, %get3A_544] {strides = array<i32>} : memref<512x128xf32, #tpu.memory_space<vmem>>, vector<1x16xf32>,
        %get3A_546 = vector.shape_cast %get3A_545 : vector<1x16xf32> to vector<16xf32>
        %max3A_547 = arith.maximumf %max3A_538, %get3A_546 : vector<16xf32>
        %mul3A_548 = arith.constant 16 : i32
        %mul3A_549 = arith.muli %scan3A_87, %mul3A_548 : i32
        %add3A_550 = arith.constant 3 : i32
        %add3A_551 = arith.addi %mul3A_549, %add3A_550 : i32
        %get3A_552 = arith.index_cast %add3A_551 : i32 to index
        %get3A_553 = arith.constant 48 : index
        %get3A_554 = tpu.vector_load %arg6[%get3A_552, %get3A_553] {strides = array<i32>} : memref<512x128xf32, #tpu.memory_space<vmem>>, vector<1x16xf32>,
        %get3A_555 = vector.shape_cast %get3A_554 : vector<1x16xf32> to vector<16xf32>
        %max3A_556 = arith.maximumf %max3A_547, %get3A_555 : vector<16xf32>
        %mul3A_557 = arith.constant 16 : i32
        %mul3A_558 = arith.muli %scan3A_87, %mul3A_557 : i32
        %add3A_559 = arith.constant 4 : i32
        %add3A_560 = arith.addi %mul3A_558, %add3A_559 : i32
        %get3A_561 = arith.index_cast %add3A_560 : i32 to index
        %get3A_562 = arith.constant 48 : index
        %get3A_563 = tpu.vector_load %arg6[%get3A_561, %get3A_562] {strides = array<i32>} : memref<512x128xf32, #tpu.memory_space<vmem>>, vector<1x16xf32>,
        %get3A_564 = vector.shape_cast %get3A_563 : vector<1x16xf32> to vector<16xf32>
        %max3A_565 = arith.maximumf %max3A_556, %get3A_564 : vector<16xf32>
        %mul3A_566 = arith.constant 16 : i32
        %mul3A_567 = arith.muli %scan3A_87, %mul3A_566 : i32
        %add3A_568 = arith.constant 5 : i32
        %add3A_569 = arith.addi %mul3A_567, %add3A_568 : i32
        %get3A_570 = arith.index_cast %add3A_569 : i32 to index
        %get3A_571 = arith.constant 48 : index
        %get3A_572 = tpu.vector_load %arg6[%get3A_570, %get3A_571] {strides = array<i32>} : memref<512x128xf32, #tpu.memory_space<vmem>>, vector<1x16xf32>,
        %get3A_573 = vector.shape_cast %get3A_572 : vector<1x16xf32> to vector<16xf32>
        %max3A_574 = arith.maximumf %max3A_565, %get3A_573 : vector<16xf32>
        %mul3A_575 = arith.constant 16 : i32
        %mul3A_576 = arith.muli %scan3A_87, %mul3A_575 : i32
        %add3A_577 = arith.constant 6 : i32
        %add3A_578 = arith.addi %mul3A_576, %add3A_577 : i32
        %get3A_579 = arith.index_cast %add3A_578 : i32 to index
        %get3A_580 = arith.constant 48 : index
        %get3A_581 = tpu.vector_load %arg6[%get3A_579, %get3A_580] {strides = array<i32>} : memref<512x128xf32, #tpu.memory_space<vmem>>, vector<1x16xf32>,
        %get3A_582 = vector.shape_cast %get3A_581 : vector<1x16xf32> to vector<16xf32>
        %max3A_583 = arith.maximumf %max3A_574, %get3A_582 : vector<16xf32>
        %mul3A_584 = arith.constant 16 : i32
        %mul3A_585 = arith.muli %scan3A_87, %mul3A_584 : i32
        %add3A_586 = arith.constant 7 : i32
        %add3A_587 = arith.addi %mul3A_585, %add3A_586 : i32
        %get3A_588 = arith.index_cast %add3A_587 : i32 to index
        %get3A_589 = arith.constant 48 : index
        %get3A_590 = tpu.vector_load %arg6[%get3A_588, %get3A_589] {strides = array<i32>} : memref<512x128xf32, #tpu.memory_space<vmem>>, vector<1x16xf32>,
        %get3A_591 = vector.shape_cast %get3A_590 : vector<1x16xf32> to vector<16xf32>
        %max3A_592 = arith.maximumf %max3A_583, %get3A_591 : vector<16xf32>
        %mul3A_593 = arith.constant 16 : i32
        %mul3A_594 = arith.muli %scan3A_87, %mul3A_593 : i32
        %add3A_595 = arith.constant 8 : i32
        %add3A_596 = arith.addi %mul3A_594, %add3A_595 : i32
        %get3A_597 = arith.index_cast %add3A_596 : i32 to index
        %get3A_598 = arith.constant 48 : index
        %get3A_599 = tpu.vector_load %arg6[%get3A_597, %get3A_598] {strides = array<i32>} : memref<512x128xf32, #tpu.memory_space<vmem>>, vector<1x16xf32>,
        %get3A_600 = vector.shape_cast %get3A_599 : vector<1x16xf32> to vector<16xf32>
        %max3A_601 = arith.maximumf %max3A_592, %get3A_600 : vector<16xf32>
        %mul3A_602 = arith.constant 16 : i32
        %mul3A_603 = arith.muli %scan3A_87, %mul3A_602 : i32
        %add3A_604 = arith.constant 9 : i32
        %add3A_605 = arith.addi %mul3A_603, %add3A_604 : i32
        %get3A_606 = arith.index_cast %add3A_605 : i32 to index
        %get3A_607 = arith.constant 48 : index
        %get3A_608 = tpu.vector_load %arg6[%get3A_606, %get3A_607] {strides = array<i32>} : memref<512x128xf32, #tpu.memory_space<vmem>>, vector<1x16xf32>,
        %get3A_609 = vector.shape_cast %get3A_608 : vector<1x16xf32> to vector<16xf32>
        %max3A_610 = arith.maximumf %max3A_601, %get3A_609 : vector<16xf32>
        %mul3A_611 = arith.constant 16 : i32
        %mul3A_612 = arith.muli %scan3A_87, %mul3A_611 : i32
        %add3A_613 = arith.constant 10 : i32
        %add3A_614 = arith.addi %mul3A_612, %add3A_613 : i32
        %get3A_615 = arith.index_cast %add3A_614 : i32 to index
        %get3A_616 = arith.constant 48 : index
        %get3A_617 = tpu.vector_load %arg6[%get3A_615, %get3A_616] {strides = array<i32>} : memref<512x128xf32, #tpu.memory_space<vmem>>, vector<1x16xf32>,
        %get3A_618 = vector.shape_cast %get3A_617 : vector<1x16xf32> to vector<16xf32>
        %max3A_619 = arith.maximumf %max3A_610, %get3A_618 : vector<16xf32>
        %mul3A_620 = arith.constant 16 : i32
        %mul3A_621 = arith.muli %scan3A_87, %mul3A_620 : i32
        %add3A_622 = arith.constant 11 : i32
        %add3A_623 = arith.addi %mul3A_621, %add3A_622 : i32
        %get3A_624 = arith.index_cast %add3A_623 : i32 to index
        %get3A_625 = arith.constant 48 : index
        %get3A_626 = tpu.vector_load %arg6[%get3A_624, %get3A_625] {strides = array<i32>} : memref<512x128xf32, #tpu.memory_space<vmem>>, vector<1x16xf32>,
        %get3A_627 = vector.shape_cast %get3A_626 : vector<1x16xf32> to vector<16xf32>
        %max3A_628 = arith.maximumf %max3A_619, %get3A_627 : vector<16xf32>
        %mul3A_629 = arith.constant 16 : i32
        %mul3A_630 = arith.muli %scan3A_87, %mul3A_629 : i32
        %add3A_631 = arith.constant 12 : i32
        %add3A_632 = arith.addi %mul3A_630, %add3A_631 : i32
        %get3A_633 = arith.index_cast %add3A_632 : i32 to index
        %get3A_634 = arith.constant 48 : index
        %get3A_635 = tpu.vector_load %arg6[%get3A_633, %get3A_634] {strides = array<i32>} : memref<512x128xf32, #tpu.memory_space<vmem>>, vector<1x16xf32>,
        %get3A_636 = vector.shape_cast %get3A_635 : vector<1x16xf32> to vector<16xf32>
        %max3A_637 = arith.maximumf %max3A_628, %get3A_636 : vector<16xf32>
        %mul3A_638 = arith.constant 16 : i32
        %mul3A_639 = arith.muli %scan3A_87, %mul3A_638 : i32
        %add3A_640 = arith.constant 13 : i32
        %add3A_641 = arith.addi %mul3A_639, %add3A_640 : i32
        %get3A_642 = arith.index_cast %add3A_641 : i32 to index
        %get3A_643 = arith.constant 48 : index
        %get3A_644 = tpu.vector_load %arg6[%get3A_642, %get3A_643] {strides = array<i32>} : memref<512x128xf32, #tpu.memory_space<vmem>>, vector<1x16xf32>,
        %get3A_645 = vector.shape_cast %get3A_644 : vector<1x16xf32> to vector<16xf32>
        %max3A_646 = arith.maximumf %max3A_637, %get3A_645 : vector<16xf32>
        %mul3A_647 = arith.constant 16 : i32
        %mul3A_648 = arith.muli %scan3A_87, %mul3A_647 : i32
        %add3A_649 = arith.constant 14 : i32
        %add3A_650 = arith.addi %mul3A_648, %add3A_649 : i32
        %get3A_651 = arith.index_cast %add3A_650 : i32 to index
        %get3A_652 = arith.constant 48 : index
        %get3A_653 = tpu.vector_load %arg6[%get3A_651, %get3A_652] {strides = array<i32>} : memref<512x128xf32, #tpu.memory_space<vmem>>, vector<1x16xf32>,
        %get3A_654 = vector.shape_cast %get3A_653 : vector<1x16xf32> to vector<16xf32>
        %max3A_655 = arith.maximumf %max3A_646, %get3A_654 : vector<16xf32>
        %mul3A_656 = arith.constant 16 : i32
        %mul3A_657 = arith.muli %scan3A_87, %mul3A_656 : i32
        %add3A_658 = arith.constant 15 : i32
        %add3A_659 = arith.addi %mul3A_657, %add3A_658 : i32
        %get3A_660 = arith.index_cast %add3A_659 : i32 to index
        %get3A_661 = arith.constant 48 : index
        %get3A_662 = tpu.vector_load %arg6[%get3A_660, %get3A_661] {strides = array<i32>} : memref<512x128xf32, #tpu.memory_space<vmem>>, vector<1x16xf32>,
        %get3A_663 = vector.shape_cast %get3A_662 : vector<1x16xf32> to vector<16xf32>
        %max3A_664 = arith.maximumf %max3A_655, %get3A_663 : vector<16xf32>
        %swap3A_665 = arith.index_cast %scan3A_87 : i32 to index
        %swap3A_666 = arith.constant 48 : index
        %swap3A_667 = tpu.vector_load %arg7[%swap3A_665, %swap3A_666] {strides = array<i32>} : memref<32x128xf32, #tpu.memory_space<vmem>>, vector<1x16xf32>,
        %swap3A_668 = vector.shape_cast %swap3A_667 : vector<1x16xf32> to vector<16xf32>
        %swap3A_669 = vector.shape_cast %max3A_664 : vector<16xf32> to vector<1x16xf32>
        tpu.vector_store %arg7[%swap3A_665, %swap3A_666], %swap3A_669 {strides = array<i32>} : memref<32x128xf32, #tpu.memory_space<vmem>>, vector<1x16xf32>,
        %mul3A_670 = arith.constant 16 : i32
        %mul3A_671 = arith.muli %scan3A_87, %mul3A_670 : i32
        %get3A_672 = arith.index_cast %mul3A_671 : i32 to index
        %get3A_673 = arith.constant 64 : index
        %get3A_674 = tpu.vector_load %arg6[%get3A_672, %get3A_673] {strides = array<i32>} : memref<512x128xf32, #tpu.memory_space<vmem>>, vector<1x16xf32>,
        %get3A_675 = vector.shape_cast %get3A_674 : vector<1x16xf32> to vector<16xf32>
        %mul3A_676 = arith.constant 16 : i32
        %mul3A_677 = arith.muli %scan3A_87, %mul3A_676 : i32
        %add3A_678 = arith.constant 1 : i32
        %add3A_679 = arith.addi %mul3A_677, %add3A_678 : i32
        %get3A_680 = arith.index_cast %add3A_679 : i32 to index
        %get3A_681 = arith.constant 64 : index
        %get3A_682 = tpu.vector_load %arg6[%get3A_680, %get3A_681] {strides = array<i32>} : memref<512x128xf32, #tpu.memory_space<vmem>>, vector<1x16xf32>,
        %get3A_683 = vector.shape_cast %get3A_682 : vector<1x16xf32> to vector<16xf32>
        %max3A_684 = arith.maximumf %get3A_675, %get3A_683 : vector<16xf32>
        %mul3A_685 = arith.constant 16 : i32
        %mul3A_686 = arith.muli %scan3A_87, %mul3A_685 : i32
        %add3A_687 = arith.constant 2 : i32
        %add3A_688 = arith.addi %mul3A_686, %add3A_687 : i32
        %get3A_689 = arith.index_cast %add3A_688 : i32 to index
        %get3A_690 = arith.constant 64 : index
        %get3A_691 = tpu.vector_load %arg6[%get3A_689, %get3A_690] {strides = array<i32>} : memref<512x128xf32, #tpu.memory_space<vmem>>, vector<1x16xf32>,
        %get3A_692 = vector.shape_cast %get3A_691 : vector<1x16xf32> to vector<16xf32>
        %max3A_693 = arith.maximumf %max3A_684, %get3A_692 : vector<16xf32>
        %mul3A_694 = arith.constant 16 : i32
        %mul3A_695 = arith.muli %scan3A_87, %mul3A_694 : i32
        %add3A_696 = arith.constant 3 : i32
        %add3A_697 = arith.addi %mul3A_695, %add3A_696 : i32
        %get3A_698 = arith.index_cast %add3A_697 : i32 to index
        %get3A_699 = arith.constant 64 : index
        %get3A_700 = tpu.vector_load %arg6[%get3A_698, %get3A_699] {strides = array<i32>} : memref<512x128xf32, #tpu.memory_space<vmem>>, vector<1x16xf32>,
        %get3A_701 = vector.shape_cast %get3A_700 : vector<1x16xf32> to vector<16xf32>
        %max3A_702 = arith.maximumf %max3A_693, %get3A_701 : vector<16xf32>
        %mul3A_703 = arith.constant 16 : i32
        %mul3A_704 = arith.muli %scan3A_87, %mul3A_703 : i32
        %add3A_705 = arith.constant 4 : i32
        %add3A_706 = arith.addi %mul3A_704, %add3A_705 : i32
        %get3A_707 = arith.index_cast %add3A_706 : i32 to index
        %get3A_708 = arith.constant 64 : index
        %get3A_709 = tpu.vector_load %arg6[%get3A_707, %get3A_708] {strides = array<i32>} : memref<512x128xf32, #tpu.memory_space<vmem>>, vector<1x16xf32>,
        %get3A_710 = vector.shape_cast %get3A_709 : vector<1x16xf32> to vector<16xf32>
        %max3A_711 = arith.maximumf %max3A_702, %get3A_710 : vector<16xf32>
        %mul3A_712 = arith.constant 16 : i32
        %mul3A_713 = arith.muli %scan3A_87, %mul3A_712 : i32
        %add3A_714 = arith.constant 5 : i32
        %add3A_715 = arith.addi %mul3A_713, %add3A_714 : i32
        %get3A_716 = arith.index_cast %add3A_715 : i32 to index
        %get3A_717 = arith.constant 64 : index
        %get3A_718 = tpu.vector_load %arg6[%get3A_716, %get3A_717] {strides = array<i32>} : memref<512x128xf32, #tpu.memory_space<vmem>>, vector<1x16xf32>,
        %get3A_719 = vector.shape_cast %get3A_718 : vector<1x16xf32> to vector<16xf32>
        %max3A_720 = arith.maximumf %max3A_711, %get3A_719 : vector<16xf32>
        %mul3A_721 = arith.constant 16 : i32
        %mul3A_722 = arith.muli %scan3A_87, %mul3A_721 : i32
        %add3A_723 = arith.constant 6 : i32
        %add3A_724 = arith.addi %mul3A_722, %add3A_723 : i32
        %get3A_725 = arith.index_cast %add3A_724 : i32 to index
        %get3A_726 = arith.constant 64 : index
        %get3A_727 = tpu.vector_load %arg6[%get3A_725, %get3A_726] {strides = array<i32>} : memref<512x128xf32, #tpu.memory_space<vmem>>, vector<1x16xf32>,
        %get3A_728 = vector.shape_cast %get3A_727 : vector<1x16xf32> to vector<16xf32>
        %max3A_729 = arith.maximumf %max3A_720, %get3A_728 : vector<16xf32>
        %mul3A_730 = arith.constant 16 : i32
        %mul3A_731 = arith.muli %scan3A_87, %mul3A_730 : i32
        %add3A_732 = arith.constant 7 : i32
        %add3A_733 = arith.addi %mul3A_731, %add3A_732 : i32
        %get3A_734 = arith.index_cast %add3A_733 : i32 to index
        %get3A_735 = arith.constant 64 : index
        %get3A_736 = tpu.vector_load %arg6[%get3A_734, %get3A_735] {strides = array<i32>} : memref<512x128xf32, #tpu.memory_space<vmem>>, vector<1x16xf32>,
        %get3A_737 = vector.shape_cast %get3A_736 : vector<1x16xf32> to vector<16xf32>
        %max3A_738 = arith.maximumf %max3A_729, %get3A_737 : vector<16xf32>
        %mul3A_739 = arith.constant 16 : i32
        %mul3A_740 = arith.muli %scan3A_87, %mul3A_739 : i32
        %add3A_741 = arith.constant 8 : i32
        %add3A_742 = arith.addi %mul3A_740, %add3A_741 : i32
        %get3A_743 = arith.index_cast %add3A_742 : i32 to index
        %get3A_744 = arith.constant 64 : index
        %get3A_745 = tpu.vector_load %arg6[%get3A_743, %get3A_744] {strides = array<i32>} : memref<512x128xf32, #tpu.memory_space<vmem>>, vector<1x16xf32>,
        %get3A_746 = vector.shape_cast %get3A_745 : vector<1x16xf32> to vector<16xf32>
        %max3A_747 = arith.maximumf %max3A_738, %get3A_746 : vector<16xf32>
        %mul3A_748 = arith.constant 16 : i32
        %mul3A_749 = arith.muli %scan3A_87, %mul3A_748 : i32
        %add3A_750 = arith.constant 9 : i32
        %add3A_751 = arith.addi %mul3A_749, %add3A_750 : i32
        %get3A_752 = arith.index_cast %add3A_751 : i32 to index
        %get3A_753 = arith.constant 64 : index
        %get3A_754 = tpu.vector_load %arg6[%get3A_752, %get3A_753] {strides = array<i32>} : memref<512x128xf32, #tpu.memory_space<vmem>>, vector<1x16xf32>,
        %get3A_755 = vector.shape_cast %get3A_754 : vector<1x16xf32> to vector<16xf32>
        %max3A_756 = arith.maximumf %max3A_747, %get3A_755 : vector<16xf32>
        %mul3A_757 = arith.constant 16 : i32
        %mul3A_758 = arith.muli %scan3A_87, %mul3A_757 : i32
        %add3A_759 = arith.constant 10 : i32
        %add3A_760 = arith.addi %mul3A_758, %add3A_759 : i32
        %get3A_761 = arith.index_cast %add3A_760 : i32 to index
        %get3A_762 = arith.constant 64 : index
        %get3A_763 = tpu.vector_load %arg6[%get3A_761, %get3A_762] {strides = array<i32>} : memref<512x128xf32, #tpu.memory_space<vmem>>, vector<1x16xf32>,
        %get3A_764 = vector.shape_cast %get3A_763 : vector<1x16xf32> to vector<16xf32>
        %max3A_765 = arith.maximumf %max3A_756, %get3A_764 : vector<16xf32>
        %mul3A_766 = arith.constant 16 : i32
        %mul3A_767 = arith.muli %scan3A_87, %mul3A_766 : i32
        %add3A_768 = arith.constant 11 : i32
        %add3A_769 = arith.addi %mul3A_767, %add3A_768 : i32
        %get3A_770 = arith.index_cast %add3A_769 : i32 to index
        %get3A_771 = arith.constant 64 : index
        %get3A_772 = tpu.vector_load %arg6[%get3A_770, %get3A_771] {strides = array<i32>} : memref<512x128xf32, #tpu.memory_space<vmem>>, vector<1x16xf32>,
        %get3A_773 = vector.shape_cast %get3A_772 : vector<1x16xf32> to vector<16xf32>
        %max3A_774 = arith.maximumf %max3A_765, %get3A_773 : vector<16xf32>
        %mul3A_775 = arith.constant 16 : i32
        %mul3A_776 = arith.muli %scan3A_87, %mul3A_775 : i32
        %add3A_777 = arith.constant 12 : i32
        %add3A_778 = arith.addi %mul3A_776, %add3A_777 : i32
        %get3A_779 = arith.index_cast %add3A_778 : i32 to index
        %get3A_780 = arith.constant 64 : index
        %get3A_781 = tpu.vector_load %arg6[%get3A_779, %get3A_780] {strides = array<i32>} : memref<512x128xf32, #tpu.memory_space<vmem>>, vector<1x16xf32>,
        %get3A_782 = vector.shape_cast %get3A_781 : vector<1x16xf32> to vector<16xf32>
        %max3A_783 = arith.maximumf %max3A_774, %get3A_782 : vector<16xf32>
        %mul3A_784 = arith.constant 16 : i32
        %mul3A_785 = arith.muli %scan3A_87, %mul3A_784 : i32
        %add3A_786 = arith.constant 13 : i32
        %add3A_787 = arith.addi %mul3A_785, %add3A_786 : i32
        %get3A_788 = arith.index_cast %add3A_787 : i32 to index
        %get3A_789 = arith.constant 64 : index
        %get3A_790 = tpu.vector_load %arg6[%get3A_788, %get3A_789] {strides = array<i32>} : memref<512x128xf32, #tpu.memory_space<vmem>>, vector<1x16xf32>,
        %get3A_791 = vector.shape_cast %get3A_790 : vector<1x16xf32> to vector<16xf32>
        %max3A_792 = arith.maximumf %max3A_783, %get3A_791 : vector<16xf32>
        %mul3A_793 = arith.constant 16 : i32
        %mul3A_794 = arith.muli %scan3A_87, %mul3A_793 : i32
        %add3A_795 = arith.constant 14 : i32
        %add3A_796 = arith.addi %mul3A_794, %add3A_795 : i32
        %get3A_797 = arith.index_cast %add3A_796 : i32 to index
        %get3A_798 = arith.constant 64 : index
        %get3A_799 = tpu.vector_load %arg6[%get3A_797, %get3A_798] {strides = array<i32>} : memref<512x128xf32, #tpu.memory_space<vmem>>, vector<1x16xf32>,
        %get3A_800 = vector.shape_cast %get3A_799 : vector<1x16xf32> to vector<16xf32>
        %max3A_801 = arith.maximumf %max3A_792, %get3A_800 : vector<16xf32>
        %mul3A_802 = arith.constant 16 : i32
        %mul3A_803 = arith.muli %scan3A_87, %mul3A_802 : i32
        %add3A_804 = arith.constant 15 : i32
        %add3A_805 = arith.addi %mul3A_803, %add3A_804 : i32
        %get3A_806 = arith.index_cast %add3A_805 : i32 to index
        %get3A_807 = arith.constant 64 : index
        %get3A_808 = tpu.vector_load %arg6[%get3A_806, %get3A_807] {strides = array<i32>} : memref<512x128xf32, #tpu.memory_space<vmem>>, vector<1x16xf32>,
        %get3A_809 = vector.shape_cast %get3A_808 : vector<1x16xf32> to vector<16xf32>
        %max3A_810 = arith.maximumf %max3A_801, %get3A_809 : vector<16xf32>
        %swap3A_811 = arith.index_cast %scan3A_87 : i32 to index
        %swap3A_812 = arith.constant 64 : index
        %swap3A_813 = tpu.vector_load %arg7[%swap3A_811, %swap3A_812] {strides = array<i32>} : memref<32x128xf32, #tpu.memory_space<vmem>>, vector<1x16xf32>,
        %swap3A_814 = vector.shape_cast %swap3A_813 : vector<1x16xf32> to vector<16xf32>
        %swap3A_815 = vector.shape_cast %max3A_810 : vector<16xf32> to vector<1x16xf32>
        tpu.vector_store %arg7[%swap3A_811, %swap3A_812], %swap3A_815 {strides = array<i32>} : memref<32x128xf32, #tpu.memory_space<vmem>>, vector<1x16xf32>,
        %mul3A_816 = arith.constant 16 : i32
        %mul3A_817 = arith.muli %scan3A_87, %mul3A_816 : i32
        %get3A_818 = arith.index_cast %mul3A_817 : i32 to index
        %get3A_819 = arith.constant 80 : index
        %get3A_820 = tpu.vector_load %arg6[%get3A_818, %get3A_819] {strides = array<i32>} : memref<512x128xf32, #tpu.memory_space<vmem>>, vector<1x16xf32>,
        %get3A_821 = vector.shape_cast %get3A_820 : vector<1x16xf32> to vector<16xf32>
        %mul3A_822 = arith.constant 16 : i32
        %mul3A_823 = arith.muli %scan3A_87, %mul3A_822 : i32
        %add3A_824 = arith.constant 1 : i32
        %add3A_825 = arith.addi %mul3A_823, %add3A_824 : i32
        %get3A_826 = arith.index_cast %add3A_825 : i32 to index
        %get3A_827 = arith.constant 80 : index
        %get3A_828 = tpu.vector_load %arg6[%get3A_826, %get3A_827] {strides = array<i32>} : memref<512x128xf32, #tpu.memory_space<vmem>>, vector<1x16xf32>,
        %get3A_829 = vector.shape_cast %get3A_828 : vector<1x16xf32> to vector<16xf32>
        %max3A_830 = arith.maximumf %get3A_821, %get3A_829 : vector<16xf32>
        %mul3A_831 = arith.constant 16 : i32
        %mul3A_832 = arith.muli %scan3A_87, %mul3A_831 : i32
        %add3A_833 = arith.constant 2 : i32
        %add3A_834 = arith.addi %mul3A_832, %add3A_833 : i32
        %get3A_835 = arith.index_cast %add3A_834 : i32 to index
        %get3A_836 = arith.constant 80 : index
        %get3A_837 = tpu.vector_load %arg6[%get3A_835, %get3A_836] {strides = array<i32>} : memref<512x128xf32, #tpu.memory_space<vmem>>, vector<1x16xf32>,
        %get3A_838 = vector.shape_cast %get3A_837 : vector<1x16xf32> to vector<16xf32>
        %max3A_839 = arith.maximumf %max3A_830, %get3A_838 : vector<16xf32>
        %mul3A_840 = arith.constant 16 : i32
        %mul3A_841 = arith.muli %scan3A_87, %mul3A_840 : i32
        %add3A_842 = arith.constant 3 : i32
        %add3A_843 = arith.addi %mul3A_841, %add3A_842 : i32
        %get3A_844 = arith.index_cast %add3A_843 : i32 to index
        %get3A_845 = arith.constant 80 : index
        %get3A_846 = tpu.vector_load %arg6[%get3A_844, %get3A_845] {strides = array<i32>} : memref<512x128xf32, #tpu.memory_space<vmem>>, vector<1x16xf32>,
        %get3A_847 = vector.shape_cast %get3A_846 : vector<1x16xf32> to vector<16xf32>
        %max3A_848 = arith.maximumf %max3A_839, %get3A_847 : vector<16xf32>
        %mul3A_849 = arith.constant 16 : i32
        %mul3A_850 = arith.muli %scan3A_87, %mul3A_849 : i32
        %add3A_851 = arith.constant 4 : i32
        %add3A_852 = arith.addi %mul3A_850, %add3A_851 : i32
        %get3A_853 = arith.index_cast %add3A_852 : i32 to index
        %get3A_854 = arith.constant 80 : index
        %get3A_855 = tpu.vector_load %arg6[%get3A_853, %get3A_854] {strides = array<i32>} : memref<512x128xf32, #tpu.memory_space<vmem>>, vector<1x16xf32>,
        %get3A_856 = vector.shape_cast %get3A_855 : vector<1x16xf32> to vector<16xf32>
        %max3A_857 = arith.maximumf %max3A_848, %get3A_856 : vector<16xf32>
        %mul3A_858 = arith.constant 16 : i32
        %mul3A_859 = arith.muli %scan3A_87, %mul3A_858 : i32
        %add3A_860 = arith.constant 5 : i32
        %add3A_861 = arith.addi %mul3A_859, %add3A_860 : i32
        %get3A_862 = arith.index_cast %add3A_861 : i32 to index
        %get3A_863 = arith.constant 80 : index
        %get3A_864 = tpu.vector_load %arg6[%get3A_862, %get3A_863] {strides = array<i32>} : memref<512x128xf32, #tpu.memory_space<vmem>>, vector<1x16xf32>,
        %get3A_865 = vector.shape_cast %get3A_864 : vector<1x16xf32> to vector<16xf32>
        %max3A_866 = arith.maximumf %max3A_857, %get3A_865 : vector<16xf32>
        %mul3A_867 = arith.constant 16 : i32
        %mul3A_868 = arith.muli %scan3A_87, %mul3A_867 : i32
        %add3A_869 = arith.constant 6 : i32
        %add3A_870 = arith.addi %mul3A_868, %add3A_869 : i32
        %get3A_871 = arith.index_cast %add3A_870 : i32 to index
        %get3A_872 = arith.constant 80 : index
        %get3A_873 = tpu.vector_load %arg6[%get3A_871, %get3A_872] {strides = array<i32>} : memref<512x128xf32, #tpu.memory_space<vmem>>, vector<1x16xf32>,
        %get3A_874 = vector.shape_cast %get3A_873 : vector<1x16xf32> to vector<16xf32>
        %max3A_875 = arith.maximumf %max3A_866, %get3A_874 : vector<16xf32>
        %mul3A_876 = arith.constant 16 : i32
        %mul3A_877 = arith.muli %scan3A_87, %mul3A_876 : i32
        %add3A_878 = arith.constant 7 : i32
        %add3A_879 = arith.addi %mul3A_877, %add3A_878 : i32
        %get3A_880 = arith.index_cast %add3A_879 : i32 to index
        %get3A_881 = arith.constant 80 : index
        %get3A_882 = tpu.vector_load %arg6[%get3A_880, %get3A_881] {strides = array<i32>} : memref<512x128xf32, #tpu.memory_space<vmem>>, vector<1x16xf32>,
        %get3A_883 = vector.shape_cast %get3A_882 : vector<1x16xf32> to vector<16xf32>
        %max3A_884 = arith.maximumf %max3A_875, %get3A_883 : vector<16xf32>
        %mul3A_885 = arith.constant 16 : i32
        %mul3A_886 = arith.muli %scan3A_87, %mul3A_885 : i32
        %add3A_887 = arith.constant 8 : i32
        %add3A_888 = arith.addi %mul3A_886, %add3A_887 : i32
        %get3A_889 = arith.index_cast %add3A_888 : i32 to index
        %get3A_890 = arith.constant 80 : index
        %get3A_891 = tpu.vector_load %arg6[%get3A_889, %get3A_890] {strides = array<i32>} : memref<512x128xf32, #tpu.memory_space<vmem>>, vector<1x16xf32>,
        %get3A_892 = vector.shape_cast %get3A_891 : vector<1x16xf32> to vector<16xf32>
        %max3A_893 = arith.maximumf %max3A_884, %get3A_892 : vector<16xf32>
        %mul3A_894 = arith.constant 16 : i32
        %mul3A_895 = arith.muli %scan3A_87, %mul3A_894 : i32
        %add3A_896 = arith.constant 9 : i32
        %add3A_897 = arith.addi %mul3A_895, %add3A_896 : i32
        %get3A_898 = arith.index_cast %add3A_897 : i32 to index
        %get3A_899 = arith.constant 80 : index
        %get3A_900 = tpu.vector_load %arg6[%get3A_898, %get3A_899] {strides = array<i32>} : memref<512x128xf32, #tpu.memory_space<vmem>>, vector<1x16xf32>,
        %get3A_901 = vector.shape_cast %get3A_900 : vector<1x16xf32> to vector<16xf32>
        %max3A_902 = arith.maximumf %max3A_893, %get3A_901 : vector<16xf32>
        %mul3A_903 = arith.constant 16 : i32
        %mul3A_904 = arith.muli %scan3A_87, %mul3A_903 : i32
        %add3A_905 = arith.constant 10 : i32
        %add3A_906 = arith.addi %mul3A_904, %add3A_905 : i32
        %get3A_907 = arith.index_cast %add3A_906 : i32 to index
        %get3A_908 = arith.constant 80 : index
        %get3A_909 = tpu.vector_load %arg6[%get3A_907, %get3A_908] {strides = array<i32>} : memref<512x128xf32, #tpu.memory_space<vmem>>, vector<1x16xf32>,
        %get3A_910 = vector.shape_cast %get3A_909 : vector<1x16xf32> to vector<16xf32>
        %max3A_911 = arith.maximumf %max3A_902, %get3A_910 : vector<16xf32>
        %mul3A_912 = arith.constant 16 : i32
        %mul3A_913 = arith.muli %scan3A_87, %mul3A_912 : i32
        %add3A_914 = arith.constant 11 : i32
        %add3A_915 = arith.addi %mul3A_913, %add3A_914 : i32
        %get3A_916 = arith.index_cast %add3A_915 : i32 to index
        %get3A_917 = arith.constant 80 : index
        %get3A_918 = tpu.vector_load %arg6[%get3A_916, %get3A_917] {strides = array<i32>} : memref<512x128xf32, #tpu.memory_space<vmem>>, vector<1x16xf32>,
        %get3A_919 = vector.shape_cast %get3A_918 : vector<1x16xf32> to vector<16xf32>
        %max3A_920 = arith.maximumf %max3A_911, %get3A_919 : vector<16xf32>
        %mul3A_921 = arith.constant 16 : i32
        %mul3A_922 = arith.muli %scan3A_87, %mul3A_921 : i32
        %add3A_923 = arith.constant 12 : i32
        %add3A_924 = arith.addi %mul3A_922, %add3A_923 : i32
        %get3A_925 = arith.index_cast %add3A_924 : i32 to index
        %get3A_926 = arith.constant 80 : index
        %get3A_927 = tpu.vector_load %arg6[%get3A_925, %get3A_926] {strides = array<i32>} : memref<512x128xf32, #tpu.memory_space<vmem>>, vector<1x16xf32>,
        %get3A_928 = vector.shape_cast %get3A_927 : vector<1x16xf32> to vector<16xf32>
        %max3A_929 = arith.maximumf %max3A_920, %get3A_928 : vector<16xf32>
        %mul3A_930 = arith.constant 16 : i32
        %mul3A_931 = arith.muli %scan3A_87, %mul3A_930 : i32
        %add3A_932 = arith.constant 13 : i32
        %add3A_933 = arith.addi %mul3A_931, %add3A_932 : i32
        %get3A_934 = arith.index_cast %add3A_933 : i32 to index
        %get3A_935 = arith.constant 80 : index
        %get3A_936 = tpu.vector_load %arg6[%get3A_934, %get3A_935] {strides = array<i32>} : memref<512x128xf32, #tpu.memory_space<vmem>>, vector<1x16xf32>,
        %get3A_937 = vector.shape_cast %get3A_936 : vector<1x16xf32> to vector<16xf32>
        %max3A_938 = arith.maximumf %max3A_929, %get3A_937 : vector<16xf32>
        %mul3A_939 = arith.constant 16 : i32
        %mul3A_940 = arith.muli %scan3A_87, %mul3A_939 : i32
        %add3A_941 = arith.constant 14 : i32
        %add3A_942 = arith.addi %mul3A_940, %add3A_941 : i32
        %get3A_943 = arith.index_cast %add3A_942 : i32 to index
        %get3A_944 = arith.constant 80 : index
        %get3A_945 = tpu.vector_load %arg6[%get3A_943, %get3A_944] {strides = array<i32>} : memref<512x128xf32, #tpu.memory_space<vmem>>, vector<1x16xf32>,
        %get3A_946 = vector.shape_cast %get3A_945 : vector<1x16xf32> to vector<16xf32>
        %max3A_947 = arith.maximumf %max3A_938, %get3A_946 : vector<16xf32>
        %mul3A_948 = arith.constant 16 : i32
        %mul3A_949 = arith.muli %scan3A_87, %mul3A_948 : i32
        %add3A_950 = arith.constant 15 : i32
        %add3A_951 = arith.addi %mul3A_949, %add3A_950 : i32
        %get3A_952 = arith.index_cast %add3A_951 : i32 to index
        %get3A_953 = arith.constant 80 : index
        %get3A_954 = tpu.vector_load %arg6[%get3A_952, %get3A_953] {strides = array<i32>} : memref<512x128xf32, #tpu.memory_space<vmem>>, vector<1x16xf32>,
        %get3A_955 = vector.shape_cast %get3A_954 : vector<1x16xf32> to vector<16xf32>
        %max3A_956 = arith.maximumf %max3A_947, %get3A_955 : vector<16xf32>
        %swap3A_957 = arith.index_cast %scan3A_87 : i32 to index
        %swap3A_958 = arith.constant 80 : index
        %swap3A_959 = tpu.vector_load %arg7[%swap3A_957, %swap3A_958] {strides = array<i32>} : memref<32x128xf32, #tpu.memory_space<vmem>>, vector<1x16xf32>,
        %swap3A_960 = vector.shape_cast %swap3A_959 : vector<1x16xf32> to vector<16xf32>
        %swap3A_961 = vector.shape_cast %max3A_956 : vector<16xf32> to vector<1x16xf32>
        tpu.vector_store %arg7[%swap3A_957, %swap3A_958], %swap3A_961 {strides = array<i32>} : memref<32x128xf32, #tpu.memory_space<vmem>>, vector<1x16xf32>,
        %mul3A_962 = arith.constant 16 : i32
        %mul3A_963 = arith.muli %scan3A_87, %mul3A_962 : i32
        %get3A_964 = arith.index_cast %mul3A_963 : i32 to index
        %get3A_965 = arith.constant 96 : index
        %get3A_966 = tpu.vector_load %arg6[%get3A_964, %get3A_965] {strides = array<i32>} : memref<512x128xf32, #tpu.memory_space<vmem>>, vector<1x16xf32>,
        %get3A_967 = vector.shape_cast %get3A_966 : vector<1x16xf32> to vector<16xf32>
        %mul3A_968 = arith.constant 16 : i32
        %mul3A_969 = arith.muli %scan3A_87, %mul3A_968 : i32
        %add3A_970 = arith.constant 1 : i32
        %add3A_971 = arith.addi %mul3A_969, %add3A_970 : i32
        %get3A_972 = arith.index_cast %add3A_971 : i32 to index
        %get3A_973 = arith.constant 96 : index
        %get3A_974 = tpu.vector_load %arg6[%get3A_972, %get3A_973] {strides = array<i32>} : memref<512x128xf32, #tpu.memory_space<vmem>>, vector<1x16xf32>,
        %get3A_975 = vector.shape_cast %get3A_974 : vector<1x16xf32> to vector<16xf32>
        %max3A_976 = arith.maximumf %get3A_967, %get3A_975 : vector<16xf32>
        %mul3A_977 = arith.constant 16 : i32
        %mul3A_978 = arith.muli %scan3A_87, %mul3A_977 : i32
        %add3A_979 = arith.constant 2 : i32
        %add3A_980 = arith.addi %mul3A_978, %add3A_979 : i32
        %get3A_981 = arith.index_cast %add3A_980 : i32 to index
        %get3A_982 = arith.constant 96 : index
        %get3A_983 = tpu.vector_load %arg6[%get3A_981, %get3A_982] {strides = array<i32>} : memref<512x128xf32, #tpu.memory_space<vmem>>, vector<1x16xf32>,
        %get3A_984 = vector.shape_cast %get3A_983 : vector<1x16xf32> to vector<16xf32>
        %max3A_985 = arith.maximumf %max3A_976, %get3A_984 : vector<16xf32>
        %mul3A_986 = arith.constant 16 : i32
        %mul3A_987 = arith.muli %scan3A_87, %mul3A_986 : i32
        %add3A_988 = arith.constant 3 : i32
        %add3A_989 = arith.addi %mul3A_987, %add3A_988 : i32
        %get3A_990 = arith.index_cast %add3A_989 : i32 to index
        %get3A_991 = arith.constant 96 : index
        %get3A_992 = tpu.vector_load %arg6[%get3A_990, %get3A_991] {strides = array<i32>} : memref<512x128xf32, #tpu.memory_space<vmem>>, vector<1x16xf32>,
        %get3A_993 = vector.shape_cast %get3A_992 : vector<1x16xf32> to vector<16xf32>
        %max3A_994 = arith.maximumf %max3A_985, %get3A_993 : vector<16xf32>
        %mul3A_995 = arith.constant 16 : i32
        %mul3A_996 = arith.muli %scan3A_87, %mul3A_995 : i32
        %add3A_997 = arith.constant 4 : i32
        %add3A_998 = arith.addi %mul3A_996, %add3A_997 : i32
        %get3A_999 = arith.index_cast %add3A_998 : i32 to index
        %get3A_1000 = arith.constant 96 : index
        %get3A_1001 = tpu.vector_load %arg6[%get3A_999, %get3A_1000] {strides = array<i32>} : memref<512x128xf32, #tpu.memory_space<vmem>>, vector<1x16xf32>,
        %get3A_1002 = vector.shape_cast %get3A_1001 : vector<1x16xf32> to vector<16xf32>
        %max3A_1003 = arith.maximumf %max3A_994, %get3A_1002 : vector<16xf32>
        %mul3A_1004 = arith.constant 16 : i32
        %mul3A_1005 = arith.muli %scan3A_87, %mul3A_1004 : i32
        %add3A_1006 = arith.constant 5 : i32
        %add3A_1007 = arith.addi %mul3A_1005, %add3A_1006 : i32
        %get3A_1008 = arith.index_cast %add3A_1007 : i32 to index
        %get3A_1009 = arith.constant 96 : index
        %get3A_1010 = tpu.vector_load %arg6[%get3A_1008, %get3A_1009] {strides = array<i32>} : memref<512x128xf32, #tpu.memory_space<vmem>>, vector<1x16xf32>,
        %get3A_1011 = vector.shape_cast %get3A_1010 : vector<1x16xf32> to vector<16xf32>
        %max3A_1012 = arith.maximumf %max3A_1003, %get3A_1011 : vector<16xf32>
        %mul3A_1013 = arith.constant 16 : i32
        %mul3A_1014 = arith.muli %scan3A_87, %mul3A_1013 : i32
        %add3A_1015 = arith.constant 6 : i32
        %add3A_1016 = arith.addi %mul3A_1014, %add3A_1015 : i32
        %get3A_1017 = arith.index_cast %add3A_1016 : i32 to index
        %get3A_1018 = arith.constant 96 : index
        %get3A_1019 = tpu.vector_load %arg6[%get3A_1017, %get3A_1018] {strides = array<i32>} : memref<512x128xf32, #tpu.memory_space<vmem>>, vector<1x16xf32>,
        %get3A_1020 = vector.shape_cast %get3A_1019 : vector<1x16xf32> to vector<16xf32>
        %max3A_1021 = arith.maximumf %max3A_1012, %get3A_1020 : vector<16xf32>
        %mul3A_1022 = arith.constant 16 : i32
        %mul3A_1023 = arith.muli %scan3A_87, %mul3A_1022 : i32
        %add3A_1024 = arith.constant 7 : i32
        %add3A_1025 = arith.addi %mul3A_1023, %add3A_1024 : i32
        %get3A_1026 = arith.index_cast %add3A_1025 : i32 to index
        %get3A_1027 = arith.constant 96 : index
        %get3A_1028 = tpu.vector_load %arg6[%get3A_1026, %get3A_1027] {strides = array<i32>} : memref<512x128xf32, #tpu.memory_space<vmem>>, vector<1x16xf32>,
        %get3A_1029 = vector.shape_cast %get3A_1028 : vector<1x16xf32> to vector<16xf32>
        %max3A_1030 = arith.maximumf %max3A_1021, %get3A_1029 : vector<16xf32>
        %mul3A_1031 = arith.constant 16 : i32
        %mul3A_1032 = arith.muli %scan3A_87, %mul3A_1031 : i32
        %add3A_1033 = arith.constant 8 : i32
        %add3A_1034 = arith.addi %mul3A_1032, %add3A_1033 : i32
        %get3A_1035 = arith.index_cast %add3A_1034 : i32 to index
        %get3A_1036 = arith.constant 96 : index
        %get3A_1037 = tpu.vector_load %arg6[%get3A_1035, %get3A_1036] {strides = array<i32>} : memref<512x128xf32, #tpu.memory_space<vmem>>, vector<1x16xf32>,
        %get3A_1038 = vector.shape_cast %get3A_1037 : vector<1x16xf32> to vector<16xf32>
        %max3A_1039 = arith.maximumf %max3A_1030, %get3A_1038 : vector<16xf32>
        %mul3A_1040 = arith.constant 16 : i32
        %mul3A_1041 = arith.muli %scan3A_87, %mul3A_1040 : i32
        %add3A_1042 = arith.constant 9 : i32
        %add3A_1043 = arith.addi %mul3A_1041, %add3A_1042 : i32
        %get3A_1044 = arith.index_cast %add3A_1043 : i32 to index
        %get3A_1045 = arith.constant 96 : index
        %get3A_1046 = tpu.vector_load %arg6[%get3A_1044, %get3A_1045] {strides = array<i32>} : memref<512x128xf32, #tpu.memory_space<vmem>>, vector<1x16xf32>,
        %get3A_1047 = vector.shape_cast %get3A_1046 : vector<1x16xf32> to vector<16xf32>
        %max3A_1048 = arith.maximumf %max3A_1039, %get3A_1047 : vector<16xf32>
        %mul3A_1049 = arith.constant 16 : i32
        %mul3A_1050 = arith.muli %scan3A_87, %mul3A_1049 : i32
        %add3A_1051 = arith.constant 10 : i32
        %add3A_1052 = arith.addi %mul3A_1050, %add3A_1051 : i32
        %get3A_1053 = arith.index_cast %add3A_1052 : i32 to index
        %get3A_1054 = arith.constant 96 : index
        %get3A_1055 = tpu.vector_load %arg6[%get3A_1053, %get3A_1054] {strides = array<i32>} : memref<512x128xf32, #tpu.memory_space<vmem>>, vector<1x16xf32>,
        %get3A_1056 = vector.shape_cast %get3A_1055 : vector<1x16xf32> to vector<16xf32>
        %max3A_1057 = arith.maximumf %max3A_1048, %get3A_1056 : vector<16xf32>
        %mul3A_1058 = arith.constant 16 : i32
        %mul3A_1059 = arith.muli %scan3A_87, %mul3A_1058 : i32
        %add3A_1060 = arith.constant 11 : i32
        %add3A_1061 = arith.addi %mul3A_1059, %add3A_1060 : i32
        %get3A_1062 = arith.index_cast %add3A_1061 : i32 to index
        %get3A_1063 = arith.constant 96 : index
        %get3A_1064 = tpu.vector_load %arg6[%get3A_1062, %get3A_1063] {strides = array<i32>} : memref<512x128xf32, #tpu.memory_space<vmem>>, vector<1x16xf32>,
        %get3A_1065 = vector.shape_cast %get3A_1064 : vector<1x16xf32> to vector<16xf32>
        %max3A_1066 = arith.maximumf %max3A_1057, %get3A_1065 : vector<16xf32>
        %mul3A_1067 = arith.constant 16 : i32
        %mul3A_1068 = arith.muli %scan3A_87, %mul3A_1067 : i32
        %add3A_1069 = arith.constant 12 : i32
        %add3A_1070 = arith.addi %mul3A_1068, %add3A_1069 : i32
        %get3A_1071 = arith.index_cast %add3A_1070 : i32 to index
        %get3A_1072 = arith.constant 96 : index
        %get3A_1073 = tpu.vector_load %arg6[%get3A_1071, %get3A_1072] {strides = array<i32>} : memref<512x128xf32, #tpu.memory_space<vmem>>, vector<1x16xf32>,
        %get3A_1074 = vector.shape_cast %get3A_1073 : vector<1x16xf32> to vector<16xf32>
        %max3A_1075 = arith.maximumf %max3A_1066, %get3A_1074 : vector<16xf32>
        %mul3A_1076 = arith.constant 16 : i32
        %mul3A_1077 = arith.muli %scan3A_87, %mul3A_1076 : i32
        %add3A_1078 = arith.constant 13 : i32
        %add3A_1079 = arith.addi %mul3A_1077, %add3A_1078 : i32
        %get3A_1080 = arith.index_cast %add3A_1079 : i32 to index
        %get3A_1081 = arith.constant 96 : index
        %get3A_1082 = tpu.vector_load %arg6[%get3A_1080, %get3A_1081] {strides = array<i32>} : memref<512x128xf32, #tpu.memory_space<vmem>>, vector<1x16xf32>,
        %get3A_1083 = vector.shape_cast %get3A_1082 : vector<1x16xf32> to vector<16xf32>
        %max3A_1084 = arith.maximumf %max3A_1075, %get3A_1083 : vector<16xf32>
        %mul3A_1085 = arith.constant 16 : i32
        %mul3A_1086 = arith.muli %scan3A_87, %mul3A_1085 : i32
        %add3A_1087 = arith.constant 14 : i32
        %add3A_1088 = arith.addi %mul3A_1086, %add3A_1087 : i32
        %get3A_1089 = arith.index_cast %add3A_1088 : i32 to index
        %get3A_1090 = arith.constant 96 : index
        %get3A_1091 = tpu.vector_load %arg6[%get3A_1089, %get3A_1090] {strides = array<i32>} : memref<512x128xf32, #tpu.memory_space<vmem>>, vector<1x16xf32>,
        %get3A_1092 = vector.shape_cast %get3A_1091 : vector<1x16xf32> to vector<16xf32>
        %max3A_1093 = arith.maximumf %max3A_1084, %get3A_1092 : vector<16xf32>
        %mul3A_1094 = arith.constant 16 : i32
        %mul3A_1095 = arith.muli %scan3A_87, %mul3A_1094 : i32
        %add3A_1096 = arith.constant 15 : i32
        %add3A_1097 = arith.addi %mul3A_1095, %add3A_1096 : i32
        %get3A_1098 = arith.index_cast %add3A_1097 : i32 to index
        %get3A_1099 = arith.constant 96 : index
        %get3A_1100 = tpu.vector_load %arg6[%get3A_1098, %get3A_1099] {strides = array<i32>} : memref<512x128xf32, #tpu.memory_space<vmem>>, vector<1x16xf32>,
        %get3A_1101 = vector.shape_cast %get3A_1100 : vector<1x16xf32> to vector<16xf32>
        %max3A_1102 = arith.maximumf %max3A_1093, %get3A_1101 : vector<16xf32>
        %swap3A_1103 = arith.index_cast %scan3A_87 : i32 to index
        %swap3A_1104 = arith.constant 96 : index
        %swap3A_1105 = tpu.vector_load %arg7[%swap3A_1103, %swap3A_1104] {strides = array<i32>} : memref<32x128xf32, #tpu.memory_space<vmem>>, vector<1x16xf32>,
        %swap3A_1106 = vector.shape_cast %swap3A_1105 : vector<1x16xf32> to vector<16xf32>
        %swap3A_1107 = vector.shape_cast %max3A_1102 : vector<16xf32> to vector<1x16xf32>
        tpu.vector_store %arg7[%swap3A_1103, %swap3A_1104], %swap3A_1107 {strides = array<i32>} : memref<32x128xf32, #tpu.memory_space<vmem>>, vector<1x16xf32>,
        %mul3A_1108 = arith.constant 16 : i32
        %mul3A_1109 = arith.muli %scan3A_87, %mul3A_1108 : i32
        %get3A_1110 = arith.index_cast %mul3A_1109 : i32 to index
        %get3A_1111 = arith.constant 112 : index
        %get3A_1112 = tpu.vector_load %arg6[%get3A_1110, %get3A_1111] {strides = array<i32>} : memref<512x128xf32, #tpu.memory_space<vmem>>, vector<1x16xf32>,
        %get3A_1113 = vector.shape_cast %get3A_1112 : vector<1x16xf32> to vector<16xf32>
        %mul3A_1114 = arith.constant 16 : i32
        %mul3A_1115 = arith.muli %scan3A_87, %mul3A_1114 : i32
        %add3A_1116 = arith.constant 1 : i32
        %add3A_1117 = arith.addi %mul3A_1115, %add3A_1116 : i32
        %get3A_1118 = arith.index_cast %add3A_1117 : i32 to index
        %get3A_1119 = arith.constant 112 : index
        %get3A_1120 = tpu.vector_load %arg6[%get3A_1118, %get3A_1119] {strides = array<i32>} : memref<512x128xf32, #tpu.memory_space<vmem>>, vector<1x16xf32>,
        %get3A_1121 = vector.shape_cast %get3A_1120 : vector<1x16xf32> to vector<16xf32>
        %max3A_1122 = arith.maximumf %get3A_1113, %get3A_1121 : vector<16xf32>
        %mul3A_1123 = arith.constant 16 : i32
        %mul3A_1124 = arith.muli %scan3A_87, %mul3A_1123 : i32
        %add3A_1125 = arith.constant 2 : i32
        %add3A_1126 = arith.addi %mul3A_1124, %add3A_1125 : i32
        %get3A_1127 = arith.index_cast %add3A_1126 : i32 to index
        %get3A_1128 = arith.constant 112 : index
        %get3A_1129 = tpu.vector_load %arg6[%get3A_1127, %get3A_1128] {strides = array<i32>} : memref<512x128xf32, #tpu.memory_space<vmem>>, vector<1x16xf32>,
        %get3A_1130 = vector.shape_cast %get3A_1129 : vector<1x16xf32> to vector<16xf32>
        %max3A_1131 = arith.maximumf %max3A_1122, %get3A_1130 : vector<16xf32>
        %mul3A_1132 = arith.constant 16 : i32
        %mul3A_1133 = arith.muli %scan3A_87, %mul3A_1132 : i32
        %add3A_1134 = arith.constant 3 : i32
        %add3A_1135 = arith.addi %mul3A_1133, %add3A_1134 : i32
        %get3A_1136 = arith.index_cast %add3A_1135 : i32 to index
        %get3A_1137 = arith.constant 112 : index
        %get3A_1138 = tpu.vector_load %arg6[%get3A_1136, %get3A_1137] {strides = array<i32>} : memref<512x128xf32, #tpu.memory_space<vmem>>, vector<1x16xf32>,
        %get3A_1139 = vector.shape_cast %get3A_1138 : vector<1x16xf32> to vector<16xf32>
        %max3A_1140 = arith.maximumf %max3A_1131, %get3A_1139 : vector<16xf32>
        %mul3A_1141 = arith.constant 16 : i32
        %mul3A_1142 = arith.muli %scan3A_87, %mul3A_1141 : i32
        %add3A_1143 = arith.constant 4 : i32
        %add3A_1144 = arith.addi %mul3A_1142, %add3A_1143 : i32
        %get3A_1145 = arith.index_cast %add3A_1144 : i32 to index
        %get3A_1146 = arith.constant 112 : index
        %get3A_1147 = tpu.vector_load %arg6[%get3A_1145, %get3A_1146] {strides = array<i32>} : memref<512x128xf32, #tpu.memory_space<vmem>>, vector<1x16xf32>,
        %get3A_1148 = vector.shape_cast %get3A_1147 : vector<1x16xf32> to vector<16xf32>
        %max3A_1149 = arith.maximumf %max3A_1140, %get3A_1148 : vector<16xf32>
        %mul3A_1150 = arith.constant 16 : i32
        %mul3A_1151 = arith.muli %scan3A_87, %mul3A_1150 : i32
        %add3A_1152 = arith.constant 5 : i32
        %add3A_1153 = arith.addi %mul3A_1151, %add3A_1152 : i32
        %get3A_1154 = arith.index_cast %add3A_1153 : i32 to index
        %get3A_1155 = arith.constant 112 : index
        %get3A_1156 = tpu.vector_load %arg6[%get3A_1154, %get3A_1155] {strides = array<i32>} : memref<512x128xf32, #tpu.memory_space<vmem>>, vector<1x16xf32>,
        %get3A_1157 = vector.shape_cast %get3A_1156 : vector<1x16xf32> to vector<16xf32>
        %max3A_1158 = arith.maximumf %max3A_1149, %get3A_1157 : vector<16xf32>
        %mul3A_1159 = arith.constant 16 : i32
        %mul3A_1160 = arith.muli %scan3A_87, %mul3A_1159 : i32
        %add3A_1161 = arith.constant 6 : i32
        %add3A_1162 = arith.addi %mul3A_1160, %add3A_1161 : i32
        %get3A_1163 = arith.index_cast %add3A_1162 : i32 to index
        %get3A_1164 = arith.constant 112 : index
        %get3A_1165 = tpu.vector_load %arg6[%get3A_1163, %get3A_1164] {strides = array<i32>} : memref<512x128xf32, #tpu.memory_space<vmem>>, vector<1x16xf32>,
        %get3A_1166 = vector.shape_cast %get3A_1165 : vector<1x16xf32> to vector<16xf32>
        %max3A_1167 = arith.maximumf %max3A_1158, %get3A_1166 : vector<16xf32>
        %mul3A_1168 = arith.constant 16 : i32
        %mul3A_1169 = arith.muli %scan3A_87, %mul3A_1168 : i32
        %add3A_1170 = arith.constant 7 : i32
        %add3A_1171 = arith.addi %mul3A_1169, %add3A_1170 : i32
        %get3A_1172 = arith.index_cast %add3A_1171 : i32 to index
        %get3A_1173 = arith.constant 112 : index
        %get3A_1174 = tpu.vector_load %arg6[%get3A_1172, %get3A_1173] {strides = array<i32>} : memref<512x128xf32, #tpu.memory_space<vmem>>, vector<1x16xf32>,
        %get3A_1175 = vector.shape_cast %get3A_1174 : vector<1x16xf32> to vector<16xf32>
        %max3A_1176 = arith.maximumf %max3A_1167, %get3A_1175 : vector<16xf32>
        %mul3A_1177 = arith.constant 16 : i32
        %mul3A_1178 = arith.muli %scan3A_87, %mul3A_1177 : i32
        %add3A_1179 = arith.constant 8 : i32
        %add3A_1180 = arith.addi %mul3A_1178, %add3A_1179 : i32
        %get3A_1181 = arith.index_cast %add3A_1180 : i32 to index
        %get3A_1182 = arith.constant 112 : index
        %get3A_1183 = tpu.vector_load %arg6[%get3A_1181, %get3A_1182] {strides = array<i32>} : memref<512x128xf32, #tpu.memory_space<vmem>>, vector<1x16xf32>,
        %get3A_1184 = vector.shape_cast %get3A_1183 : vector<1x16xf32> to vector<16xf32>
        %max3A_1185 = arith.maximumf %max3A_1176, %get3A_1184 : vector<16xf32>
        %mul3A_1186 = arith.constant 16 : i32
        %mul3A_1187 = arith.muli %scan3A_87, %mul3A_1186 : i32
        %add3A_1188 = arith.constant 9 : i32
        %add3A_1189 = arith.addi %mul3A_1187, %add3A_1188 : i32
        %get3A_1190 = arith.index_cast %add3A_1189 : i32 to index
        %get3A_1191 = arith.constant 112 : index
        %get3A_1192 = tpu.vector_load %arg6[%get3A_1190, %get3A_1191] {strides = array<i32>} : memref<512x128xf32, #tpu.memory_space<vmem>>, vector<1x16xf32>,
        %get3A_1193 = vector.shape_cast %get3A_1192 : vector<1x16xf32> to vector<16xf32>
        %max3A_1194 = arith.maximumf %max3A_1185, %get3A_1193 : vector<16xf32>
        %mul3A_1195 = arith.constant 16 : i32
        %mul3A_1196 = arith.muli %scan3A_87, %mul3A_1195 : i32
        %add3A_1197 = arith.constant 10 : i32
        %add3A_1198 = arith.addi %mul3A_1196, %add3A_1197 : i32
        %get3A_1199 = arith.index_cast %add3A_1198 : i32 to index
        %get3A_1200 = arith.constant 112 : index
        %get3A_1201 = tpu.vector_load %arg6[%get3A_1199, %get3A_1200] {strides = array<i32>} : memref<512x128xf32, #tpu.memory_space<vmem>>, vector<1x16xf32>,
        %get3A_1202 = vector.shape_cast %get3A_1201 : vector<1x16xf32> to vector<16xf32>
        %max3A_1203 = arith.maximumf %max3A_1194, %get3A_1202 : vector<16xf32>
        %mul3A_1204 = arith.constant 16 : i32
        %mul3A_1205 = arith.muli %scan3A_87, %mul3A_1204 : i32
        %add3A_1206 = arith.constant 11 : i32
        %add3A_1207 = arith.addi %mul3A_1205, %add3A_1206 : i32
        %get3A_1208 = arith.index_cast %add3A_1207 : i32 to index
        %get3A_1209 = arith.constant 112 : index
        %get3A_1210 = tpu.vector_load %arg6[%get3A_1208, %get3A_1209] {strides = array<i32>} : memref<512x128xf32, #tpu.memory_space<vmem>>, vector<1x16xf32>,
        %get3A_1211 = vector.shape_cast %get3A_1210 : vector<1x16xf32> to vector<16xf32>
        %max3A_1212 = arith.maximumf %max3A_1203, %get3A_1211 : vector<16xf32>
        %mul3A_1213 = arith.constant 16 : i32
        %mul3A_1214 = arith.muli %scan3A_87, %mul3A_1213 : i32
        %add3A_1215 = arith.constant 12 : i32
        %add3A_1216 = arith.addi %mul3A_1214, %add3A_1215 : i32
        %get3A_1217 = arith.index_cast %add3A_1216 : i32 to index
        %get3A_1218 = arith.constant 112 : index
        %get3A_1219 = tpu.vector_load %arg6[%get3A_1217, %get3A_1218] {strides = array<i32>} : memref<512x128xf32, #tpu.memory_space<vmem>>, vector<1x16xf32>,
        %get3A_1220 = vector.shape_cast %get3A_1219 : vector<1x16xf32> to vector<16xf32>
        %max3A_1221 = arith.maximumf %max3A_1212, %get3A_1220 : vector<16xf32>
        %mul3A_1222 = arith.constant 16 : i32
        %mul3A_1223 = arith.muli %scan3A_87, %mul3A_1222 : i32
        %add3A_1224 = arith.constant 13 : i32
        %add3A_1225 = arith.addi %mul3A_1223, %add3A_1224 : i32
        %get3A_1226 = arith.index_cast %add3A_1225 : i32 to index
        %get3A_1227 = arith.constant 112 : index
        %get3A_1228 = tpu.vector_load %arg6[%get3A_1226, %get3A_1227] {strides = array<i32>} : memref<512x128xf32, #tpu.memory_space<vmem>>, vector<1x16xf32>,
        %get3A_1229 = vector.shape_cast %get3A_1228 : vector<1x16xf32> to vector<16xf32>
        %max3A_1230 = arith.maximumf %max3A_1221, %get3A_1229 : vector<16xf32>
        %mul3A_1231 = arith.constant 16 : i32
        %mul3A_1232 = arith.muli %scan3A_87, %mul3A_1231 : i32
        %add3A_1233 = arith.constant 14 : i32
        %add3A_1234 = arith.addi %mul3A_1232, %add3A_1233 : i32
        %get3A_1235 = arith.index_cast %add3A_1234 : i32 to index
        %get3A_1236 = arith.constant 112 : index
        %get3A_1237 = tpu.vector_load %arg6[%get3A_1235, %get3A_1236] {strides = array<i32>} : memref<512x128xf32, #tpu.memory_space<vmem>>, vector<1x16xf32>,
        %get3A_1238 = vector.shape_cast %get3A_1237 : vector<1x16xf32> to vector<16xf32>
        %max3A_1239 = arith.maximumf %max3A_1230, %get3A_1238 : vector<16xf32>
        %mul3A_1240 = arith.constant 16 : i32
        %mul3A_1241 = arith.muli %scan3A_87, %mul3A_1240 : i32
        %add3A_1242 = arith.constant 15 : i32
        %add3A_1243 = arith.addi %mul3A_1241, %add3A_1242 : i32
        %get3A_1244 = arith.index_cast %add3A_1243 : i32 to index
        %get3A_1245 = arith.constant 112 : index
        %get3A_1246 = tpu.vector_load %arg6[%get3A_1244, %get3A_1245] {strides = array<i32>} : memref<512x128xf32, #tpu.memory_space<vmem>>, vector<1x16xf32>,
        %get3A_1247 = vector.shape_cast %get3A_1246 : vector<1x16xf32> to vector<16xf32>
        %max3A_1248 = arith.maximumf %max3A_1239, %get3A_1247 : vector<16xf32>
        %swap3A_1249 = arith.index_cast %scan3A_87 : i32 to index
        %swap3A_1250 = arith.constant 112 : index
        %swap3A_1251 = tpu.vector_load %arg7[%swap3A_1249, %swap3A_1250] {strides = array<i32>} : memref<32x128xf32, #tpu.memory_space<vmem>>, vector<1x16xf32>,
        %swap3A_1252 = vector.shape_cast %swap3A_1251 : vector<1x16xf32> to vector<16xf32>
        %swap3A_1253 = vector.shape_cast %max3A_1248 : vector<16xf32> to vector<1x16xf32>
        tpu.vector_store %arg7[%swap3A_1249, %swap3A_1250], %swap3A_1253 {strides = array<i32>} : memref<32x128xf32, #tpu.memory_space<vmem>>, vector<1x16xf32>,
        %scan3A_1254 = arith.constant 0 : i32
        scf.yield %scan3A_1254 : i32
      }
      %scan3A_85 = arith.constant 32 : i32
      "tpu.region"() ({
        %run_scoped3A = tpu.sem_alloc : memref<!tpu.dma_semaphore, #tpu.memory_space<semaphore_mem>>
        %dma_start3A_87 = arith.constant 0 : i32
        %dma_start3A_88 = tpu.memref_slice %arg4[%multiple_of3A, %dma_start3A_87] : memref<32768x128xf32, #tpu.memory_space<hbm>> -> memref<32x128xf32, #tpu.memory_space<hbm>>
        %dma_start3A_89 = arith.constant 0 : i32
        %dma_start3A_90 = tpu.memref_slice %arg4[%multiple_of3A, %dma_start3A_89] : memref<32768x128xf32, #tpu.memory_space<hbm>> -> memref<32x128xf32, #tpu.memory_space<hbm>>
        tpu.enqueue_dma source(%arg7 : memref<32x128xf32, #tpu.memory_space<vmem>>) target(%dma_start3A_90 : memref<32x128xf32, #tpu.memory_space<hbm>>) target_semaphore(%run_scoped3A : memref<!tpu.dma_semaphore, #tpu.memory_space<semaphore_mem>>)
        %dma_wait3A_91 = arith.constant 0 : i32
        %dma_wait3A_92 = tpu.memref_slice %arg4[%multiple_of3A, %dma_wait3A_91] : memref<32768x128xf32, #tpu.memory_space<hbm>> -> memref<32x128xf32, #tpu.memory_space<hbm>>
        %dma_wait3A_93 = arith.constant 0 : i32
        %dma_wait3A_94 = tpu.memref_slice %arg4[%multiple_of3A, %dma_wait3A_93] : memref<32768x128xf32, #tpu.memory_space<hbm>> -> memref<32x128xf32, #tpu.memory_space<hbm>>
        tpu.wait_dma2 semaphore(%run_scoped3A : memref<!tpu.dma_semaphore, #tpu.memory_space<semaphore_mem>>) src(%arg7 : memref<32x128xf32, #tpu.memory_space<vmem>>) dst(%dma_wait3A_94 : memref<32x128xf32, #tpu.memory_space<hbm>>)
        tpu.yield
      }) : () -> ()
      %scan3A_86 = arith.constant 0 : i32
      scf.yield %scan3A_86 : i32
    }
    %scan3A_8 = arith.constant 32 : i32
    return
  }
}

module attributes {stable_mosaic.version = 14 : i64} {
  func.func @_knn_body(%arg0: i32, %arg1: memref<1x1024x4xf32, #tpu.memory_space<vmem>>, %arg2: memref<4x64xf32, #tpu.memory_space<vmem>>, %arg3: memref<4x64xf32, #tpu.memory_space<vmem>>, %arg4: memref<1x64xf32, #tpu.memory_space<vmem>>, %arg5: memref<1x1024x16xi32, #tpu.memory_space<vmem>>, %arg6: memref<1x1024x64xf32, #tpu.memory_space<vmem>>, %arg7: memref<1x1024x128xf32, #tpu.memory_space<vmem>>) attributes {dimension_semantics = [#tpu.dimension_semantics<arbitrary>], iteration_bounds = array<i64: 32>, scalar_prefetch = 0 : i64, scratch_operands = 0 : i64, tpu.core_type = #tpu.core_type<tc>, window_params = [{transform_indices = @transform_0, window_bounds = array<i64: 1, 1024, 4>}, {pipeline_mode = #tpu.pipeline_mode<synchronous>, transform_indices = @transform_1, window_bounds = array<i64: 4, 64>}, {pipeline_mode = #tpu.pipeline_mode<synchronous>, transform_indices = @transform_2, window_bounds = array<i64: 4, 64>}, {pipeline_mode = #tpu.pipeline_mode<synchronous>, transform_indices = @transform_3, window_bounds = array<i64: 1, 64>}, {transform_indices = @transform_4, window_bounds = array<i64: 1, 1024, 16>}, {transform_indices = @transform_5, window_bounds = array<i64: 1, 1024, 64>}, {transform_indices = @transform_6, window_bounds = array<i64: 1, 1024, 128>}]} {
    %get3A = arith.constant 0 : index
    %get3A_0 = arith.constant 0 : index
    %get3A_1 = arith.constant 0 : index
    %get3A_2 = vector.load %arg1[%get3A, %get3A_0, %get3A_1] : memref<1x1024x4xf32, #tpu.memory_space<vmem>>, vector<1x1024x4xf32>
    %get3A_3 = vector.shape_cast %get3A_2 : vector<1x1024x4xf32> to vector<1024x4xf32>
    %get3A_4 = arith.constant 0 : index
    %get3A_5 = arith.constant 0 : index
    %get3A_6 = vector.load %arg2[%get3A_4, %get3A_5] : memref<4x64xf32, #tpu.memory_space<vmem>>, vector<4x64xf32>
    %dot_general3A = arith.constant dense<0.000000e+00> : vector<1024x64xf32>
    %dot_general3A_7 = tpu.matmul %get3A_3, %get3A_6, %dot_general3A {dimension_numbers = #tpu.dot_dimension_numbers<[1], [0], [0], [1], [0, 0, 1, 1], [], []>, transpose_lhs_hint = false} : vector<1024x4xf32>, vector<4x64xf32>, vector<1024x64xf32> -> vector<1024x64xf32>
    %get3A_8 = arith.constant 0 : index
    %get3A_9 = arith.constant 0 : index
    %get3A_10 = vector.load %arg4[%get3A_8, %get3A_9] : memref<1x64xf32, #tpu.memory_space<vmem>>, vector<1x64xf32>
    %add3A = vector.broadcast %get3A_10 : vector<1x64xf32> to vector<1024x64xf32>
    %add3A_11 = arith.addf %dot_general3A_7, %add3A : vector<1024x64xf32>
    %swap3A = arith.constant 0 : index
    %swap3A_12 = arith.constant 0 : index
    %swap3A_13 = arith.constant 0 : index
    %swap3A_14 = vector.load %arg6[%swap3A, %swap3A_12, %swap3A_13] : memref<1x1024x64xf32, #tpu.memory_space<vmem>>, vector<1x1024x64xf32>
    %swap3A_15 = vector.shape_cast %swap3A_14 : vector<1x1024x64xf32> to vector<1024x64xf32>
    %swap3A_16 = vector.shape_cast %add3A_11 : vector<1024x64xf32> to vector<1x1024x64xf32>
    tpu.vector_store %arg6[%swap3A, %swap3A_12, %swap3A_13], %swap3A_16 {strides = array<i32>} : memref<1x1024x64xf32, #tpu.memory_space<vmem>>, vector<1x1024x64xf32>,
    %get3A_17 = arith.constant 0 : index
    %get3A_18 = arith.constant 0 : index
    %get3A_19 = vector.load %arg3[%get3A_17, %get3A_18] : memref<4x64xf32, #tpu.memory_space<vmem>>, vector<4x64xf32>
    %dot_general3A_20 = arith.constant dense<0.000000e+00> : vector<1024x64xf32>
    %dot_general3A_21 = tpu.matmul %get3A_3, %get3A_19, %dot_general3A_20 {dimension_numbers = #tpu.dot_dimension_numbers<[1], [0], [0], [1], [0, 0, 1, 1], [], []>, transpose_lhs_hint = false} : vector<1024x4xf32>, vector<4x64xf32>, vector<1024x64xf32> -> vector<1024x64xf32>
    %broadcast_in_dim3A = arith.constant 0.000000e+00 : f32
    %broadcast_in_dim3A_22 = vector.broadcast %broadcast_in_dim3A : f32 to vector<1024x64xf32>
    %concatenate3A = tpu.concatenate %dot_general3A_21, %broadcast_in_dim3A_22 in 1 : vector<1024x64xf32>, vector<1024x64xf32> -> vector<1024x128xf32>
    %swap3A_23 = arith.constant 0 : index
    %swap3A_24 = arith.constant 0 : index
    %swap3A_25 = arith.constant 0 : index
    %swap3A_26 = vector.load %arg7[%swap3A_23, %swap3A_24, %swap3A_25] : memref<1x1024x128xf32, #tpu.memory_space<vmem>>, vector<1x1024x128xf32>
    %swap3A_27 = vector.shape_cast %swap3A_26 : vector<1x1024x128xf32> to vector<1024x128xf32>
    %swap3A_28 = vector.shape_cast %concatenate3A : vector<1024x128xf32> to vector<1x1024x128xf32>
    tpu.vector_store %arg7[%swap3A_23, %swap3A_24, %swap3A_25], %swap3A_28 {strides = array<i32>} : memref<1x1024x128xf32, #tpu.memory_space<vmem>>, vector<1x1024x128xf32>,
    %dot_general3A_29 = arith.constant dense<0.000000e+00> : vector<1024x1024xf32>
    %dot_general3A_30 = tpu.matmul %get3A_3, %get3A_3, %dot_general3A_29 {dimension_numbers = #tpu.dot_dimension_numbers<[1], [1], [0], [0], [0, 0, 1, 0], [], []>, transpose_lhs_hint = false} : vector<1024x4xf32>, vector<1024x4xf32>, vector<1024x1024xf32> -> vector<1024x1024xf32>
    %iota3A = tpu.iota {dimensions = array<i32: 0>} : vector<1024x1024xi32>
    %iota3A_31 = tpu.iota {dimensions = array<i32: 1>} : vector<1024x1024xi32>
    %eq3A = arith.cmpi eq, %iota3A, %iota3A_31 : vector<1024x1024xi32>
    %jit3A = arith.constant 0.000000e+00 : f32
    %broadcast_in_dim3A_32 = vector.broadcast %jit3A : f32 to vector<1024x1024xf32>
    %select_n3A = arith.select %eq3A, %dot_general3A_30, %broadcast_in_dim3A_32 : vector<1024x1024xi1>, vector<1024x1024xf32>
    %reduce_sum3A = arith.constant dense<0.000000e+00> : vector<1024xf32>
    %reduce_sum3A_33 = vector.multi_reduction <add>, %select_n3A, %reduce_sum3A [1] : vector<1024x1024xf32> to vector<1024xf32>
    %broadcast_in_dim3A_34 = vector.shape_cast %reduce_sum3A_33 : vector<1024xf32> to vector<1024x1xf32>
    %reduce_sum3A_35 = arith.constant dense<0.000000e+00> : vector<1024xf32>
    %reduce_sum3A_36 = vector.multi_reduction <add>, %select_n3A, %reduce_sum3A_35 [0] : vector<1024x1024xf32> to vector<1024xf32>
    %broadcast_in_dim3A_37 = vector.shape_cast %reduce_sum3A_36 : vector<1024xf32> to vector<1x1024xf32>
    %add3A_38 = vector.broadcast %broadcast_in_dim3A_34 : vector<1024x1xf32> to vector<1024x1024xf32>
    %add3A_39 = vector.broadcast %broadcast_in_dim3A_37 : vector<1x1024xf32> to vector<1024x1024xf32>
    %add3A_40 = arith.addf %add3A_38, %add3A_39 : vector<1024x1024xf32>
    %mul3A = arith.constant 2.000000e+00 : f32
    %mul3A_41 = vector.broadcast %mul3A : f32 to vector<1024x1024xf32>
    %mul3A_42 = arith.mulf %mul3A_41, %dot_general3A_30 : vector<1024x1024xf32>
    %sub3A = arith.subf %add3A_40, %mul3A_42 : vector<1024x1024xf32>
    %jit3A_43 = arith.constant 3.000000e+38 : f32
    %broadcast_in_dim3A_44 = vector.broadcast %jit3A_43 : f32 to vector<1024x1024xf32>
    %select_n3A_45 = arith.select %eq3A, %broadcast_in_dim3A_44, %sub3A : vector<1024x1024xi1>, vector<1024x1024xf32>
    %mul3A_46 = arith.constant 1024 : i32
    %mul3A_47 = arith.muli %arg0, %mul3A_46 : i32
    %reduce_min3A = arith.constant dense<0x7F800000> : vector<1024xf32>
    %reduce_min3A_48 = vector.multi_reduction <minimumf>, %select_n3A_45, %reduce_min3A [1] : vector<1024x1024xf32> to vector<1024xf32>
    %broadcast_in_dim3A_49 = vector.shape_cast %reduce_min3A_48 : vector<1024xf32> to vector<1024x1xf32>
    %eq3A_50 = vector.broadcast %broadcast_in_dim3A_49 : vector<1024x1xf32> to vector<1024x1024xf32>
    %eq3A_51 = arith.cmpf oeq, %select_n3A_45, %eq3A_50 : vector<1024x1024xf32>
    %jit3A_52 = arith.constant 1073741824 : i32
    %broadcast_in_dim3A_53 = vector.broadcast %jit3A_52 : i32 to vector<1024x1024xi32>
    %select_n3A_54 = arith.select %eq3A_51, %iota3A_31, %broadcast_in_dim3A_53 : vector<1024x1024xi1>, vector<1024x1024xi32>
    %reduce_min3A_55 = arith.constant dense<2147483647> : vector<1024xi32>
    %reduce_min3A_56 = vector.multi_reduction <minsi>, %select_n3A_54, %reduce_min3A_55 [1] : vector<1024x1024xi32> to vector<1024xi32>
    %broadcast_in_dim3A_57 = vector.shape_cast %reduce_min3A_56 : vector<1024xi32> to vector<1024x1xi32>
    %add3A_58 = vector.broadcast %mul3A_47 : i32 to vector<1024x1xi32>
    %add3A_59 = arith.addi %broadcast_in_dim3A_57, %add3A_58 : vector<1024x1xi32>
    %swap3A_60 = arith.constant 0 : index
    %swap3A_61 = arith.constant 0 : index
    %swap3A_62 = arith.constant 0 : index
    %swap3A_63 = vector.load %arg5[%swap3A_60, %swap3A_61, %swap3A_62] : memref<1x1024x16xi32, #tpu.memory_space<vmem>>, vector<1x1024x1xi32>
    %swap3A_64 = vector.shape_cast %swap3A_63 : vector<1x1024x1xi32> to vector<1024x1xi32>
    %swap3A_65 = vector.shape_cast %add3A_59 : vector<1024x1xi32> to vector<1x1024x1xi32>
    tpu.vector_store %arg5[%swap3A_60, %swap3A_61, %swap3A_62], %swap3A_65 {strides = array<i32>} : memref<1x1024x16xi32, #tpu.memory_space<vmem>>, vector<1x1024x1xi32>,
    %jit3A_66 = arith.constant 3.000000e+38 : f32
    %broadcast_in_dim3A_67 = vector.broadcast %jit3A_66 : f32 to vector<1024x1024xf32>
    %select_n3A_68 = arith.select %eq3A_51, %broadcast_in_dim3A_67, %select_n3A_45 : vector<1024x1024xi1>, vector<1024x1024xf32>
    %reduce_min3A_69 = arith.constant dense<0x7F800000> : vector<1024xf32>
    %reduce_min3A_70 = vector.multi_reduction <minimumf>, %select_n3A_68, %reduce_min3A_69 [1] : vector<1024x1024xf32> to vector<1024xf32>
    %broadcast_in_dim3A_71 = vector.shape_cast %reduce_min3A_70 : vector<1024xf32> to vector<1024x1xf32>
    %eq3A_72 = vector.broadcast %broadcast_in_dim3A_71 : vector<1024x1xf32> to vector<1024x1024xf32>
    %eq3A_73 = arith.cmpf oeq, %select_n3A_68, %eq3A_72 : vector<1024x1024xf32>
    %jit3A_74 = arith.constant 1073741824 : i32
    %broadcast_in_dim3A_75 = vector.broadcast %jit3A_74 : i32 to vector<1024x1024xi32>
    %select_n3A_76 = arith.select %eq3A_73, %iota3A_31, %broadcast_in_dim3A_75 : vector<1024x1024xi1>, vector<1024x1024xi32>
    %reduce_min3A_77 = arith.constant dense<2147483647> : vector<1024xi32>
    %reduce_min3A_78 = vector.multi_reduction <minsi>, %select_n3A_76, %reduce_min3A_77 [1] : vector<1024x1024xi32> to vector<1024xi32>
    %broadcast_in_dim3A_79 = vector.shape_cast %reduce_min3A_78 : vector<1024xi32> to vector<1024x1xi32>
    %add3A_80 = vector.broadcast %mul3A_47 : i32 to vector<1024x1xi32>
    %add3A_81 = arith.addi %broadcast_in_dim3A_79, %add3A_80 : vector<1024x1xi32>
    %swap3A_82 = arith.constant 0 : index
    %swap3A_83 = arith.constant 0 : index
    %swap3A_84 = arith.constant 1 : index
    %swap3A_85 = vector.load %arg5[%swap3A_82, %swap3A_83, %swap3A_84] : memref<1x1024x16xi32, #tpu.memory_space<vmem>>, vector<1x1024x1xi32>
    %swap3A_86 = vector.shape_cast %swap3A_85 : vector<1x1024x1xi32> to vector<1024x1xi32>
    %swap3A_87 = vector.shape_cast %add3A_81 : vector<1024x1xi32> to vector<1x1024x1xi32>
    tpu.vector_store %arg5[%swap3A_82, %swap3A_83, %swap3A_84], %swap3A_87 {strides = array<i32>} : memref<1x1024x16xi32, #tpu.memory_space<vmem>>, vector<1x1024x1xi32>,
    %jit3A_88 = arith.constant 3.000000e+38 : f32
    %broadcast_in_dim3A_89 = vector.broadcast %jit3A_88 : f32 to vector<1024x1024xf32>
    %select_n3A_90 = arith.select %eq3A_73, %broadcast_in_dim3A_89, %select_n3A_68 : vector<1024x1024xi1>, vector<1024x1024xf32>
    %reduce_min3A_91 = arith.constant dense<0x7F800000> : vector<1024xf32>
    %reduce_min3A_92 = vector.multi_reduction <minimumf>, %select_n3A_90, %reduce_min3A_91 [1] : vector<1024x1024xf32> to vector<1024xf32>
    %broadcast_in_dim3A_93 = vector.shape_cast %reduce_min3A_92 : vector<1024xf32> to vector<1024x1xf32>
    %eq3A_94 = vector.broadcast %broadcast_in_dim3A_93 : vector<1024x1xf32> to vector<1024x1024xf32>
    %eq3A_95 = arith.cmpf oeq, %select_n3A_90, %eq3A_94 : vector<1024x1024xf32>
    %jit3A_96 = arith.constant 1073741824 : i32
    %broadcast_in_dim3A_97 = vector.broadcast %jit3A_96 : i32 to vector<1024x1024xi32>
    %select_n3A_98 = arith.select %eq3A_95, %iota3A_31, %broadcast_in_dim3A_97 : vector<1024x1024xi1>, vector<1024x1024xi32>
    %reduce_min3A_99 = arith.constant dense<2147483647> : vector<1024xi32>
    %reduce_min3A_100 = vector.multi_reduction <minsi>, %select_n3A_98, %reduce_min3A_99 [1] : vector<1024x1024xi32> to vector<1024xi32>
    %broadcast_in_dim3A_101 = vector.shape_cast %reduce_min3A_100 : vector<1024xi32> to vector<1024x1xi32>
    %add3A_102 = vector.broadcast %mul3A_47 : i32 to vector<1024x1xi32>
    %add3A_103 = arith.addi %broadcast_in_dim3A_101, %add3A_102 : vector<1024x1xi32>
    %swap3A_104 = arith.constant 0 : index
    %swap3A_105 = arith.constant 0 : index
    %swap3A_106 = arith.constant 2 : index
    %swap3A_107 = vector.load %arg5[%swap3A_104, %swap3A_105, %swap3A_106] : memref<1x1024x16xi32, #tpu.memory_space<vmem>>, vector<1x1024x1xi32>
    %swap3A_108 = vector.shape_cast %swap3A_107 : vector<1x1024x1xi32> to vector<1024x1xi32>
    %swap3A_109 = vector.shape_cast %add3A_103 : vector<1024x1xi32> to vector<1x1024x1xi32>
    tpu.vector_store %arg5[%swap3A_104, %swap3A_105, %swap3A_106], %swap3A_109 {strides = array<i32>} : memref<1x1024x16xi32, #tpu.memory_space<vmem>>, vector<1x1024x1xi32>,
    %jit3A_110 = arith.constant 3.000000e+38 : f32
    %broadcast_in_dim3A_111 = vector.broadcast %jit3A_110 : f32 to vector<1024x1024xf32>
    %select_n3A_112 = arith.select %eq3A_95, %broadcast_in_dim3A_111, %select_n3A_90 : vector<1024x1024xi1>, vector<1024x1024xf32>
    %reduce_min3A_113 = arith.constant dense<0x7F800000> : vector<1024xf32>
    %reduce_min3A_114 = vector.multi_reduction <minimumf>, %select_n3A_112, %reduce_min3A_113 [1] : vector<1024x1024xf32> to vector<1024xf32>
    %broadcast_in_dim3A_115 = vector.shape_cast %reduce_min3A_114 : vector<1024xf32> to vector<1024x1xf32>
    %eq3A_116 = vector.broadcast %broadcast_in_dim3A_115 : vector<1024x1xf32> to vector<1024x1024xf32>
    %eq3A_117 = arith.cmpf oeq, %select_n3A_112, %eq3A_116 : vector<1024x1024xf32>
    %jit3A_118 = arith.constant 1073741824 : i32
    %broadcast_in_dim3A_119 = vector.broadcast %jit3A_118 : i32 to vector<1024x1024xi32>
    %select_n3A_120 = arith.select %eq3A_117, %iota3A_31, %broadcast_in_dim3A_119 : vector<1024x1024xi1>, vector<1024x1024xi32>
    %reduce_min3A_121 = arith.constant dense<2147483647> : vector<1024xi32>
    %reduce_min3A_122 = vector.multi_reduction <minsi>, %select_n3A_120, %reduce_min3A_121 [1] : vector<1024x1024xi32> to vector<1024xi32>
    %broadcast_in_dim3A_123 = vector.shape_cast %reduce_min3A_122 : vector<1024xi32> to vector<1024x1xi32>
    %add3A_124 = vector.broadcast %mul3A_47 : i32 to vector<1024x1xi32>
    %add3A_125 = arith.addi %broadcast_in_dim3A_123, %add3A_124 : vector<1024x1xi32>
    %swap3A_126 = arith.constant 0 : index
    %swap3A_127 = arith.constant 0 : index
    %swap3A_128 = arith.constant 3 : index
    %swap3A_129 = vector.load %arg5[%swap3A_126, %swap3A_127, %swap3A_128] : memref<1x1024x16xi32, #tpu.memory_space<vmem>>, vector<1x1024x1xi32>
    %swap3A_130 = vector.shape_cast %swap3A_129 : vector<1x1024x1xi32> to vector<1024x1xi32>
    %swap3A_131 = vector.shape_cast %add3A_125 : vector<1024x1xi32> to vector<1x1024x1xi32>
    tpu.vector_store %arg5[%swap3A_126, %swap3A_127, %swap3A_128], %swap3A_131 {strides = array<i32>} : memref<1x1024x16xi32, #tpu.memory_space<vmem>>, vector<1x1024x1xi32>,
    %jit3A_132 = arith.constant 3.000000e+38 : f32
    %broadcast_in_dim3A_133 = vector.broadcast %jit3A_132 : f32 to vector<1024x1024xf32>
    %select_n3A_134 = arith.select %eq3A_117, %broadcast_in_dim3A_133, %select_n3A_112 : vector<1024x1024xi1>, vector<1024x1024xf32>
    %reduce_min3A_135 = arith.constant dense<0x7F800000> : vector<1024xf32>
    %reduce_min3A_136 = vector.multi_reduction <minimumf>, %select_n3A_134, %reduce_min3A_135 [1] : vector<1024x1024xf32> to vector<1024xf32>
    %broadcast_in_dim3A_137 = vector.shape_cast %reduce_min3A_136 : vector<1024xf32> to vector<1024x1xf32>
    %eq3A_138 = vector.broadcast %broadcast_in_dim3A_137 : vector<1024x1xf32> to vector<1024x1024xf32>
    %eq3A_139 = arith.cmpf oeq, %select_n3A_134, %eq3A_138 : vector<1024x1024xf32>
    %jit3A_140 = arith.constant 1073741824 : i32
    %broadcast_in_dim3A_141 = vector.broadcast %jit3A_140 : i32 to vector<1024x1024xi32>
    %select_n3A_142 = arith.select %eq3A_139, %iota3A_31, %broadcast_in_dim3A_141 : vector<1024x1024xi1>, vector<1024x1024xi32>
    %reduce_min3A_143 = arith.constant dense<2147483647> : vector<1024xi32>
    %reduce_min3A_144 = vector.multi_reduction <minsi>, %select_n3A_142, %reduce_min3A_143 [1] : vector<1024x1024xi32> to vector<1024xi32>
    %broadcast_in_dim3A_145 = vector.shape_cast %reduce_min3A_144 : vector<1024xi32> to vector<1024x1xi32>
    %add3A_146 = vector.broadcast %mul3A_47 : i32 to vector<1024x1xi32>
    %add3A_147 = arith.addi %broadcast_in_dim3A_145, %add3A_146 : vector<1024x1xi32>
    %swap3A_148 = arith.constant 0 : index
    %swap3A_149 = arith.constant 0 : index
    %swap3A_150 = arith.constant 4 : index
    %swap3A_151 = vector.load %arg5[%swap3A_148, %swap3A_149, %swap3A_150] : memref<1x1024x16xi32, #tpu.memory_space<vmem>>, vector<1x1024x1xi32>
    %swap3A_152 = vector.shape_cast %swap3A_151 : vector<1x1024x1xi32> to vector<1024x1xi32>
    %swap3A_153 = vector.shape_cast %add3A_147 : vector<1024x1xi32> to vector<1x1024x1xi32>
    tpu.vector_store %arg5[%swap3A_148, %swap3A_149, %swap3A_150], %swap3A_153 {strides = array<i32>} : memref<1x1024x16xi32, #tpu.memory_space<vmem>>, vector<1x1024x1xi32>,
    %jit3A_154 = arith.constant 3.000000e+38 : f32
    %broadcast_in_dim3A_155 = vector.broadcast %jit3A_154 : f32 to vector<1024x1024xf32>
    %select_n3A_156 = arith.select %eq3A_139, %broadcast_in_dim3A_155, %select_n3A_134 : vector<1024x1024xi1>, vector<1024x1024xf32>
    %reduce_min3A_157 = arith.constant dense<0x7F800000> : vector<1024xf32>
    %reduce_min3A_158 = vector.multi_reduction <minimumf>, %select_n3A_156, %reduce_min3A_157 [1] : vector<1024x1024xf32> to vector<1024xf32>
    %broadcast_in_dim3A_159 = vector.shape_cast %reduce_min3A_158 : vector<1024xf32> to vector<1024x1xf32>
    %eq3A_160 = vector.broadcast %broadcast_in_dim3A_159 : vector<1024x1xf32> to vector<1024x1024xf32>
    %eq3A_161 = arith.cmpf oeq, %select_n3A_156, %eq3A_160 : vector<1024x1024xf32>
    %jit3A_162 = arith.constant 1073741824 : i32
    %broadcast_in_dim3A_163 = vector.broadcast %jit3A_162 : i32 to vector<1024x1024xi32>
    %select_n3A_164 = arith.select %eq3A_161, %iota3A_31, %broadcast_in_dim3A_163 : vector<1024x1024xi1>, vector<1024x1024xi32>
    %reduce_min3A_165 = arith.constant dense<2147483647> : vector<1024xi32>
    %reduce_min3A_166 = vector.multi_reduction <minsi>, %select_n3A_164, %reduce_min3A_165 [1] : vector<1024x1024xi32> to vector<1024xi32>
    %broadcast_in_dim3A_167 = vector.shape_cast %reduce_min3A_166 : vector<1024xi32> to vector<1024x1xi32>
    %add3A_168 = vector.broadcast %mul3A_47 : i32 to vector<1024x1xi32>
    %add3A_169 = arith.addi %broadcast_in_dim3A_167, %add3A_168 : vector<1024x1xi32>
    %swap3A_170 = arith.constant 0 : index
    %swap3A_171 = arith.constant 0 : index
    %swap3A_172 = arith.constant 5 : index
    %swap3A_173 = vector.load %arg5[%swap3A_170, %swap3A_171, %swap3A_172] : memref<1x1024x16xi32, #tpu.memory_space<vmem>>, vector<1x1024x1xi32>
    %swap3A_174 = vector.shape_cast %swap3A_173 : vector<1x1024x1xi32> to vector<1024x1xi32>
    %swap3A_175 = vector.shape_cast %add3A_169 : vector<1024x1xi32> to vector<1x1024x1xi32>
    tpu.vector_store %arg5[%swap3A_170, %swap3A_171, %swap3A_172], %swap3A_175 {strides = array<i32>} : memref<1x1024x16xi32, #tpu.memory_space<vmem>>, vector<1x1024x1xi32>,
    %jit3A_176 = arith.constant 3.000000e+38 : f32
    %broadcast_in_dim3A_177 = vector.broadcast %jit3A_176 : f32 to vector<1024x1024xf32>
    %select_n3A_178 = arith.select %eq3A_161, %broadcast_in_dim3A_177, %select_n3A_156 : vector<1024x1024xi1>, vector<1024x1024xf32>
    %reduce_min3A_179 = arith.constant dense<0x7F800000> : vector<1024xf32>
    %reduce_min3A_180 = vector.multi_reduction <minimumf>, %select_n3A_178, %reduce_min3A_179 [1] : vector<1024x1024xf32> to vector<1024xf32>
    %broadcast_in_dim3A_181 = vector.shape_cast %reduce_min3A_180 : vector<1024xf32> to vector<1024x1xf32>
    %eq3A_182 = vector.broadcast %broadcast_in_dim3A_181 : vector<1024x1xf32> to vector<1024x1024xf32>
    %eq3A_183 = arith.cmpf oeq, %select_n3A_178, %eq3A_182 : vector<1024x1024xf32>
    %jit3A_184 = arith.constant 1073741824 : i32
    %broadcast_in_dim3A_185 = vector.broadcast %jit3A_184 : i32 to vector<1024x1024xi32>
    %select_n3A_186 = arith.select %eq3A_183, %iota3A_31, %broadcast_in_dim3A_185 : vector<1024x1024xi1>, vector<1024x1024xi32>
    %reduce_min3A_187 = arith.constant dense<2147483647> : vector<1024xi32>
    %reduce_min3A_188 = vector.multi_reduction <minsi>, %select_n3A_186, %reduce_min3A_187 [1] : vector<1024x1024xi32> to vector<1024xi32>
    %broadcast_in_dim3A_189 = vector.shape_cast %reduce_min3A_188 : vector<1024xi32> to vector<1024x1xi32>
    %add3A_190 = vector.broadcast %mul3A_47 : i32 to vector<1024x1xi32>
    %add3A_191 = arith.addi %broadcast_in_dim3A_189, %add3A_190 : vector<1024x1xi32>
    %swap3A_192 = arith.constant 0 : index
    %swap3A_193 = arith.constant 0 : index
    %swap3A_194 = arith.constant 6 : index
    %swap3A_195 = vector.load %arg5[%swap3A_192, %swap3A_193, %swap3A_194] : memref<1x1024x16xi32, #tpu.memory_space<vmem>>, vector<1x1024x1xi32>
    %swap3A_196 = vector.shape_cast %swap3A_195 : vector<1x1024x1xi32> to vector<1024x1xi32>
    %swap3A_197 = vector.shape_cast %add3A_191 : vector<1024x1xi32> to vector<1x1024x1xi32>
    tpu.vector_store %arg5[%swap3A_192, %swap3A_193, %swap3A_194], %swap3A_197 {strides = array<i32>} : memref<1x1024x16xi32, #tpu.memory_space<vmem>>, vector<1x1024x1xi32>,
    %jit3A_198 = arith.constant 3.000000e+38 : f32
    %broadcast_in_dim3A_199 = vector.broadcast %jit3A_198 : f32 to vector<1024x1024xf32>
    %select_n3A_200 = arith.select %eq3A_183, %broadcast_in_dim3A_199, %select_n3A_178 : vector<1024x1024xi1>, vector<1024x1024xf32>
    %reduce_min3A_201 = arith.constant dense<0x7F800000> : vector<1024xf32>
    %reduce_min3A_202 = vector.multi_reduction <minimumf>, %select_n3A_200, %reduce_min3A_201 [1] : vector<1024x1024xf32> to vector<1024xf32>
    %broadcast_in_dim3A_203 = vector.shape_cast %reduce_min3A_202 : vector<1024xf32> to vector<1024x1xf32>
    %eq3A_204 = vector.broadcast %broadcast_in_dim3A_203 : vector<1024x1xf32> to vector<1024x1024xf32>
    %eq3A_205 = arith.cmpf oeq, %select_n3A_200, %eq3A_204 : vector<1024x1024xf32>
    %jit3A_206 = arith.constant 1073741824 : i32
    %broadcast_in_dim3A_207 = vector.broadcast %jit3A_206 : i32 to vector<1024x1024xi32>
    %select_n3A_208 = arith.select %eq3A_205, %iota3A_31, %broadcast_in_dim3A_207 : vector<1024x1024xi1>, vector<1024x1024xi32>
    %reduce_min3A_209 = arith.constant dense<2147483647> : vector<1024xi32>
    %reduce_min3A_210 = vector.multi_reduction <minsi>, %select_n3A_208, %reduce_min3A_209 [1] : vector<1024x1024xi32> to vector<1024xi32>
    %broadcast_in_dim3A_211 = vector.shape_cast %reduce_min3A_210 : vector<1024xi32> to vector<1024x1xi32>
    %add3A_212 = vector.broadcast %mul3A_47 : i32 to vector<1024x1xi32>
    %add3A_213 = arith.addi %broadcast_in_dim3A_211, %add3A_212 : vector<1024x1xi32>
    %swap3A_214 = arith.constant 0 : index
    %swap3A_215 = arith.constant 0 : index
    %swap3A_216 = arith.constant 7 : index
    %swap3A_217 = vector.load %arg5[%swap3A_214, %swap3A_215, %swap3A_216] : memref<1x1024x16xi32, #tpu.memory_space<vmem>>, vector<1x1024x1xi32>
    %swap3A_218 = vector.shape_cast %swap3A_217 : vector<1x1024x1xi32> to vector<1024x1xi32>
    %swap3A_219 = vector.shape_cast %add3A_213 : vector<1024x1xi32> to vector<1x1024x1xi32>
    tpu.vector_store %arg5[%swap3A_214, %swap3A_215, %swap3A_216], %swap3A_219 {strides = array<i32>} : memref<1x1024x16xi32, #tpu.memory_space<vmem>>, vector<1x1024x1xi32>,
    %jit3A_220 = arith.constant 3.000000e+38 : f32
    %broadcast_in_dim3A_221 = vector.broadcast %jit3A_220 : f32 to vector<1024x1024xf32>
    %select_n3A_222 = arith.select %eq3A_205, %broadcast_in_dim3A_221, %select_n3A_200 : vector<1024x1024xi1>, vector<1024x1024xf32>
    %reduce_min3A_223 = arith.constant dense<0x7F800000> : vector<1024xf32>
    %reduce_min3A_224 = vector.multi_reduction <minimumf>, %select_n3A_222, %reduce_min3A_223 [1] : vector<1024x1024xf32> to vector<1024xf32>
    %broadcast_in_dim3A_225 = vector.shape_cast %reduce_min3A_224 : vector<1024xf32> to vector<1024x1xf32>
    %eq3A_226 = vector.broadcast %broadcast_in_dim3A_225 : vector<1024x1xf32> to vector<1024x1024xf32>
    %eq3A_227 = arith.cmpf oeq, %select_n3A_222, %eq3A_226 : vector<1024x1024xf32>
    %jit3A_228 = arith.constant 1073741824 : i32
    %broadcast_in_dim3A_229 = vector.broadcast %jit3A_228 : i32 to vector<1024x1024xi32>
    %select_n3A_230 = arith.select %eq3A_227, %iota3A_31, %broadcast_in_dim3A_229 : vector<1024x1024xi1>, vector<1024x1024xi32>
    %reduce_min3A_231 = arith.constant dense<2147483647> : vector<1024xi32>
    %reduce_min3A_232 = vector.multi_reduction <minsi>, %select_n3A_230, %reduce_min3A_231 [1] : vector<1024x1024xi32> to vector<1024xi32>
    %broadcast_in_dim3A_233 = vector.shape_cast %reduce_min3A_232 : vector<1024xi32> to vector<1024x1xi32>
    %add3A_234 = vector.broadcast %mul3A_47 : i32 to vector<1024x1xi32>
    %add3A_235 = arith.addi %broadcast_in_dim3A_233, %add3A_234 : vector<1024x1xi32>
    %swap3A_236 = arith.constant 0 : index
    %swap3A_237 = arith.constant 0 : index
    %swap3A_238 = arith.constant 8 : index
    %swap3A_239 = vector.load %arg5[%swap3A_236, %swap3A_237, %swap3A_238] : memref<1x1024x16xi32, #tpu.memory_space<vmem>>, vector<1x1024x1xi32>
    %swap3A_240 = vector.shape_cast %swap3A_239 : vector<1x1024x1xi32> to vector<1024x1xi32>
    %swap3A_241 = vector.shape_cast %add3A_235 : vector<1024x1xi32> to vector<1x1024x1xi32>
    tpu.vector_store %arg5[%swap3A_236, %swap3A_237, %swap3A_238], %swap3A_241 {strides = array<i32>} : memref<1x1024x16xi32, #tpu.memory_space<vmem>>, vector<1x1024x1xi32>,
    %jit3A_242 = arith.constant 3.000000e+38 : f32
    %broadcast_in_dim3A_243 = vector.broadcast %jit3A_242 : f32 to vector<1024x1024xf32>
    %select_n3A_244 = arith.select %eq3A_227, %broadcast_in_dim3A_243, %select_n3A_222 : vector<1024x1024xi1>, vector<1024x1024xf32>
    %reduce_min3A_245 = arith.constant dense<0x7F800000> : vector<1024xf32>
    %reduce_min3A_246 = vector.multi_reduction <minimumf>, %select_n3A_244, %reduce_min3A_245 [1] : vector<1024x1024xf32> to vector<1024xf32>
    %broadcast_in_dim3A_247 = vector.shape_cast %reduce_min3A_246 : vector<1024xf32> to vector<1024x1xf32>
    %eq3A_248 = vector.broadcast %broadcast_in_dim3A_247 : vector<1024x1xf32> to vector<1024x1024xf32>
    %eq3A_249 = arith.cmpf oeq, %select_n3A_244, %eq3A_248 : vector<1024x1024xf32>
    %jit3A_250 = arith.constant 1073741824 : i32
    %broadcast_in_dim3A_251 = vector.broadcast %jit3A_250 : i32 to vector<1024x1024xi32>
    %select_n3A_252 = arith.select %eq3A_249, %iota3A_31, %broadcast_in_dim3A_251 : vector<1024x1024xi1>, vector<1024x1024xi32>
    %reduce_min3A_253 = arith.constant dense<2147483647> : vector<1024xi32>
    %reduce_min3A_254 = vector.multi_reduction <minsi>, %select_n3A_252, %reduce_min3A_253 [1] : vector<1024x1024xi32> to vector<1024xi32>
    %broadcast_in_dim3A_255 = vector.shape_cast %reduce_min3A_254 : vector<1024xi32> to vector<1024x1xi32>
    %add3A_256 = vector.broadcast %mul3A_47 : i32 to vector<1024x1xi32>
    %add3A_257 = arith.addi %broadcast_in_dim3A_255, %add3A_256 : vector<1024x1xi32>
    %swap3A_258 = arith.constant 0 : index
    %swap3A_259 = arith.constant 0 : index
    %swap3A_260 = arith.constant 9 : index
    %swap3A_261 = vector.load %arg5[%swap3A_258, %swap3A_259, %swap3A_260] : memref<1x1024x16xi32, #tpu.memory_space<vmem>>, vector<1x1024x1xi32>
    %swap3A_262 = vector.shape_cast %swap3A_261 : vector<1x1024x1xi32> to vector<1024x1xi32>
    %swap3A_263 = vector.shape_cast %add3A_257 : vector<1024x1xi32> to vector<1x1024x1xi32>
    tpu.vector_store %arg5[%swap3A_258, %swap3A_259, %swap3A_260], %swap3A_263 {strides = array<i32>} : memref<1x1024x16xi32, #tpu.memory_space<vmem>>, vector<1x1024x1xi32>,
    %jit3A_264 = arith.constant 3.000000e+38 : f32
    %broadcast_in_dim3A_265 = vector.broadcast %jit3A_264 : f32 to vector<1024x1024xf32>
    %select_n3A_266 = arith.select %eq3A_249, %broadcast_in_dim3A_265, %select_n3A_244 : vector<1024x1024xi1>, vector<1024x1024xf32>
    %reduce_min3A_267 = arith.constant dense<0x7F800000> : vector<1024xf32>
    %reduce_min3A_268 = vector.multi_reduction <minimumf>, %select_n3A_266, %reduce_min3A_267 [1] : vector<1024x1024xf32> to vector<1024xf32>
    %broadcast_in_dim3A_269 = vector.shape_cast %reduce_min3A_268 : vector<1024xf32> to vector<1024x1xf32>
    %eq3A_270 = vector.broadcast %broadcast_in_dim3A_269 : vector<1024x1xf32> to vector<1024x1024xf32>
    %eq3A_271 = arith.cmpf oeq, %select_n3A_266, %eq3A_270 : vector<1024x1024xf32>
    %jit3A_272 = arith.constant 1073741824 : i32
    %broadcast_in_dim3A_273 = vector.broadcast %jit3A_272 : i32 to vector<1024x1024xi32>
    %select_n3A_274 = arith.select %eq3A_271, %iota3A_31, %broadcast_in_dim3A_273 : vector<1024x1024xi1>, vector<1024x1024xi32>
    %reduce_min3A_275 = arith.constant dense<2147483647> : vector<1024xi32>
    %reduce_min3A_276 = vector.multi_reduction <minsi>, %select_n3A_274, %reduce_min3A_275 [1] : vector<1024x1024xi32> to vector<1024xi32>
    %broadcast_in_dim3A_277 = vector.shape_cast %reduce_min3A_276 : vector<1024xi32> to vector<1024x1xi32>
    %add3A_278 = vector.broadcast %mul3A_47 : i32 to vector<1024x1xi32>
    %add3A_279 = arith.addi %broadcast_in_dim3A_277, %add3A_278 : vector<1024x1xi32>
    %swap3A_280 = arith.constant 0 : index
    %swap3A_281 = arith.constant 0 : index
    %swap3A_282 = arith.constant 10 : index
    %swap3A_283 = vector.load %arg5[%swap3A_280, %swap3A_281, %swap3A_282] : memref<1x1024x16xi32, #tpu.memory_space<vmem>>, vector<1x1024x1xi32>
    %swap3A_284 = vector.shape_cast %swap3A_283 : vector<1x1024x1xi32> to vector<1024x1xi32>
    %swap3A_285 = vector.shape_cast %add3A_279 : vector<1024x1xi32> to vector<1x1024x1xi32>
    tpu.vector_store %arg5[%swap3A_280, %swap3A_281, %swap3A_282], %swap3A_285 {strides = array<i32>} : memref<1x1024x16xi32, #tpu.memory_space<vmem>>, vector<1x1024x1xi32>,
    %jit3A_286 = arith.constant 3.000000e+38 : f32
    %broadcast_in_dim3A_287 = vector.broadcast %jit3A_286 : f32 to vector<1024x1024xf32>
    %select_n3A_288 = arith.select %eq3A_271, %broadcast_in_dim3A_287, %select_n3A_266 : vector<1024x1024xi1>, vector<1024x1024xf32>
    %reduce_min3A_289 = arith.constant dense<0x7F800000> : vector<1024xf32>
    %reduce_min3A_290 = vector.multi_reduction <minimumf>, %select_n3A_288, %reduce_min3A_289 [1] : vector<1024x1024xf32> to vector<1024xf32>
    %broadcast_in_dim3A_291 = vector.shape_cast %reduce_min3A_290 : vector<1024xf32> to vector<1024x1xf32>
    %eq3A_292 = vector.broadcast %broadcast_in_dim3A_291 : vector<1024x1xf32> to vector<1024x1024xf32>
    %eq3A_293 = arith.cmpf oeq, %select_n3A_288, %eq3A_292 : vector<1024x1024xf32>
    %jit3A_294 = arith.constant 1073741824 : i32
    %broadcast_in_dim3A_295 = vector.broadcast %jit3A_294 : i32 to vector<1024x1024xi32>
    %select_n3A_296 = arith.select %eq3A_293, %iota3A_31, %broadcast_in_dim3A_295 : vector<1024x1024xi1>, vector<1024x1024xi32>
    %reduce_min3A_297 = arith.constant dense<2147483647> : vector<1024xi32>
    %reduce_min3A_298 = vector.multi_reduction <minsi>, %select_n3A_296, %reduce_min3A_297 [1] : vector<1024x1024xi32> to vector<1024xi32>
    %broadcast_in_dim3A_299 = vector.shape_cast %reduce_min3A_298 : vector<1024xi32> to vector<1024x1xi32>
    %add3A_300 = vector.broadcast %mul3A_47 : i32 to vector<1024x1xi32>
    %add3A_301 = arith.addi %broadcast_in_dim3A_299, %add3A_300 : vector<1024x1xi32>
    %swap3A_302 = arith.constant 0 : index
    %swap3A_303 = arith.constant 0 : index
    %swap3A_304 = arith.constant 11 : index
    %swap3A_305 = vector.load %arg5[%swap3A_302, %swap3A_303, %swap3A_304] : memref<1x1024x16xi32, #tpu.memory_space<vmem>>, vector<1x1024x1xi32>
    %swap3A_306 = vector.shape_cast %swap3A_305 : vector<1x1024x1xi32> to vector<1024x1xi32>
    %swap3A_307 = vector.shape_cast %add3A_301 : vector<1024x1xi32> to vector<1x1024x1xi32>
    tpu.vector_store %arg5[%swap3A_302, %swap3A_303, %swap3A_304], %swap3A_307 {strides = array<i32>} : memref<1x1024x16xi32, #tpu.memory_space<vmem>>, vector<1x1024x1xi32>,
    %jit3A_308 = arith.constant 3.000000e+38 : f32
    %broadcast_in_dim3A_309 = vector.broadcast %jit3A_308 : f32 to vector<1024x1024xf32>
    %select_n3A_310 = arith.select %eq3A_293, %broadcast_in_dim3A_309, %select_n3A_288 : vector<1024x1024xi1>, vector<1024x1024xf32>
    %reduce_min3A_311 = arith.constant dense<0x7F800000> : vector<1024xf32>
    %reduce_min3A_312 = vector.multi_reduction <minimumf>, %select_n3A_310, %reduce_min3A_311 [1] : vector<1024x1024xf32> to vector<1024xf32>
    %broadcast_in_dim3A_313 = vector.shape_cast %reduce_min3A_312 : vector<1024xf32> to vector<1024x1xf32>
    %eq3A_314 = vector.broadcast %broadcast_in_dim3A_313 : vector<1024x1xf32> to vector<1024x1024xf32>
    %eq3A_315 = arith.cmpf oeq, %select_n3A_310, %eq3A_314 : vector<1024x1024xf32>
    %jit3A_316 = arith.constant 1073741824 : i32
    %broadcast_in_dim3A_317 = vector.broadcast %jit3A_316 : i32 to vector<1024x1024xi32>
    %select_n3A_318 = arith.select %eq3A_315, %iota3A_31, %broadcast_in_dim3A_317 : vector<1024x1024xi1>, vector<1024x1024xi32>
    %reduce_min3A_319 = arith.constant dense<2147483647> : vector<1024xi32>
    %reduce_min3A_320 = vector.multi_reduction <minsi>, %select_n3A_318, %reduce_min3A_319 [1] : vector<1024x1024xi32> to vector<1024xi32>
    %broadcast_in_dim3A_321 = vector.shape_cast %reduce_min3A_320 : vector<1024xi32> to vector<1024x1xi32>
    %add3A_322 = vector.broadcast %mul3A_47 : i32 to vector<1024x1xi32>
    %add3A_323 = arith.addi %broadcast_in_dim3A_321, %add3A_322 : vector<1024x1xi32>
    %swap3A_324 = arith.constant 0 : index
    %swap3A_325 = arith.constant 0 : index
    %swap3A_326 = arith.constant 12 : index
    %swap3A_327 = vector.load %arg5[%swap3A_324, %swap3A_325, %swap3A_326] : memref<1x1024x16xi32, #tpu.memory_space<vmem>>, vector<1x1024x1xi32>
    %swap3A_328 = vector.shape_cast %swap3A_327 : vector<1x1024x1xi32> to vector<1024x1xi32>
    %swap3A_329 = vector.shape_cast %add3A_323 : vector<1024x1xi32> to vector<1x1024x1xi32>
    tpu.vector_store %arg5[%swap3A_324, %swap3A_325, %swap3A_326], %swap3A_329 {strides = array<i32>} : memref<1x1024x16xi32, #tpu.memory_space<vmem>>, vector<1x1024x1xi32>,
    %jit3A_330 = arith.constant 3.000000e+38 : f32
    %broadcast_in_dim3A_331 = vector.broadcast %jit3A_330 : f32 to vector<1024x1024xf32>
    %select_n3A_332 = arith.select %eq3A_315, %broadcast_in_dim3A_331, %select_n3A_310 : vector<1024x1024xi1>, vector<1024x1024xf32>
    %reduce_min3A_333 = arith.constant dense<0x7F800000> : vector<1024xf32>
    %reduce_min3A_334 = vector.multi_reduction <minimumf>, %select_n3A_332, %reduce_min3A_333 [1] : vector<1024x1024xf32> to vector<1024xf32>
    %broadcast_in_dim3A_335 = vector.shape_cast %reduce_min3A_334 : vector<1024xf32> to vector<1024x1xf32>
    %eq3A_336 = vector.broadcast %broadcast_in_dim3A_335 : vector<1024x1xf32> to vector<1024x1024xf32>
    %eq3A_337 = arith.cmpf oeq, %select_n3A_332, %eq3A_336 : vector<1024x1024xf32>
    %jit3A_338 = arith.constant 1073741824 : i32
    %broadcast_in_dim3A_339 = vector.broadcast %jit3A_338 : i32 to vector<1024x1024xi32>
    %select_n3A_340 = arith.select %eq3A_337, %iota3A_31, %broadcast_in_dim3A_339 : vector<1024x1024xi1>, vector<1024x1024xi32>
    %reduce_min3A_341 = arith.constant dense<2147483647> : vector<1024xi32>
    %reduce_min3A_342 = vector.multi_reduction <minsi>, %select_n3A_340, %reduce_min3A_341 [1] : vector<1024x1024xi32> to vector<1024xi32>
    %broadcast_in_dim3A_343 = vector.shape_cast %reduce_min3A_342 : vector<1024xi32> to vector<1024x1xi32>
    %add3A_344 = vector.broadcast %mul3A_47 : i32 to vector<1024x1xi32>
    %add3A_345 = arith.addi %broadcast_in_dim3A_343, %add3A_344 : vector<1024x1xi32>
    %swap3A_346 = arith.constant 0 : index
    %swap3A_347 = arith.constant 0 : index
    %swap3A_348 = arith.constant 13 : index
    %swap3A_349 = vector.load %arg5[%swap3A_346, %swap3A_347, %swap3A_348] : memref<1x1024x16xi32, #tpu.memory_space<vmem>>, vector<1x1024x1xi32>
    %swap3A_350 = vector.shape_cast %swap3A_349 : vector<1x1024x1xi32> to vector<1024x1xi32>
    %swap3A_351 = vector.shape_cast %add3A_345 : vector<1024x1xi32> to vector<1x1024x1xi32>
    tpu.vector_store %arg5[%swap3A_346, %swap3A_347, %swap3A_348], %swap3A_351 {strides = array<i32>} : memref<1x1024x16xi32, #tpu.memory_space<vmem>>, vector<1x1024x1xi32>,
    %jit3A_352 = arith.constant 3.000000e+38 : f32
    %broadcast_in_dim3A_353 = vector.broadcast %jit3A_352 : f32 to vector<1024x1024xf32>
    %select_n3A_354 = arith.select %eq3A_337, %broadcast_in_dim3A_353, %select_n3A_332 : vector<1024x1024xi1>, vector<1024x1024xf32>
    %reduce_min3A_355 = arith.constant dense<0x7F800000> : vector<1024xf32>
    %reduce_min3A_356 = vector.multi_reduction <minimumf>, %select_n3A_354, %reduce_min3A_355 [1] : vector<1024x1024xf32> to vector<1024xf32>
    %broadcast_in_dim3A_357 = vector.shape_cast %reduce_min3A_356 : vector<1024xf32> to vector<1024x1xf32>
    %eq3A_358 = vector.broadcast %broadcast_in_dim3A_357 : vector<1024x1xf32> to vector<1024x1024xf32>
    %eq3A_359 = arith.cmpf oeq, %select_n3A_354, %eq3A_358 : vector<1024x1024xf32>
    %jit3A_360 = arith.constant 1073741824 : i32
    %broadcast_in_dim3A_361 = vector.broadcast %jit3A_360 : i32 to vector<1024x1024xi32>
    %select_n3A_362 = arith.select %eq3A_359, %iota3A_31, %broadcast_in_dim3A_361 : vector<1024x1024xi1>, vector<1024x1024xi32>
    %reduce_min3A_363 = arith.constant dense<2147483647> : vector<1024xi32>
    %reduce_min3A_364 = vector.multi_reduction <minsi>, %select_n3A_362, %reduce_min3A_363 [1] : vector<1024x1024xi32> to vector<1024xi32>
    %broadcast_in_dim3A_365 = vector.shape_cast %reduce_min3A_364 : vector<1024xi32> to vector<1024x1xi32>
    %add3A_366 = vector.broadcast %mul3A_47 : i32 to vector<1024x1xi32>
    %add3A_367 = arith.addi %broadcast_in_dim3A_365, %add3A_366 : vector<1024x1xi32>
    %swap3A_368 = arith.constant 0 : index
    %swap3A_369 = arith.constant 0 : index
    %swap3A_370 = arith.constant 14 : index
    %swap3A_371 = vector.load %arg5[%swap3A_368, %swap3A_369, %swap3A_370] : memref<1x1024x16xi32, #tpu.memory_space<vmem>>, vector<1x1024x1xi32>
    %swap3A_372 = vector.shape_cast %swap3A_371 : vector<1x1024x1xi32> to vector<1024x1xi32>
    %swap3A_373 = vector.shape_cast %add3A_367 : vector<1024x1xi32> to vector<1x1024x1xi32>
    tpu.vector_store %arg5[%swap3A_368, %swap3A_369, %swap3A_370], %swap3A_373 {strides = array<i32>} : memref<1x1024x16xi32, #tpu.memory_space<vmem>>, vector<1x1024x1xi32>,
    %jit3A_374 = arith.constant 3.000000e+38 : f32
    %broadcast_in_dim3A_375 = vector.broadcast %jit3A_374 : f32 to vector<1024x1024xf32>
    %select_n3A_376 = arith.select %eq3A_359, %broadcast_in_dim3A_375, %select_n3A_354 : vector<1024x1024xi1>, vector<1024x1024xf32>
    %reduce_min3A_377 = arith.constant dense<0x7F800000> : vector<1024xf32>
    %reduce_min3A_378 = vector.multi_reduction <minimumf>, %select_n3A_376, %reduce_min3A_377 [1] : vector<1024x1024xf32> to vector<1024xf32>
    %broadcast_in_dim3A_379 = vector.shape_cast %reduce_min3A_378 : vector<1024xf32> to vector<1024x1xf32>
    %eq3A_380 = vector.broadcast %broadcast_in_dim3A_379 : vector<1024x1xf32> to vector<1024x1024xf32>
    %eq3A_381 = arith.cmpf oeq, %select_n3A_376, %eq3A_380 : vector<1024x1024xf32>
    %jit3A_382 = arith.constant 1073741824 : i32
    %broadcast_in_dim3A_383 = vector.broadcast %jit3A_382 : i32 to vector<1024x1024xi32>
    %select_n3A_384 = arith.select %eq3A_381, %iota3A_31, %broadcast_in_dim3A_383 : vector<1024x1024xi1>, vector<1024x1024xi32>
    %reduce_min3A_385 = arith.constant dense<2147483647> : vector<1024xi32>
    %reduce_min3A_386 = vector.multi_reduction <minsi>, %select_n3A_384, %reduce_min3A_385 [1] : vector<1024x1024xi32> to vector<1024xi32>
    %broadcast_in_dim3A_387 = vector.shape_cast %reduce_min3A_386 : vector<1024xi32> to vector<1024x1xi32>
    %add3A_388 = vector.broadcast %mul3A_47 : i32 to vector<1024x1xi32>
    %add3A_389 = arith.addi %broadcast_in_dim3A_387, %add3A_388 : vector<1024x1xi32>
    %swap3A_390 = arith.constant 0 : index
    %swap3A_391 = arith.constant 0 : index
    %swap3A_392 = arith.constant 15 : index
    %swap3A_393 = vector.load %arg5[%swap3A_390, %swap3A_391, %swap3A_392] : memref<1x1024x16xi32, #tpu.memory_space<vmem>>, vector<1x1024x1xi32>
    %swap3A_394 = vector.shape_cast %swap3A_393 : vector<1x1024x1xi32> to vector<1024x1xi32>
    %swap3A_395 = vector.shape_cast %add3A_389 : vector<1024x1xi32> to vector<1x1024x1xi32>
    tpu.vector_store %arg5[%swap3A_390, %swap3A_391, %swap3A_392], %swap3A_395 {strides = array<i32>} : memref<1x1024x16xi32, #tpu.memory_space<vmem>>, vector<1x1024x1xi32>,
    return
  }
  func.func @transform_0(%arg0: i32) -> (i32, i32, i32) {
    %c0_i32 = arith.constant 0 : i32
    %c0_i32_0 = arith.constant 0 : i32
    %c0_i32_1 = arith.constant 0 : i32
    return %arg0, %c0_i32, %c0_i32_0 : i32, i32, i32
  }
  func.func @transform_1(%arg0: i32) -> (i32, i32) {
    %c0_i32 = arith.constant 0 : i32
    %c0_i32_0 = arith.constant 0 : i32
    %c0_i32_1 = arith.constant 0 : i32
    return %c0_i32, %c0_i32_0 : i32, i32
  }
  func.func @transform_2(%arg0: i32) -> (i32, i32) {
    %c0_i32 = arith.constant 0 : i32
    %c0_i32_0 = arith.constant 0 : i32
    %c0_i32_1 = arith.constant 0 : i32
    return %c0_i32, %c0_i32_0 : i32, i32
  }
  func.func @transform_3(%arg0: i32) -> (i32, i32) {
    %c0_i32 = arith.constant 0 : i32
    %c0_i32_0 = arith.constant 0 : i32
    %c0_i32_1 = arith.constant 0 : i32
    return %c0_i32, %c0_i32_0 : i32, i32
  }
  func.func @transform_4(%arg0: i32) -> (i32, i32, i32) {
    %c0_i32 = arith.constant 0 : i32
    %c0_i32_0 = arith.constant 0 : i32
    %c0_i32_1 = arith.constant 0 : i32
    return %arg0, %c0_i32, %c0_i32_0 : i32, i32, i32
  }
  func.func @transform_5(%arg0: i32) -> (i32, i32, i32) {
    %c0_i32 = arith.constant 0 : i32
    %c0_i32_0 = arith.constant 0 : i32
    %c0_i32_1 = arith.constant 0 : i32
    return %arg0, %c0_i32, %c0_i32_0 : i32, i32, i32
  }
  func.func @transform_6(%arg0: i32) -> (i32, i32, i32) {
    %c0_i32 = arith.constant 0 : i32
    %c0_i32_0 = arith.constant 0 : i32
    %c0_i32_1 = arith.constant 0 : i32
    return %arg0, %c0_i32, %c0_i32_0 : i32, i32, i32
  }
}

module attributes {stable_mosaic.version = 14 : i64} {
  func.func @_conv1_body(%arg0: i32, %arg1: memref<1x16384x128xf32, #tpu.memory_space<vmem>>, %arg2: memref<1x1024x64xf32, #tpu.memory_space<vmem>>, %arg3: memref<64x64xf32, #tpu.memory_space<vmem>>, %arg4: memref<1x64xf32, #tpu.memory_space<vmem>>, %arg5: memref<64x64xf32, #tpu.memory_space<vmem>>, %arg6: memref<1x64xf32, #tpu.memory_space<vmem>>, %arg7: memref<64x64xf32, #tpu.memory_space<vmem>>, %arg8: memref<64x64xf32, #tpu.memory_space<vmem>>, %arg9: memref<1x64xf32, #tpu.memory_space<vmem>>, %arg10: memref<1x1024x64xf32, #tpu.memory_space<vmem>>, %arg11: memref<1x1024x64xf32, #tpu.memory_space<vmem>>, %arg12: memref<1x1024x128xf32, #tpu.memory_space<vmem>>) attributes {dimension_semantics = [#tpu.dimension_semantics<arbitrary>], iteration_bounds = array<i64: 32>, scalar_prefetch = 0 : i64, scratch_operands = 0 : i64, tpu.core_type = #tpu.core_type<tc>, window_params = [{transform_indices = @transform_0, window_bounds = array<i64: 1, 16384, 128>}, {transform_indices = @transform_1, window_bounds = array<i64: 1, 1024, 64>}, {pipeline_mode = #tpu.pipeline_mode<synchronous>, transform_indices = @transform_2, window_bounds = array<i64: 64, 64>}, {pipeline_mode = #tpu.pipeline_mode<synchronous>, transform_indices = @transform_3, window_bounds = array<i64: 1, 64>}, {pipeline_mode = #tpu.pipeline_mode<synchronous>, transform_indices = @transform_4, window_bounds = array<i64: 64, 64>}, {pipeline_mode = #tpu.pipeline_mode<synchronous>, transform_indices = @transform_5, window_bounds = array<i64: 1, 64>}, {pipeline_mode = #tpu.pipeline_mode<synchronous>, transform_indices = @transform_6, window_bounds = array<i64: 64, 64>}, {pipeline_mode = #tpu.pipeline_mode<synchronous>, transform_indices = @transform_7, window_bounds = array<i64: 64, 64>}, {pipeline_mode = #tpu.pipeline_mode<synchronous>, transform_indices = @transform_8, window_bounds = array<i64: 1, 64>}, {transform_indices = @transform_9, window_bounds = array<i64: 1, 1024, 64>}, {transform_indices = @transform_10, window_bounds = array<i64: 1, 1024, 64>}, {transform_indices = @transform_11, window_bounds = array<i64: 1, 1024, 128>}]} {
    %get3A = arith.constant 0 : index
    %get3A_0 = arith.constant 0 : index
    %get3A_1 = arith.constant 0 : index
    %get3A_2 = vector.load %arg1[%get3A, %get3A_0, %get3A_1] : memref<1x16384x128xf32, #tpu.memory_space<vmem>>, vector<1x16384x128xf32>
    %get3A_3 = vector.shape_cast %get3A_2 : vector<1x16384x128xf32> to vector<16384x128xf32>
    %slice3A = vector.extract_strided_slice %get3A_3 {offsets = [0, 0], sizes = [16384, 64], strides = [1, 1]} : vector<16384x128xf32> to vector<16384x64xf32>
    %get3A_4 = arith.constant 0 : index
    %get3A_5 = arith.constant 0 : index
    %get3A_6 = arith.constant 0 : index
    %get3A_7 = vector.load %arg2[%get3A_4, %get3A_5, %get3A_6] : memref<1x1024x64xf32, #tpu.memory_space<vmem>>, vector<1x1024x64xf32>
    %get3A_8 = vector.shape_cast %get3A_7 : vector<1x1024x64xf32> to vector<1024x64xf32>
    %broadcast_in_dim3A = vector.shape_cast %get3A_8 : vector<1024x64xf32> to vector<1024x1x64xf32>
    %broadcast_in_dim3A_9 = vector.shape_cast %broadcast_in_dim3A : vector<1024x1x64xf32> to vector<1024x1x64xf32>
    %broadcast_in_dim3A_10 = vector.broadcast %broadcast_in_dim3A_9 : vector<1024x1x64xf32> to vector<1024x16x64xf32>
    %reshape3A = vector.shape_cast %broadcast_in_dim3A_10 : vector<1024x16x64xf32> to vector<16384x64xf32>
    %add3A = arith.addf %reshape3A, %slice3A : vector<16384x64xf32>
    %max3A = arith.constant 0.000000e+00 : f32
    %max3A_11 = vector.broadcast %max3A : f32 to vector<16384x64xf32>
    %max3A_12 = arith.maximumf %add3A, %max3A_11 : vector<16384x64xf32>
    %get3A_13 = arith.constant 0 : index
    %get3A_14 = arith.constant 0 : index
    %get3A_15 = vector.load %arg3[%get3A_13, %get3A_14] : memref<64x64xf32, #tpu.memory_space<vmem>>, vector<64x64xf32>
    %dot_general3A = arith.constant dense<0.000000e+00> : vector<16384x64xf32>
    %dot_general3A_16 = tpu.matmul %max3A_12, %get3A_15, %dot_general3A {dimension_numbers = #tpu.dot_dimension_numbers<[1], [0], [0], [1], [0, 0, 1, 1], [], []>, transpose_lhs_hint = false} : vector<16384x64xf32>, vector<64x64xf32>, vector<16384x64xf32> -> vector<16384x64xf32>
    %get3A_17 = arith.constant 0 : index
    %get3A_18 = arith.constant 0 : index
    %get3A_19 = vector.load %arg4[%get3A_17, %get3A_18] : memref<1x64xf32, #tpu.memory_space<vmem>>, vector<1x64xf32>
    %add3A_20 = vector.broadcast %get3A_19 : vector<1x64xf32> to vector<16384x64xf32>
    %add3A_21 = arith.addf %dot_general3A_16, %add3A_20 : vector<16384x64xf32>
    %max3A_22 = arith.constant 0.000000e+00 : f32
    %max3A_23 = vector.broadcast %max3A_22 : f32 to vector<16384x64xf32>
    %max3A_24 = arith.maximumf %add3A_21, %max3A_23 : vector<16384x64xf32>
    %get3A_25 = arith.constant 0 : index
    %get3A_26 = arith.constant 0 : index
    %get3A_27 = vector.load %arg5[%get3A_25, %get3A_26] : memref<64x64xf32, #tpu.memory_space<vmem>>, vector<64x64xf32>
    %dot_general3A_28 = arith.constant dense<0.000000e+00> : vector<16384x64xf32>
    %dot_general3A_29 = tpu.matmul %max3A_24, %get3A_27, %dot_general3A_28 {dimension_numbers = #tpu.dot_dimension_numbers<[1], [0], [0], [1], [0, 0, 1, 1], [], []>, transpose_lhs_hint = false} : vector<16384x64xf32>, vector<64x64xf32>, vector<16384x64xf32> -> vector<16384x64xf32>
    %get3A_30 = arith.constant 0 : index
    %get3A_31 = arith.constant 0 : index
    %get3A_32 = vector.load %arg6[%get3A_30, %get3A_31] : memref<1x64xf32, #tpu.memory_space<vmem>>, vector<1x64xf32>
    %add3A_33 = vector.broadcast %get3A_32 : vector<1x64xf32> to vector<16384x64xf32>
    %add3A_34 = arith.addf %dot_general3A_29, %add3A_33 : vector<16384x64xf32>
    %max3A_35 = arith.constant 0.000000e+00 : f32
    %max3A_36 = vector.broadcast %max3A_35 : f32 to vector<16384x64xf32>
    %max3A_37 = arith.maximumf %add3A_34, %max3A_36 : vector<16384x64xf32>
    %reshape3A_38 = vector.shape_cast %max3A_37 : vector<16384x64xf32> to vector<1024x16x64xf32>
    %reduce_max3A = arith.constant dense<0xFF800000> : vector<1024x64xf32>
    %reduce_max3A_39 = vector.multi_reduction <maximumf>, %reshape3A_38, %reduce_max3A [1] : vector<1024x16x64xf32> to vector<1024x64xf32>
    %swap3A = arith.constant 0 : index
    %swap3A_40 = arith.constant 0 : index
    %swap3A_41 = arith.constant 0 : index
    %swap3A_42 = vector.load %arg10[%swap3A, %swap3A_40, %swap3A_41] : memref<1x1024x64xf32, #tpu.memory_space<vmem>>, vector<1x1024x64xf32>
    %swap3A_43 = vector.shape_cast %swap3A_42 : vector<1x1024x64xf32> to vector<1024x64xf32>
    %swap3A_44 = vector.shape_cast %reduce_max3A_39 : vector<1024x64xf32> to vector<1x1024x64xf32>
    tpu.vector_store %arg10[%swap3A, %swap3A_40, %swap3A_41], %swap3A_44 {strides = array<i32>} : memref<1x1024x64xf32, #tpu.memory_space<vmem>>, vector<1x1024x64xf32>,
    %get3A_45 = arith.constant 0 : index
    %get3A_46 = arith.constant 0 : index
    %get3A_47 = vector.load %arg7[%get3A_45, %get3A_46] : memref<64x64xf32, #tpu.memory_space<vmem>>, vector<64x64xf32>
    %dot_general3A_48 = arith.constant dense<0.000000e+00> : vector<1024x64xf32>
    %dot_general3A_49 = tpu.matmul %reduce_max3A_39, %get3A_47, %dot_general3A_48 {dimension_numbers = #tpu.dot_dimension_numbers<[1], [0], [0], [1], [0, 0, 1, 1], [], []>, transpose_lhs_hint = false} : vector<1024x64xf32>, vector<64x64xf32>, vector<1024x64xf32> -> vector<1024x64xf32>
    %get3A_50 = arith.constant 0 : index
    %get3A_51 = arith.constant 0 : index
    %get3A_52 = vector.load %arg9[%get3A_50, %get3A_51] : memref<1x64xf32, #tpu.memory_space<vmem>>, vector<1x64xf32>
    %add3A_53 = vector.broadcast %get3A_52 : vector<1x64xf32> to vector<1024x64xf32>
    %add3A_54 = arith.addf %dot_general3A_49, %add3A_53 : vector<1024x64xf32>
    %swap3A_55 = arith.constant 0 : index
    %swap3A_56 = arith.constant 0 : index
    %swap3A_57 = arith.constant 0 : index
    %swap3A_58 = vector.load %arg11[%swap3A_55, %swap3A_56, %swap3A_57] : memref<1x1024x64xf32, #tpu.memory_space<vmem>>, vector<1x1024x64xf32>
    %swap3A_59 = vector.shape_cast %swap3A_58 : vector<1x1024x64xf32> to vector<1024x64xf32>
    %swap3A_60 = vector.shape_cast %add3A_54 : vector<1024x64xf32> to vector<1x1024x64xf32>
    tpu.vector_store %arg11[%swap3A_55, %swap3A_56, %swap3A_57], %swap3A_60 {strides = array<i32>} : memref<1x1024x64xf32, #tpu.memory_space<vmem>>, vector<1x1024x64xf32>,
    %get3A_61 = arith.constant 0 : index
    %get3A_62 = arith.constant 0 : index
    %get3A_63 = vector.load %arg8[%get3A_61, %get3A_62] : memref<64x64xf32, #tpu.memory_space<vmem>>, vector<64x64xf32>
    %dot_general3A_64 = arith.constant dense<0.000000e+00> : vector<1024x64xf32>
    %dot_general3A_65 = tpu.matmul %reduce_max3A_39, %get3A_63, %dot_general3A_64 {dimension_numbers = #tpu.dot_dimension_numbers<[1], [0], [0], [1], [0, 0, 1, 1], [], []>, transpose_lhs_hint = false} : vector<1024x64xf32>, vector<64x64xf32>, vector<1024x64xf32> -> vector<1024x64xf32>
    %broadcast_in_dim3A_66 = arith.constant 0.000000e+00 : f32
    %broadcast_in_dim3A_67 = vector.broadcast %broadcast_in_dim3A_66 : f32 to vector<1024x64xf32>
    %concatenate3A = tpu.concatenate %dot_general3A_65, %broadcast_in_dim3A_67 in 1 : vector<1024x64xf32>, vector<1024x64xf32> -> vector<1024x128xf32>
    %swap3A_68 = arith.constant 0 : index
    %swap3A_69 = arith.constant 0 : index
    %swap3A_70 = arith.constant 0 : index
    %swap3A_71 = vector.load %arg12[%swap3A_68, %swap3A_69, %swap3A_70] : memref<1x1024x128xf32, #tpu.memory_space<vmem>>, vector<1x1024x128xf32>
    %swap3A_72 = vector.shape_cast %swap3A_71 : vector<1x1024x128xf32> to vector<1024x128xf32>
    %swap3A_73 = vector.shape_cast %concatenate3A : vector<1024x128xf32> to vector<1x1024x128xf32>
    tpu.vector_store %arg12[%swap3A_68, %swap3A_69, %swap3A_70], %swap3A_73 {strides = array<i32>} : memref<1x1024x128xf32, #tpu.memory_space<vmem>>, vector<1x1024x128xf32>,
    return
  }
  func.func @transform_0(%arg0: i32) -> (i32, i32, i32) {
    %c0_i32 = arith.constant 0 : i32
    %c0_i32_0 = arith.constant 0 : i32
    %c0_i32_1 = arith.constant 0 : i32
    return %arg0, %c0_i32, %c0_i32_0 : i32, i32, i32
  }
  func.func @transform_1(%arg0: i32) -> (i32, i32, i32) {
    %c0_i32 = arith.constant 0 : i32
    %c0_i32_0 = arith.constant 0 : i32
    %c0_i32_1 = arith.constant 0 : i32
    return %arg0, %c0_i32, %c0_i32_0 : i32, i32, i32
  }
  func.func @transform_2(%arg0: i32) -> (i32, i32) {
    %c0_i32 = arith.constant 0 : i32
    %c0_i32_0 = arith.constant 0 : i32
    %c0_i32_1 = arith.constant 0 : i32
    return %c0_i32, %c0_i32_0 : i32, i32
  }
  func.func @transform_3(%arg0: i32) -> (i32, i32) {
    %c0_i32 = arith.constant 0 : i32
    %c0_i32_0 = arith.constant 0 : i32
    %c0_i32_1 = arith.constant 0 : i32
    return %c0_i32, %c0_i32_0 : i32, i32
  }
  func.func @transform_4(%arg0: i32) -> (i32, i32) {
    %c0_i32 = arith.constant 0 : i32
    %c0_i32_0 = arith.constant 0 : i32
    %c0_i32_1 = arith.constant 0 : i32
    return %c0_i32, %c0_i32_0 : i32, i32
  }
  func.func @transform_5(%arg0: i32) -> (i32, i32) {
    %c0_i32 = arith.constant 0 : i32
    %c0_i32_0 = arith.constant 0 : i32
    %c0_i32_1 = arith.constant 0 : i32
    return %c0_i32, %c0_i32_0 : i32, i32
  }
  func.func @transform_6(%arg0: i32) -> (i32, i32) {
    %c0_i32 = arith.constant 0 : i32
    %c0_i32_0 = arith.constant 0 : i32
    %c0_i32_1 = arith.constant 0 : i32
    return %c0_i32, %c0_i32_0 : i32, i32
  }
  func.func @transform_7(%arg0: i32) -> (i32, i32) {
    %c0_i32 = arith.constant 0 : i32
    %c0_i32_0 = arith.constant 0 : i32
    %c0_i32_1 = arith.constant 0 : i32
    return %c0_i32, %c0_i32_0 : i32, i32
  }
  func.func @transform_8(%arg0: i32) -> (i32, i32) {
    %c0_i32 = arith.constant 0 : i32
    %c0_i32_0 = arith.constant 0 : i32
    %c0_i32_1 = arith.constant 0 : i32
    return %c0_i32, %c0_i32_0 : i32, i32
  }
  func.func @transform_9(%arg0: i32) -> (i32, i32, i32) {
    %c0_i32 = arith.constant 0 : i32
    %c0_i32_0 = arith.constant 0 : i32
    %c0_i32_1 = arith.constant 0 : i32
    return %arg0, %c0_i32, %c0_i32_0 : i32, i32, i32
  }
  func.func @transform_10(%arg0: i32) -> (i32, i32, i32) {
    %c0_i32 = arith.constant 0 : i32
    %c0_i32_0 = arith.constant 0 : i32
    %c0_i32_1 = arith.constant 0 : i32
    return %arg0, %c0_i32, %c0_i32_0 : i32, i32, i32
  }
  func.func @transform_11(%arg0: i32) -> (i32, i32, i32) {
    %c0_i32 = arith.constant 0 : i32
    %c0_i32_0 = arith.constant 0 : i32
    %c0_i32_1 = arith.constant 0 : i32
    return %arg0, %c0_i32, %c0_i32_0 : i32, i32, i32
  }
}

module attributes {stable_mosaic.version = 14 : i64} {
  func.func @_conv2_body(%arg0: i32, %arg1: memref<1x1024x64xf32, #tpu.memory_space<vmem>>, %arg2: memref<1x1024x128xf32, #tpu.memory_space<vmem>>, %arg3: memref<64x128xf32, #tpu.memory_space<vmem>>, %arg4: memref<64x128xf32, #tpu.memory_space<vmem>>, %arg5: memref<1x128xf32, #tpu.memory_space<vmem>>, %arg6: memref<1x1024x64xf32, #tpu.memory_space<vmem>>, %arg7: memref<1x1024x128xf32, #tpu.memory_space<vmem>>, %arg8: memref<1x1024x128xf32, #tpu.memory_space<vmem>>) attributes {dimension_semantics = [#tpu.dimension_semantics<arbitrary>], iteration_bounds = array<i64: 32>, scalar_prefetch = 0 : i64, scratch_operands = 0 : i64, tpu.core_type = #tpu.core_type<tc>, window_params = [{transform_indices = @transform_0, window_bounds = array<i64: 1, 1024, 64>}, {transform_indices = @transform_1, window_bounds = array<i64: 1, 1024, 128>}, {pipeline_mode = #tpu.pipeline_mode<synchronous>, transform_indices = @transform_2, window_bounds = array<i64: 64, 128>}, {pipeline_mode = #tpu.pipeline_mode<synchronous>, transform_indices = @transform_3, window_bounds = array<i64: 64, 128>}, {pipeline_mode = #tpu.pipeline_mode<synchronous>, transform_indices = @transform_4, window_bounds = array<i64: 1, 128>}, {transform_indices = @transform_5, window_bounds = array<i64: 1, 1024, 64>}, {transform_indices = @transform_6, window_bounds = array<i64: 1, 1024, 128>}, {transform_indices = @transform_7, window_bounds = array<i64: 1, 1024, 128>}]} {
    %get3A = arith.constant 0 : index
    %get3A_0 = arith.constant 0 : index
    %get3A_1 = arith.constant 0 : index
    %get3A_2 = vector.load %arg1[%get3A, %get3A_0, %get3A_1] : memref<1x1024x64xf32, #tpu.memory_space<vmem>>, vector<1x1024x64xf32>
    %get3A_3 = vector.shape_cast %get3A_2 : vector<1x1024x64xf32> to vector<1024x64xf32>
    %get3A_4 = arith.constant 0 : index
    %get3A_5 = arith.constant 0 : index
    %get3A_6 = arith.constant 0 : index
    %get3A_7 = vector.load %arg2[%get3A_4, %get3A_5, %get3A_6] : memref<1x1024x128xf32, #tpu.memory_space<vmem>>, vector<1x1024x64xf32>
    %get3A_8 = vector.shape_cast %get3A_7 : vector<1x1024x64xf32> to vector<1024x64xf32>
    %add3A = arith.addf %get3A_3, %get3A_8 : vector<1024x64xf32>
    %max3A = arith.constant 0.000000e+00 : f32
    %max3A_9 = vector.broadcast %max3A : f32 to vector<1024x64xf32>
    %max3A_10 = arith.maximumf %add3A, %max3A_9 : vector<1024x64xf32>
    %swap3A = arith.constant 0 : index
    %swap3A_11 = arith.constant 0 : index
    %swap3A_12 = arith.constant 0 : index
    %swap3A_13 = vector.load %arg6[%swap3A, %swap3A_11, %swap3A_12] : memref<1x1024x64xf32, #tpu.memory_space<vmem>>, vector<1x1024x64xf32>
    %swap3A_14 = vector.shape_cast %swap3A_13 : vector<1x1024x64xf32> to vector<1024x64xf32>
    %swap3A_15 = vector.shape_cast %max3A_10 : vector<1024x64xf32> to vector<1x1024x64xf32>
    tpu.vector_store %arg6[%swap3A, %swap3A_11, %swap3A_12], %swap3A_15 {strides = array<i32>} : memref<1x1024x64xf32, #tpu.memory_space<vmem>>, vector<1x1024x64xf32>,
    %get3A_16 = arith.constant 0 : index
    %get3A_17 = arith.constant 0 : index
    %get3A_18 = vector.load %arg3[%get3A_16, %get3A_17] : memref<64x128xf32, #tpu.memory_space<vmem>>, vector<64x128xf32>
    %dot_general3A = arith.constant dense<0.000000e+00> : vector<1024x128xf32>
    %dot_general3A_19 = tpu.matmul %max3A_10, %get3A_18, %dot_general3A {dimension_numbers = #tpu.dot_dimension_numbers<[1], [0], [0], [1], [0, 0, 1, 1], [], []>, transpose_lhs_hint = false} : vector<1024x64xf32>, vector<64x128xf32>, vector<1024x128xf32> -> vector<1024x128xf32>
    %get3A_20 = arith.constant 0 : index
    %get3A_21 = arith.constant 0 : index
    %get3A_22 = vector.load %arg5[%get3A_20, %get3A_21] : memref<1x128xf32, #tpu.memory_space<vmem>>, vector<1x128xf32>
    %add3A_23 = vector.broadcast %get3A_22 : vector<1x128xf32> to vector<1024x128xf32>
    %add3A_24 = arith.addf %dot_general3A_19, %add3A_23 : vector<1024x128xf32>
    %swap3A_25 = arith.constant 0 : index
    %swap3A_26 = arith.constant 0 : index
    %swap3A_27 = arith.constant 0 : index
    %swap3A_28 = vector.load %arg7[%swap3A_25, %swap3A_26, %swap3A_27] : memref<1x1024x128xf32, #tpu.memory_space<vmem>>, vector<1x1024x128xf32>
    %swap3A_29 = vector.shape_cast %swap3A_28 : vector<1x1024x128xf32> to vector<1024x128xf32>
    %swap3A_30 = vector.shape_cast %add3A_24 : vector<1024x128xf32> to vector<1x1024x128xf32>
    tpu.vector_store %arg7[%swap3A_25, %swap3A_26, %swap3A_27], %swap3A_30 {strides = array<i32>} : memref<1x1024x128xf32, #tpu.memory_space<vmem>>, vector<1x1024x128xf32>,
    %get3A_31 = arith.constant 0 : index
    %get3A_32 = arith.constant 0 : index
    %get3A_33 = vector.load %arg4[%get3A_31, %get3A_32] : memref<64x128xf32, #tpu.memory_space<vmem>>, vector<64x128xf32>
    %dot_general3A_34 = arith.constant dense<0.000000e+00> : vector<1024x128xf32>
    %dot_general3A_35 = tpu.matmul %max3A_10, %get3A_33, %dot_general3A_34 {dimension_numbers = #tpu.dot_dimension_numbers<[1], [0], [0], [1], [0, 0, 1, 1], [], []>, transpose_lhs_hint = false} : vector<1024x64xf32>, vector<64x128xf32>, vector<1024x128xf32> -> vector<1024x128xf32>
    %swap3A_36 = arith.constant 0 : index
    %swap3A_37 = arith.constant 0 : index
    %swap3A_38 = arith.constant 0 : index
    %swap3A_39 = vector.load %arg8[%swap3A_36, %swap3A_37, %swap3A_38] : memref<1x1024x128xf32, #tpu.memory_space<vmem>>, vector<1x1024x128xf32>
    %swap3A_40 = vector.shape_cast %swap3A_39 : vector<1x1024x128xf32> to vector<1024x128xf32>
    %swap3A_41 = vector.shape_cast %dot_general3A_35 : vector<1024x128xf32> to vector<1x1024x128xf32>
    tpu.vector_store %arg8[%swap3A_36, %swap3A_37, %swap3A_38], %swap3A_41 {strides = array<i32>} : memref<1x1024x128xf32, #tpu.memory_space<vmem>>, vector<1x1024x128xf32>,
    return
  }
  func.func @transform_0(%arg0: i32) -> (i32, i32, i32) {
    %c0_i32 = arith.constant 0 : i32
    %c0_i32_0 = arith.constant 0 : i32
    %c0_i32_1 = arith.constant 0 : i32
    return %arg0, %c0_i32, %c0_i32_0 : i32, i32, i32
  }
  func.func @transform_1(%arg0: i32) -> (i32, i32, i32) {
    %c0_i32 = arith.constant 0 : i32
    %c0_i32_0 = arith.constant 0 : i32
    %c0_i32_1 = arith.constant 0 : i32
    return %arg0, %c0_i32, %c0_i32_0 : i32, i32, i32
  }
  func.func @transform_2(%arg0: i32) -> (i32, i32) {
    %c0_i32 = arith.constant 0 : i32
    %c0_i32_0 = arith.constant 0 : i32
    %c0_i32_1 = arith.constant 0 : i32
    return %c0_i32, %c0_i32_0 : i32, i32
  }
  func.func @transform_3(%arg0: i32) -> (i32, i32) {
    %c0_i32 = arith.constant 0 : i32
    %c0_i32_0 = arith.constant 0 : i32
    %c0_i32_1 = arith.constant 0 : i32
    return %c0_i32, %c0_i32_0 : i32, i32
  }
  func.func @transform_4(%arg0: i32) -> (i32, i32) {
    %c0_i32 = arith.constant 0 : i32
    %c0_i32_0 = arith.constant 0 : i32
    %c0_i32_1 = arith.constant 0 : i32
    return %c0_i32, %c0_i32_0 : i32, i32
  }
  func.func @transform_5(%arg0: i32) -> (i32, i32, i32) {
    %c0_i32 = arith.constant 0 : i32
    %c0_i32_0 = arith.constant 0 : i32
    %c0_i32_1 = arith.constant 0 : i32
    return %arg0, %c0_i32, %c0_i32_0 : i32, i32, i32
  }
  func.func @transform_6(%arg0: i32) -> (i32, i32, i32) {
    %c0_i32 = arith.constant 0 : i32
    %c0_i32_0 = arith.constant 0 : i32
    %c0_i32_1 = arith.constant 0 : i32
    return %arg0, %c0_i32, %c0_i32_0 : i32, i32, i32
  }
  func.func @transform_7(%arg0: i32) -> (i32, i32, i32) {
    %c0_i32 = arith.constant 0 : i32
    %c0_i32_0 = arith.constant 0 : i32
    %c0_i32_1 = arith.constant 0 : i32
    return %arg0, %c0_i32, %c0_i32_0 : i32, i32, i32
  }
}

module attributes {stable_mosaic.version = 14 : i64} {
  func.func @_lin1_body(%arg0: i32, %arg1: memref<1x1024x64xf32, #tpu.memory_space<vmem>>, %arg2: memref<1x1024x64xf32, #tpu.memory_space<vmem>>, %arg3: memref<1x1024x128xf32, #tpu.memory_space<vmem>>, %arg4: memref<1x1024x128xf32, #tpu.memory_space<vmem>>, %arg5: memref<256x1024xf32, #tpu.memory_space<vmem>>, %arg6: memref<1x1024xf32, #tpu.memory_space<vmem>>, %arg7: memref<1x1x1024xf32, #tpu.memory_space<vmem>>) attributes {dimension_semantics = [#tpu.dimension_semantics<arbitrary>], iteration_bounds = array<i64: 32>, scalar_prefetch = 0 : i64, scratch_operands = 0 : i64, tpu.core_type = #tpu.core_type<tc>, window_params = [{transform_indices = @transform_0, window_bounds = array<i64: 1, 1024, 64>}, {transform_indices = @transform_1, window_bounds = array<i64: 1, 1024, 64>}, {transform_indices = @transform_2, window_bounds = array<i64: 1, 1024, 128>}, {transform_indices = @transform_3, window_bounds = array<i64: 1, 1024, 128>}, {pipeline_mode = #tpu.pipeline_mode<synchronous>, transform_indices = @transform_4, window_bounds = array<i64: 256, 1024>}, {pipeline_mode = #tpu.pipeline_mode<synchronous>, transform_indices = @transform_5, window_bounds = array<i64: 1, 1024>}, {transform_indices = @transform_6, window_bounds = array<i64: 1, 1, 1024>}]} {
    %get3A = arith.constant 0 : index
    %get3A_0 = arith.constant 0 : index
    %get3A_1 = arith.constant 0 : index
    %get3A_2 = vector.load %arg3[%get3A, %get3A_0, %get3A_1] : memref<1x1024x128xf32, #tpu.memory_space<vmem>>, vector<1x1024x128xf32>
    %get3A_3 = vector.shape_cast %get3A_2 : vector<1x1024x128xf32> to vector<1024x128xf32>
    %get3A_4 = arith.constant 0 : index
    %get3A_5 = arith.constant 0 : index
    %get3A_6 = arith.constant 0 : index
    %get3A_7 = vector.load %arg4[%get3A_4, %get3A_5, %get3A_6] : memref<1x1024x128xf32, #tpu.memory_space<vmem>>, vector<1x1024x128xf32>
    %get3A_8 = vector.shape_cast %get3A_7 : vector<1x1024x128xf32> to vector<1024x128xf32>
    %add3A = arith.addf %get3A_3, %get3A_8 : vector<1024x128xf32>
    %max3A = arith.constant 0.000000e+00 : f32
    %max3A_9 = vector.broadcast %max3A : f32 to vector<1024x128xf32>
    %max3A_10 = arith.maximumf %add3A, %max3A_9 : vector<1024x128xf32>
    %get3A_11 = arith.constant 0 : index
    %get3A_12 = arith.constant 0 : index
    %get3A_13 = vector.load %arg5[%get3A_11, %get3A_12] : memref<256x1024xf32, #tpu.memory_space<vmem>>, vector<256x1024xf32>
    %get3A_14 = arith.constant 0 : index
    %get3A_15 = arith.constant 0 : index
    %get3A_16 = arith.constant 0 : index
    %get3A_17 = vector.load %arg1[%get3A_14, %get3A_15, %get3A_16] : memref<1x1024x64xf32, #tpu.memory_space<vmem>>, vector<1x1024x64xf32>
    %get3A_18 = vector.shape_cast %get3A_17 : vector<1x1024x64xf32> to vector<1024x64xf32>
    %slice3A = vector.extract_strided_slice %get3A_13 {offsets = [0, 0], sizes = [64, 1024], strides = [1, 1]} : vector<256x1024xf32> to vector<64x1024xf32>
    %dot_general3A = arith.constant dense<0.000000e+00> : vector<1024x1024xf32>
    %dot_general3A_19 = tpu.matmul %get3A_18, %slice3A, %dot_general3A {dimension_numbers = #tpu.dot_dimension_numbers<[1], [0], [0], [1], [0, 0, 1, 1], [], []>, transpose_lhs_hint = false} : vector<1024x64xf32>, vector<64x1024xf32>, vector<1024x1024xf32> -> vector<1024x1024xf32>
    %get3A_20 = arith.constant 0 : index
    %get3A_21 = arith.constant 0 : index
    %get3A_22 = arith.constant 0 : index
    %get3A_23 = vector.load %arg2[%get3A_20, %get3A_21, %get3A_22] : memref<1x1024x64xf32, #tpu.memory_space<vmem>>, vector<1x1024x64xf32>
    %get3A_24 = vector.shape_cast %get3A_23 : vector<1x1024x64xf32> to vector<1024x64xf32>
    %slice3A_25 = vector.extract_strided_slice %get3A_13 {offsets = [64, 0], sizes = [64, 1024], strides = [1, 1]} : vector<256x1024xf32> to vector<64x1024xf32>
    %dot_general3A_26 = arith.constant dense<0.000000e+00> : vector<1024x1024xf32>
    %dot_general3A_27 = tpu.matmul %get3A_24, %slice3A_25, %dot_general3A_26 {dimension_numbers = #tpu.dot_dimension_numbers<[1], [0], [0], [1], [0, 0, 1, 1], [], []>, transpose_lhs_hint = false} : vector<1024x64xf32>, vector<64x1024xf32>, vector<1024x1024xf32> -> vector<1024x1024xf32>
    %add3A_28 = arith.addf %dot_general3A_19, %dot_general3A_27 : vector<1024x1024xf32>
    %slice3A_29 = vector.extract_strided_slice %get3A_13 {offsets = [128, 0], sizes = [128, 1024], strides = [1, 1]} : vector<256x1024xf32> to vector<128x1024xf32>
    %dot_general3A_30 = arith.constant dense<0.000000e+00> : vector<1024x1024xf32>
    %dot_general3A_31 = tpu.matmul %max3A_10, %slice3A_29, %dot_general3A_30 {dimension_numbers = #tpu.dot_dimension_numbers<[1], [0], [0], [1], [0, 0, 1, 1], [], []>, transpose_lhs_hint = false} : vector<1024x128xf32>, vector<128x1024xf32>, vector<1024x1024xf32> -> vector<1024x1024xf32>
    %add3A_32 = arith.addf %add3A_28, %dot_general3A_31 : vector<1024x1024xf32>
    %get3A_33 = arith.constant 0 : index
    %get3A_34 = arith.constant 0 : index
    %get3A_35 = vector.load %arg6[%get3A_33, %get3A_34] : memref<1x1024xf32, #tpu.memory_space<vmem>>, vector<1x1024xf32>
    %add3A_36 = vector.broadcast %get3A_35 : vector<1x1024xf32> to vector<1024x1024xf32>
    %add3A_37 = arith.addf %add3A_32, %add3A_36 : vector<1024x1024xf32>
    %reduce_max3A = arith.constant dense<0xFF800000> : vector<1024xf32>
    %reduce_max3A_38 = vector.multi_reduction <maximumf>, %add3A_37, %reduce_max3A [0] : vector<1024x1024xf32> to vector<1024xf32>
    %broadcast_in_dim3A = vector.shape_cast %reduce_max3A_38 : vector<1024xf32> to vector<1x1024xf32>
    %swap3A = arith.constant 0 : index
    %swap3A_39 = arith.constant 0 : index
    %swap3A_40 = arith.constant 0 : index
    %swap3A_41 = vector.load %arg7[%swap3A, %swap3A_39, %swap3A_40] : memref<1x1x1024xf32, #tpu.memory_space<vmem>>, vector<1x1x1024xf32>
    %swap3A_42 = vector.shape_cast %swap3A_41 : vector<1x1x1024xf32> to vector<1x1024xf32>
    %swap3A_43 = vector.shape_cast %broadcast_in_dim3A : vector<1x1024xf32> to vector<1x1x1024xf32>
    tpu.vector_store %arg7[%swap3A, %swap3A_39, %swap3A_40], %swap3A_43 {strides = array<i32>} : memref<1x1x1024xf32, #tpu.memory_space<vmem>>, vector<1x1x1024xf32>,
    return
  }
  func.func @transform_0(%arg0: i32) -> (i32, i32, i32) {
    %c0_i32 = arith.constant 0 : i32
    %c0_i32_0 = arith.constant 0 : i32
    %c0_i32_1 = arith.constant 0 : i32
    return %arg0, %c0_i32, %c0_i32_0 : i32, i32, i32
  }
  func.func @transform_1(%arg0: i32) -> (i32, i32, i32) {
    %c0_i32 = arith.constant 0 : i32
    %c0_i32_0 = arith.constant 0 : i32
    %c0_i32_1 = arith.constant 0 : i32
    return %arg0, %c0_i32, %c0_i32_0 : i32, i32, i32
  }
  func.func @transform_2(%arg0: i32) -> (i32, i32, i32) {
    %c0_i32 = arith.constant 0 : i32
    %c0_i32_0 = arith.constant 0 : i32
    %c0_i32_1 = arith.constant 0 : i32
    return %arg0, %c0_i32, %c0_i32_0 : i32, i32, i32
  }
  func.func @transform_3(%arg0: i32) -> (i32, i32, i32) {
    %c0_i32 = arith.constant 0 : i32
    %c0_i32_0 = arith.constant 0 : i32
    %c0_i32_1 = arith.constant 0 : i32
    return %arg0, %c0_i32, %c0_i32_0 : i32, i32, i32
  }
  func.func @transform_4(%arg0: i32) -> (i32, i32) {
    %c0_i32 = arith.constant 0 : i32
    %c0_i32_0 = arith.constant 0 : i32
    %c0_i32_1 = arith.constant 0 : i32
    return %c0_i32, %c0_i32_0 : i32, i32
  }
  func.func @transform_5(%arg0: i32) -> (i32, i32) {
    %c0_i32 = arith.constant 0 : i32
    %c0_i32_0 = arith.constant 0 : i32
    %c0_i32_1 = arith.constant 0 : i32
    return %c0_i32, %c0_i32_0 : i32, i32
  }
  func.func @transform_6(%arg0: i32) -> (i32, i32, i32) {
    %c0_i32 = arith.constant 0 : i32
    %c0_i32_0 = arith.constant 0 : i32
    %c0_i32_1 = arith.constant 0 : i32
    return %arg0, %c0_i32, %c0_i32_0 : i32, i32, i32
  }
}

module attributes {stable_mosaic.version = 14 : i64} {
  func.func @_cls_body(%arg0: memref<32x1024xf32, #tpu.memory_space<vmem>>, %arg1: memref<1024x512xf32, #tpu.memory_space<vmem>>, %arg2: memref<1x512xf32, #tpu.memory_space<vmem>>, %arg3: memref<512x256xf32, #tpu.memory_space<vmem>>, %arg4: memref<1x256xf32, #tpu.memory_space<vmem>>, %arg5: memref<256x40xf32, #tpu.memory_space<vmem>>, %arg6: memref<1x40xf32, #tpu.memory_space<vmem>>, %arg7: memref<32x40xf32, #tpu.memory_space<vmem>>) attributes {dimension_semantics = [], scalar_prefetch = 0 : i64, scratch_operands = 0 : i64, tpu.core_type = #tpu.core_type<tc>} {
    %get3A = arith.constant 0 : index
    %get3A_0 = arith.constant 0 : index
    %get3A_1 = vector.load %arg0[%get3A, %get3A_0] : memref<32x1024xf32, #tpu.memory_space<vmem>>, vector<32x1024xf32>
    %get3A_2 = arith.constant 0 : index
    %get3A_3 = arith.constant 0 : index
    %get3A_4 = vector.load %arg1[%get3A_2, %get3A_3] : memref<1024x512xf32, #tpu.memory_space<vmem>>, vector<1024x512xf32>
    %dot_general3A = arith.constant dense<0.000000e+00> : vector<32x512xf32>
    %dot_general3A_5 = tpu.matmul %get3A_1, %get3A_4, %dot_general3A {dimension_numbers = #tpu.dot_dimension_numbers<[1], [0], [0], [1], [0, 0, 1, 1], [], []>, transpose_lhs_hint = false} : vector<32x1024xf32>, vector<1024x512xf32>, vector<32x512xf32> -> vector<32x512xf32>
    %get3A_6 = arith.constant 0 : index
    %get3A_7 = arith.constant 0 : index
    %get3A_8 = vector.load %arg2[%get3A_6, %get3A_7] : memref<1x512xf32, #tpu.memory_space<vmem>>, vector<1x512xf32>
    %add3A = vector.broadcast %get3A_8 : vector<1x512xf32> to vector<32x512xf32>
    %add3A_9 = arith.addf %dot_general3A_5, %add3A : vector<32x512xf32>
    %max3A = arith.constant 0.000000e+00 : f32
    %max3A_10 = vector.broadcast %max3A : f32 to vector<32x512xf32>
    %max3A_11 = arith.maximumf %add3A_9, %max3A_10 : vector<32x512xf32>
    %get3A_12 = arith.constant 0 : index
    %get3A_13 = arith.constant 0 : index
    %get3A_14 = vector.load %arg3[%get3A_12, %get3A_13] : memref<512x256xf32, #tpu.memory_space<vmem>>, vector<512x256xf32>
    %dot_general3A_15 = arith.constant dense<0.000000e+00> : vector<32x256xf32>
    %dot_general3A_16 = tpu.matmul %max3A_11, %get3A_14, %dot_general3A_15 {dimension_numbers = #tpu.dot_dimension_numbers<[1], [0], [0], [1], [0, 0, 1, 1], [], []>, transpose_lhs_hint = false} : vector<32x512xf32>, vector<512x256xf32>, vector<32x256xf32> -> vector<32x256xf32>
    %get3A_17 = arith.constant 0 : index
    %get3A_18 = arith.constant 0 : index
    %get3A_19 = vector.load %arg4[%get3A_17, %get3A_18] : memref<1x256xf32, #tpu.memory_space<vmem>>, vector<1x256xf32>
    %add3A_20 = vector.broadcast %get3A_19 : vector<1x256xf32> to vector<32x256xf32>
    %add3A_21 = arith.addf %dot_general3A_16, %add3A_20 : vector<32x256xf32>
    %max3A_22 = arith.constant 0.000000e+00 : f32
    %max3A_23 = vector.broadcast %max3A_22 : f32 to vector<32x256xf32>
    %max3A_24 = arith.maximumf %add3A_21, %max3A_23 : vector<32x256xf32>
    %get3A_25 = arith.constant 0 : index
    %get3A_26 = arith.constant 0 : index
    %get3A_27 = vector.load %arg5[%get3A_25, %get3A_26] : memref<256x40xf32, #tpu.memory_space<vmem>>, vector<256x40xf32>
    %dot_general3A_28 = arith.constant dense<0.000000e+00> : vector<32x40xf32>
    %dot_general3A_29 = tpu.matmul %max3A_24, %get3A_27, %dot_general3A_28 {dimension_numbers = #tpu.dot_dimension_numbers<[1], [0], [0], [1], [0, 0, 1, 1], [], []>, transpose_lhs_hint = false} : vector<32x256xf32>, vector<256x40xf32>, vector<32x40xf32> -> vector<32x40xf32>
    %get3A_30 = arith.constant 0 : index
    %get3A_31 = arith.constant 0 : index
    %get3A_32 = vector.load %arg6[%get3A_30, %get3A_31] : memref<1x40xf32, #tpu.memory_space<vmem>>, vector<1x40xf32>
    %add3A_33 = vector.broadcast %get3A_32 : vector<1x40xf32> to vector<32x40xf32>
    %add3A_34 = arith.addf %dot_general3A_29, %add3A_33 : vector<32x40xf32>
    %reduce_max3A = arith.constant dense<0xFF800000> : vector<32xf32>
    %reduce_max3A_35 = vector.multi_reduction <maximumf>, %add3A_34, %reduce_max3A [1] : vector<32x40xf32> to vector<32xf32>
    %broadcast_in_dim3A = vector.shape_cast %reduce_max3A_35 : vector<32xf32> to vector<32x1xf32>
    %sub3A = vector.broadcast %broadcast_in_dim3A : vector<32x1xf32> to vector<32x40xf32>
    %sub3A_36 = arith.subf %add3A_34, %sub3A : vector<32x40xf32>
    %exp3A = math.exp %sub3A_36 : vector<32x40xf32>
    %reduce_sum3A = arith.constant dense<0.000000e+00> : vector<32xf32>
    %reduce_sum3A_37 = vector.multi_reduction <add>, %exp3A, %reduce_sum3A [1] : vector<32x40xf32> to vector<32xf32>
    %broadcast_in_dim3A_38 = vector.shape_cast %reduce_sum3A_37 : vector<32xf32> to vector<32x1xf32>
    %log3A = math.log %broadcast_in_dim3A_38 : vector<32x1xf32>
    %sub3A_39 = vector.broadcast %log3A : vector<32x1xf32> to vector<32x40xf32>
    %sub3A_40 = arith.subf %sub3A_36, %sub3A_39 : vector<32x40xf32>
    %swap3A = arith.constant 0 : index
    %swap3A_41 = arith.constant 0 : index
    %swap3A_42 = vector.load %arg7[%swap3A, %swap3A_41] : memref<32x40xf32, #tpu.memory_space<vmem>>, vector<32x40xf32>
    tpu.vector_store %arg7[%swap3A, %swap3A_41], %sub3A_40 {strides = array<i32>} : memref<32x40xf32, #tpu.memory_space<vmem>>, vector<32x40xf32>,
    return
  }
}

</mosaic_0001>

<sc_bundles>
// kernel: kernel.10.cloned.1.call-start
scs
__scs_entry_jumppad:
0x0: {  	(pc) =	sbr.rel $0x88, $3  }
0x1: {  	(tag) =	ssettag $0x0;
	lr =	simm.s32 $0x1  }
0x2: {  	[smem:$0x3F8D] =	sst lr;
	_ =	strace $0xD0000000  }
0x3: {  	_ = 	snop  }
0x4: {  	_ = 	snop  }
0x5: {  	_ = 	snop  }
0x6: {  	_ = 	snop  }
0x7: {  	_ = 	snop  }
__scs_overlays_trampoline_lowered:
0x8: {  	[smem:$0x3F9C] =	sst s0  }
0x9: {  	[smem:$0x3F9D] =	sst s1  }
0xa: {  	[smem:$0x3F9E] =	sst s2  }
0xb: {  	[smem:$0x3F9F] =	sst s3  }
0xc: {  	[smem:$0x3FA0] =	sst s4  }
0xd: {  	[smem:$0x3FA1] =	sst s5  }
0xe: {  	[smem:$0x3FA2] =	sst s6  }
0xf: {  	[smem:$0x3FA3] =	sst s7  }
0x10: {  	[smem:$0x3FA4] =	sst s8  }
0x11: {  	[smem:$0x3FA5] =	sst s9;
	s0 =	simm.s32 @!p0 $0x0  }
0x12: {  	s1 =	sld [smem:$0x3F8B];
	s0 =	simm.s32 @p0 $0x1  }
0x13: {  	[smem:$0x3FA6] =	sst s0;
	s0 =	simm.s32 @!p1 $0x0  }
0x14: {  	s2 =	sld [smem:$0x3F8A];
	s0 =	simm.s32 @p1 $0x1  }
0x15: {  	[smem:$0x3FA7] =	sst s0;
	s0 =	simm.s32 @!p2 $0x0  }
0x16: {  	s3 =	sld [smem:$0x3FDB];
	s0 =	simm.s32 @p2 $0x1  }
0x17: {  	s4 =	simm.s32 $0x1BF5;
	[smem:$0x3FA9] =	sst s0  }
0x18: {  	s0 =	sld [smem:$0x3F8C];
	_ =	swait.ge [sflag:s4], $0x0  }
0x19: {  	s7 =	sld [smem:$0x3F8D]  }
0x1a: {  	s8 =	sadd.s32 $0xFFFFE003, lr  }
0x1b: {  	s9 =	sadd.s32 $0xFFFFFEF7, lr;
	s5 =	simm.s32 $0xFFFFFFFF;
	p2 =	slt.u32 s8, $0xFFFFF086  }
0x1c: {  	p1 =	slt.u32 s9, $0xF7A;
	s5 =	simm.s32 @!p2 $0x0  }
0x1d: {  	s5 =	simm.s32 @p1 $0x1;
	p0 =	seq.s32 s7, s2  }
0x1e: {  	s7 =	smul.u32 @!p0 $0xF7A, s2;
	p2 =	seq.s32 @!p0 s5, $0x0  }
0x1f: {  	s9 =	smul.u32 $0xF7A, s1;
	s8 =	simm.s32 @!p0 $0x1BF5;
	p2 =	por !p2, p0  }
0x20: {  	[sflag:s8] =	ssyncset.s32 @!p0 $0xFFFFF086;
	s6 =	sadd.s32 @!p0 s3, s7;
	s7 =	simm.s32 @!p0 $0x108  }
0x21: {  	s3 =	sadd.s32 s3, s9;
	s6 =	sadd.s32 @!p0 $0x88, s6;
	s7 =	simm.s32 @p2 $0x1082  }
0x22: {  	[simem:s7], [sflag:s8] =	dma.local @!p0 [hbm:s6], $0xF7A  }
0x23: {  	s9 =	sor.u32 $0xD0000000, s2;
	s6 =	simm.s32 $0x108;
	_ =	swait.ge @!p0 [sflag:s8], $0x0  }
0x24: {  	s3 =	sadd.s32 $0x88, s3;
	s6 =	simm.s32 @!p1 $0x1082;
	[sflag:s4] =	ssyncset.s32 $0xFFFFF086  }
0x25: {  	[simem:s6], [sflag:s4] =	dma.local [hbm:s3], $0xF7A  }
0x26: {  	[smem:$0x3F8D] =	sst s1;
	(tag) =	ssettag s2;
	_ =	strace s9  }
0x27: {  	s1 =	sld [smem:$0x3F9D]  }
0x28: {  	s2 =	sld [smem:$0x3F9E]  }
0x29: {  	s4 =	sld [smem:$0x3FA0]  }
0x2a: {  	p0 =	seq.s32 s5, $0x0;
	s5 =	sld [smem:$0x3FA1]  }
0x2b: {  	s6 =	sld [smem:$0x3FA2]  }
0x2c: {  	s7 =	sld [smem:$0x3FA3]  }
0x2d: {  	s3 =	simm.s32 $0x108;
	s8 =	sld [smem:$0x3FA4]  }
0x2e: {  	s3 =	simm.s32 @!p0 $0x1082;
	s9 =	sld [smem:$0x3FA5]  }
0x2f: {  	lr =	sadd.s32 s0, s3;
	s0 =	sld [smem:$0x3F9C]  }
0x30: {  	s3 =	sld [smem:$0x3F9F]  }
0x31: {  	[smem:$0x3FA8] =	sst s10  }
0x32: {  	s10 =	sld [smem:$0x3FA6];
	_ =	sdelay $0x3  }
0x33: {  	p0 =	seq.s32 s10, $0x1;
	s10 =	sld [smem:$0x3FA8];
	_ =	sdelay $0x3  }
0x34: {  	[smem:$0x3FA8] =	sst s10  }
0x35: {  	s10 =	sld [smem:$0x3FA7];
	_ =	sdelay $0x3  }
0x36: {  	p1 =	seq.s32 s10, $0x1;
	s10 =	sld [smem:$0x3FA8];
	_ =	sdelay $0x3  }
0x37: {  	[smem:$0x3FA8] =	sst s10  }
0x38: {  	s10 =	sld [smem:$0x3FA9]  }
0x39: {  	_ = 	snop;
	(pc) =	sbr.ind lr, $3  }
0x3a: {  	_ = 	snop  }
0x3b: {  	_ = 	snop  }
0x3c: {  	p2 =	seq.s32 s10, $0x1;
	s10 =	sld [smem:$0x3FA8]  }
0x3d: {  	_ =	shalt  }
0x3e: {  	_ =	shalt  }
0x3f: {  	_ =	shalt  }
0x40: {  	_ =	shalt  }
0x41: {  	_ =	shalt  }
0x42: {  	_ =	shalt  }
0x43: {  	_ =	shalt  }
0x44: {  	_ =	shalt  }
0x45: {  	_ =	shalt  }
0x46: {  	_ =	shalt  }
0x47: {  	_ =	shalt  }
0x48: {  	_ =	shalt  }
0x49: {  	_ =	shalt  }
0x4a: {  	_ =	shalt  }
0x4b: {  	_ =	shalt  }
0x4c: {  	_ =	shalt  }
0x4d: {  	_ =	shalt  }
0x4e: {  	_ =	shalt  }
0x4f: {  	_ =	shalt  }
0x50: {  	_ =	shalt  }
0x51: {  	_ =	shalt  }
0x52: {  	_ =	shalt  }
0x53: {  	_ =	shalt  }
0x54: {  	_ =	shalt  }
0x55: {  	_ =	shalt  }
0x56: {  	_ =	shalt  }
0x57: {  	_ =	shalt  }
0x58: {  	_ =	shalt  }
0x59: {  	_ =	shalt  }
0x5a: {  	_ =	shalt  }
0x5b: {  	_ =	shalt  }
0x5c: {  	_ =	shalt  }
0x5d: {  	_ =	shalt  }
0x5e: {  	_ =	shalt  }
0x5f: {  	_ =	shalt  }
0x60: {  	_ =	shalt  }
0x61: {  	_ =	shalt  }
0x62: {  	_ =	shalt  }
0x63: {  	_ =	shalt  }
0x64: {  	_ =	shalt  }
0x65: {  	_ =	shalt  }
0x66: {  	_ =	shalt  }
0x67: {  	_ =	shalt  }
0x68: {  	_ =	shalt  }
0x69: {  	_ =	shalt  }
0x6a: {  	_ =	shalt  }
0x6b: {  	_ =	shalt  }
0x6c: {  	_ =	shalt  }
0x6d: {  	_ =	shalt  }
0x6e: {  	_ =	shalt  }
0x6f: {  	_ =	shalt  }
0x70: {  	_ =	shalt  }
0x71: {  	_ =	shalt  }
0x72: {  	_ =	shalt  }
0x73: {  	_ =	shalt  }
0x74: {  	_ =	shalt  }
0x75: {  	_ =	shalt  }
0x76: {  	_ =	shalt  }
0x77: {  	_ =	shalt  }
0x78: {  	_ =	shalt  }
0x79: {  	_ =	shalt  }
0x7a: {  	_ =	shalt  }
0x7b: {  	_ =	shalt  }
0x7c: {  	_ =	shalt  }
0x7d: {  	_ =	shalt  }
0x7e: {  	_ =	shalt  }
0x7f: {  	_ =	shalt  }
0x80: {  	_ =	shalt  }
0x81: {  	_ =	shalt  }
0x82: {  	_ =	shalt  }
0x83: {  	_ =	shalt  }
0x84: {  	_ =	shalt  }
0x85: {  	_ =	shalt  }
0x86: {  	_ =	shalt  }
0x87: {  	_ =	shalt  }
.Lfunc_end0:
.L_simem_size_0:
called_computation_lowered:
.L_overlay_start_0:
0x88: {  	s2 =	sld [smem:$0x3FD9]  }
0x89: {  	s3 =	sld [smem:$0x3FFE];
	_ =	sdelay $0x1  }
0x8a: {  	s1 =	srdreg.scid  }
0x8b: {  	s0 =	sand.u32 $0x1, s1  }
0x8c: {  	s16 =	sshll.u32 s0, $0xA;
	s2 =	sadd.s32 s3, s2  }
0x8d: {  	s2 =	sadd.s32 s2, s16  }
0x8e: {  	[smem:$0x3FB4] =	sst s2  }
0x8f: {  	_ = 	snop  }
0x90: {  	(tm) =	ssettm $0x1  }
0x91: {  	s17 =	sld [smem:$0x3FFB];
	_ =	sdelay $0x3  }
0x92: {  	_ =	strace s17  }
0x93: {  	s2 =	sld [smem:$0x3FFC];
	_ =	sdelay $0x3  }
0x94: {  	_ =	strace s2  }
0x95: {  	s2 =	sld [smem:$0x3FFD];
	_ =	sdelay $0x3  }
0x96: {  	_ =	strace s2  }
0x97: {  	_ =	strace $0x8FFFFFFF  }
0x98: {  	s18 =	sld [smem:$0x3FDB];
	_ =	sdelay $0x1  }
0x99: {  	s19 =	simm.s32 $_scs_section_size  }
0x9a: {  	s4 =	simm.s32 $_size__tile_overlayer_lowered;
	s5 =	simm.s32 $_tile_overlayer_lowered  }
0x9b: {  	s22 =	simm.s32 $0x1BFF;
	s21 =	sshll.u32 s5, $0x1;
	s2 =	sadd.s32 s19, s18  }
0x9c: {  	s6 =	simm.s32 $0x0;
	s20 =	sshll.u32 s4, $0x1;
	s4 =	sadd.s32 s21, s2  }
0x9d: {  	[timem:s6], [sflag:s22] =	dma.local [hbm:s4], s20  }
0x9e: {  	_ =	swait.ge [sflag:s22], s20  }
0x9f: {  	s3 =	ssub.s32 $0x0, s20;
	[sflag:s22] =	ssyncset.done $0x0  }
0xa0: {  	[sflag:s22] =	ssyncadd.s32 s3;
	_ =	sdelay $0x1  }
0xa1: {  	s23 =	simm.s32 $0x1B8B  }
0xa2: {  	_ =	swait.ge [sflag:s23], $0x1  }
0xa3: {  	[sflag:s23] =	ssyncset.done $0x0  }
0xa4: {  	s25 =	simm.s32 $0x1B8E;
	s24 =	sld [smem:$0x3FFE];
	[sflag:s23] =	ssyncadd.s32 $0xFFFFFFFF  }
0xa5: {  	s26 =	simm.s32 $execute0_lowered;
	[smem:$0x3FD2] =	sst s25  }
0xa6: {  	s4 =	sshll.u32 s26, $0x1;
	_ =	strace $0x80000046;
	[dreg:$0x1] =	wrdreg $0xFFFFFFFF  }
0xa7: {  	s28 =	simm.s32 $_size_execute0_lowered;
	s2 =	sadd.s32 s2, s4;
	[dreg:$0x0] =	wrdreg $0x0  }
0xa8: {  	s4 =	sshll.u32 s28, $0x1;
	[dreg:$0x2] =	wrdreg s2  }
0xa9: {  	[dreg:$0x3] =	wrdreg s4  }
0xaa: {  	[dreg:$0x4] =	wrdreg $0xC0  }
0xab: {  	_ =	task [dreg:s6], $0x5FFFF  }
0xac: {  	[dreg:$0x1] =	wrdreg $0xFFFFFFFF  }
0xad: {  	[dreg:$0x0] =	wrdreg $0x60  }
0xae: {  	[dreg:$0x2] =	wrdreg s24  }
0xaf: {  	[dreg:$0x3] =	wrdreg $0x9  }
0xb0: {  	_ =	task.clear_ibuf [dreg:s6], $0x4FFFF;
	_ =	strace $0x90000046  }
0xb1: {  	s29 =	simm.s32 $0x9;
	_ =	strace $0x80000048  }
0xb2: {  	_ =	swait.ge [sflag:s29], $0x1  }
0xb3: {  	[sflag:s29] =	ssyncadd.s32 $0xFFFFFFFF  }
0xb4: {  	_ =	strace $0x90000048  }
0xb5: {  	_ =	sfence  }
0xb6: {  	s30 =	sld [smem:$0x0];
	_ =	sdelay $0x2  }
0xb7: {  	s31 =	sshll.u32 s1, $0xD;
	s1 =	sshrl.u32 s1, $0x2  }
0xb8: {  	s3 =	sand.u32 $0x4000, s31;
	s1 =	sadd.s32 s1, s30  }
0xb9: {  	s0 =	sor.u32 s3, s0;
	s1 =	sshll.u32 s1, $0x11  }
0xba: {  	s0 =	sor.u32 s1, s0  }
0xbb: {  	s0 =	sadd.s32 $0x8F2B, s0  }
0xbc: {  	[sflag:s0] =	ssyncadd.remote.s32 $0x1  }
0xbd: {  	_ =	sfence.sel $0xFFFF  }
0xbe: {  	[dreg:$0x0] =	wrdreg $0xFFFFFFFF;
	(pc) =	sbr.abs _section_cstart, $3  }
0xbf: {  	[dreg:$0x1] =	wrdreg $0xFFFFFFFF  }
0xc0: {  	_ =	task.clear_ibuf [dreg:s6], $0x2FFFF;
	_ =	strace $0x9FFFFFFF  }
0xc1: {  	(tm) =	ssettm $0x7FFFFFFF  }
tec
execute0_lowered:
.L_overlay_start_1:
0x0: {  	(tag) =	ssettag $0x1  }
0x1: {  	s4 =	rddreg [dreg:$0x0]  }
0x2: {  	s0 =	rddreg [dreg:$0x1];
	s2 =	simm.s32 $0x0;
	s3 =	srdreg.scid  }
0x3: {  	s1 =	stileid.u32;
	s10 =	simm.s32 $0x4200;
	s11 =	simm.s32 $0x100  }
0x4: {  	s12 =	simm.s32 $0x8200;
	s13 =	simm.s32 $0x180;
	s14 =	simm.s32 $0xC200  }
0x5: {  	s15 =	simm.s32 $0x1;
	s16 =	simm.s32 $0x0;
	[smem:$0x7FF] =	sst s2  }
0x6: {  	s5 =	sand.u32 $0x1, s3;
	s6 =	sshll.u32 s1, $0xF;
	s3 =	sadd.s32 $0x84000, s4  }
0x7: {  	s8 =	sshll.u32 s1, $0x13;
	_ =	strace $0x80000047;
	s7 =	sshll.u32 s5, $0xE  }
0x8: {  	s31 =	ssub.s32 $0x2, s5;
	s8 =	sadd.s32 s8, s4;
	s5 =	sshll.u32 s5, $0x12  }
0x9: {  	s6 =	sor.u32 s7, s6;
	s9 =	sshrl.u32 s31, $0x1;
	s5 =	sadd.s32 s5, s8  }
0xa: {  	s8 =	simm.s32 $0x80;
	s6 =	sshrl.u32 s6, $0x3;
	s7 =	ssub.s32 s31, s9  }
0xb: {  	s5 =	sadd.s32 $0x184000, s5;
	s9 =	simm.s32 $0x200;
	s6 =	sadd.s32 s6, s4  }
0xc: {  	s4 =	smax.u32 s7, $0x1;
	s7 =	simm.s32 $0x2;
	s6 =	sadd.s32 $0x4000, s6  }
.LBB2_1:
0xd: {  	s17 =	sadd.s32 $0x0, s6  }
0xe: {  	[tilespmem:s2], [sflag:$0x2] =	stream.linear.gather [hbm4b:s17+s2], $0x200, $0x38;
	[tilespmem:$0x10200] =	vst v63  }
0xf: {  	_ =	swait.ge [sflag:s7], $0x200  }
0x10: {  	[sflag:s7] =	ssyncset.done $0x0  }
0x11: {  	[sflag:s7] =	ssyncadd.s32 $0xFFFFFE00  }
0x12: {  	[tilespmem:s9], [sflag:$0x1] =	stream.indirect.gather [hbm4b:s3+s8], $0x80, s2, s8, $0xb8;
	[tilespmem:$0x10200] =	vst v63  }
0x13: {  	_ = 	snop  }
0x14: {  	[tilespmem:s10], [sflag:$0x1] =	stream.indirect.gather [hbm4b:s3+s8], $0x80, s8, s8, $0xb8;
	[tilespmem:$0x10200] =	vst v63  }
0x15: {  	_ = 	snop  }
0x16: {  	[tilespmem:s12], [sflag:$0x1] =	stream.indirect.gather [hbm4b:s3+s8], $0x80, s11, s8, $0xb8;
	[tilespmem:$0x10200] =	vst v63  }
0x17: {  	_ = 	snop  }
0x18: {  	[tilespmem:s14], [sflag:$0x1] =	stream.indirect.gather [hbm4b:s3+s8], $0x80, s13, s8, $0xb8;
	[tilespmem:$0x10200] =	vst v63  }
0x19: {  	_ =	swait.ge [sflag:s15], $0x4000  }
0x1a: {  	[sflag:s15] =	ssyncset.done $0x0  }
0x1b: {  	[sflag:s15] =	ssyncadd.s32 $0xFFFFC000  }
0x1c: {  	_ =	swait.ge [sflag:s15], $0x4000  }
0x1d: {  	[sflag:s15] =	ssyncset.done $0x0  }
0x1e: {  	[sflag:s15] =	ssyncadd.s32 $0xFFFFC000  }
0x1f: {  	_ =	swait.ge [sflag:s15], $0x4000  }
0x20: {  	[sflag:s15] =	ssyncset.done $0x0  }
0x21: {  	[sflag:s15] =	ssyncadd.s32 $0xFFFFC000  }
0x22: {  	_ =	swait.ge [sflag:s15], $0x4000  }
0x23: {  	[sflag:s15] =	ssyncset.done $0x0  }
0x24: {  	[sflag:s15] =	ssyncadd.s32 $0xFFFFC000  }
0x25: {  	[hbm4b:s5+s2] =	stream.linear.scatter [tilespmem:s9], [sflag:$0x2], $0x10000, $0x38;
	[tilespmem:$0x10200] =	vst v63  }
0x26: {  	s18 =	simm.s32 $0x40;
	_ =	swait.ge [sflag:s7], $0x10000  }
0x27: {  	s19 =	simm.s32 $0x80;
	s17 =	sadd.s32 $0x2000, s5;
	[sflag:s7] =	ssyncset.done $0x0  }
.LBB2_2:
0x28: {  	s20 =	sadd.s32 s18, s6  }
0x29: {  	[sflag:s7] =	ssyncadd.s32 $0xFFFF0000;
	s18 =	smov.u32 s19;
	s21 =	sadd.s32 $0x40, s19  }
0x2a: {  	[tilespmem:s2], [sflag:$0x2] =	stream.linear.gather [hbm4b:s20+s2], $0x200, $0x38;
	[tilespmem:$0x10200] =	vst v63  }
0x2b: {  	p0 =	sne.s32 s19, $0x7C0;
	_ =	swait.ge [sflag:s7], $0x200  }
0x2c: {  	[sflag:s7] =	ssyncset.done $0x0  }
0x2d: {  	[sflag:s7] =	ssyncadd.s32 $0xFFFFFE00  }
0x2e: {  	[tilespmem:s9], [sflag:$0x1] =	stream.indirect.gather [hbm4b:s3+s8], $0x80, s2, s8, $0xb8;
	[tilespmem:$0x10200] =	vst v63  }
0x2f: {  	_ = 	snop  }
0x30: {  	[tilespmem:s10], [sflag:$0x1] =	stream.indirect.gather [hbm4b:s3+s8], $0x80, s8, s8, $0xb8;
	[tilespmem:$0x10200] =	vst v63  }
0x31: {  	_ = 	snop  }
0x32: {  	[tilespmem:s12], [sflag:$0x1] =	stream.indirect.gather [hbm4b:s3+s8], $0x80, s11, s8, $0xb8;
	[tilespmem:$0x10200] =	vst v63  }
0x33: {  	_ = 	snop  }
0x34: {  	[tilespmem:s14], [sflag:$0x1] =	stream.indirect.gather [hbm4b:s3+s8], $0x80, s13, s8, $0xb8;
	[tilespmem:$0x10200] =	vst v63  }
0x35: {  	_ =	swait.ge [sflag:s15], $0x4000  }
0x36: {  	[sflag:s15] =	ssyncset.done $0x0  }
0x37: {  	[sflag:s15] =	ssyncadd.s32 $0xFFFFC000  }
0x38: {  	_ =	swait.ge [sflag:s15], $0x4000  }
0x39: {  	[sflag:s15] =	ssyncset.done $0x0  }
0x3a: {  	[sflag:s15] =	ssyncadd.s32 $0xFFFFC000  }
0x3b: {  	_ =	swait.ge [sflag:s15], $0x4000  }
0x3c: {  	[sflag:s15] =	ssyncset.done $0x0  }
0x3d: {  	[sflag:s15] =	ssyncadd.s32 $0xFFFFC000  }
0x3e: {  	_ =	swait.ge [sflag:s15], $0x4000  }
.Ltmp0:
0x3f: {  	[sflag:s15] =	ssyncset.done $0x0;
	(pc) =	sbr.rel @p0 .LBB2_2-.Ltmp0, $4  }
0x40: {  	[sflag:s15] =	ssyncadd.s32 $0xFFFFC000  }
0x41: {  	[hbm4b:s17+s2] =	stream.linear.scatter [tilespmem:s9], [sflag:$0x2], $0x10000, $0x38;
	[tilespmem:$0x10200] =	vst v63  }
0x42: {  	_ =	swait.ge [sflag:s7], $0x10000  }
0x43: {  	s19 =	smov.u32 s21;
	s17 =	sadd.s32 $0x2000, s17;
	[sflag:s7] =	ssyncset.done $0x0  }
0x44: {  	s18 =	sadd.s32 s18, s6;
	[sflag:s7] =	ssyncadd.s32 $0xFFFF0000  }
0x45: {  	[tilespmem:s2], [sflag:$0x2] =	stream.linear.gather [hbm4b:s18+s2], $0x200, $0x38;
	[tilespmem:$0x10200] =	vst v63  }
0x46: {  	_ =	swait.ge [sflag:s7], $0x200  }
0x47: {  	[sflag:s7] =	ssyncset.done $0x0  }
0x48: {  	[sflag:s7] =	ssyncadd.s32 $0xFFFFFE00  }
0x49: {  	[tilespmem:s9], [sflag:$0x1] =	stream.indirect.gather [hbm4b:s3+s8], $0x80, s2, s8, $0xb8;
	[tilespmem:$0x10200] =	vst v63  }
0x4a: {  	_ = 	snop  }
0x4b: {  	[tilespmem:s10], [sflag:$0x1] =	stream.indirect.gather [hbm4b:s3+s8], $0x80, s8, s8, $0xb8;
	[tilespmem:$0x10200] =	vst v63  }
0x4c: {  	_ = 	snop  }
0x4d: {  	[tilespmem:s12], [sflag:$0x1] =	stream.indirect.gather [hbm4b:s3+s8], $0x80, s11, s8, $0xb8;
	[tilespmem:$0x10200] =	vst v63  }
0x4e: {  	_ = 	snop  }
0x4f: {  	[tilespmem:s14], [sflag:$0x1] =	stream.indirect.gather [hbm4b:s3+s8], $0x80, s13, s8, $0xb8;
	[tilespmem:$0x10200] =	vst v63  }
0x50: {  	_ =	swait.ge [sflag:s15], $0x4000  }
0x51: {  	[sflag:s15] =	ssyncset.done $0x0  }
0x52: {  	[sflag:s15] =	ssyncadd.s32 $0xFFFFC000  }
0x53: {  	_ =	swait.ge [sflag:s15], $0x4000  }
0x54: {  	[sflag:s15] =	ssyncset.done $0x0  }
0x55: {  	[sflag:s15] =	ssyncadd.s32 $0xFFFFC000  }
0x56: {  	_ =	swait.ge [sflag:s15], $0x4000  }
0x57: {  	[sflag:s15] =	ssyncset.done $0x0  }
0x58: {  	[sflag:s15] =	ssyncadd.s32 $0xFFFFC000  }
0x59: {  	s16 =	sadd.s32 $0x1, s16;
	_ =	swait.ge [sflag:s15], $0x4000  }
0x5a: {  	p0 =	sne.s32 s16, s4;
	[sflag:s15] =	ssyncset.done $0x0  }
.Ltmp1:
0x5b: {  	[sflag:s15] =	ssyncadd.s32 $0xFFFFC000;
	(pc) =	sbr.rel @p0 .LBB2_1-.Ltmp1, $4  }
0x5c: {  	[hbm4b:s17+s2] =	stream.linear.scatter [tilespmem:s9], [sflag:$0x2], $0x10000, $0x38;
	[tilespmem:$0x10200] =	vst v63  }
0x5d: {  	_ =	swait.ge [sflag:s7], $0x10000  }
0x5e: {  	[sflag:s7] =	ssyncset.done $0x0  }
0x5f: {  	[sflag:s7] =	ssyncadd.s32 $0xFFFF0000  }
0x60: {  	_ =	sfence.sel $0x180000  }
0x61: {  	[bflag:$0x0] =	sbarrier.arrive $0xFFFF  }
0x62: {  	p0 =	sne.s32 s1, $0x0;
	_ =	strace $0x90000047  }
0x63: {  	s0 =	sadd.s32 @!p0 $0x100000, s0;
	[bflag:$0x2] =	sbarrier.arrive $0xFFFF  }
0x64: {  	[sflag:s0] =	ssyncadd.tile.s32 @!p0 $0x1;
	_ =	shalt  }
.Lfunc_end2:
_tile_overlayer_lowered:
.L_overlay_start_2:
0x65: {  	(tag) =	ssettag $0x2  }
0x66: {  	s0 =	rddreg [dreg:$0x0];
	s2 =	stileid.u32  }
0x67: {  	s1 =	rddreg [dreg:$0x1];
	p0 =	sne.s32 s2, $0x0  }
0x68: {  	s3 =	rddreg [dreg:$0x2];
	[bflag:$0x3] =	sbarrier.arrive $0xFFFF;
	s2 =	simm.s32 @!p0 $0x1C02  }
0x69: {  	[timem:s3], [sflag:s2] =	dma.local @!p0 [hbm:s0], s1  }
0x6a: {  	s0 =	simm.s32 @!p0 $0x2  }
0x6b: {  	_ =	swait.ge @!p0 [sflag:s0], s1  }
0x6c: {  	s1 =	ssub.s32 @!p0 $0x0, s1;
	[sflag:s0] =	ssyncset.done @!p0 $0x0  }
0x6d: {  	[sflag:s0] =	ssyncadd.s32 @!p0 s1  }
0x6e: {  	[bflag:$0x3] =	sbarrier.arrive $0xFFFF  }
0x6f: {  	_ =	shalt  }

// kernel: kernel.13.cloned.1.call-start
scs
__scs_entry_jumppad:
0x0: {  	(pc) =	sbr.rel $0x88, $3  }
0x1: {  	(tag) =	ssettag $0x0;
	lr =	simm.s32 $0x1  }
0x2: {  	[smem:$0x3F8D] =	sst lr;
	_ =	strace $0xD0000000  }
0x3: {  	_ = 	snop  }
0x4: {  	_ = 	snop  }
0x5: {  	_ = 	snop  }
0x6: {  	_ = 	snop  }
0x7: {  	_ = 	snop  }
__scs_overlays_trampoline_lowered:
0x8: {  	[smem:$0x3F9C] =	sst s0  }
0x9: {  	[smem:$0x3F9D] =	sst s1  }
0xa: {  	[smem:$0x3F9E] =	sst s2  }
0xb: {  	[smem:$0x3F9F] =	sst s3  }
0xc: {  	[smem:$0x3FA0] =	sst s4  }
0xd: {  	[smem:$0x3FA1] =	sst s5  }
0xe: {  	[smem:$0x3FA2] =	sst s6  }
0xf: {  	[smem:$0x3FA3] =	sst s7  }
0x10: {  	[smem:$0x3FA4] =	sst s8  }
0x11: {  	[smem:$0x3FA5] =	sst s9;
	s0 =	simm.s32 @!p0 $0x0  }
0x12: {  	s1 =	sld [smem:$0x3F8B];
	s0 =	simm.s32 @p0 $0x1  }
0x13: {  	[smem:$0x3FA6] =	sst s0;
	s0 =	simm.s32 @!p1 $0x0  }
0x14: {  	s2 =	sld [smem:$0x3F8A];
	s0 =	simm.s32 @p1 $0x1  }
0x15: {  	[smem:$0x3FA7] =	sst s0;
	s0 =	simm.s32 @!p2 $0x0  }
0x16: {  	s3 =	sld [smem:$0x3FDB];
	s0 =	simm.s32 @p2 $0x1  }
0x17: {  	s4 =	simm.s32 $0x1BF5;
	[smem:$0x3FA9] =	sst s0  }
0x18: {  	s0 =	sld [smem:$0x3F8C];
	_ =	swait.ge [sflag:s4], $0x0  }
0x19: {  	s7 =	sld [smem:$0x3F8D]  }
0x1a: {  	s8 =	sadd.s32 $0xFFFFE003, lr  }
0x1b: {  	s9 =	sadd.s32 $0xFFFFFEF7, lr;
	s5 =	simm.s32 $0xFFFFFFFF;
	p2 =	slt.u32 s8, $0xFFFFF086  }
0x1c: {  	p1 =	slt.u32 s9, $0xF7A;
	s5 =	simm.s32 @!p2 $0x0  }
0x1d: {  	s5 =	simm.s32 @p1 $0x1;
	p0 =	seq.s32 s7, s2  }
0x1e: {  	s7 =	smul.u32 @!p0 $0xF7A, s2;
	p2 =	seq.s32 @!p0 s5, $0x0  }
0x1f: {  	s9 =	smul.u32 $0xF7A, s1;
	s8 =	simm.s32 @!p0 $0x1BF5;
	p2 =	por !p2, p0  }
0x20: {  	[sflag:s8] =	ssyncset.s32 @!p0 $0xFFFFF086;
	s6 =	sadd.s32 @!p0 s3, s7;
	s7 =	simm.s32 @!p0 $0x108  }
0x21: {  	s3 =	sadd.s32 s3, s9;
	s6 =	sadd.s32 @!p0 $0x88, s6;
	s7 =	simm.s32 @p2 $0x1082  }
0x22: {  	[simem:s7], [sflag:s8] =	dma.local @!p0 [hbm:s6], $0xF7A  }
0x23: {  	s9 =	sor.u32 $0xD0000000, s2;
	s6 =	simm.s32 $0x108;
	_ =	swait.ge @!p0 [sflag:s8], $0x0  }
0x24: {  	s3 =	sadd.s32 $0x88, s3;
	s6 =	simm.s32 @!p1 $0x1082;
	[sflag:s4] =	ssyncset.s32 $0xFFFFF086  }
0x25: {  	[simem:s6], [sflag:s4] =	dma.local [hbm:s3], $0xF7A  }
0x26: {  	[smem:$0x3F8D] =	sst s1;
	(tag) =	ssettag s2;
	_ =	strace s9  }
0x27: {  	s1 =	sld [smem:$0x3F9D]  }
0x28: {  	s2 =	sld [smem:$0x3F9E]  }
0x29: {  	s4 =	sld [smem:$0x3FA0]  }
0x2a: {  	p0 =	seq.s32 s5, $0x0;
	s5 =	sld [smem:$0x3FA1]  }
0x2b: {  	s6 =	sld [smem:$0x3FA2]  }
0x2c: {  	s7 =	sld [smem:$0x3FA3]  }
0x2d: {  	s3 =	simm.s32 $0x108;
	s8 =	sld [smem:$0x3FA4]  }
0x2e: {  	s3 =	simm.s32 @!p0 $0x1082;
	s9 =	sld [smem:$0x3FA5]  }
0x2f: {  	lr =	sadd.s32 s0, s3;
	s0 =	sld [smem:$0x3F9C]  }
0x30: {  	s3 =	sld [smem:$0x3F9F]  }
0x31: {  	[smem:$0x3FA8] =	sst s10  }
0x32: {  	s10 =	sld [smem:$0x3FA6];
	_ =	sdelay $0x3  }
0x33: {  	p0 =	seq.s32 s10, $0x1;
	s10 =	sld [smem:$0x3FA8];
	_ =	sdelay $0x3  }
0x34: {  	[smem:$0x3FA8] =	sst s10  }
0x35: {  	s10 =	sld [smem:$0x3FA7];
	_ =	sdelay $0x3  }
0x36: {  	p1 =	seq.s32 s10, $0x1;
	s10 =	sld [smem:$0x3FA8];
	_ =	sdelay $0x3  }
0x37: {  	[smem:$0x3FA8] =	sst s10  }
0x38: {  	s10 =	sld [smem:$0x3FA9]  }
0x39: {  	_ = 	snop;
	(pc) =	sbr.ind lr, $3  }
0x3a: {  	_ = 	snop  }
0x3b: {  	_ = 	snop  }
0x3c: {  	p2 =	seq.s32 s10, $0x1;
	s10 =	sld [smem:$0x3FA8]  }
0x3d: {  	_ =	shalt  }
0x3e: {  	_ =	shalt  }
0x3f: {  	_ =	shalt  }
0x40: {  	_ =	shalt  }
0x41: {  	_ =	shalt  }
0x42: {  	_ =	shalt  }
0x43: {  	_ =	shalt  }
0x44: {  	_ =	shalt  }
0x45: {  	_ =	shalt  }
0x46: {  	_ =	shalt  }
0x47: {  	_ =	shalt  }
0x48: {  	_ =	shalt  }
0x49: {  	_ =	shalt  }
0x4a: {  	_ =	shalt  }
0x4b: {  	_ =	shalt  }
0x4c: {  	_ =	shalt  }
0x4d: {  	_ =	shalt  }
0x4e: {  	_ =	shalt  }
0x4f: {  	_ =	shalt  }
0x50: {  	_ =	shalt  }
0x51: {  	_ =	shalt  }
0x52: {  	_ =	shalt  }
0x53: {  	_ =	shalt  }
0x54: {  	_ =	shalt  }
0x55: {  	_ =	shalt  }
0x56: {  	_ =	shalt  }
0x57: {  	_ =	shalt  }
0x58: {  	_ =	shalt  }
0x59: {  	_ =	shalt  }
0x5a: {  	_ =	shalt  }
0x5b: {  	_ =	shalt  }
0x5c: {  	_ =	shalt  }
0x5d: {  	_ =	shalt  }
0x5e: {  	_ =	shalt  }
0x5f: {  	_ =	shalt  }
0x60: {  	_ =	shalt  }
0x61: {  	_ =	shalt  }
0x62: {  	_ =	shalt  }
0x63: {  	_ =	shalt  }
0x64: {  	_ =	shalt  }
0x65: {  	_ =	shalt  }
0x66: {  	_ =	shalt  }
0x67: {  	_ =	shalt  }
0x68: {  	_ =	shalt  }
0x69: {  	_ =	shalt  }
0x6a: {  	_ =	shalt  }
0x6b: {  	_ =	shalt  }
0x6c: {  	_ =	shalt  }
0x6d: {  	_ =	shalt  }
0x6e: {  	_ =	shalt  }
0x6f: {  	_ =	shalt  }
0x70: {  	_ =	shalt  }
0x71: {  	_ =	shalt  }
0x72: {  	_ =	shalt  }
0x73: {  	_ =	shalt  }
0x74: {  	_ =	shalt  }
0x75: {  	_ =	shalt  }
0x76: {  	_ =	shalt  }
0x77: {  	_ =	shalt  }
0x78: {  	_ =	shalt  }
0x79: {  	_ =	shalt  }
0x7a: {  	_ =	shalt  }
0x7b: {  	_ =	shalt  }
0x7c: {  	_ =	shalt  }
0x7d: {  	_ =	shalt  }
0x7e: {  	_ =	shalt  }
0x7f: {  	_ =	shalt  }
0x80: {  	_ =	shalt  }
0x81: {  	_ =	shalt  }
0x82: {  	_ =	shalt  }
0x83: {  	_ =	shalt  }
0x84: {  	_ =	shalt  }
0x85: {  	_ =	shalt  }
0x86: {  	_ =	shalt  }
0x87: {  	_ =	shalt  }
.Lfunc_end0:
.L_simem_size_0:
called_computation.1_lowered:
.L_overlay_start_0:
0x88: {  	s2 =	sld [smem:$0x3FD9]  }
0x89: {  	s3 =	sld [smem:$0x3FFE];
	_ =	sdelay $0x1  }
0x8a: {  	s1 =	srdreg.scid  }
0x8b: {  	s0 =	sand.u32 $0x1, s1  }
0x8c: {  	s16 =	sshll.u32 s0, $0xA;
	s2 =	sadd.s32 s3, s2  }
0x8d: {  	s2 =	sadd.s32 s2, s16  }
0x8e: {  	[smem:$0x3FB4] =	sst s2  }
0x8f: {  	_ = 	snop  }
0x90: {  	(tm) =	ssettm $0x1  }
0x91: {  	s17 =	sld [smem:$0x3FFB];
	_ =	sdelay $0x3  }
0x92: {  	_ =	strace s17  }
0x93: {  	s2 =	sld [smem:$0x3FFC];
	_ =	sdelay $0x3  }
0x94: {  	_ =	strace s2  }
0x95: {  	s2 =	sld [smem:$0x3FFD];
	_ =	sdelay $0x3  }
0x96: {  	_ =	strace s2  }
0x97: {  	_ =	strace $0x8FFFFFFF  }
0x98: {  	s18 =	sld [smem:$0x3FDB];
	_ =	sdelay $0x1  }
0x99: {  	s19 =	simm.s32 $_scs_section_size  }
0x9a: {  	s4 =	simm.s32 $_size__tile_overlayer_lowered;
	s5 =	simm.s32 $_tile_overlayer_lowered  }
0x9b: {  	s22 =	simm.s32 $0x1BFF;
	s21 =	sshll.u32 s5, $0x1;
	s2 =	sadd.s32 s19, s18  }
0x9c: {  	s6 =	simm.s32 $0x0;
	s20 =	sshll.u32 s4, $0x1;
	s4 =	sadd.s32 s21, s2  }
0x9d: {  	[timem:s6], [sflag:s22] =	dma.local [hbm:s4], s20  }
0x9e: {  	_ =	swait.ge [sflag:s22], s20  }
0x9f: {  	s3 =	ssub.s32 $0x0, s20;
	[sflag:s22] =	ssyncset.done $0x0  }
0xa0: {  	[sflag:s22] =	ssyncadd.s32 s3;
	_ =	sdelay $0x1  }
0xa1: {  	s23 =	simm.s32 $0x1B8B  }
0xa2: {  	_ =	swait.ge [sflag:s23], $0x1  }
0xa3: {  	[sflag:s23] =	ssyncset.done $0x0  }
0xa4: {  	s25 =	simm.s32 $0x1B8E;
	s24 =	sld [smem:$0x3FFE];
	[sflag:s23] =	ssyncadd.s32 $0xFFFFFFFF  }
0xa5: {  	s26 =	simm.s32 $execute0_lowered;
	[smem:$0x3FD2] =	sst s25  }
0xa6: {  	s4 =	sshll.u32 s26, $0x1;
	_ =	strace $0x80000049;
	[dreg:$0x1] =	wrdreg $0xFFFFFFFF  }
0xa7: {  	s28 =	simm.s32 $_size_execute0_lowered;
	s2 =	sadd.s32 s2, s4;
	[dreg:$0x0] =	wrdreg $0x0  }
0xa8: {  	s4 =	sshll.u32 s28, $0x1;
	[dreg:$0x2] =	wrdreg s2  }
0xa9: {  	[dreg:$0x3] =	wrdreg s4  }
0xaa: {  	[dreg:$0x4] =	wrdreg $0xC0  }
0xab: {  	_ =	task [dreg:s6], $0x5FFFF  }
0xac: {  	[dreg:$0x1] =	wrdreg $0xFFFFFFFF  }
0xad: {  	[dreg:$0x0] =	wrdreg $0x60  }
0xae: {  	[dreg:$0x2] =	wrdreg s24  }
0xaf: {  	[dreg:$0x3] =	wrdreg $0x9  }
0xb0: {  	_ =	task.clear_ibuf [dreg:s6], $0x4FFFF;
	_ =	strace $0x90000049  }
0xb1: {  	s29 =	simm.s32 $0x9;
	_ =	strace $0x8000004B  }
0xb2: {  	_ =	swait.ge [sflag:s29], $0x1  }
0xb3: {  	[sflag:s29] =	ssyncadd.s32 $0xFFFFFFFF  }
0xb4: {  	_ =	strace $0x9000004B  }
0xb5: {  	_ =	sfence  }
0xb6: {  	s30 =	sld [smem:$0x0];
	_ =	sdelay $0x2  }
0xb7: {  	s31 =	sshll.u32 s1, $0xD;
	s1 =	sshrl.u32 s1, $0x2  }
0xb8: {  	s3 =	sand.u32 $0x4000, s31;
	s1 =	sadd.s32 s1, s30  }
0xb9: {  	s0 =	sor.u32 s3, s0;
	s1 =	sshll.u32 s1, $0x11  }
0xba: {  	s0 =	sor.u32 s1, s0  }
0xbb: {  	s0 =	sadd.s32 $0x8F2B, s0  }
0xbc: {  	[sflag:s0] =	ssyncadd.remote.s32 $0x1  }
0xbd: {  	_ =	sfence.sel $0xFFFF  }
0xbe: {  	[dreg:$0x0] =	wrdreg $0xFFFFFFFF;
	(pc) =	sbr.abs _section_cstart, $3  }
0xbf: {  	[dreg:$0x1] =	wrdreg $0xFFFFFFFF  }
0xc0: {  	_ =	task.clear_ibuf [dreg:s6], $0x2FFFF;
	_ =	strace $0x9FFFFFFF  }
0xc1: {  	(tm) =	ssettm $0x7FFFFFFF  }
tec
execute0_lowered:
.L_overlay_start_1:
0x0: {  	(tag) =	ssettag $0x1  }
0x1: {  	s5 =	rddreg [dreg:$0x0]  }
0x2: {  	s0 =	rddreg [dreg:$0x1]  }
0x3: {  	s1 =	simm.s32 $0x0;
	s2 =	srdreg.scid;
	s10 =	simm.s32 $0x200  }
0x4: {  	s11 =	simm.s32 $0x4200;
	s12 =	simm.s32 $0x100;
	s13 =	simm.s32 $0x8200  }
0x5: {  	s14 =	simm.s32 $0x180;
	s15 =	simm.s32 $0xC200;
	s16 =	simm.s32 $0x1  }
0x6: {  	s17 =	simm.s32 $0x10200;
	s18 =	simm.s32 $0x0;
	[smem:$0x7FF] =	sst s1  }
0x7: {  	s3 =	sadd.s32 $0x14000, s5;
	s6 =	sand.u32 $0x1, s2;
	s4 =	sadd.s32 $0x4000, s5  }
0x8: {  	s2 =	stileid.u32;
	s5 =	sadd.s32 $0x114000, s5;
	s7 =	ssub.s32 $0x2, s6  }
0x9: {  	s9 =	sshll.u32 s2, $0xB;
	s6 =	sshll.u32 s6, $0xA;
	s8 =	sshrl.u32 s7, $0x1  }
0xa: {  	_ =	strace $0x8000004A;
	s6 =	sor.u32 s6, s9;
	s7 =	ssub.s32 s7, s8  }
0xb: {  	s9 =	simm.s32 $0x80;
	s8 =	simm.s32 $0x2;
	s7 =	smax.u32 s7, $0x1  }
.LBB2_1:
0xc: {  	s19 =	simm.s32 $0x0  }
.LBB2_2:
0xd: {  	s20 =	sshll.u32 s19, $0x5  }
0xe: {  	s20 =	sadd.s32 s6, s20  }
0xf: {  	s21 =	sshll.u32 s20, $0x1  }
0x10: {  	s22 =	simm.s32 $0x0;
	s21 =	sadd.s32 s4, s21  }
0x11: {  	[tilespmem:s22], [sflag:$0x2] =	stream.linear.gather [hbm4b:s21+s22], $0x200, $0x38;
	[tilespmem:$0x11200] =	vst v63  }
0x12: {  	_ =	swait.ge [sflag:s8], $0x200  }
0x13: {  	[sflag:s8] =	ssyncset.done $0x0  }
0x14: {  	[sflag:s8] =	ssyncadd.s32 $0xFFFFFE00  }
0x15: {  	[tilespmem:s10], [sflag:$0x1] =	stream.indirect.gather [hbm4b:s3+s9], $0x80, s22, s9, $0xb8;
	[tilespmem:$0x11200] =	vst v63  }
0x16: {  	_ = 	snop  }
0x17: {  	[tilespmem:s11], [sflag:$0x1] =	stream.indirect.gather [hbm4b:s3+s9], $0x80, s9, s9, $0xb8;
	[tilespmem:$0x11200] =	vst v63  }
0x18: {  	_ = 	snop  }
0x19: {  	[tilespmem:s13], [sflag:$0x1] =	stream.indirect.gather [hbm4b:s3+s9], $0x80, s12, s9, $0xb8;
	[tilespmem:$0x11200] =	vst v63  }
0x1a: {  	_ = 	snop  }
0x1b: {  	[tilespmem:s15], [sflag:$0x1] =	stream.indirect.gather [hbm4b:s3+s9], $0x80, s14, s9, $0xb8;
	[tilespmem:$0x11200] =	vst v63  }
0x1c: {  	_ =	swait.ge [sflag:s16], $0x4000  }
0x1d: {  	[sflag:s16] =	ssyncset.done $0x0  }
0x1e: {  	[sflag:s16] =	ssyncadd.s32 $0xFFFFC000  }
0x1f: {  	_ =	swait.ge [sflag:s16], $0x4000  }
0x20: {  	[sflag:s16] =	ssyncset.done $0x0  }
0x21: {  	[sflag:s16] =	ssyncadd.s32 $0xFFFFC000  }
0x22: {  	_ =	swait.ge [sflag:s16], $0x4000  }
0x23: {  	[sflag:s16] =	ssyncset.done $0x0  }
0x24: {  	[sflag:s16] =	ssyncadd.s32 $0xFFFFC000  }
0x25: {  	_ =	swait.ge [sflag:s16], $0x4000  }
0x26: {  	[sflag:s16] =	ssyncset.done $0x0  }
0x27: {  	s21 =	simm.s32 $0x600;
	[sflag:s16] =	ssyncadd.s32 $0xFFFFC000  }
0x28: {  	v0 =	vld [tilespmem:s21+$0xFFFFFC80]  }
0x29: {  	v1 =	vld [tilespmem:s21+$0xFFFFFC00]  }
0x2a: {  	v2 =	vld [tilespmem:s21+$0xFFFFFD00]  }
0x2b: {  	v3 =	vld [tilespmem:s21+$0xFFFFFD80]  }
0x2c: {  	v4 =	vld [tilespmem:s21+$0xFFFFFE00]  }
0x2d: {  	v5 =	vld [tilespmem:s21+$0xFFFFFE80]  }
0x2e: {  	v0 =	vmax.f32 v1, v0;
	v1 =	vld [tilespmem:s21+$0xFFFFFF00]  }
0x2f: {  	v0 =	vmax.f32 v0, v2;
	v2 =	vld [tilespmem:s21+$0xFFFFFF80]  }
0x30: {  	v0 =	vmax.f32 v0, v3;
	v3 =	vld [tilespmem:s21+$0x0]  }
0x31: {  	v0 =	vmax.f32 v0, v4;
	v4 =	vld [tilespmem:s21+$0x80]  }
0x32: {  	v0 =	vmax.f32 v0, v5;
	v5 =	vld [tilespmem:s21+$0x100]  }
0x33: {  	v0 =	vmax.f32 v0, v1;
	v1 =	vld [tilespmem:s21+$0x180]  }
0x34: {  	v0 =	vmax.f32 v0, v2;
	v2 =	vld [tilespmem:s21+$0x200]  }
0x35: {  	v0 =	vmax.f32 v0, v3;
	v3 =	vld [tilespmem:s21+$0x280]  }
0x36: {  	v0 =	vmax.f32 v0, v4;
	v4 =	vld [tilespmem:s21+$0x300]  }
0x37: {  	v0 =	vmax.f32 v0, v5;
	v5 =	vld [tilespmem:s21+$0x380]  }
0x38: {  	v0 =	vmax.f32 v0, v1  }
0x39: {  	v0 =	vmax.f32 v0, v2  }
0x3a: {  	v0 =	vmax.f32 v0, v3  }
0x3b: {  	v0 =	vmax.f32 v0, v4  }
0x3c: {  	s22 =	simm.s32 $0x0;
	v0 =	vmax.f32 v0, v5  }
0x3d: {  	[tilespmem:s22+$0x10200] =	vst v0  }
0x3e: {  	v0 =	vld [tilespmem:s21+$0xFFFFFC10]  }
0x3f: {  	v1 =	vld [tilespmem:s21+$0xFFFFFC90]  }
0x40: {  	v2 =	vld [tilespmem:s21+$0xFFFFFD10]  }
0x41: {  	v3 =	vld [tilespmem:s21+$0xFFFFFD90]  }
0x42: {  	v4 =	vld [tilespmem:s21+$0xFFFFFE10]  }
0x43: {  	v5 =	vld [tilespmem:s21+$0xFFFFFE90]  }
0x44: {  	v0 =	vmax.f32 v0, v1;
	v1 =	vld [tilespmem:s21+$0xFFFFFF10]  }
0x45: {  	v0 =	vmax.f32 v0, v2;
	v2 =	vld [tilespmem:s21+$0xFFFFFF90]  }
0x46: {  	v0 =	vmax.f32 v0, v3;
	v3 =	vld [tilespmem:s21+$0x10]  }
0x47: {  	v0 =	vmax.f32 v0, v4;
	v4 =	vld [tilespmem:s21+$0x90]  }
0x48: {  	v0 =	vmax.f32 v0, v5;
	v5 =	vld [tilespmem:s21+$0x110]  }
0x49: {  	v0 =	vmax.f32 v0, v1;
	v1 =	vld [tilespmem:s21+$0x190]  }
0x4a: {  	v0 =	vmax.f32 v0, v2;
	v2 =	vld [tilespmem:s21+$0x210]  }
0x4b: {  	v0 =	vmax.f32 v0, v3;
	v3 =	vld [tilespmem:s21+$0x290]  }
0x4c: {  	v0 =	vmax.f32 v0, v4;
	v4 =	vld [tilespmem:s21+$0x310]  }
0x4d: {  	v0 =	vmax.f32 v0, v5;
	v5 =	vld [tilespmem:s21+$0x390]  }
0x4e: {  	v0 =	vmax.f32 v0, v1  }
0x4f: {  	v0 =	vmax.f32 v0, v2  }
0x50: {  	v0 =	vmax.f32 v0, v3  }
0x51: {  	v0 =	vmax.f32 v0, v4  }
0x52: {  	v0 =	vmax.f32 v0, v5  }
0x53: {  	[tilespmem:s22+$0x10210] =	vst v0  }
0x54: {  	v0 =	vld [tilespmem:s21+$0xFFFFFC20]  }
0x55: {  	v1 =	vld [tilespmem:s21+$0xFFFFFCA0]  }
0x56: {  	v2 =	vld [tilespmem:s21+$0xFFFFFD20]  }
0x57: {  	v3 =	vld [tilespmem:s21+$0xFFFFFDA0]  }
0x58: {  	v4 =	vld [tilespmem:s21+$0xFFFFFE20]  }
0x59: {  	v5 =	vld [tilespmem:s21+$0xFFFFFEA0]  }
0x5a: {  	v0 =	vmax.f32 v0, v1;
	v1 =	vld [tilespmem:s21+$0xFFFFFF20]  }
0x5b: {  	v0 =	vmax.f32 v0, v2;
	v2 =	vld [tilespmem:s21+$0xFFFFFFA0]  }
0x5c: {  	v0 =	vmax.f32 v0, v3;
	v3 =	vld [tilespmem:s21+$0x20]  }
0x5d: {  	v0 =	vmax.f32 v0, v4;
	v4 =	vld [tilespmem:s21+$0xA0]  }
0x5e: {  	v0 =	vmax.f32 v0, v5;
	v5 =	vld [tilespmem:s21+$0x120]  }
0x5f: {  	v0 =	vmax.f32 v0, v1;
	v1 =	vld [tilespmem:s21+$0x1A0]  }
0x60: {  	v0 =	vmax.f32 v0, v2;
	v2 =	vld [tilespmem:s21+$0x220]  }
0x61: {  	v0 =	vmax.f32 v0, v3;
	v3 =	vld [tilespmem:s21+$0x2A0]  }
0x62: {  	v0 =	vmax.f32 v0, v4;
	v4 =	vld [tilespmem:s21+$0x320]  }
0x63: {  	v0 =	vmax.f32 v0, v5;
	v5 =	vld [tilespmem:s21+$0x3A0]  }
0x64: {  	v0 =	vmax.f32 v0, v1  }
0x65: {  	v0 =	vmax.f32 v0, v2  }
0x66: {  	v0 =	vmax.f32 v0, v3  }
0x67: {  	v0 =	vmax.f32 v0, v4  }
0x68: {  	v0 =	vmax.f32 v0, v5  }
0x69: {  	[tilespmem:s22+$0x10220] =	vst v0  }
0x6a: {  	v0 =	vld [tilespmem:s21+$0xFFFFFC30]  }
0x6b: {  	v1 =	vld [tilespmem:s21+$0xFFFFFCB0]  }
0x6c: {  	v2 =	vld [tilespmem:s21+$0xFFFFFD30]  }
0x6d: {  	v3 =	vld [tilespmem:s21+$0xFFFFFDB0]  }
0x6e: {  	v4 =	vld [tilespmem:s21+$0xFFFFFE30]  }
0x6f: {  	v5 =	vld [tilespmem:s21+$0xFFFFFEB0]  }
0x70: {  	v0 =	vmax.f32 v0, v1;
	v1 =	vld [tilespmem:s21+$0xFFFFFF30]  }
0x71: {  	v0 =	vmax.f32 v0, v2;
	v2 =	vld [tilespmem:s21+$0xFFFFFFB0]  }
0x72: {  	v0 =	vmax.f32 v0, v3;
	v3 =	vld [tilespmem:s21+$0x30]  }
0x73: {  	v0 =	vmax.f32 v0, v4;
	v4 =	vld [tilespmem:s21+$0xB0]  }
0x74: {  	v0 =	vmax.f32 v0, v5;
	v5 =	vld [tilespmem:s21+$0x130]  }
0x75: {  	v0 =	vmax.f32 v0, v1;
	v1 =	vld [tilespmem:s21+$0x1B0]  }
0x76: {  	v0 =	vmax.f32 v0, v2;
	v2 =	vld [tilespmem:s21+$0x230]  }
0x77: {  	v0 =	vmax.f32 v0, v3;
	v3 =	vld [tilespmem:s21+$0x2B0]  }
0x78: {  	v0 =	vmax.f32 v0, v4;
	v4 =	vld [tilespmem:s21+$0x330]  }
0x79: {  	v0 =	vmax.f32 v0, v5;
	v5 =	vld [tilespmem:s21+$0x3B0]  }
0x7a: {  	v0 =	vmax.f32 v0, v1  }
0x7b: {  	v0 =	vmax.f32 v0, v2  }
0x7c: {  	v0 =	vmax.f32 v0, v3  }
0x7d: {  	v0 =	vmax.f32 v0, v4  }
0x7e: {  	v0 =	vmax.f32 v0, v5  }
0x7f: {  	[tilespmem:s22+$0x10230] =	vst v0  }
0x80: {  	v0 =	vld [tilespmem:s21+$0xFFFFFC40]  }
0x81: {  	v1 =	vld [tilespmem:s21+$0xFFFFFCC0]  }
0x82: {  	v2 =	vld [tilespmem:s21+$0xFFFFFD40]  }
0x83: {  	v3 =	vld [tilespmem:s21+$0xFFFFFDC0]  }
0x84: {  	v4 =	vld [tilespmem:s21+$0xFFFFFE40]  }
0x85: {  	v5 =	vld [tilespmem:s21+$0xFFFFFEC0]  }
0x86: {  	v0 =	vmax.f32 v0, v1;
	v1 =	vld [tilespmem:s21+$0xFFFFFF40]  }
0x87: {  	v0 =	vmax.f32 v0, v2;
	v2 =	vld [tilespmem:s21+$0xFFFFFFC0]  }
0x88: {  	v0 =	vmax.f32 v0, v3;
	v3 =	vld [tilespmem:s21+$0x40]  }
0x89: {  	v0 =	vmax.f32 v0, v4;
	v4 =	vld [tilespmem:s21+$0xC0]  }
0x8a: {  	v0 =	vmax.f32 v0, v5;
	v5 =	vld [tilespmem:s21+$0x140]  }
0x8b: {  	v0 =	vmax.f32 v0, v1;
	v1 =	vld [tilespmem:s21+$0x1C0]  }
0x8c: {  	v0 =	vmax.f32 v0, v2;
	v2 =	vld [tilespmem:s21+$0x240]  }
0x8d: {  	v0 =	vmax.f32 v0, v3;
	v3 =	vld [tilespmem:s21+$0x2C0]  }
0x8e: {  	v0 =	vmax.f32 v0, v4;
	v4 =	vld [tilespmem:s21+$0x340]  }
0x8f: {  	v0 =	vmax.f32 v0, v5;
	v5 =	vld [tilespmem:s21+$0x3C0]  }
0x90: {  	v0 =	vmax.f32 v0, v1  }
0x91: {  	v0 =	vmax.f32 v0, v2  }
0x92: {  	v0 =	vmax.f32 v0, v3  }
0x93: {  	v0 =	vmax.f32 v0, v4  }
0x94: {  	v0 =	vmax.f32 v0, v5  }
0x95: {  	[tilespmem:s22+$0x10240] =	vst v0  }
0x96: {  	v0 =	vld [tilespmem:s21+$0xFFFFFC50]  }
0x97: {  	v1 =	vld [tilespmem:s21+$0xFFFFFCD0]  }
0x98: {  	v2 =	vld [tilespmem:s21+$0xFFFFFD50]  }
0x99: {  	v3 =	vld [tilespmem:s21+$0xFFFFFDD0]  }
0x9a: {  	v4 =	vld [tilespmem:s21+$0xFFFFFE50]  }
0x9b: {  	v5 =	vld [tilespmem:s21+$0xFFFFFED0]  }
0x9c: {  	v0 =	vmax.f32 v0, v1;
	v1 =	vld [tilespmem:s21+$0xFFFFFF50]  }
0x9d: {  	v0 =	vmax.f32 v0, v2;
	v2 =	vld [tilespmem:s21+$0xFFFFFFD0]  }
0x9e: {  	v0 =	vmax.f32 v0, v3;
	v3 =	vld [tilespmem:s21+$0x50]  }
0x9f: {  	v0 =	vmax.f32 v0, v4;
	v4 =	vld [tilespmem:s21+$0xD0]  }
0xa0: {  	v0 =	vmax.f32 v0, v5;
	v5 =	vld [tilespmem:s21+$0x150]  }
0xa1: {  	v0 =	vmax.f32 v0, v1;
	v1 =	vld [tilespmem:s21+$0x1D0]  }
0xa2: {  	v0 =	vmax.f32 v0, v2;
	v2 =	vld [tilespmem:s21+$0x250]  }
0xa3: {  	v0 =	vmax.f32 v0, v3;
	v3 =	vld [tilespmem:s21+$0x2D0]  }
0xa4: {  	v0 =	vmax.f32 v0, v4;
	v4 =	vld [tilespmem:s21+$0x350]  }
0xa5: {  	v0 =	vmax.f32 v0, v5;
	v5 =	vld [tilespmem:s21+$0x3D0]  }
0xa6: {  	v0 =	vmax.f32 v0, v1  }
0xa7: {  	v0 =	vmax.f32 v0, v2  }
0xa8: {  	v0 =	vmax.f32 v0, v3  }
0xa9: {  	v0 =	vmax.f32 v0, v4  }
0xaa: {  	v0 =	vmax.f32 v0, v5  }
0xab: {  	[tilespmem:s22+$0x10250] =	vst v0  }
0xac: {  	v0 =	vld [tilespmem:s21+$0xFFFFFC60]  }
0xad: {  	v1 =	vld [tilespmem:s21+$0xFFFFFCE0]  }
0xae: {  	v2 =	vld [tilespmem:s21+$0xFFFFFD60]  }
0xaf: {  	v3 =	vld [tilespmem:s21+$0xFFFFFDE0]  }
0xb0: {  	v4 =	vld [tilespmem:s21+$0xFFFFFE60]  }
0xb1: {  	v5 =	vld [tilespmem:s21+$0xFFFFFEE0]  }
0xb2: {  	v0 =	vmax.f32 v0, v1;
	v1 =	vld [tilespmem:s21+$0xFFFFFF60]  }
0xb3: {  	v0 =	vmax.f32 v0, v2;
	v2 =	vld [tilespmem:s21+$0xFFFFFFE0]  }
0xb4: {  	v0 =	vmax.f32 v0, v3;
	v3 =	vld [tilespmem:s21+$0x60]  }
0xb5: {  	v0 =	vmax.f32 v0, v4;
	v4 =	vld [tilespmem:s21+$0xE0]  }
0xb6: {  	v0 =	vmax.f32 v0, v5;
	v5 =	vld [tilespmem:s21+$0x160]  }
0xb7: {  	v0 =	vmax.f32 v0, v1;
	v1 =	vld [tilespmem:s21+$0x1E0]  }
0xb8: {  	v0 =	vmax.f32 v0, v2;
	v2 =	vld [tilespmem:s21+$0x260]  }
0xb9: {  	v0 =	vmax.f32 v0, v3;
	v3 =	vld [tilespmem:s21+$0x2E0]  }
0xba: {  	v0 =	vmax.f32 v0, v4;
	v4 =	vld [tilespmem:s21+$0x360]  }
0xbb: {  	v0 =	vmax.f32 v0, v5;
	v5 =	vld [tilespmem:s21+$0x3E0]  }
0xbc: {  	v0 =	vmax.f32 v0, v1  }
0xbd: {  	v0 =	vmax.f32 v0, v2  }
0xbe: {  	v0 =	vmax.f32 v0, v3  }
0xbf: {  	v0 =	vmax.f32 v0, v4  }
0xc0: {  	v0 =	vmax.f32 v0, v5  }
0xc1: {  	[tilespmem:s22+$0x10260] =	vst v0  }
0xc2: {  	v0 =	vld [tilespmem:s21+$0xFFFFFC70]  }
0xc3: {  	v1 =	vld [tilespmem:s21+$0xFFFFFCF0]  }
0xc4: {  	v2 =	vld [tilespmem:s21+$0xFFFFFD70]  }
0xc5: {  	v3 =	vld [tilespmem:s21+$0xFFFFFDF0]  }
0xc6: {  	v5 =	vld [tilespmem:s21+$0xFFFFFE70]  }
0xc7: {  	v6 =	vld [tilespmem:s21+$0xFFFFFEF0]  }
0xc8: {  	v7 =	vld [tilespmem:s21+$0xFFFFFF70];
	v0 =	vmax.f32 v0, v1  }
0xc9: {  	v8 =	vld [tilespmem:s21+$0xFFFFFFF0];
	v0 =	vmax.f32 v0, v2  }
0xca: {  	v4 =	vld [tilespmem:s21+$0x70];
	v0 =	vmax.f32 v0, v3  }
0xcb: {  	v1 =	vld [tilespmem:s21+$0xF0];
	v0 =	vmax.f32 v0, v5  }
0xcc: {  	v2 =	vld [tilespmem:s21+$0x170];
	v0 =	vmax.f32 v0, v6  }
0xcd: {  	v3 =	vmax.f32 v0, v7;
	v0 =	vld [tilespmem:s21+$0x1F0]  }
0xce: {  	s23 =	simm.s32 $0x200;
	s24 =	simm.s32 $0x600;
	v5 =	vmax.f32 v3, v8;
	v3 =	vld [tilespmem:s21+$0x270]  }
.LBB2_3:
0xcf: {  	p0 =	sne.s32 s23, $0x3E00  }
0xd0: {  	v4 =	vmax.f32 v5, v4;
	v5 =	vld [tilespmem:s21+$0x2F0];
	s24 =	sadd.s32 $0x800, s24;
	s25 =	smov.u32 s23;
	s23 =	sadd.s32 $0x200, s23  }
0xd1: {  	v1 =	vmax.f32 v4, v1;
	v4 =	vld [tilespmem:s21+$0x370]  }
0xd2: {  	v1 =	vmax.f32 v1, v2;
	v2 =	vld [tilespmem:s21+$0x3F0];
	s21 =	smov.u32 s24  }
0xd3: {  	v0 =	vmax.f32 v1, v0  }
0xd4: {  	v0 =	vmax.f32 v0, v3  }
0xd5: {  	v0 =	vmax.f32 v0, v5  }
0xd6: {  	v0 =	vmax.f32 v0, v4  }
0xd7: {  	v0 =	vmax.f32 v0, v2  }
0xd8: {  	[tilespmem:s22+$0x10270] =	vst v0  }
0xd9: {  	v0 =	vld [tilespmem:s24+$0xFFFFFD00]  }
0xda: {  	v1 =	vld [tilespmem:s24+$0xFFFFFC80]  }
0xdb: {  	v2 =	vld [tilespmem:s24+$0xFFFFFC00]  }
0xdc: {  	v3 =	vld [tilespmem:s24+$0xFFFFFD80]  }
0xdd: {  	v4 =	vld [tilespmem:s24+$0xFFFFFE00];
	_ =	sdelay $0x1  }
0xde: {  	v5 =	vld [tilespmem:s24+$0xFFFFFE80]  }
0xdf: {  	v1 =	vmax.f32 v2, v1;
	v2 =	vld [tilespmem:s24+$0xFFFFFF00]  }
0xe0: {  	v0 =	vmax.f32 v1, v0;
	v1 =	vld [tilespmem:s24+$0xFFFFFF80]  }
0xe1: {  	v0 =	vmax.f32 v0, v3;
	v3 =	vld [tilespmem:s24+$0x0]  }
0xe2: {  	v0 =	vmax.f32 v0, v4;
	v4 =	vld [tilespmem:s24+$0x80]  }
0xe3: {  	v0 =	vmax.f32 v0, v5;
	v5 =	vld [tilespmem:s24+$0x100]  }
0xe4: {  	v0 =	vmax.f32 v0, v2;
	v2 =	vld [tilespmem:s24+$0x180]  }
0xe5: {  	v0 =	vmax.f32 v0, v1;
	v1 =	vld [tilespmem:s24+$0x200]  }
0xe6: {  	v0 =	vmax.f32 v0, v3;
	v3 =	vld [tilespmem:s24+$0x280]  }
0xe7: {  	v0 =	vmax.f32 v0, v4;
	v4 =	vld [tilespmem:s24+$0x300]  }
0xe8: {  	v0 =	vmax.f32 v0, v5;
	v5 =	vld [tilespmem:s24+$0x380]  }
0xe9: {  	v0 =	vmax.f32 v0, v2  }
0xea: {  	v0 =	vmax.f32 v0, v1  }
0xeb: {  	v0 =	vmax.f32 v0, v3  }
0xec: {  	v0 =	vmax.f32 v0, v4  }
0xed: {  	s22 =	sshra.s32 s25, $0x2;
	v0 =	vmax.f32 v0, v5  }
0xee: {  	[tilespmem:s22+$0x10200] =	vst v0  }
0xef: {  	v0 =	vld [tilespmem:s24+$0xFFFFFC10]  }
0xf0: {  	v1 =	vld [tilespmem:s24+$0xFFFFFC90]  }
0xf1: {  	v2 =	vld [tilespmem:s24+$0xFFFFFD10]  }
0xf2: {  	v3 =	vld [tilespmem:s24+$0xFFFFFD90]  }
0xf3: {  	v4 =	vld [tilespmem:s24+$0xFFFFFE10]  }
0xf4: {  	v5 =	vld [tilespmem:s24+$0xFFFFFE90]  }
0xf5: {  	v0 =	vmax.f32 v0, v1;
	v1 =	vld [tilespmem:s24+$0xFFFFFF10]  }
0xf6: {  	v0 =	vmax.f32 v0, v2;
	v2 =	vld [tilespmem:s24+$0xFFFFFF90]  }
0xf7: {  	v0 =	vmax.f32 v0, v3;
	v3 =	vld [tilespmem:s24+$0x10]  }
0xf8: {  	v0 =	vmax.f32 v0, v4;
	v4 =	vld [tilespmem:s24+$0x90]  }
0xf9: {  	v0 =	vmax.f32 v0, v5;
	v5 =	vld [tilespmem:s24+$0x110]  }
0xfa: {  	v0 =	vmax.f32 v0, v1;
	v1 =	vld [tilespmem:s24+$0x190]  }
0xfb: {  	v0 =	vmax.f32 v0, v2;
	v2 =	vld [tilespmem:s24+$0x210]  }
0xfc: {  	v0 =	vmax.f32 v0, v3;
	v3 =	vld [tilespmem:s24+$0x290]  }
0xfd: {  	v0 =	vmax.f32 v0, v4;
	v4 =	vld [tilespmem:s24+$0x310]  }
0xfe: {  	v0 =	vmax.f32 v0, v5;
	v5 =	vld [tilespmem:s24+$0x390]  }
0xff: {  	v0 =	vmax.f32 v0, v1  }
0x100: {  	v0 =	vmax.f32 v0, v2  }
0x101: {  	v0 =	vmax.f32 v0, v3  }
0x102: {  	v0 =	vmax.f32 v0, v4  }
0x103: {  	v0 =	vmax.f32 v0, v5  }
0x104: {  	[tilespmem:s22+$0x10210] =	vst v0  }
0x105: {  	v0 =	vld [tilespmem:s24+$0xFFFFFC20]  }
0x106: {  	v1 =	vld [tilespmem:s24+$0xFFFFFCA0]  }
0x107: {  	v2 =	vld [tilespmem:s24+$0xFFFFFD20]  }
0x108: {  	v3 =	vld [tilespmem:s24+$0xFFFFFDA0]  }
0x109: {  	v4 =	vld [tilespmem:s24+$0xFFFFFE20]  }
0x10a: {  	v5 =	vld [tilespmem:s24+$0xFFFFFEA0]  }
0x10b: {  	v0 =	vmax.f32 v0, v1;
	v1 =	vld [tilespmem:s24+$0xFFFFFF20]  }
0x10c: {  	v0 =	vmax.f32 v0, v2;
	v2 =	vld [tilespmem:s24+$0xFFFFFFA0]  }
0x10d: {  	v0 =	vmax.f32 v0, v3;
	v3 =	vld [tilespmem:s24+$0x20]  }
0x10e: {  	v0 =	vmax.f32 v0, v4;
	v4 =	vld [tilespmem:s24+$0xA0]  }
0x10f: {  	v0 =	vmax.f32 v0, v5;
	v5 =	vld [tilespmem:s24+$0x120]  }
0x110: {  	v0 =	vmax.f32 v0, v1;
	v1 =	vld [tilespmem:s24+$0x1A0]  }
0x111: {  	v0 =	vmax.f32 v0, v2;
	v2 =	vld [tilespmem:s24+$0x220]  }
0x112: {  	v0 =	vmax.f32 v0, v3;
	v3 =	vld [tilespmem:s24+$0x2A0]  }
0x113: {  	v0 =	vmax.f32 v0, v4;
	v4 =	vld [tilespmem:s24+$0x320]  }
0x114: {  	v0 =	vmax.f32 v0, v5;
	v5 =	vld [tilespmem:s24+$0x3A0]  }
0x115: {  	v0 =	vmax.f32 v0, v1  }
0x116: {  	v0 =	vmax.f32 v0, v2  }
0x117: {  	v0 =	vmax.f32 v0, v3  }
0x118: {  	v0 =	vmax.f32 v0, v4  }
0x119: {  	v0 =	vmax.f32 v0, v5  }
0x11a: {  	[tilespmem:s22+$0x10220] =	vst v0  }
0x11b: {  	v0 =	vld [tilespmem:s24+$0xFFFFFC30]  }
0x11c: {  	v1 =	vld [tilespmem:s24+$0xFFFFFCB0]  }
0x11d: {  	v2 =	vld [tilespmem:s24+$0xFFFFFD30]  }
0x11e: {  	v3 =	vld [tilespmem:s24+$0xFFFFFDB0]  }
0x11f: {  	v4 =	vld [tilespmem:s24+$0xFFFFFE30]  }
0x120: {  	v5 =	vld [tilespmem:s24+$0xFFFFFEB0]  }
0x121: {  	v0 =	vmax.f32 v0, v1;
	v1 =	vld [tilespmem:s24+$0xFFFFFF30]  }
0x122: {  	v0 =	vmax.f32 v0, v2;
	v2 =	vld [tilespmem:s24+$0xFFFFFFB0]  }
0x123: {  	v0 =	vmax.f32 v0, v3;
	v3 =	vld [tilespmem:s24+$0x30]  }
0x124: {  	v0 =	vmax.f32 v0, v4;
	v4 =	vld [tilespmem:s24+$0xB0]  }
0x125: {  	v0 =	vmax.f32 v0, v5;
	v5 =	vld [tilespmem:s24+$0x130]  }
0x126: {  	v0 =	vmax.f32 v0, v1;
	v1 =	vld [tilespmem:s24+$0x1B0]  }
0x127: {  	v0 =	vmax.f32 v0, v2;
	v2 =	vld [tilespmem:s24+$0x230]  }
0x128: {  	v0 =	vmax.f32 v0, v3;
	v3 =	vld [tilespmem:s24+$0x2B0]  }
0x129: {  	v0 =	vmax.f32 v0, v4;
	v4 =	vld [tilespmem:s24+$0x330]  }
0x12a: {  	v0 =	vmax.f32 v0, v5;
	v5 =	vld [tilespmem:s24+$0x3B0]  }
0x12b: {  	v0 =	vmax.f32 v0, v1  }
0x12c: {  	v0 =	vmax.f32 v0, v2  }
0x12d: {  	v0 =	vmax.f32 v0, v3  }
0x12e: {  	v0 =	vmax.f32 v0, v4  }
0x12f: {  	v0 =	vmax.f32 v0, v5  }
0x130: {  	[tilespmem:s22+$0x10230] =	vst v0  }
0x131: {  	v0 =	vld [tilespmem:s24+$0xFFFFFC40]  }
0x132: {  	v1 =	vld [tilespmem:s24+$0xFFFFFCC0]  }
0x133: {  	v2 =	vld [tilespmem:s24+$0xFFFFFD40]  }
0x134: {  	v3 =	vld [tilespmem:s24+$0xFFFFFDC0]  }
0x135: {  	v4 =	vld [tilespmem:s24+$0xFFFFFE40]  }
0x136: {  	v5 =	vld [tilespmem:s24+$0xFFFFFEC0]  }
0x137: {  	v0 =	vmax.f32 v0, v1;
	v1 =	vld [tilespmem:s24+$0xFFFFFF40]  }
0x138: {  	v0 =	vmax.f32 v0, v2;
	v2 =	vld [tilespmem:s24+$0xFFFFFFC0]  }
0x139: {  	v0 =	vmax.f32 v0, v3;
	v3 =	vld [tilespmem:s24+$0x40]  }
0x13a: {  	v0 =	vmax.f32 v0, v4;
	v4 =	vld [tilespmem:s24+$0xC0]  }
0x13b: {  	v0 =	vmax.f32 v0, v5;
	v5 =	vld [tilespmem:s24+$0x140]  }
0x13c: {  	v0 =	vmax.f32 v0, v1;
	v1 =	vld [tilespmem:s24+$0x1C0]  }
0x13d: {  	v0 =	vmax.f32 v0, v2;
	v2 =	vld [tilespmem:s24+$0x240]  }
0x13e: {  	v0 =	vmax.f32 v0, v3;
	v3 =	vld [tilespmem:s24+$0x2C0]  }
0x13f: {  	v0 =	vmax.f32 v0, v4;
	v4 =	vld [tilespmem:s24+$0x340]  }
0x140: {  	v0 =	vmax.f32 v0, v5;
	v5 =	vld [tilespmem:s24+$0x3C0]  }
0x141: {  	v0 =	vmax.f32 v0, v1  }
0x142: {  	v0 =	vmax.f32 v0, v2  }
0x143: {  	v0 =	vmax.f32 v0, v3  }
0x144: {  	v0 =	vmax.f32 v0, v4  }
0x145: {  	v0 =	vmax.f32 v0, v5  }
0x146: {  	[tilespmem:s22+$0x10240] =	vst v0  }
0x147: {  	v0 =	vld [tilespmem:s24+$0xFFFFFC50]  }
0x148: {  	v1 =	vld [tilespmem:s24+$0xFFFFFCD0]  }
0x149: {  	v2 =	vld [tilespmem:s24+$0xFFFFFD50]  }
0x14a: {  	v3 =	vld [tilespmem:s24+$0xFFFFFDD0]  }
0x14b: {  	v4 =	vld [tilespmem:s24+$0xFFFFFE50]  }
0x14c: {  	v5 =	vld [tilespmem:s24+$0xFFFFFED0]  }
0x14d: {  	v0 =	vmax.f32 v0, v1;
	v1 =	vld [tilespmem:s24+$0xFFFFFF50]  }
0x14e: {  	v0 =	vmax.f32 v0, v2;
	v2 =	vld [tilespmem:s24+$0xFFFFFFD0]  }
0x14f: {  	v0 =	vmax.f32 v0, v3;
	v3 =	vld [tilespmem:s24+$0x50]  }
0x150: {  	v0 =	vmax.f32 v0, v4;
	v4 =	vld [tilespmem:s24+$0xD0]  }
0x151: {  	v0 =	vmax.f32 v0, v5;
	v5 =	vld [tilespmem:s24+$0x150]  }
0x152: {  	v0 =	vmax.f32 v0, v1;
	v1 =	vld [tilespmem:s24+$0x1D0]  }
0x153: {  	v0 =	vmax.f32 v0, v2;
	v2 =	vld [tilespmem:s24+$0x250]  }
0x154: {  	v0 =	vmax.f32 v0, v3;
	v3 =	vld [tilespmem:s24+$0x2D0]  }
0x155: {  	v0 =	vmax.f32 v0, v4;
	v4 =	vld [tilespmem:s24+$0x350]  }
0x156: {  	v0 =	vmax.f32 v0, v5;
	v5 =	vld [tilespmem:s24+$0x3D0]  }
0x157: {  	v0 =	vmax.f32 v0, v1  }
0x158: {  	v0 =	vmax.f32 v0, v2  }
0x159: {  	v0 =	vmax.f32 v0, v3  }
0x15a: {  	v0 =	vmax.f32 v0, v4  }
0x15b: {  	v0 =	vmax.f32 v0, v5  }
0x15c: {  	[tilespmem:s22+$0x10250] =	vst v0  }
0x15d: {  	v0 =	vld [tilespmem:s24+$0xFFFFFC60]  }
0x15e: {  	v1 =	vld [tilespmem:s24+$0xFFFFFCE0]  }
0x15f: {  	v2 =	vld [tilespmem:s24+$0xFFFFFD60]  }
0x160: {  	v3 =	vld [tilespmem:s24+$0xFFFFFDE0]  }
0x161: {  	v4 =	vld [tilespmem:s24+$0xFFFFFE60]  }
0x162: {  	v5 =	vld [tilespmem:s24+$0xFFFFFEE0]  }
0x163: {  	v0 =	vmax.f32 v0, v1;
	v1 =	vld [tilespmem:s24+$0xFFFFFF60]  }
0x164: {  	v0 =	vmax.f32 v0, v2;
	v2 =	vld [tilespmem:s24+$0xFFFFFFE0]  }
0x165: {  	v0 =	vmax.f32 v0, v3;
	v3 =	vld [tilespmem:s24+$0x60]  }
0x166: {  	v0 =	vmax.f32 v0, v4;
	v4 =	vld [tilespmem:s24+$0xE0]  }
0x167: {  	v0 =	vmax.f32 v0, v5;
	v5 =	vld [tilespmem:s24+$0x160]  }
0x168: {  	v0 =	vmax.f32 v0, v1;
	v1 =	vld [tilespmem:s24+$0x1E0]  }
0x169: {  	v0 =	vmax.f32 v0, v2;
	v2 =	vld [tilespmem:s24+$0x260]  }
0x16a: {  	v0 =	vmax.f32 v0, v3;
	v3 =	vld [tilespmem:s24+$0x2E0]  }
0x16b: {  	v0 =	vmax.f32 v0, v4;
	v4 =	vld [tilespmem:s24+$0x360]  }
0x16c: {  	v0 =	vmax.f32 v0, v5;
	v5 =	vld [tilespmem:s24+$0x3E0]  }
0x16d: {  	v0 =	vmax.f32 v0, v1  }
0x16e: {  	v0 =	vmax.f32 v0, v2  }
0x16f: {  	v0 =	vmax.f32 v0, v3  }
0x170: {  	v0 =	vmax.f32 v0, v4  }
0x171: {  	v0 =	vmax.f32 v0, v5  }
0x172: {  	[tilespmem:s22+$0x10260] =	vst v0  }
0x173: {  	v0 =	vld [tilespmem:s24+$0xFFFFFC70]  }
0x174: {  	v1 =	vld [tilespmem:s24+$0xFFFFFCF0]  }
0x175: {  	v2 =	vld [tilespmem:s24+$0xFFFFFD70]  }
0x176: {  	v3 =	vld [tilespmem:s24+$0xFFFFFDF0]  }
0x177: {  	v5 =	vld [tilespmem:s24+$0xFFFFFE70]  }
0x178: {  	v6 =	vld [tilespmem:s24+$0xFFFFFEF0]  }
0x179: {  	v0 =	vmax.f32 v0, v1;
	v7 =	vld [tilespmem:s24+$0xFFFFFF70]  }
0x17a: {  	v0 =	vmax.f32 v0, v2;
	v8 =	vld [tilespmem:s24+$0xFFFFFFF0]  }
.Ltmp0:
0x17b: {  	v0 =	vmax.f32 v0, v3;
	v4 =	vld [tilespmem:s24+$0x70];
	(pc) =	sbr.rel @p0 .LBB2_3-.Ltmp0, $4  }
0x17c: {  	v0 =	vmax.f32 v0, v5;
	v1 =	vld [tilespmem:s24+$0xF0]  }
0x17d: {  	v0 =	vmax.f32 v0, v6;
	v2 =	vld [tilespmem:s24+$0x170]  }
0x17e: {  	v3 =	vmax.f32 v0, v7;
	v0 =	vld [tilespmem:s24+$0x1F0]  }
0x17f: {  	v5 =	vmax.f32 v3, v8;
	v3 =	vld [tilespmem:s24+$0x270]  }
0x180: {  	v4 =	vmax.f32 v5, v4;
	v61 =	vld [tilespmem:s21+$0x2F0]  }
0x181: {  	v62 =	vld [tilespmem:s21+$0x370];
	v1 =	vmax.f32 v4, v1  }
0x182: {  	v63 =	vld [tilespmem:s21+$0x3F0];
	v1 =	vmax.f32 v1, v2  }
0x183: {  	v0 =	vmax.f32 v1, v0  }
0x184: {  	v0 =	vmax.f32 v0, v3  }
0x185: {  	v0 =	vmax.f32 v0, v61  }
0x186: {  	s19 =	sadd.s32 $0x1, s19;
	v0 =	vmax.f32 v0, v62  }
0x187: {  	s20 =	sshll.u32 s20, $0x4;
	p0 =	sne.s32 s19, $0x20;
	v0 =	vmax.f32 v0, v63  }
.Ltmp1:
0x188: {  	s20 =	sadd.s32 s5, s20;
	[tilespmem:s22+$0x10270] =	vst v0;
	(pc) =	sbr.rel @p0 .LBB2_2-.Ltmp1, $4  }
0x189: {  	[hbm4b:s20+s1] =	stream.linear.scatter [tilespmem:s17], [sflag:$0x2], $0x1000, $0x38;
	[tilespmem:$0x11200] =	vst v63  }
0x18a: {  	_ =	swait.ge [sflag:s8], $0x1000  }
0x18b: {  	[sflag:s8] =	ssyncset.done $0x0  }
0x18c: {  	[sflag:s8] =	ssyncadd.s32 $0xFFFFF000  }
0x18d: {  	s18 =	sadd.s32 $0x1, s18  }
0x18e: {  	p0 =	sne.s32 s18, s7  }
.Ltmp2:
0x18f: {  	_ = 	snop;
	(pc) =	sbr.rel @p0 .LBB2_1-.Ltmp2, $1  }
0x190: {  	_ =	sdelay $0x3  }
0x191: {  	_ =	sfence.sel $0x180000  }
0x192: {  	[bflag:$0x0] =	sbarrier.arrive $0xFFFF  }
0x193: {  	p0 =	sne.s32 s2, $0x0;
	_ =	strace $0x9000004A  }
0x194: {  	s0 =	sadd.s32 @!p0 $0x100000, s0;
	[bflag:$0x2] =	sbarrier.arrive $0xFFFF  }
0x195: {  	[sflag:s0] =	ssyncadd.tile.s32 @!p0 $0x1;
	_ =	shalt  }
.Lfunc_end2:
_tile_overlayer_lowered:
.L_overlay_start_2:
0x196: {  	(tag) =	ssettag $0x2  }
0x197: {  	s0 =	rddreg [dreg:$0x0];
	s2 =	stileid.u32  }
0x198: {  	s1 =	rddreg [dreg:$0x1];
	p0 =	sne.s32 s2, $0x0  }
0x199: {  	s3 =	rddreg [dreg:$0x2];
	[bflag:$0x3] =	sbarrier.arrive $0xFFFF;
	s2 =	simm.s32 @!p0 $0x1C02  }
0x19a: {  	[timem:s3], [sflag:s2] =	dma.local @!p0 [hbm:s0], s1  }
0x19b: {  	s0 =	simm.s32 @!p0 $0x2  }
0x19c: {  	_ =	swait.ge @!p0 [sflag:s0], s1  }
0x19d: {  	s1 =	ssub.s32 @!p0 $0x0, s1;
	[sflag:s0] =	ssyncset.done @!p0 $0x0  }
0x19e: {  	[sflag:s0] =	ssyncadd.s32 @!p0 s1  }
0x19f: {  	[bflag:$0x3] =	sbarrier.arrive $0xFFFF  }
0x1a0: {  	_ =	shalt  }

// kernel: kernel.16.cloned.1.call-start
scs
__scs_entry_jumppad:
0x0: {  	(pc) =	sbr.rel $0x88, $3  }
0x1: {  	(tag) =	ssettag $0x0;
	lr =	simm.s32 $0x1  }
0x2: {  	[smem:$0x3F8D] =	sst lr;
	_ =	strace $0xD0000000  }
0x3: {  	_ = 	snop  }
0x4: {  	_ = 	snop  }
0x5: {  	_ = 	snop  }
0x6: {  	_ = 	snop  }
0x7: {  	_ = 	snop  }
__scs_overlays_trampoline_lowered:
0x8: {  	[smem:$0x3F9C] =	sst s0  }
0x9: {  	[smem:$0x3F9D] =	sst s1  }
0xa: {  	[smem:$0x3F9E] =	sst s2  }
0xb: {  	[smem:$0x3F9F] =	sst s3  }
0xc: {  	[smem:$0x3FA0] =	sst s4  }
0xd: {  	[smem:$0x3FA1] =	sst s5  }
0xe: {  	[smem:$0x3FA2] =	sst s6  }
0xf: {  	[smem:$0x3FA3] =	sst s7  }
0x10: {  	[smem:$0x3FA4] =	sst s8  }
0x11: {  	[smem:$0x3FA5] =	sst s9;
	s0 =	simm.s32 @!p0 $0x0  }
0x12: {  	s1 =	sld [smem:$0x3F8B];
	s0 =	simm.s32 @p0 $0x1  }
0x13: {  	[smem:$0x3FA6] =	sst s0;
	s0 =	simm.s32 @!p1 $0x0  }
0x14: {  	s2 =	sld [smem:$0x3F8A];
	s0 =	simm.s32 @p1 $0x1  }
0x15: {  	[smem:$0x3FA7] =	sst s0;
	s0 =	simm.s32 @!p2 $0x0  }
0x16: {  	s3 =	sld [smem:$0x3FDB];
	s0 =	simm.s32 @p2 $0x1  }
0x17: {  	s4 =	simm.s32 $0x1BF5;
	[smem:$0x3FA9] =	sst s0  }
0x18: {  	s0 =	sld [smem:$0x3F8C];
	_ =	swait.ge [sflag:s4], $0x0  }
0x19: {  	s7 =	sld [smem:$0x3F8D]  }
0x1a: {  	s8 =	sadd.s32 $0xFFFFE003, lr  }
0x1b: {  	s9 =	sadd.s32 $0xFFFFFEF7, lr;
	s5 =	simm.s32 $0xFFFFFFFF;
	p2 =	slt.u32 s8, $0xFFFFF086  }
0x1c: {  	p1 =	slt.u32 s9, $0xF7A;
	s5 =	simm.s32 @!p2 $0x0  }
0x1d: {  	s5 =	simm.s32 @p1 $0x1;
	p0 =	seq.s32 s7, s2  }
0x1e: {  	s7 =	smul.u32 @!p0 $0xF7A, s2;
	p2 =	seq.s32 @!p0 s5, $0x0  }
0x1f: {  	s9 =	smul.u32 $0xF7A, s1;
	s8 =	simm.s32 @!p0 $0x1BF5;
	p2 =	por !p2, p0  }
0x20: {  	[sflag:s8] =	ssyncset.s32 @!p0 $0xFFFFF086;
	s6 =	sadd.s32 @!p0 s3, s7;
	s7 =	simm.s32 @!p0 $0x108  }
0x21: {  	s3 =	sadd.s32 s3, s9;
	s6 =	sadd.s32 @!p0 $0x88, s6;
	s7 =	simm.s32 @p2 $0x1082  }
0x22: {  	[simem:s7], [sflag:s8] =	dma.local @!p0 [hbm:s6], $0xF7A  }
0x23: {  	s9 =	sor.u32 $0xD0000000, s2;
	s6 =	simm.s32 $0x108;
	_ =	swait.ge @!p0 [sflag:s8], $0x0  }
0x24: {  	s3 =	sadd.s32 $0x88, s3;
	s6 =	simm.s32 @!p1 $0x1082;
	[sflag:s4] =	ssyncset.s32 $0xFFFFF086  }
0x25: {  	[simem:s6], [sflag:s4] =	dma.local [hbm:s3], $0xF7A  }
0x26: {  	[smem:$0x3F8D] =	sst s1;
	(tag) =	ssettag s2;
	_ =	strace s9  }
0x27: {  	s1 =	sld [smem:$0x3F9D]  }
0x28: {  	s2 =	sld [smem:$0x3F9E]  }
0x29: {  	s4 =	sld [smem:$0x3FA0]  }
0x2a: {  	p0 =	seq.s32 s5, $0x0;
	s5 =	sld [smem:$0x3FA1]  }
0x2b: {  	s6 =	sld [smem:$0x3FA2]  }
0x2c: {  	s7 =	sld [smem:$0x3FA3]  }
0x2d: {  	s3 =	simm.s32 $0x108;
	s8 =	sld [smem:$0x3FA4]  }
0x2e: {  	s3 =	simm.s32 @!p0 $0x1082;
	s9 =	sld [smem:$0x3FA5]  }
0x2f: {  	lr =	sadd.s32 s0, s3;
	s0 =	sld [smem:$0x3F9C]  }
0x30: {  	s3 =	sld [smem:$0x3F9F]  }
0x31: {  	[smem:$0x3FA8] =	sst s10  }
0x32: {  	s10 =	sld [smem:$0x3FA6];
	_ =	sdelay $0x3  }
0x33: {  	p0 =	seq.s32 s10, $0x1;
	s10 =	sld [smem:$0x3FA8];
	_ =	sdelay $0x3  }
0x34: {  	[smem:$0x3FA8] =	sst s10  }
0x35: {  	s10 =	sld [smem:$0x3FA7];
	_ =	sdelay $0x3  }
0x36: {  	p1 =	seq.s32 s10, $0x1;
	s10 =	sld [smem:$0x3FA8];
	_ =	sdelay $0x3  }
0x37: {  	[smem:$0x3FA8] =	sst s10  }
0x38: {  	s10 =	sld [smem:$0x3FA9]  }
0x39: {  	_ = 	snop;
	(pc) =	sbr.ind lr, $3  }
0x3a: {  	_ = 	snop  }
0x3b: {  	_ = 	snop  }
0x3c: {  	p2 =	seq.s32 s10, $0x1;
	s10 =	sld [smem:$0x3FA8]  }
0x3d: {  	_ =	shalt  }
0x3e: {  	_ =	shalt  }
0x3f: {  	_ =	shalt  }
0x40: {  	_ =	shalt  }
0x41: {  	_ =	shalt  }
0x42: {  	_ =	shalt  }
0x43: {  	_ =	shalt  }
0x44: {  	_ =	shalt  }
0x45: {  	_ =	shalt  }
0x46: {  	_ =	shalt  }
0x47: {  	_ =	shalt  }
0x48: {  	_ =	shalt  }
0x49: {  	_ =	shalt  }
0x4a: {  	_ =	shalt  }
0x4b: {  	_ =	shalt  }
0x4c: {  	_ =	shalt  }
0x4d: {  	_ =	shalt  }
0x4e: {  	_ =	shalt  }
0x4f: {  	_ =	shalt  }
0x50: {  	_ =	shalt  }
0x51: {  	_ =	shalt  }
0x52: {  	_ =	shalt  }
0x53: {  	_ =	shalt  }
0x54: {  	_ =	shalt  }
0x55: {  	_ =	shalt  }
0x56: {  	_ =	shalt  }
0x57: {  	_ =	shalt  }
0x58: {  	_ =	shalt  }
0x59: {  	_ =	shalt  }
0x5a: {  	_ =	shalt  }
0x5b: {  	_ =	shalt  }
0x5c: {  	_ =	shalt  }
0x5d: {  	_ =	shalt  }
0x5e: {  	_ =	shalt  }
0x5f: {  	_ =	shalt  }
0x60: {  	_ =	shalt  }
0x61: {  	_ =	shalt  }
0x62: {  	_ =	shalt  }
0x63: {  	_ =	shalt  }
0x64: {  	_ =	shalt  }
0x65: {  	_ =	shalt  }
0x66: {  	_ =	shalt  }
0x67: {  	_ =	shalt  }
0x68: {  	_ =	shalt  }
0x69: {  	_ =	shalt  }
0x6a: {  	_ =	shalt  }
0x6b: {  	_ =	shalt  }
0x6c: {  	_ =	shalt  }
0x6d: {  	_ =	shalt  }
0x6e: {  	_ =	shalt  }
0x6f: {  	_ =	shalt  }
0x70: {  	_ =	shalt  }
0x71: {  	_ =	shalt  }
0x72: {  	_ =	shalt  }
0x73: {  	_ =	shalt  }
0x74: {  	_ =	shalt  }
0x75: {  	_ =	shalt  }
0x76: {  	_ =	shalt  }
0x77: {  	_ =	shalt  }
0x78: {  	_ =	shalt  }
0x79: {  	_ =	shalt  }
0x7a: {  	_ =	shalt  }
0x7b: {  	_ =	shalt  }
0x7c: {  	_ =	shalt  }
0x7d: {  	_ =	shalt  }
0x7e: {  	_ =	shalt  }
0x7f: {  	_ =	shalt  }
0x80: {  	_ =	shalt  }
0x81: {  	_ =	shalt  }
0x82: {  	_ =	shalt  }
0x83: {  	_ =	shalt  }
0x84: {  	_ =	shalt  }
0x85: {  	_ =	shalt  }
0x86: {  	_ =	shalt  }
0x87: {  	_ =	shalt  }
.Lfunc_end0:
.L_simem_size_0:
called_computation.2_lowered:
.L_overlay_start_0:
0x88: {  	s2 =	sld [smem:$0x3FD9]  }
0x89: {  	s3 =	sld [smem:$0x3FFE];
	_ =	sdelay $0x1  }
0x8a: {  	s1 =	srdreg.scid  }
0x8b: {  	s0 =	sand.u32 $0x1, s1  }
0x8c: {  	s16 =	sshll.u32 s0, $0xA;
	s2 =	sadd.s32 s3, s2  }
0x8d: {  	s2 =	sadd.s32 s2, s16  }
0x8e: {  	[smem:$0x3FB4] =	sst s2  }
0x8f: {  	_ = 	snop  }
0x90: {  	(tm) =	ssettm $0x1  }
0x91: {  	s17 =	sld [smem:$0x3FFB];
	_ =	sdelay $0x3  }
0x92: {  	_ =	strace s17  }
0x93: {  	s2 =	sld [smem:$0x3FFC];
	_ =	sdelay $0x3  }
0x94: {  	_ =	strace s2  }
0x95: {  	s2 =	sld [smem:$0x3FFD];
	_ =	sdelay $0x3  }
0x96: {  	_ =	strace s2  }
0x97: {  	_ =	strace $0x8FFFFFFF  }
0x98: {  	s18 =	sld [smem:$0x3FDB];
	_ =	sdelay $0x1  }
0x99: {  	s19 =	simm.s32 $_scs_section_size  }
0x9a: {  	s4 =	simm.s32 $_size__tile_overlayer_lowered;
	s5 =	simm.s32 $_tile_overlayer_lowered  }
0x9b: {  	s22 =	simm.s32 $0x1BFF;
	s21 =	sshll.u32 s5, $0x1;
	s2 =	sadd.s32 s19, s18  }
0x9c: {  	s6 =	simm.s32 $0x0;
	s20 =	sshll.u32 s4, $0x1;
	s4 =	sadd.s32 s21, s2  }
0x9d: {  	[timem:s6], [sflag:s22] =	dma.local [hbm:s4], s20  }
0x9e: {  	_ =	swait.ge [sflag:s22], s20  }
0x9f: {  	s3 =	ssub.s32 $0x0, s20;
	[sflag:s22] =	ssyncset.done $0x0  }
0xa0: {  	[sflag:s22] =	ssyncadd.s32 s3;
	_ =	sdelay $0x1  }
0xa1: {  	s23 =	simm.s32 $0x1B8B  }
0xa2: {  	_ =	swait.ge [sflag:s23], $0x1  }
0xa3: {  	[sflag:s23] =	ssyncset.done $0x0  }
0xa4: {  	s25 =	simm.s32 $0x1B8E;
	s24 =	sld [smem:$0x3FFE];
	[sflag:s23] =	ssyncadd.s32 $0xFFFFFFFF  }
0xa5: {  	s26 =	simm.s32 $execute0_lowered;
	[smem:$0x3FD2] =	sst s25  }
0xa6: {  	s4 =	sshll.u32 s26, $0x1;
	_ =	strace $0x8000004C;
	[dreg:$0x1] =	wrdreg $0xFFFFFFFF  }
0xa7: {  	s28 =	simm.s32 $_size_execute0_lowered;
	s2 =	sadd.s32 s2, s4;
	[dreg:$0x0] =	wrdreg $0x0  }
0xa8: {  	s4 =	sshll.u32 s28, $0x1;
	[dreg:$0x2] =	wrdreg s2  }
0xa9: {  	[dreg:$0x3] =	wrdreg s4  }
0xaa: {  	[dreg:$0x4] =	wrdreg $0xC0  }
0xab: {  	_ =	task [dreg:s6], $0x5FFFF  }
0xac: {  	[dreg:$0x1] =	wrdreg $0xFFFFFFFF  }
0xad: {  	[dreg:$0x0] =	wrdreg $0x60  }
0xae: {  	[dreg:$0x2] =	wrdreg s24  }
0xaf: {  	[dreg:$0x3] =	wrdreg $0x9  }
0xb0: {  	_ =	task.clear_ibuf [dreg:s6], $0x4FFFF;
	_ =	strace $0x9000004C  }
0xb1: {  	s29 =	simm.s32 $0x9;
	_ =	strace $0x8000004E  }
0xb2: {  	_ =	swait.ge [sflag:s29], $0x1  }
0xb3: {  	[sflag:s29] =	ssyncadd.s32 $0xFFFFFFFF  }
0xb4: {  	_ =	strace $0x9000004E  }
0xb5: {  	_ =	sfence  }
0xb6: {  	s30 =	sld [smem:$0x0];
	_ =	sdelay $0x2  }
0xb7: {  	s31 =	sshll.u32 s1, $0xD;
	s1 =	sshrl.u32 s1, $0x2  }
0xb8: {  	s3 =	sand.u32 $0x4000, s31;
	s1 =	sadd.s32 s1, s30  }
0xb9: {  	s0 =	sor.u32 s3, s0;
	s1 =	sshll.u32 s1, $0x11  }
0xba: {  	s0 =	sor.u32 s1, s0  }
0xbb: {  	s0 =	sadd.s32 $0x8F2B, s0  }
0xbc: {  	[sflag:s0] =	ssyncadd.remote.s32 $0x1  }
0xbd: {  	_ =	sfence.sel $0xFFFF  }
0xbe: {  	[dreg:$0x0] =	wrdreg $0xFFFFFFFF;
	(pc) =	sbr.abs _section_cstart, $3  }
0xbf: {  	[dreg:$0x1] =	wrdreg $0xFFFFFFFF  }
0xc0: {  	_ =	task.clear_ibuf [dreg:s6], $0x2FFFF;
	_ =	strace $0x9FFFFFFF  }
0xc1: {  	(tm) =	ssettm $0x7FFFFFFF  }
tec
execute0_lowered:
.L_overlay_start_1:
0x0: {  	(tag) =	ssettag $0x1  }
0x1: {  	s5 =	rddreg [dreg:$0x0]  }
0x2: {  	s0 =	rddreg [dreg:$0x1]  }
0x3: {  	s1 =	simm.s32 $0x0;
	s2 =	srdreg.scid;
	s10 =	simm.s32 $0x200  }
0x4: {  	s11 =	simm.s32 $0x4200;
	s12 =	simm.s32 $0x100;
	s13 =	simm.s32 $0x8200  }
0x5: {  	s14 =	simm.s32 $0x180;
	s15 =	simm.s32 $0xC200;
	s16 =	simm.s32 $0x1  }
0x6: {  	s17 =	simm.s32 $0x10200;
	s18 =	simm.s32 $0x0;
	[smem:$0x7FF] =	sst s1  }
0x7: {  	s3 =	sadd.s32 $0x14000, s5;
	s6 =	sand.u32 $0x1, s2;
	s4 =	sadd.s32 $0x4000, s5  }
0x8: {  	s2 =	stileid.u32;
	s5 =	sadd.s32 $0x214000, s5;
	s7 =	ssub.s32 $0x2, s6  }
0x9: {  	s9 =	sshll.u32 s2, $0xB;
	s6 =	sshll.u32 s6, $0xA;
	s8 =	sshrl.u32 s7, $0x1  }
0xa: {  	_ =	strace $0x8000004D;
	s6 =	sor.u32 s6, s9;
	s7 =	ssub.s32 s7, s8  }
0xb: {  	s9 =	simm.s32 $0x80;
	s8 =	simm.s32 $0x2;
	s7 =	smax.u32 s7, $0x1  }
.LBB2_1:
0xc: {  	s19 =	simm.s32 $0x0  }
.LBB2_2:
0xd: {  	s20 =	sshll.u32 s19, $0x5  }
0xe: {  	s20 =	sadd.s32 s6, s20  }
0xf: {  	s21 =	sshll.u32 s20, $0x1  }
0x10: {  	s22 =	simm.s32 $0x0;
	s21 =	sadd.s32 s4, s21  }
0x11: {  	[tilespmem:s22], [sflag:$0x2] =	stream.linear.gather [hbm4b:s21+s22], $0x200, $0x38;
	[tilespmem:$0x11200] =	vst v63  }
0x12: {  	_ =	swait.ge [sflag:s8], $0x200  }
0x13: {  	[sflag:s8] =	ssyncset.done $0x0  }
0x14: {  	[sflag:s8] =	ssyncadd.s32 $0xFFFFFE00  }
0x15: {  	[tilespmem:s10], [sflag:$0x1] =	stream.indirect.gather [hbm4b:s3+s9], $0x80, s22, s9, $0xb8;
	[tilespmem:$0x11200] =	vst v63  }
0x16: {  	_ = 	snop  }
0x17: {  	[tilespmem:s11], [sflag:$0x1] =	stream.indirect.gather [hbm4b:s3+s9], $0x80, s9, s9, $0xb8;
	[tilespmem:$0x11200] =	vst v63  }
0x18: {  	_ = 	snop  }
0x19: {  	[tilespmem:s13], [sflag:$0x1] =	stream.indirect.gather [hbm4b:s3+s9], $0x80, s12, s9, $0xb8;
	[tilespmem:$0x11200] =	vst v63  }
0x1a: {  	_ = 	snop  }
0x1b: {  	[tilespmem:s15], [sflag:$0x1] =	stream.indirect.gather [hbm4b:s3+s9], $0x80, s14, s9, $0xb8;
	[tilespmem:$0x11200] =	vst v63  }
0x1c: {  	_ =	swait.ge [sflag:s16], $0x4000  }
0x1d: {  	[sflag:s16] =	ssyncset.done $0x0  }
0x1e: {  	[sflag:s16] =	ssyncadd.s32 $0xFFFFC000  }
0x1f: {  	_ =	swait.ge [sflag:s16], $0x4000  }
0x20: {  	[sflag:s16] =	ssyncset.done $0x0  }
0x21: {  	[sflag:s16] =	ssyncadd.s32 $0xFFFFC000  }
0x22: {  	_ =	swait.ge [sflag:s16], $0x4000  }
0x23: {  	[sflag:s16] =	ssyncset.done $0x0  }
0x24: {  	[sflag:s16] =	ssyncadd.s32 $0xFFFFC000  }
0x25: {  	_ =	swait.ge [sflag:s16], $0x4000  }
0x26: {  	[sflag:s16] =	ssyncset.done $0x0  }
0x27: {  	s21 =	simm.s32 $0x600;
	[sflag:s16] =	ssyncadd.s32 $0xFFFFC000  }
0x28: {  	v0 =	vld [tilespmem:s21+$0xFFFFFC80]  }
0x29: {  	v1 =	vld [tilespmem:s21+$0xFFFFFC00]  }
0x2a: {  	v2 =	vld [tilespmem:s21+$0xFFFFFD00]  }
0x2b: {  	v3 =	vld [tilespmem:s21+$0xFFFFFD80]  }
0x2c: {  	v4 =	vld [tilespmem:s21+$0xFFFFFE00]  }
0x2d: {  	v5 =	vld [tilespmem:s21+$0xFFFFFE80]  }
0x2e: {  	v0 =	vmax.f32 v1, v0;
	v1 =	vld [tilespmem:s21+$0xFFFFFF00]  }
0x2f: {  	v0 =	vmax.f32 v0, v2;
	v2 =	vld [tilespmem:s21+$0xFFFFFF80]  }
0x30: {  	v0 =	vmax.f32 v0, v3;
	v3 =	vld [tilespmem:s21+$0x0]  }
0x31: {  	v0 =	vmax.f32 v0, v4;
	v4 =	vld [tilespmem:s21+$0x80]  }
0x32: {  	v0 =	vmax.f32 v0, v5;
	v5 =	vld [tilespmem:s21+$0x100]  }
0x33: {  	v0 =	vmax.f32 v0, v1;
	v1 =	vld [tilespmem:s21+$0x180]  }
0x34: {  	v0 =	vmax.f32 v0, v2;
	v2 =	vld [tilespmem:s21+$0x200]  }
0x35: {  	v0 =	vmax.f32 v0, v3;
	v3 =	vld [tilespmem:s21+$0x280]  }
0x36: {  	v0 =	vmax.f32 v0, v4;
	v4 =	vld [tilespmem:s21+$0x300]  }
0x37: {  	v0 =	vmax.f32 v0, v5;
	v5 =	vld [tilespmem:s21+$0x380]  }
0x38: {  	v0 =	vmax.f32 v0, v1  }
0x39: {  	v0 =	vmax.f32 v0, v2  }
0x3a: {  	v0 =	vmax.f32 v0, v3  }
0x3b: {  	v0 =	vmax.f32 v0, v4  }
0x3c: {  	s22 =	simm.s32 $0x0;
	v0 =	vmax.f32 v0, v5  }
0x3d: {  	[tilespmem:s22+$0x10200] =	vst v0  }
0x3e: {  	v0 =	vld [tilespmem:s21+$0xFFFFFC10]  }
0x3f: {  	v1 =	vld [tilespmem:s21+$0xFFFFFC90]  }
0x40: {  	v2 =	vld [tilespmem:s21+$0xFFFFFD10]  }
0x41: {  	v3 =	vld [tilespmem:s21+$0xFFFFFD90]  }
0x42: {  	v4 =	vld [tilespmem:s21+$0xFFFFFE10]  }
0x43: {  	v5 =	vld [tilespmem:s21+$0xFFFFFE90]  }
0x44: {  	v0 =	vmax.f32 v0, v1;
	v1 =	vld [tilespmem:s21+$0xFFFFFF10]  }
0x45: {  	v0 =	vmax.f32 v0, v2;
	v2 =	vld [tilespmem:s21+$0xFFFFFF90]  }
0x46: {  	v0 =	vmax.f32 v0, v3;
	v3 =	vld [tilespmem:s21+$0x10]  }
0x47: {  	v0 =	vmax.f32 v0, v4;
	v4 =	vld [tilespmem:s21+$0x90]  }
0x48: {  	v0 =	vmax.f32 v0, v5;
	v5 =	vld [tilespmem:s21+$0x110]  }
0x49: {  	v0 =	vmax.f32 v0, v1;
	v1 =	vld [tilespmem:s21+$0x190]  }
0x4a: {  	v0 =	vmax.f32 v0, v2;
	v2 =	vld [tilespmem:s21+$0x210]  }
0x4b: {  	v0 =	vmax.f32 v0, v3;
	v3 =	vld [tilespmem:s21+$0x290]  }
0x4c: {  	v0 =	vmax.f32 v0, v4;
	v4 =	vld [tilespmem:s21+$0x310]  }
0x4d: {  	v0 =	vmax.f32 v0, v5;
	v5 =	vld [tilespmem:s21+$0x390]  }
0x4e: {  	v0 =	vmax.f32 v0, v1  }
0x4f: {  	v0 =	vmax.f32 v0, v2  }
0x50: {  	v0 =	vmax.f32 v0, v3  }
0x51: {  	v0 =	vmax.f32 v0, v4  }
0x52: {  	v0 =	vmax.f32 v0, v5  }
0x53: {  	[tilespmem:s22+$0x10210] =	vst v0  }
0x54: {  	v0 =	vld [tilespmem:s21+$0xFFFFFC20]  }
0x55: {  	v1 =	vld [tilespmem:s21+$0xFFFFFCA0]  }
0x56: {  	v2 =	vld [tilespmem:s21+$0xFFFFFD20]  }
0x57: {  	v3 =	vld [tilespmem:s21+$0xFFFFFDA0]  }
0x58: {  	v4 =	vld [tilespmem:s21+$0xFFFFFE20]  }
0x59: {  	v5 =	vld [tilespmem:s21+$0xFFFFFEA0]  }
0x5a: {  	v0 =	vmax.f32 v0, v1;
	v1 =	vld [tilespmem:s21+$0xFFFFFF20]  }
0x5b: {  	v0 =	vmax.f32 v0, v2;
	v2 =	vld [tilespmem:s21+$0xFFFFFFA0]  }
0x5c: {  	v0 =	vmax.f32 v0, v3;
	v3 =	vld [tilespmem:s21+$0x20]  }
0x5d: {  	v0 =	vmax.f32 v0, v4;
	v4 =	vld [tilespmem:s21+$0xA0]  }
0x5e: {  	v0 =	vmax.f32 v0, v5;
	v5 =	vld [tilespmem:s21+$0x120]  }
0x5f: {  	v0 =	vmax.f32 v0, v1;
	v1 =	vld [tilespmem:s21+$0x1A0]  }
0x60: {  	v0 =	vmax.f32 v0, v2;
	v2 =	vld [tilespmem:s21+$0x220]  }
0x61: {  	v0 =	vmax.f32 v0, v3;
	v3 =	vld [tilespmem:s21+$0x2A0]  }
0x62: {  	v0 =	vmax.f32 v0, v4;
	v4 =	vld [tilespmem:s21+$0x320]  }
0x63: {  	v0 =	vmax.f32 v0, v5;
	v5 =	vld [tilespmem:s21+$0x3A0]  }
0x64: {  	v0 =	vmax.f32 v0, v1  }
0x65: {  	v0 =	vmax.f32 v0, v2  }
0x66: {  	v0 =	vmax.f32 v0, v3  }
0x67: {  	v0 =	vmax.f32 v0, v4  }
0x68: {  	v0 =	vmax.f32 v0, v5  }
0x69: {  	[tilespmem:s22+$0x10220] =	vst v0  }
0x6a: {  	v0 =	vld [tilespmem:s21+$0xFFFFFC30]  }
0x6b: {  	v1 =	vld [tilespmem:s21+$0xFFFFFCB0]  }
0x6c: {  	v2 =	vld [tilespmem:s21+$0xFFFFFD30]  }
0x6d: {  	v3 =	vld [tilespmem:s21+$0xFFFFFDB0]  }
0x6e: {  	v4 =	vld [tilespmem:s21+$0xFFFFFE30]  }
0x6f: {  	v5 =	vld [tilespmem:s21+$0xFFFFFEB0]  }
0x70: {  	v0 =	vmax.f32 v0, v1;
	v1 =	vld [tilespmem:s21+$0xFFFFFF30]  }
0x71: {  	v0 =	vmax.f32 v0, v2;
	v2 =	vld [tilespmem:s21+$0xFFFFFFB0]  }
0x72: {  	v0 =	vmax.f32 v0, v3;
	v3 =	vld [tilespmem:s21+$0x30]  }
0x73: {  	v0 =	vmax.f32 v0, v4;
	v4 =	vld [tilespmem:s21+$0xB0]  }
0x74: {  	v0 =	vmax.f32 v0, v5;
	v5 =	vld [tilespmem:s21+$0x130]  }
0x75: {  	v0 =	vmax.f32 v0, v1;
	v1 =	vld [tilespmem:s21+$0x1B0]  }
0x76: {  	v0 =	vmax.f32 v0, v2;
	v2 =	vld [tilespmem:s21+$0x230]  }
0x77: {  	v0 =	vmax.f32 v0, v3;
	v3 =	vld [tilespmem:s21+$0x2B0]  }
0x78: {  	v0 =	vmax.f32 v0, v4;
	v4 =	vld [tilespmem:s21+$0x330]  }
0x79: {  	v0 =	vmax.f32 v0, v5;
	v5 =	vld [tilespmem:s21+$0x3B0]  }
0x7a: {  	v0 =	vmax.f32 v0, v1  }
0x7b: {  	v0 =	vmax.f32 v0, v2  }
0x7c: {  	v0 =	vmax.f32 v0, v3  }
0x7d: {  	v0 =	vmax.f32 v0, v4  }
0x7e: {  	v0 =	vmax.f32 v0, v5  }
0x7f: {  	[tilespmem:s22+$0x10230] =	vst v0  }
0x80: {  	v0 =	vld [tilespmem:s21+$0xFFFFFC40]  }
0x81: {  	v1 =	vld [tilespmem:s21+$0xFFFFFCC0]  }
0x82: {  	v2 =	vld [tilespmem:s21+$0xFFFFFD40]  }
0x83: {  	v3 =	vld [tilespmem:s21+$0xFFFFFDC0]  }
0x84: {  	v4 =	vld [tilespmem:s21+$0xFFFFFE40]  }
0x85: {  	v5 =	vld [tilespmem:s21+$0xFFFFFEC0]  }
0x86: {  	v0 =	vmax.f32 v0, v1;
	v1 =	vld [tilespmem:s21+$0xFFFFFF40]  }
0x87: {  	v0 =	vmax.f32 v0, v2;
	v2 =	vld [tilespmem:s21+$0xFFFFFFC0]  }
0x88: {  	v0 =	vmax.f32 v0, v3;
	v3 =	vld [tilespmem:s21+$0x40]  }
0x89: {  	v0 =	vmax.f32 v0, v4;
	v4 =	vld [tilespmem:s21+$0xC0]  }
0x8a: {  	v0 =	vmax.f32 v0, v5;
	v5 =	vld [tilespmem:s21+$0x140]  }
0x8b: {  	v0 =	vmax.f32 v0, v1;
	v1 =	vld [tilespmem:s21+$0x1C0]  }
0x8c: {  	v0 =	vmax.f32 v0, v2;
	v2 =	vld [tilespmem:s21+$0x240]  }
0x8d: {  	v0 =	vmax.f32 v0, v3;
	v3 =	vld [tilespmem:s21+$0x2C0]  }
0x8e: {  	v0 =	vmax.f32 v0, v4;
	v4 =	vld [tilespmem:s21+$0x340]  }
0x8f: {  	v0 =	vmax.f32 v0, v5;
	v5 =	vld [tilespmem:s21+$0x3C0]  }
0x90: {  	v0 =	vmax.f32 v0, v1  }
0x91: {  	v0 =	vmax.f32 v0, v2  }
0x92: {  	v0 =	vmax.f32 v0, v3  }
0x93: {  	v0 =	vmax.f32 v0, v4  }
0x94: {  	v0 =	vmax.f32 v0, v5  }
0x95: {  	[tilespmem:s22+$0x10240] =	vst v0  }
0x96: {  	v0 =	vld [tilespmem:s21+$0xFFFFFC50]  }
0x97: {  	v1 =	vld [tilespmem:s21+$0xFFFFFCD0]  }
0x98: {  	v2 =	vld [tilespmem:s21+$0xFFFFFD50]  }
0x99: {  	v3 =	vld [tilespmem:s21+$0xFFFFFDD0]  }
0x9a: {  	v4 =	vld [tilespmem:s21+$0xFFFFFE50]  }
0x9b: {  	v5 =	vld [tilespmem:s21+$0xFFFFFED0]  }
0x9c: {  	v0 =	vmax.f32 v0, v1;
	v1 =	vld [tilespmem:s21+$0xFFFFFF50]  }
0x9d: {  	v0 =	vmax.f32 v0, v2;
	v2 =	vld [tilespmem:s21+$0xFFFFFFD0]  }
0x9e: {  	v0 =	vmax.f32 v0, v3;
	v3 =	vld [tilespmem:s21+$0x50]  }
0x9f: {  	v0 =	vmax.f32 v0, v4;
	v4 =	vld [tilespmem:s21+$0xD0]  }
0xa0: {  	v0 =	vmax.f32 v0, v5;
	v5 =	vld [tilespmem:s21+$0x150]  }
0xa1: {  	v0 =	vmax.f32 v0, v1;
	v1 =	vld [tilespmem:s21+$0x1D0]  }
0xa2: {  	v0 =	vmax.f32 v0, v2;
	v2 =	vld [tilespmem:s21+$0x250]  }
0xa3: {  	v0 =	vmax.f32 v0, v3;
	v3 =	vld [tilespmem:s21+$0x2D0]  }
0xa4: {  	v0 =	vmax.f32 v0, v4;
	v4 =	vld [tilespmem:s21+$0x350]  }
0xa5: {  	v0 =	vmax.f32 v0, v5;
	v5 =	vld [tilespmem:s21+$0x3D0]  }
0xa6: {  	v0 =	vmax.f32 v0, v1  }
0xa7: {  	v0 =	vmax.f32 v0, v2  }
0xa8: {  	v0 =	vmax.f32 v0, v3  }
0xa9: {  	v0 =	vmax.f32 v0, v4  }
0xaa: {  	v0 =	vmax.f32 v0, v5  }
0xab: {  	[tilespmem:s22+$0x10250] =	vst v0  }
0xac: {  	v0 =	vld [tilespmem:s21+$0xFFFFFC60]  }
0xad: {  	v1 =	vld [tilespmem:s21+$0xFFFFFCE0]  }
0xae: {  	v2 =	vld [tilespmem:s21+$0xFFFFFD60]  }
0xaf: {  	v3 =	vld [tilespmem:s21+$0xFFFFFDE0]  }
0xb0: {  	v4 =	vld [tilespmem:s21+$0xFFFFFE60]  }
0xb1: {  	v5 =	vld [tilespmem:s21+$0xFFFFFEE0]  }
0xb2: {  	v0 =	vmax.f32 v0, v1;
	v1 =	vld [tilespmem:s21+$0xFFFFFF60]  }
0xb3: {  	v0 =	vmax.f32 v0, v2;
	v2 =	vld [tilespmem:s21+$0xFFFFFFE0]  }
0xb4: {  	v0 =	vmax.f32 v0, v3;
	v3 =	vld [tilespmem:s21+$0x60]  }
0xb5: {  	v0 =	vmax.f32 v0, v4;
	v4 =	vld [tilespmem:s21+$0xE0]  }
0xb6: {  	v0 =	vmax.f32 v0, v5;
	v5 =	vld [tilespmem:s21+$0x160]  }
0xb7: {  	v0 =	vmax.f32 v0, v1;
	v1 =	vld [tilespmem:s21+$0x1E0]  }
0xb8: {  	v0 =	vmax.f32 v0, v2;
	v2 =	vld [tilespmem:s21+$0x260]  }
0xb9: {  	v0 =	vmax.f32 v0, v3;
	v3 =	vld [tilespmem:s21+$0x2E0]  }
0xba: {  	v0 =	vmax.f32 v0, v4;
	v4 =	vld [tilespmem:s21+$0x360]  }
0xbb: {  	v0 =	vmax.f32 v0, v5;
	v5 =	vld [tilespmem:s21+$0x3E0]  }
0xbc: {  	v0 =	vmax.f32 v0, v1  }
0xbd: {  	v0 =	vmax.f32 v0, v2  }
0xbe: {  	v0 =	vmax.f32 v0, v3  }
0xbf: {  	v0 =	vmax.f32 v0, v4  }
0xc0: {  	v0 =	vmax.f32 v0, v5  }
0xc1: {  	[tilespmem:s22+$0x10260] =	vst v0  }
0xc2: {  	v0 =	vld [tilespmem:s21+$0xFFFFFC70]  }
0xc3: {  	v1 =	vld [tilespmem:s21+$0xFFFFFCF0]  }
0xc4: {  	v2 =	vld [tilespmem:s21+$0xFFFFFD70]  }
0xc5: {  	v3 =	vld [tilespmem:s21+$0xFFFFFDF0]  }
0xc6: {  	v5 =	vld [tilespmem:s21+$0xFFFFFE70]  }
0xc7: {  	v6 =	vld [tilespmem:s21+$0xFFFFFEF0]  }
0xc8: {  	v7 =	vld [tilespmem:s21+$0xFFFFFF70];
	v0 =	vmax.f32 v0, v1  }
0xc9: {  	v8 =	vld [tilespmem:s21+$0xFFFFFFF0];
	v0 =	vmax.f32 v0, v2  }
0xca: {  	v4 =	vld [tilespmem:s21+$0x70];
	v0 =	vmax.f32 v0, v3  }
0xcb: {  	v1 =	vld [tilespmem:s21+$0xF0];
	v0 =	vmax.f32 v0, v5  }
0xcc: {  	v2 =	vld [tilespmem:s21+$0x170];
	v0 =	vmax.f32 v0, v6  }
0xcd: {  	v3 =	vmax.f32 v0, v7;
	v0 =	vld [tilespmem:s21+$0x1F0]  }
0xce: {  	s23 =	simm.s32 $0x200;
	s24 =	simm.s32 $0x600;
	v5 =	vmax.f32 v3, v8;
	v3 =	vld [tilespmem:s21+$0x270]  }
.LBB2_3:
0xcf: {  	p0 =	sne.s32 s23, $0x3E00  }
0xd0: {  	v4 =	vmax.f32 v5, v4;
	v5 =	vld [tilespmem:s21+$0x2F0];
	s24 =	sadd.s32 $0x800, s24;
	s25 =	smov.u32 s23;
	s23 =	sadd.s32 $0x200, s23  }
0xd1: {  	v1 =	vmax.f32 v4, v1;
	v4 =	vld [tilespmem:s21+$0x370]  }
0xd2: {  	v1 =	vmax.f32 v1, v2;
	v2 =	vld [tilespmem:s21+$0x3F0];
	s21 =	smov.u32 s24  }
0xd3: {  	v0 =	vmax.f32 v1, v0  }
0xd4: {  	v0 =	vmax.f32 v0, v3  }
0xd5: {  	v0 =	vmax.f32 v0, v5  }
0xd6: {  	v0 =	vmax.f32 v0, v4  }
0xd7: {  	v0 =	vmax.f32 v0, v2  }
0xd8: {  	[tilespmem:s22+$0x10270] =	vst v0  }
0xd9: {  	v0 =	vld [tilespmem:s24+$0xFFFFFD00]  }
0xda: {  	v1 =	vld [tilespmem:s24+$0xFFFFFC80]  }
0xdb: {  	v2 =	vld [tilespmem:s24+$0xFFFFFC00]  }
0xdc: {  	v3 =	vld [tilespmem:s24+$0xFFFFFD80]  }
0xdd: {  	v4 =	vld [tilespmem:s24+$0xFFFFFE00];
	_ =	sdelay $0x1  }
0xde: {  	v5 =	vld [tilespmem:s24+$0xFFFFFE80]  }
0xdf: {  	v1 =	vmax.f32 v2, v1;
	v2 =	vld [tilespmem:s24+$0xFFFFFF00]  }
0xe0: {  	v0 =	vmax.f32 v1, v0;
	v1 =	vld [tilespmem:s24+$0xFFFFFF80]  }
0xe1: {  	v0 =	vmax.f32 v0, v3;
	v3 =	vld [tilespmem:s24+$0x0]  }
0xe2: {  	v0 =	vmax.f32 v0, v4;
	v4 =	vld [tilespmem:s24+$0x80]  }
0xe3: {  	v0 =	vmax.f32 v0, v5;
	v5 =	vld [tilespmem:s24+$0x100]  }
0xe4: {  	v0 =	vmax.f32 v0, v2;
	v2 =	vld [tilespmem:s24+$0x180]  }
0xe5: {  	v0 =	vmax.f32 v0, v1;
	v1 =	vld [tilespmem:s24+$0x200]  }
0xe6: {  	v0 =	vmax.f32 v0, v3;
	v3 =	vld [tilespmem:s24+$0x280]  }
0xe7: {  	v0 =	vmax.f32 v0, v4;
	v4 =	vld [tilespmem:s24+$0x300]  }
0xe8: {  	v0 =	vmax.f32 v0, v5;
	v5 =	vld [tilespmem:s24+$0x380]  }
0xe9: {  	v0 =	vmax.f32 v0, v2  }
0xea: {  	v0 =	vmax.f32 v0, v1  }
0xeb: {  	v0 =	vmax.f32 v0, v3  }
0xec: {  	v0 =	vmax.f32 v0, v4  }
0xed: {  	s22 =	sshra.s32 s25, $0x2;
	v0 =	vmax.f32 v0, v5  }
0xee: {  	[tilespmem:s22+$0x10200] =	vst v0  }
0xef: {  	v0 =	vld [tilespmem:s24+$0xFFFFFC10]  }
0xf0: {  	v1 =	vld [tilespmem:s24+$0xFFFFFC90]  }
0xf1: {  	v2 =	vld [tilespmem:s24+$0xFFFFFD10]  }
0xf2: {  	v3 =	vld [tilespmem:s24+$0xFFFFFD90]  }
0xf3: {  	v4 =	vld [tilespmem:s24+$0xFFFFFE10]  }
0xf4: {  	v5 =	vld [tilespmem:s24+$0xFFFFFE90]  }
0xf5: {  	v0 =	vmax.f32 v0, v1;
	v1 =	vld [tilespmem:s24+$0xFFFFFF10]  }
0xf6: {  	v0 =	vmax.f32 v0, v2;
	v2 =	vld [tilespmem:s24+$0xFFFFFF90]  }
0xf7: {  	v0 =	vmax.f32 v0, v3;
	v3 =	vld [tilespmem:s24+$0x10]  }
0xf8: {  	v0 =	vmax.f32 v0, v4;
	v4 =	vld [tilespmem:s24+$0x90]  }
0xf9: {  	v0 =	vmax.f32 v0, v5;
	v5 =	vld [tilespmem:s24+$0x110]  }
0xfa: {  	v0 =	vmax.f32 v0, v1;
	v1 =	vld [tilespmem:s24+$0x190]  }
0xfb: {  	v0 =	vmax.f32 v0, v2;
	v2 =	vld [tilespmem:s24+$0x210]  }
0xfc: {  	v0 =	vmax.f32 v0, v3;
	v3 =	vld [tilespmem:s24+$0x290]  }
0xfd: {  	v0 =	vmax.f32 v0, v4;
	v4 =	vld [tilespmem:s24+$0x310]  }
0xfe: {  	v0 =	vmax.f32 v0, v5;
	v5 =	vld [tilespmem:s24+$0x390]  }
0xff: {  	v0 =	vmax.f32 v0, v1  }
0x100: {  	v0 =	vmax.f32 v0, v2  }
0x101: {  	v0 =	vmax.f32 v0, v3  }
0x102: {  	v0 =	vmax.f32 v0, v4  }
0x103: {  	v0 =	vmax.f32 v0, v5  }
0x104: {  	[tilespmem:s22+$0x10210] =	vst v0  }
0x105: {  	v0 =	vld [tilespmem:s24+$0xFFFFFC20]  }
0x106: {  	v1 =	vld [tilespmem:s24+$0xFFFFFCA0]  }
0x107: {  	v2 =	vld [tilespmem:s24+$0xFFFFFD20]  }
0x108: {  	v3 =	vld [tilespmem:s24+$0xFFFFFDA0]  }
0x109: {  	v4 =	vld [tilespmem:s24+$0xFFFFFE20]  }
0x10a: {  	v5 =	vld [tilespmem:s24+$0xFFFFFEA0]  }
0x10b: {  	v0 =	vmax.f32 v0, v1;
	v1 =	vld [tilespmem:s24+$0xFFFFFF20]  }
0x10c: {  	v0 =	vmax.f32 v0, v2;
	v2 =	vld [tilespmem:s24+$0xFFFFFFA0]  }
0x10d: {  	v0 =	vmax.f32 v0, v3;
	v3 =	vld [tilespmem:s24+$0x20]  }
0x10e: {  	v0 =	vmax.f32 v0, v4;
	v4 =	vld [tilespmem:s24+$0xA0]  }
0x10f: {  	v0 =	vmax.f32 v0, v5;
	v5 =	vld [tilespmem:s24+$0x120]  }
0x110: {  	v0 =	vmax.f32 v0, v1;
	v1 =	vld [tilespmem:s24+$0x1A0]  }
0x111: {  	v0 =	vmax.f32 v0, v2;
	v2 =	vld [tilespmem:s24+$0x220]  }
0x112: {  	v0 =	vmax.f32 v0, v3;
	v3 =	vld [tilespmem:s24+$0x2A0]  }
0x113: {  	v0 =	vmax.f32 v0, v4;
	v4 =	vld [tilespmem:s24+$0x320]  }
0x114: {  	v0 =	vmax.f32 v0, v5;
	v5 =	vld [tilespmem:s24+$0x3A0]  }
0x115: {  	v0 =	vmax.f32 v0, v1  }
0x116: {  	v0 =	vmax.f32 v0, v2  }
0x117: {  	v0 =	vmax.f32 v0, v3  }
0x118: {  	v0 =	vmax.f32 v0, v4  }
0x119: {  	v0 =	vmax.f32 v0, v5  }
0x11a: {  	[tilespmem:s22+$0x10220] =	vst v0  }
0x11b: {  	v0 =	vld [tilespmem:s24+$0xFFFFFC30]  }
0x11c: {  	v1 =	vld [tilespmem:s24+$0xFFFFFCB0]  }
0x11d: {  	v2 =	vld [tilespmem:s24+$0xFFFFFD30]  }
0x11e: {  	v3 =	vld [tilespmem:s24+$0xFFFFFDB0]  }
0x11f: {  	v4 =	vld [tilespmem:s24+$0xFFFFFE30]  }
0x120: {  	v5 =	vld [tilespmem:s24+$0xFFFFFEB0]  }
0x121: {  	v0 =	vmax.f32 v0, v1;
	v1 =	vld [tilespmem:s24+$0xFFFFFF30]  }
0x122: {  	v0 =	vmax.f32 v0, v2;
	v2 =	vld [tilespmem:s24+$0xFFFFFFB0]  }
0x123: {  	v0 =	vmax.f32 v0, v3;
	v3 =	vld [tilespmem:s24+$0x30]  }
0x124: {  	v0 =	vmax.f32 v0, v4;
	v4 =	vld [tilespmem:s24+$0xB0]  }
0x125: {  	v0 =	vmax.f32 v0, v5;
	v5 =	vld [tilespmem:s24+$0x130]  }
0x126: {  	v0 =	vmax.f32 v0, v1;
	v1 =	vld [tilespmem:s24+$0x1B0]  }
0x127: {  	v0 =	vmax.f32 v0, v2;
	v2 =	vld [tilespmem:s24+$0x230]  }
0x128: {  	v0 =	vmax.f32 v0, v3;
	v3 =	vld [tilespmem:s24+$0x2B0]  }
0x129: {  	v0 =	vmax.f32 v0, v4;
	v4 =	vld [tilespmem:s24+$0x330]  }
0x12a: {  	v0 =	vmax.f32 v0, v5;
	v5 =	vld [tilespmem:s24+$0x3B0]  }
0x12b: {  	v0 =	vmax.f32 v0, v1  }
0x12c: {  	v0 =	vmax.f32 v0, v2  }
0x12d: {  	v0 =	vmax.f32 v0, v3  }
0x12e: {  	v0 =	vmax.f32 v0, v4  }
0x12f: {  	v0 =	vmax.f32 v0, v5  }
0x130: {  	[tilespmem:s22+$0x10230] =	vst v0  }
0x131: {  	v0 =	vld [tilespmem:s24+$0xFFFFFC40]  }
0x132: {  	v1 =	vld [tilespmem:s24+$0xFFFFFCC0]  }
0x133: {  	v2 =	vld [tilespmem:s24+$0xFFFFFD40]  }
0x134: {  	v3 =	vld [tilespmem:s24+$0xFFFFFDC0]  }
0x135: {  	v4 =	vld [tilespmem:s24+$0xFFFFFE40]  }
0x136: {  	v5 =	vld [tilespmem:s24+$0xFFFFFEC0]  }
0x137: {  	v0 =	vmax.f32 v0, v1;
	v1 =	vld [tilespmem:s24+$0xFFFFFF40]  }
0x138: {  	v0 =	vmax.f32 v0, v2;
	v2 =	vld [tilespmem:s24+$0xFFFFFFC0]  }
0x139: {  	v0 =	vmax.f32 v0, v3;
	v3 =	vld [tilespmem:s24+$0x40]  }
0x13a: {  	v0 =	vmax.f32 v0, v4;
	v4 =	vld [tilespmem:s24+$0xC0]  }
0x13b: {  	v0 =	vmax.f32 v0, v5;
	v5 =	vld [tilespmem:s24+$0x140]  }
0x13c: {  	v0 =	vmax.f32 v0, v1;
	v1 =	vld [tilespmem:s24+$0x1C0]  }
0x13d: {  	v0 =	vmax.f32 v0, v2;
	v2 =	vld [tilespmem:s24+$0x240]  }
0x13e: {  	v0 =	vmax.f32 v0, v3;
	v3 =	vld [tilespmem:s24+$0x2C0]  }
0x13f: {  	v0 =	vmax.f32 v0, v4;
	v4 =	vld [tilespmem:s24+$0x340]  }
0x140: {  	v0 =	vmax.f32 v0, v5;
	v5 =	vld [tilespmem:s24+$0x3C0]  }
0x141: {  	v0 =	vmax.f32 v0, v1  }
0x142: {  	v0 =	vmax.f32 v0, v2  }
0x143: {  	v0 =	vmax.f32 v0, v3  }
0x144: {  	v0 =	vmax.f32 v0, v4  }
0x145: {  	v0 =	vmax.f32 v0, v5  }
0x146: {  	[tilespmem:s22+$0x10240] =	vst v0  }
0x147: {  	v0 =	vld [tilespmem:s24+$0xFFFFFC50]  }
0x148: {  	v1 =	vld [tilespmem:s24+$0xFFFFFCD0]  }
0x149: {  	v2 =	vld [tilespmem:s24+$0xFFFFFD50]  }
0x14a: {  	v3 =	vld [tilespmem:s24+$0xFFFFFDD0]  }
0x14b: {  	v4 =	vld [tilespmem:s24+$0xFFFFFE50]  }
0x14c: {  	v5 =	vld [tilespmem:s24+$0xFFFFFED0]  }
0x14d: {  	v0 =	vmax.f32 v0, v1;
	v1 =	vld [tilespmem:s24+$0xFFFFFF50]  }
0x14e: {  	v0 =	vmax.f32 v0, v2;
	v2 =	vld [tilespmem:s24+$0xFFFFFFD0]  }
0x14f: {  	v0 =	vmax.f32 v0, v3;
	v3 =	vld [tilespmem:s24+$0x50]  }
0x150: {  	v0 =	vmax.f32 v0, v4;
	v4 =	vld [tilespmem:s24+$0xD0]  }
0x151: {  	v0 =	vmax.f32 v0, v5;
	v5 =	vld [tilespmem:s24+$0x150]  }
0x152: {  	v0 =	vmax.f32 v0, v1;
	v1 =	vld [tilespmem:s24+$0x1D0]  }
0x153: {  	v0 =	vmax.f32 v0, v2;
	v2 =	vld [tilespmem:s24+$0x250]  }
0x154: {  	v0 =	vmax.f32 v0, v3;
	v3 =	vld [tilespmem:s24+$0x2D0]  }
0x155: {  	v0 =	vmax.f32 v0, v4;
	v4 =	vld [tilespmem:s24+$0x350]  }
0x156: {  	v0 =	vmax.f32 v0, v5;
	v5 =	vld [tilespmem:s24+$0x3D0]  }
0x157: {  	v0 =	vmax.f32 v0, v1  }
0x158: {  	v0 =	vmax.f32 v0, v2  }
0x159: {  	v0 =	vmax.f32 v0, v3  }
0x15a: {  	v0 =	vmax.f32 v0, v4  }
0x15b: {  	v0 =	vmax.f32 v0, v5  }
0x15c: {  	[tilespmem:s22+$0x10250] =	vst v0  }
0x15d: {  	v0 =	vld [tilespmem:s24+$0xFFFFFC60]  }
0x15e: {  	v1 =	vld [tilespmem:s24+$0xFFFFFCE0]  }
0x15f: {  	v2 =	vld [tilespmem:s24+$0xFFFFFD60]  }
0x160: {  	v3 =	vld [tilespmem:s24+$0xFFFFFDE0]  }
0x161: {  	v4 =	vld [tilespmem:s24+$0xFFFFFE60]  }
0x162: {  	v5 =	vld [tilespmem:s24+$0xFFFFFEE0]  }
0x163: {  	v0 =	vmax.f32 v0, v1;
	v1 =	vld [tilespmem:s24+$0xFFFFFF60]  }
0x164: {  	v0 =	vmax.f32 v0, v2;
	v2 =	vld [tilespmem:s24+$0xFFFFFFE0]  }
0x165: {  	v0 =	vmax.f32 v0, v3;
	v3 =	vld [tilespmem:s24+$0x60]  }
0x166: {  	v0 =	vmax.f32 v0, v4;
	v4 =	vld [tilespmem:s24+$0xE0]  }
0x167: {  	v0 =	vmax.f32 v0, v5;
	v5 =	vld [tilespmem:s24+$0x160]  }
0x168: {  	v0 =	vmax.f32 v0, v1;
	v1 =	vld [tilespmem:s24+$0x1E0]  }
0x169: {  	v0 =	vmax.f32 v0, v2;
	v2 =	vld [tilespmem:s24+$0x260]  }
0x16a: {  	v0 =	vmax.f32 v0, v3;
	v3 =	vld [tilespmem:s24+$0x2E0]  }
0x16b: {  	v0 =	vmax.f32 v0, v4;
	v4 =	vld [tilespmem:s24+$0x360]  }
0x16c: {  	v0 =	vmax.f32 v0, v5;
	v5 =	vld [tilespmem:s24+$0x3E0]  }
0x16d: {  	v0 =	vmax.f32 v0, v1  }
0x16e: {  	v0 =	vmax.f32 v0, v2  }
0x16f: {  	v0 =	vmax.f32 v0, v3  }
0x170: {  	v0 =	vmax.f32 v0, v4  }
0x171: {  	v0 =	vmax.f32 v0, v5  }
0x172: {  	[tilespmem:s22+$0x10260] =	vst v0  }
0x173: {  	v0 =	vld [tilespmem:s24+$0xFFFFFC70]  }
0x174: {  	v1 =	vld [tilespmem:s24+$0xFFFFFCF0]  }
0x175: {  	v2 =	vld [tilespmem:s24+$0xFFFFFD70]  }
0x176: {  	v3 =	vld [tilespmem:s24+$0xFFFFFDF0]  }
0x177: {  	v5 =	vld [tilespmem:s24+$0xFFFFFE70]  }
0x178: {  	v6 =	vld [tilespmem:s24+$0xFFFFFEF0]  }
0x179: {  	v0 =	vmax.f32 v0, v1;
	v7 =	vld [tilespmem:s24+$0xFFFFFF70]  }
0x17a: {  	v0 =	vmax.f32 v0, v2;
	v8 =	vld [tilespmem:s24+$0xFFFFFFF0]  }
.Ltmp0:
0x17b: {  	v0 =	vmax.f32 v0, v3;
	v4 =	vld [tilespmem:s24+$0x70];
	(pc) =	sbr.rel @p0 .LBB2_3-.Ltmp0, $4  }
0x17c: {  	v0 =	vmax.f32 v0, v5;
	v1 =	vld [tilespmem:s24+$0xF0]  }
0x17d: {  	v0 =	vmax.f32 v0, v6;
	v2 =	vld [tilespmem:s24+$0x170]  }
0x17e: {  	v3 =	vmax.f32 v0, v7;
	v0 =	vld [tilespmem:s24+$0x1F0]  }
0x17f: {  	v5 =	vmax.f32 v3, v8;
	v3 =	vld [tilespmem:s24+$0x270]  }
0x180: {  	v4 =	vmax.f32 v5, v4;
	v61 =	vld [tilespmem:s21+$0x2F0]  }
0x181: {  	v62 =	vld [tilespmem:s21+$0x370];
	v1 =	vmax.f32 v4, v1  }
0x182: {  	v63 =	vld [tilespmem:s21+$0x3F0];
	v1 =	vmax.f32 v1, v2  }
0x183: {  	v0 =	vmax.f32 v1, v0  }
0x184: {  	v0 =	vmax.f32 v0, v3  }
0x185: {  	v0 =	vmax.f32 v0, v61  }
0x186: {  	s19 =	sadd.s32 $0x1, s19;
	v0 =	vmax.f32 v0, v62  }
0x187: {  	s20 =	sshll.u32 s20, $0x4;
	p0 =	sne.s32 s19, $0x20;
	v0 =	vmax.f32 v0, v63  }
.Ltmp1:
0x188: {  	s20 =	sadd.s32 s5, s20;
	[tilespmem:s22+$0x10270] =	vst v0;
	(pc) =	sbr.rel @p0 .LBB2_2-.Ltmp1, $4  }
0x189: {  	[hbm4b:s20+s1] =	stream.linear.scatter [tilespmem:s17], [sflag:$0x2], $0x1000, $0x38;
	[tilespmem:$0x11200] =	vst v63  }
0x18a: {  	_ =	swait.ge [sflag:s8], $0x1000  }
0x18b: {  	[sflag:s8] =	ssyncset.done $0x0  }
0x18c: {  	[sflag:s8] =	ssyncadd.s32 $0xFFFFF000  }
0x18d: {  	s18 =	sadd.s32 $0x1, s18  }
0x18e: {  	p0 =	sne.s32 s18, s7  }
.Ltmp2:
0x18f: {  	_ = 	snop;
	(pc) =	sbr.rel @p0 .LBB2_1-.Ltmp2, $1  }
0x190: {  	_ =	sdelay $0x3  }
0x191: {  	_ =	sfence.sel $0x180000  }
0x192: {  	[bflag:$0x0] =	sbarrier.arrive $0xFFFF  }
0x193: {  	p0 =	sne.s32 s2, $0x0;
	_ =	strace $0x9000004D  }
0x194: {  	s0 =	sadd.s32 @!p0 $0x100000, s0;
	[bflag:$0x2] =	sbarrier.arrive $0xFFFF  }
0x195: {  	[sflag:s0] =	ssyncadd.tile.s32 @!p0 $0x1;
	_ =	shalt  }
.Lfunc_end2:
_tile_overlayer_lowered:
.L_overlay_start_2:
0x196: {  	(tag) =	ssettag $0x2  }
0x197: {  	s0 =	rddreg [dreg:$0x0];
	s2 =	stileid.u32  }
0x198: {  	s1 =	rddreg [dreg:$0x1];
	p0 =	sne.s32 s2, $0x0  }
0x199: {  	s3 =	rddreg [dreg:$0x2];
	[bflag:$0x3] =	sbarrier.arrive $0xFFFF;
	s2 =	simm.s32 @!p0 $0x1C02  }
0x19a: {  	[timem:s3], [sflag:s2] =	dma.local @!p0 [hbm:s0], s1  }
0x19b: {  	s0 =	simm.s32 @!p0 $0x2  }
0x19c: {  	_ =	swait.ge @!p0 [sflag:s0], s1  }
0x19d: {  	s1 =	ssub.s32 @!p0 $0x0, s1;
	[sflag:s0] =	ssyncset.done @!p0 $0x0  }
0x19e: {  	[sflag:s0] =	ssyncadd.s32 @!p0 s1  }
0x19f: {  	[bflag:$0x3] =	sbarrier.arrive $0xFFFF  }
0x1a0: {  	_ =	shalt  }

</sc_bundles>
